<compile_context>
chip_gen: v7x
topology: tpu7x:2x2x1
jax: 0.10.2.dev20260603
libtpu: 0.0.44.dev20260713+nightly
codegen_flags: <defaults>
</compile_context>

<pallas_src>
import dataclasses
import functools

import jax
import jax.numpy as jnp
from jax import lax
from jax.experimental import pallas as pl
from jax.experimental.pallas import tpu as pltpu
from jax.experimental.pallas import tpu_sc as plsc

BATCH = 4096
NUM_FIELDS = 26
EMBED_DIM = 64
FIELD_DIM = 40000
NW = 32
NT = 313
OCTS = EMBED_DIM // 8
NTASK = NUM_FIELDS * OCTS
KMAX = (NTASK + NW - 1) // NW
LANES = 16
UNROLL = 8


def kernel(x, table, offsets):
    del offsets
    c = (table.reshape(8125, 128, 8, 8)
         .transpose(2, 0, 3, 1)
         .reshape(520000, 128))
    xt = x.T.reshape(NUM_FIELDS, 1, BATCH)

    mesh = plsc.VectorSubcoreMesh(core_axis_name="c", subcore_axis_name="s")
    cp = pltpu.CompilerParams()
    if "needs_layout_passes" in pltpu.CompilerParams.__dataclass_fields__:
        cp = dataclasses.replace(cp, needs_layout_passes=False)

    @functools.partial(
        pl.kernel,
        out_type=jax.ShapeDtypeStruct((NUM_FIELDS, OCTS, 8, BATCH),
                                      table.dtype),
        mesh=mesh,
        compiler_params=cp,
        scratch_types=[
            pltpu.VMEM((2, NT, 128), jnp.float32),
            pltpu.VMEM((2, 3 * 128), jnp.int32),
            pltpu.VMEM((BATCH,), jnp.int32),
            pltpu.VMEM((8, BATCH), jnp.float32),
            pltpu.SemaphoreType.DMA((2,)),
            pltpu.SemaphoreType.DMA,
            pltpu.SemaphoreType.DMA,
        ],
    )
    def gather_kernel(c_hbm, xt_hbm, out_hbm,
                      slab_v, tix_v, hi_v, out_v, gsem, isem, ssem):
        wid = lax.axis_index("s") * 2 + lax.axis_index("c")

        def task_ids(k):
            t = wid + NW * k
            f = t // OCTS
            oct_ = t % OCTS
            jlo = (625 * f) >> 1
            sub = 64 * (f & 1)
            base = oct_ * 65000 + 8 * jlo
            return t, f, oct_, sub, base

        iota = lax.iota(jnp.int32, LANES)

        def fill_tix(slot, start):
            for j in range(24):
                tix_v.at[slot, pl.ds(LANES * j, LANES)][...] = (
                    start + 8 * LANES * j + 8 * iota)

        def slab_copies(slot, base):
            del base
            for lo in range(0, NT, 64):
                n = min(64, NT - lo)
                yield pltpu.make_async_copy(
                    c_hbm.at[tix_v.at[slot, pl.ds(lo, n)]],
                    slab_v.at[slot, pl.ds(lo, n)], gsem.at[slot])

        def fire_slab(slot, base=0):
            for cp_ in slab_copies(slot, base):
                cp_.start()

        def wait_slab(slot, base=0):
            for cp_ in slab_copies(slot, base):
                cp_.wait()

        t0, f0, _, _, base0 = task_ids(0)
        fill_tix(0, base0)
        fire_slab(0, base0)
        pltpu.async_copy(xt_hbm.at[f0, 0], hi_v, isem)

        @pl.loop(0, KMAX)
        def _(k):
            t, f, oct_, sub, base = task_ids(k)

            @pl.when(t < NTASK)
            def _():
                pltpu.make_async_copy(xt_hbm.at[f, 0], hi_v, isem).wait()

                @pl.when(k > 0)
                def _():
                    pltpu.make_async_copy(
                        out_v, out_hbm.at[f, oct_], ssem).wait()

                for s in range(8):
                    ss = s % 2
                    nslot = (s + 1) % 2
                    if s < 7:
                        fill_tix(nslot, base + s + 1)
                        fire_slab(nslot, base)
                    else:
                        tn, _, _, _, basen = task_ids(k + 1)

                        @pl.when(tn < NTASK)
                        def _():
                            fill_tix(0, basen)
                            fire_slab(0, basen)

                    wait_slab(ss, base)

                    @plsc.parallel_loop(0, BATCH, step=LANES,
                                        unroll=UNROLL)
                    def _(i):
                        sl = pl.ds(i, LANES)
                        loc = hi_v.at[sl][...] + sub
                        out_v.at[s, sl][...] = plsc.load_gather(
                            slab_v.at[ss], [loc >> 7, loc & 127])

                pltpu.async_copy(out_v, out_hbm.at[f, oct_], ssem)

                tn, fn, _, _, _ = task_ids(k + 1)

                @pl.when(tn < NTASK)
                def _():
                    pltpu.async_copy(xt_hbm.at[fn, 0], hi_v, isem)

        pltpu.make_async_copy(out_v, out_hbm.at[0, 0], ssem).wait()

    out = gather_kernel(c, xt)
    return jnp.transpose(out.reshape(NUM_FIELDS, EMBED_DIM, BATCH), (2, 0, 1))

# --- scband reference (transcript-rebuilt; emitter-appended) ---
"""Pipeline reference for scband-features-embedding-62500364091656 (READ-ONLY COPY).

The authoritative reference and input builder live on the scoring server;
editing this copy changes nothing except your own understanding.
"""

import jax, jax.numpy as jnp
import numpy as np

FIELD_DIMS = [40000] * 26
EMBED_DIM = 64
BATCH = 4096


def setup_inputs(seed: int = 0) -> dict:
    key = jax.random.key(seed)
    k1, k2 = jax.random.split(key)
    num_embeddings = int(sum(FIELD_DIMS))
    # xavier_uniform on the embedding weight
    bound = float(np.sqrt(6.0 / (num_embeddings + EMBED_DIM)))
    table = jax.random.uniform(k1, (num_embeddings, EMBED_DIM), minval=-bound, maxval=bound, dtype=jnp.float32)
    # per-field indices in [0, field_dim)
    x = jax.random.randint(k2, (BATCH, len(FIELD_DIMS)), 0, FIELD_DIMS[0], dtype=jnp.int32)
    offsets = jnp.asarray(np.concatenate([[0], np.cumsum(FIELD_DIMS)[:-1]]), dtype=jnp.int32)[None, :]
    return {"x": x, "table": table, "offsets": offsets}


def reference(x, table, offsets):
    # x: int[B, F]; offsets: int[1, F]; table: float32[sum(field_dims), D]
    idx = x + offsets
    return jnp.take(table, idx, axis=0)

if __name__ == "__main__":
    import jax
    _d = setup_inputs()
    print(jax.jit(kernel)(*tuple(_d.values())))

</pallas_src>

<mosaic_0001>
#map = affine_map<(d0, d1) -> (0, 0)>
#map1 = affine_map<(d0, d1) -> (0, 0, 0)>
#map2 = affine_map<(d0, d1) -> (0, 0, 0, 0)>
module attributes {stable_mosaic.version = 14 : i64} {
  func.func @gather_kernel(%arg0: i32, %arg1: i32, %arg2: memref<520000x128xf32, #tpu.memory_space<hbm>>, %arg3: memref<26x1x4096xi32, #tpu.memory_space<hbm>>, %arg4: memref<26x8x8x4096xf32, #tpu.memory_space<hbm>>, %arg5: memref<2x313x128xf32, #tpu.memory_space<vmem>>, %arg6: memref<2x384xi32, #tpu.memory_space<vmem>>, %arg7: memref<4096xi32, #tpu.memory_space<vmem>>, %arg8: memref<8x4096xf32, #tpu.memory_space<vmem>>, %arg9: memref<2x!tpu.dma_semaphore, #tpu.memory_space<semaphore_mem>>, %arg10: memref<!tpu.dma_semaphore, #tpu.memory_space<semaphore_mem>>, %arg11: memref<!tpu.dma_semaphore, #tpu.memory_space<semaphore_mem>>) attributes {dimension_semantics = [#tpu.dimension_semantics<core_parallel>, #tpu.dimension_semantics<subcore_parallel>], iteration_bounds = array<i64: 2, 16>, scalar_prefetch = 0 : i64, scratch_operands = 7 : i64, tpu.core_type = #tpu.core_type<sc_vector_subcore>, window_params = [{transform_indices = #map}, {transform_indices = #map1}, {transform_indices = #map2}]} {
    %mul3A = arith.constant 2 : i32
    %mul3A_0 = arith.muli %arg1, %mul3A : i32
    %add3A = arith.addi %mul3A_0, %arg0 : i32
    %iota3A = tpu.iota {dimensions = array<i32: 0>} : vector<16xi32>
    %add3A_1 = arith.constant 0 : i32
    %add3A_2 = arith.addi %add3A, %add3A_1 : i32
    %jit3A = arith.constant 8 : i32
    %div3A = arith.divsi %add3A_2, %jit3A : i32
    %sign3A = arith.constant 0 : i32
    %sign3A_3 = arith.cmpi sgt, %add3A_2, %sign3A : i32
    %sign3A_4 = arith.extui %sign3A_3 : i1 to i32
    %sign3A_5 = arith.constant 0 : i32
    %sign3A_6 = arith.cmpi slt, %add3A_2, %sign3A_5 : i32
    %sign3A_7 = arith.extui %sign3A_6 : i1 to i32
    %sign3A_8 = arith.subi %sign3A_4, %sign3A_7 : i32
    %sign3A_9 = arith.constant 0 : i32
    %sign3A_10 = arith.cmpi sgt, %jit3A, %sign3A_9 : i32
    %sign3A_11 = arith.extui %sign3A_10 : i1 to i32
    %sign3A_12 = arith.constant 0 : i32
    %sign3A_13 = arith.cmpi slt, %jit3A, %sign3A_12 : i32
    %sign3A_14 = arith.extui %sign3A_13 : i1 to i32
    %sign3A_15 = arith.subi %sign3A_11, %sign3A_14 : i32
    %ne3A = arith.cmpi ne, %sign3A_8, %sign3A_15 : i32
    %rem3A = arith.remsi %add3A_2, %jit3A : i32
    %ne3A_16 = arith.constant 0 : i32
    %ne3A_17 = arith.cmpi ne, %rem3A, %ne3A_16 : i32
    %and3A = arith.andi %ne3A, %ne3A_17 : i1
    %sub3A = arith.constant 1 : i32
    %sub3A_18 = arith.subi %div3A, %sub3A : i32
    %select_n3A = arith.select %and3A, %sub3A_18, %div3A : i32
    %jit3A_19 = arith.constant 8 : i32
    %eq3A = arith.constant 0 : i32
    %eq3A_20 = arith.cmpi eq, %jit3A_19, %eq3A : i32
    %jit3A_21 = arith.constant 1 : i32
    %select_n3A_22 = arith.select %eq3A_20, %jit3A_21, %jit3A_19 : i32
    %rem3A_23 = arith.remsi %add3A_2, %select_n3A_22 : i32
    %ne3A_24 = arith.constant 0 : i32
    %ne3A_25 = arith.cmpi ne, %rem3A_23, %ne3A_24 : i32
    %lt3A = arith.constant 0 : i32
    %lt3A_26 = arith.cmpi slt, %rem3A_23, %lt3A : i32
    %lt3A_27 = arith.constant 0 : i32
    %lt3A_28 = arith.cmpi slt, %select_n3A_22, %lt3A_27 : i32
    %ne3A_29 = arith.xori %lt3A_26, %lt3A_28 : i1
    %and3A_30 = arith.andi %ne3A_29, %ne3A_25 : i1
    %add3A_31 = arith.addi %rem3A_23, %select_n3A_22 : i32
    %select_n3A_32 = arith.select %and3A_30, %add3A_31, %rem3A_23 : i32
    %mul3A_33 = arith.constant 625 : i32
    %mul3A_34 = arith.muli %mul3A_33, %select_n3A : i32
    %shift_right_arithmetic3A = arith.constant 1 : i32
    %shift_right_arithmetic3A_35 = arith.shrsi %mul3A_34, %shift_right_arithmetic3A : i32
    %and3A_36 = arith.constant 1 : i32
    %and3A_37 = arith.andi %select_n3A, %and3A_36 : i32
    %mul3A_38 = arith.constant 64 : i32
    %mul3A_39 = arith.muli %mul3A_38, %and3A_37 : i32
    %mul3A_40 = arith.constant 65000 : i32
    %mul3A_41 = arith.muli %select_n3A_32, %mul3A_40 : i32
    %mul3A_42 = arith.constant 8 : i32
    %mul3A_43 = arith.muli %mul3A_42, %shift_right_arithmetic3A_35 : i32
    %add3A_44 = arith.addi %mul3A_41, %mul3A_43 : i32
    %add3A_45 = arith.constant 0 : i32
    %add3A_46 = arith.addi %add3A_44, %add3A_45 : i32
    %mul3A_47 = arith.constant 8 : i32
    %mul3A_48 = vector.broadcast %mul3A_47 : i32 to vector<16xi32>
    %mul3A_49 = arith.muli %mul3A_48, %iota3A : vector<16xi32>
    %add3A_50 = vector.broadcast %add3A_46 : i32 to vector<16xi32>
    %add3A_51 = arith.addi %add3A_50, %mul3A_49 : vector<16xi32>
    %swap3A = arith.constant 0 : i32
    %swap3A_52 = arith.index_cast %swap3A : i32 to index
    %swap3A_53 = arith.constant 0 : index
    %swap3A_54 = tpu.vector_load %arg6[%swap3A_52, %swap3A_53] {strides = array<i32>} : memref<2x384xi32, #tpu.memory_space<vmem>>, vector<16xi32>,
    tpu.vector_store %arg6[%swap3A_52, %swap3A_53], %add3A_51 {strides = array<i32>} : memref<2x384xi32, #tpu.memory_space<vmem>>, vector<16xi32>,
    %add3A_55 = arith.constant 128 : i32
    %add3A_56 = arith.addi %add3A_44, %add3A_55 : i32
    %mul3A_57 = arith.constant 8 : i32
    %mul3A_58 = vector.broadcast %mul3A_57 : i32 to vector<16xi32>
    %mul3A_59 = arith.muli %mul3A_58, %iota3A : vector<16xi32>
    %add3A_60 = vector.broadcast %add3A_56 : i32 to vector<16xi32>
    %add3A_61 = arith.addi %add3A_60, %mul3A_59 : vector<16xi32>
    %swap3A_62 = arith.constant 0 : i32
    %swap3A_63 = arith.index_cast %swap3A_62 : i32 to index
    %swap3A_64 = arith.constant 16 : index
    %swap3A_65 = tpu.vector_load %arg6[%swap3A_63, %swap3A_64] {strides = array<i32>} : memref<2x384xi32, #tpu.memory_space<vmem>>, vector<16xi32>,
    tpu.vector_store %arg6[%swap3A_63, %swap3A_64], %add3A_61 {strides = array<i32>} : memref<2x384xi32, #tpu.memory_space<vmem>>, vector<16xi32>,
    %add3A_66 = arith.constant 256 : i32
    %add3A_67 = arith.addi %add3A_44, %add3A_66 : i32
    %mul3A_68 = arith.constant 8 : i32
    %mul3A_69 = vector.broadcast %mul3A_68 : i32 to vector<16xi32>
    %mul3A_70 = arith.muli %mul3A_69, %iota3A : vector<16xi32>
    %add3A_71 = vector.broadcast %add3A_67 : i32 to vector<16xi32>
    %add3A_72 = arith.addi %add3A_71, %mul3A_70 : vector<16xi32>
    %swap3A_73 = arith.constant 0 : i32
    %swap3A_74 = arith.index_cast %swap3A_73 : i32 to index
    %swap3A_75 = arith.constant 32 : index
    %swap3A_76 = tpu.vector_load %arg6[%swap3A_74, %swap3A_75] {strides = array<i32>} : memref<2x384xi32, #tpu.memory_space<vmem>>, vector<16xi32>,
    tpu.vector_store %arg6[%swap3A_74, %swap3A_75], %add3A_72 {strides = array<i32>} : memref<2x384xi32, #tpu.memory_space<vmem>>, vector<16xi32>,
    %add3A_77 = arith.constant 384 : i32
    %add3A_78 = arith.addi %add3A_44, %add3A_77 : i32
    %mul3A_79 = arith.constant 8 : i32
    %mul3A_80 = vector.broadcast %mul3A_79 : i32 to vector<16xi32>
    %mul3A_81 = arith.muli %mul3A_80, %iota3A : vector<16xi32>
    %add3A_82 = vector.broadcast %add3A_78 : i32 to vector<16xi32>
    %add3A_83 = arith.addi %add3A_82, %mul3A_81 : vector<16xi32>
    %swap3A_84 = arith.constant 0 : i32
    %swap3A_85 = arith.index_cast %swap3A_84 : i32 to index
    %swap3A_86 = arith.constant 48 : index
    %swap3A_87 = tpu.vector_load %arg6[%swap3A_85, %swap3A_86] {strides = array<i32>} : memref<2x384xi32, #tpu.memory_space<vmem>>, vector<16xi32>,
    tpu.vector_store %arg6[%swap3A_85, %swap3A_86], %add3A_83 {strides = array<i32>} : memref<2x384xi32, #tpu.memory_space<vmem>>, vector<16xi32>,
    %add3A_88 = arith.constant 512 : i32
    %add3A_89 = arith.addi %add3A_44, %add3A_88 : i32
    %mul3A_90 = arith.constant 8 : i32
    %mul3A_91 = vector.broadcast %mul3A_90 : i32 to vector<16xi32>
    %mul3A_92 = arith.muli %mul3A_91, %iota3A : vector<16xi32>
    %add3A_93 = vector.broadcast %add3A_89 : i32 to vector<16xi32>
    %add3A_94 = arith.addi %add3A_93, %mul3A_92 : vector<16xi32>
    %swap3A_95 = arith.constant 0 : i32
    %swap3A_96 = arith.index_cast %swap3A_95 : i32 to index
    %swap3A_97 = arith.constant 64 : index
    %swap3A_98 = tpu.vector_load %arg6[%swap3A_96, %swap3A_97] {strides = array<i32>} : memref<2x384xi32, #tpu.memory_space<vmem>>, vector<16xi32>,
    tpu.vector_store %arg6[%swap3A_96, %swap3A_97], %add3A_94 {strides = array<i32>} : memref<2x384xi32, #tpu.memory_space<vmem>>, vector<16xi32>,
    %add3A_99 = arith.constant 640 : i32
    %add3A_100 = arith.addi %add3A_44, %add3A_99 : i32
    %mul3A_101 = arith.constant 8 : i32
    %mul3A_102 = vector.broadcast %mul3A_101 : i32 to vector<16xi32>
    %mul3A_103 = arith.muli %mul3A_102, %iota3A : vector<16xi32>
    %add3A_104 = vector.broadcast %add3A_100 : i32 to vector<16xi32>
    %add3A_105 = arith.addi %add3A_104, %mul3A_103 : vector<16xi32>
    %swap3A_106 = arith.constant 0 : i32
    %swap3A_107 = arith.index_cast %swap3A_106 : i32 to index
    %swap3A_108 = arith.constant 80 : index
    %swap3A_109 = tpu.vector_load %arg6[%swap3A_107, %swap3A_108] {strides = array<i32>} : memref<2x384xi32, #tpu.memory_space<vmem>>, vector<16xi32>,
    tpu.vector_store %arg6[%swap3A_107, %swap3A_108], %add3A_105 {strides = array<i32>} : memref<2x384xi32, #tpu.memory_space<vmem>>, vector<16xi32>,
    %add3A_110 = arith.constant 768 : i32
    %add3A_111 = arith.addi %add3A_44, %add3A_110 : i32
    %mul3A_112 = arith.constant 8 : i32
    %mul3A_113 = vector.broadcast %mul3A_112 : i32 to vector<16xi32>
    %mul3A_114 = arith.muli %mul3A_113, %iota3A : vector<16xi32>
    %add3A_115 = vector.broadcast %add3A_111 : i32 to vector<16xi32>
    %add3A_116 = arith.addi %add3A_115, %mul3A_114 : vector<16xi32>
    %swap3A_117 = arith.constant 0 : i32
    %swap3A_118 = arith.index_cast %swap3A_117 : i32 to index
    %swap3A_119 = arith.constant 96 : index
    %swap3A_120 = tpu.vector_load %arg6[%swap3A_118, %swap3A_119] {strides = array<i32>} : memref<2x384xi32, #tpu.memory_space<vmem>>, vector<16xi32>,
    tpu.vector_store %arg6[%swap3A_118, %swap3A_119], %add3A_116 {strides = array<i32>} : memref<2x384xi32, #tpu.memory_space<vmem>>, vector<16xi32>,
    %add3A_121 = arith.constant 896 : i32
    %add3A_122 = arith.addi %add3A_44, %add3A_121 : i32
    %mul3A_123 = arith.constant 8 : i32
    %mul3A_124 = vector.broadcast %mul3A_123 : i32 to vector<16xi32>
    %mul3A_125 = arith.muli %mul3A_124, %iota3A : vector<16xi32>
    %add3A_126 = vector.broadcast %add3A_122 : i32 to vector<16xi32>
    %add3A_127 = arith.addi %add3A_126, %mul3A_125 : vector<16xi32>
    %swap3A_128 = arith.constant 0 : i32
    %swap3A_129 = arith.index_cast %swap3A_128 : i32 to index
    %swap3A_130 = arith.constant 112 : index
    %swap3A_131 = tpu.vector_load %arg6[%swap3A_129, %swap3A_130] {strides = array<i32>} : memref<2x384xi32, #tpu.memory_space<vmem>>, vector<16xi32>,
    tpu.vector_store %arg6[%swap3A_129, %swap3A_130], %add3A_127 {strides = array<i32>} : memref<2x384xi32, #tpu.memory_space<vmem>>, vector<16xi32>,
    %add3A_132 = arith.constant 1024 : i32
    %add3A_133 = arith.addi %add3A_44, %add3A_132 : i32
    %mul3A_134 = arith.constant 8 : i32
    %mul3A_135 = vector.broadcast %mul3A_134 : i32 to vector<16xi32>
    %mul3A_136 = arith.muli %mul3A_135, %iota3A : vector<16xi32>
    %add3A_137 = vector.broadcast %add3A_133 : i32 to vector<16xi32>
    %add3A_138 = arith.addi %add3A_137, %mul3A_136 : vector<16xi32>
    %swap3A_139 = arith.constant 0 : i32
    %swap3A_140 = arith.index_cast %swap3A_139 : i32 to index
    %swap3A_141 = arith.constant 128 : index
    %swap3A_142 = tpu.vector_load %arg6[%swap3A_140, %swap3A_141] {strides = array<i32>} : memref<2x384xi32, #tpu.memory_space<vmem>>, vector<16xi32>,
    tpu.vector_store %arg6[%swap3A_140, %swap3A_141], %add3A_138 {strides = array<i32>} : memref<2x384xi32, #tpu.memory_space<vmem>>, vector<16xi32>,
    %add3A_143 = arith.constant 1152 : i32
    %add3A_144 = arith.addi %add3A_44, %add3A_143 : i32
    %mul3A_145 = arith.constant 8 : i32
    %mul3A_146 = vector.broadcast %mul3A_145 : i32 to vector<16xi32>
    %mul3A_147 = arith.muli %mul3A_146, %iota3A : vector<16xi32>
    %add3A_148 = vector.broadcast %add3A_144 : i32 to vector<16xi32>
    %add3A_149 = arith.addi %add3A_148, %mul3A_147 : vector<16xi32>
    %swap3A_150 = arith.constant 0 : i32
    %swap3A_151 = arith.index_cast %swap3A_150 : i32 to index
    %swap3A_152 = arith.constant 144 : index
    %swap3A_153 = tpu.vector_load %arg6[%swap3A_151, %swap3A_152] {strides = array<i32>} : memref<2x384xi32, #tpu.memory_space<vmem>>, vector<16xi32>,
    tpu.vector_store %arg6[%swap3A_151, %swap3A_152], %add3A_149 {strides = array<i32>} : memref<2x384xi32, #tpu.memory_space<vmem>>, vector<16xi32>,
    %add3A_154 = arith.constant 1280 : i32
    %add3A_155 = arith.addi %add3A_44, %add3A_154 : i32
    %mul3A_156 = arith.constant 8 : i32
    %mul3A_157 = vector.broadcast %mul3A_156 : i32 to vector<16xi32>
    %mul3A_158 = arith.muli %mul3A_157, %iota3A : vector<16xi32>
    %add3A_159 = vector.broadcast %add3A_155 : i32 to vector<16xi32>
    %add3A_160 = arith.addi %add3A_159, %mul3A_158 : vector<16xi32>
    %swap3A_161 = arith.constant 0 : i32
    %swap3A_162 = arith.index_cast %swap3A_161 : i32 to index
    %swap3A_163 = arith.constant 160 : index
    %swap3A_164 = tpu.vector_load %arg6[%swap3A_162, %swap3A_163] {strides = array<i32>} : memref<2x384xi32, #tpu.memory_space<vmem>>, vector<16xi32>,
    tpu.vector_store %arg6[%swap3A_162, %swap3A_163], %add3A_160 {strides = array<i32>} : memref<2x384xi32, #tpu.memory_space<vmem>>, vector<16xi32>,
    %add3A_165 = arith.constant 1408 : i32
    %add3A_166 = arith.addi %add3A_44, %add3A_165 : i32
    %mul3A_167 = arith.constant 8 : i32
    %mul3A_168 = vector.broadcast %mul3A_167 : i32 to vector<16xi32>
    %mul3A_169 = arith.muli %mul3A_168, %iota3A : vector<16xi32>
    %add3A_170 = vector.broadcast %add3A_166 : i32 to vector<16xi32>
    %add3A_171 = arith.addi %add3A_170, %mul3A_169 : vector<16xi32>
    %swap3A_172 = arith.constant 0 : i32
    %swap3A_173 = arith.index_cast %swap3A_172 : i32 to index
    %swap3A_174 = arith.constant 176 : index
    %swap3A_175 = tpu.vector_load %arg6[%swap3A_173, %swap3A_174] {strides = array<i32>} : memref<2x384xi32, #tpu.memory_space<vmem>>, vector<16xi32>,
    tpu.vector_store %arg6[%swap3A_173, %swap3A_174], %add3A_171 {strides = array<i32>} : memref<2x384xi32, #tpu.memory_space<vmem>>, vector<16xi32>,
    %add3A_176 = arith.constant 1536 : i32
    %add3A_177 = arith.addi %add3A_44, %add3A_176 : i32
    %mul3A_178 = arith.constant 8 : i32
    %mul3A_179 = vector.broadcast %mul3A_178 : i32 to vector<16xi32>
    %mul3A_180 = arith.muli %mul3A_179, %iota3A : vector<16xi32>
    %add3A_181 = vector.broadcast %add3A_177 : i32 to vector<16xi32>
    %add3A_182 = arith.addi %add3A_181, %mul3A_180 : vector<16xi32>
    %swap3A_183 = arith.constant 0 : i32
    %swap3A_184 = arith.index_cast %swap3A_183 : i32 to index
    %swap3A_185 = arith.constant 192 : index
    %swap3A_186 = tpu.vector_load %arg6[%swap3A_184, %swap3A_185] {strides = array<i32>} : memref<2x384xi32, #tpu.memory_space<vmem>>, vector<16xi32>,
    tpu.vector_store %arg6[%swap3A_184, %swap3A_185], %add3A_182 {strides = array<i32>} : memref<2x384xi32, #tpu.memory_space<vmem>>, vector<16xi32>,
    %add3A_187 = arith.constant 1664 : i32
    %add3A_188 = arith.addi %add3A_44, %add3A_187 : i32
    %mul3A_189 = arith.constant 8 : i32
    %mul3A_190 = vector.broadcast %mul3A_189 : i32 to vector<16xi32>
    %mul3A_191 = arith.muli %mul3A_190, %iota3A : vector<16xi32>
    %add3A_192 = vector.broadcast %add3A_188 : i32 to vector<16xi32>
    %add3A_193 = arith.addi %add3A_192, %mul3A_191 : vector<16xi32>
    %swap3A_194 = arith.constant 0 : i32
    %swap3A_195 = arith.index_cast %swap3A_194 : i32 to index
    %swap3A_196 = arith.constant 208 : index
    %swap3A_197 = tpu.vector_load %arg6[%swap3A_195, %swap3A_196] {strides = array<i32>} : memref<2x384xi32, #tpu.memory_space<vmem>>, vector<16xi32>,
    tpu.vector_store %arg6[%swap3A_195, %swap3A_196], %add3A_193 {strides = array<i32>} : memref<2x384xi32, #tpu.memory_space<vmem>>, vector<16xi32>,
    %add3A_198 = arith.constant 1792 : i32
    %add3A_199 = arith.addi %add3A_44, %add3A_198 : i32
    %mul3A_200 = arith.constant 8 : i32
    %mul3A_201 = vector.broadcast %mul3A_200 : i32 to vector<16xi32>
    %mul3A_202 = arith.muli %mul3A_201, %iota3A : vector<16xi32>
    %add3A_203 = vector.broadcast %add3A_199 : i32 to vector<16xi32>
    %add3A_204 = arith.addi %add3A_203, %mul3A_202 : vector<16xi32>
    %swap3A_205 = arith.constant 0 : i32
    %swap3A_206 = arith.index_cast %swap3A_205 : i32 to index
    %swap3A_207 = arith.constant 224 : index
    %swap3A_208 = tpu.vector_load %arg6[%swap3A_206, %swap3A_207] {strides = array<i32>} : memref<2x384xi32, #tpu.memory_space<vmem>>, vector<16xi32>,
    tpu.vector_store %arg6[%swap3A_206, %swap3A_207], %add3A_204 {strides = array<i32>} : memref<2x384xi32, #tpu.memory_space<vmem>>, vector<16xi32>,
    %add3A_209 = arith.constant 1920 : i32
    %add3A_210 = arith.addi %add3A_44, %add3A_209 : i32
    %mul3A_211 = arith.constant 8 : i32
    %mul3A_212 = vector.broadcast %mul3A_211 : i32 to vector<16xi32>
    %mul3A_213 = arith.muli %mul3A_212, %iota3A : vector<16xi32>
    %add3A_214 = vector.broadcast %add3A_210 : i32 to vector<16xi32>
    %add3A_215 = arith.addi %add3A_214, %mul3A_213 : vector<16xi32>
    %swap3A_216 = arith.constant 0 : i32
    %swap3A_217 = arith.index_cast %swap3A_216 : i32 to index
    %swap3A_218 = arith.constant 240 : index
    %swap3A_219 = tpu.vector_load %arg6[%swap3A_217, %swap3A_218] {strides = array<i32>} : memref<2x384xi32, #tpu.memory_space<vmem>>, vector<16xi32>,
    tpu.vector_store %arg6[%swap3A_217, %swap3A_218], %add3A_215 {strides = array<i32>} : memref<2x384xi32, #tpu.memory_space<vmem>>, vector<16xi32>,
    %add3A_220 = arith.constant 2048 : i32
    %add3A_221 = arith.addi %add3A_44, %add3A_220 : i32
    %mul3A_222 = arith.constant 8 : i32
    %mul3A_223 = vector.broadcast %mul3A_222 : i32 to vector<16xi32>
    %mul3A_224 = arith.muli %mul3A_223, %iota3A : vector<16xi32>
    %add3A_225 = vector.broadcast %add3A_221 : i32 to vector<16xi32>
    %add3A_226 = arith.addi %add3A_225, %mul3A_224 : vector<16xi32>
    %swap3A_227 = arith.constant 0 : i32
    %swap3A_228 = arith.index_cast %swap3A_227 : i32 to index
    %swap3A_229 = arith.constant 256 : index
    %swap3A_230 = tpu.vector_load %arg6[%swap3A_228, %swap3A_229] {strides = array<i32>} : memref<2x384xi32, #tpu.memory_space<vmem>>, vector<16xi32>,
    tpu.vector_store %arg6[%swap3A_228, %swap3A_229], %add3A_226 {strides = array<i32>} : memref<2x384xi32, #tpu.memory_space<vmem>>, vector<16xi32>,
    %add3A_231 = arith.constant 2176 : i32
    %add3A_232 = arith.addi %add3A_44, %add3A_231 : i32
    %mul3A_233 = arith.constant 8 : i32
    %mul3A_234 = vector.broadcast %mul3A_233 : i32 to vector<16xi32>
    %mul3A_235 = arith.muli %mul3A_234, %iota3A : vector<16xi32>
    %add3A_236 = vector.broadcast %add3A_232 : i32 to vector<16xi32>
    %add3A_237 = arith.addi %add3A_236, %mul3A_235 : vector<16xi32>
    %swap3A_238 = arith.constant 0 : i32
    %swap3A_239 = arith.index_cast %swap3A_238 : i32 to index
    %swap3A_240 = arith.constant 272 : index
    %swap3A_241 = tpu.vector_load %arg6[%swap3A_239, %swap3A_240] {strides = array<i32>} : memref<2x384xi32, #tpu.memory_space<vmem>>, vector<16xi32>,
    tpu.vector_store %arg6[%swap3A_239, %swap3A_240], %add3A_237 {strides = array<i32>} : memref<2x384xi32, #tpu.memory_space<vmem>>, vector<16xi32>,
    %add3A_242 = arith.constant 2304 : i32
    %add3A_243 = arith.addi %add3A_44, %add3A_242 : i32
    %mul3A_244 = arith.constant 8 : i32
    %mul3A_245 = vector.broadcast %mul3A_244 : i32 to vector<16xi32>
    %mul3A_246 = arith.muli %mul3A_245, %iota3A : vector<16xi32>
    %add3A_247 = vector.broadcast %add3A_243 : i32 to vector<16xi32>
    %add3A_248 = arith.addi %add3A_247, %mul3A_246 : vector<16xi32>
    %swap3A_249 = arith.constant 0 : i32
    %swap3A_250 = arith.index_cast %swap3A_249 : i32 to index
    %swap3A_251 = arith.constant 288 : index
    %swap3A_252 = tpu.vector_load %arg6[%swap3A_250, %swap3A_251] {strides = array<i32>} : memref<2x384xi32, #tpu.memory_space<vmem>>, vector<16xi32>,
    tpu.vector_store %arg6[%swap3A_250, %swap3A_251], %add3A_248 {strides = array<i32>} : memref<2x384xi32, #tpu.memory_space<vmem>>, vector<16xi32>,
    %add3A_253 = arith.constant 2432 : i32
    %add3A_254 = arith.addi %add3A_44, %add3A_253 : i32
    %mul3A_255 = arith.constant 8 : i32
    %mul3A_256 = vector.broadcast %mul3A_255 : i32 to vector<16xi32>
    %mul3A_257 = arith.muli %mul3A_256, %iota3A : vector<16xi32>
    %add3A_258 = vector.broadcast %add3A_254 : i32 to vector<16xi32>
    %add3A_259 = arith.addi %add3A_258, %mul3A_257 : vector<16xi32>
    %swap3A_260 = arith.constant 0 : i32
    %swap3A_261 = arith.index_cast %swap3A_260 : i32 to index
    %swap3A_262 = arith.constant 304 : index
    %swap3A_263 = tpu.vector_load %arg6[%swap3A_261, %swap3A_262] {strides = array<i32>} : memref<2x384xi32, #tpu.memory_space<vmem>>, vector<16xi32>,
    tpu.vector_store %arg6[%swap3A_261, %swap3A_262], %add3A_259 {strides = array<i32>} : memref<2x384xi32, #tpu.memory_space<vmem>>, vector<16xi32>,
    %add3A_264 = arith.constant 2560 : i32
    %add3A_265 = arith.addi %add3A_44, %add3A_264 : i32
    %mul3A_266 = arith.constant 8 : i32
    %mul3A_267 = vector.broadcast %mul3A_266 : i32 to vector<16xi32>
    %mul3A_268 = arith.muli %mul3A_267, %iota3A : vector<16xi32>
    %add3A_269 = vector.broadcast %add3A_265 : i32 to vector<16xi32>
    %add3A_270 = arith.addi %add3A_269, %mul3A_268 : vector<16xi32>
    %swap3A_271 = arith.constant 0 : i32
    %swap3A_272 = arith.index_cast %swap3A_271 : i32 to index
    %swap3A_273 = arith.constant 320 : index
    %swap3A_274 = tpu.vector_load %arg6[%swap3A_272, %swap3A_273] {strides = array<i32>} : memref<2x384xi32, #tpu.memory_space<vmem>>, vector<16xi32>,
    tpu.vector_store %arg6[%swap3A_272, %swap3A_273], %add3A_270 {strides = array<i32>} : memref<2x384xi32, #tpu.memory_space<vmem>>, vector<16xi32>,
    %add3A_275 = arith.constant 2688 : i32
    %add3A_276 = arith.addi %add3A_44, %add3A_275 : i32
    %mul3A_277 = arith.constant 8 : i32
    %mul3A_278 = vector.broadcast %mul3A_277 : i32 to vector<16xi32>
    %mul3A_279 = arith.muli %mul3A_278, %iota3A : vector<16xi32>
    %add3A_280 = vector.broadcast %add3A_276 : i32 to vector<16xi32>
    %add3A_281 = arith.addi %add3A_280, %mul3A_279 : vector<16xi32>
    %swap3A_282 = arith.constant 0 : i32
    %swap3A_283 = arith.index_cast %swap3A_282 : i32 to index
    %swap3A_284 = arith.constant 336 : index
    %swap3A_285 = tpu.vector_load %arg6[%swap3A_283, %swap3A_284] {strides = array<i32>} : memref<2x384xi32, #tpu.memory_space<vmem>>, vector<16xi32>,
    tpu.vector_store %arg6[%swap3A_283, %swap3A_284], %add3A_281 {strides = array<i32>} : memref<2x384xi32, #tpu.memory_space<vmem>>, vector<16xi32>,
    %add3A_286 = arith.constant 2816 : i32
    %add3A_287 = arith.addi %add3A_44, %add3A_286 : i32
    %mul3A_288 = arith.constant 8 : i32
    %mul3A_289 = vector.broadcast %mul3A_288 : i32 to vector<16xi32>
    %mul3A_290 = arith.muli %mul3A_289, %iota3A : vector<16xi32>
    %add3A_291 = vector.broadcast %add3A_287 : i32 to vector<16xi32>
    %add3A_292 = arith.addi %add3A_291, %mul3A_290 : vector<16xi32>
    %swap3A_293 = arith.constant 0 : i32
    %swap3A_294 = arith.index_cast %swap3A_293 : i32 to index
    %swap3A_295 = arith.constant 352 : index
    %swap3A_296 = tpu.vector_load %arg6[%swap3A_294, %swap3A_295] {strides = array<i32>} : memref<2x384xi32, #tpu.memory_space<vmem>>, vector<16xi32>,
    tpu.vector_store %arg6[%swap3A_294, %swap3A_295], %add3A_292 {strides = array<i32>} : memref<2x384xi32, #tpu.memory_space<vmem>>, vector<16xi32>,
    %add3A_297 = arith.constant 2944 : i32
    %add3A_298 = arith.addi %add3A_44, %add3A_297 : i32
    %mul3A_299 = arith.constant 8 : i32
    %mul3A_300 = vector.broadcast %mul3A_299 : i32 to vector<16xi32>
    %mul3A_301 = arith.muli %mul3A_300, %iota3A : vector<16xi32>
    %add3A_302 = vector.broadcast %add3A_298 : i32 to vector<16xi32>
    %add3A_303 = arith.addi %add3A_302, %mul3A_301 : vector<16xi32>
    %swap3A_304 = arith.constant 0 : i32
    %swap3A_305 = arith.index_cast %swap3A_304 : i32 to index
    %swap3A_306 = arith.constant 368 : index
    %swap3A_307 = tpu.vector_load %arg6[%swap3A_305, %swap3A_306] {strides = array<i32>} : memref<2x384xi32, #tpu.memory_space<vmem>>, vector<16xi32>,
    tpu.vector_store %arg6[%swap3A_305, %swap3A_306], %add3A_303 {strides = array<i32>} : memref<2x384xi32, #tpu.memory_space<vmem>>, vector<16xi32>,
    %dma_start3A = arith.constant 0 : i32
    %dma_start3A_308 = arith.constant 0 : i32
    %dma_start3A_309 = arith.constant 0 : i32
    %dma_start3A_310 = arith.constant 0 : i32
    %dma_start3A_311 = arith.constant 0 : i32
    %dma_start3A_312 = tpu.memref_slice %arg5[%dma_start3A_308, %dma_start3A_310, %dma_start3A_311] : memref<2x313x128xf32, #tpu.memory_space<vmem>> -> memref<1x64x128xf32, #tpu.memory_space<vmem>>
    %dma_start3A_313 = tpu.memref_squeeze %dma_start3A_312 : memref<1x64x128xf32, #tpu.memory_space<vmem>> -> memref<64x128xf32, #tpu.memory_space<vmem>>
    %dma_start3A_314 = arith.constant 0 : i32
    %dma_start3A_315 = tpu.memref_slice %arg6[%dma_start3A, %dma_start3A_314] : memref<2x384xi32, #tpu.memory_space<vmem>> -> memref<1x64xi32, #tpu.memory_space<vmem>>
    %dma_start3A_316 = tpu.memref_squeeze %dma_start3A_315 : memref<1x64xi32, #tpu.memory_space<vmem>> -> memref<64xi32, #tpu.memory_space<vmem>>
    %dma_start3A_317 = arith.constant 0 : i32
    %dma_start3A_318 = arith.constant 0 : i32
    %dma_start3A_319 = tpu.memref_slice %arg2[%dma_start3A_317, %dma_start3A_318] : memref<520000x128xf32, #tpu.memory_space<hbm>> -> memref<520000x128xf32, #tpu.memory_space<hbm>>
    %dma_start3A_320 = tpu.memref_slice %arg9[%dma_start3A_309] : memref<2x!tpu.dma_semaphore, #tpu.memory_space<semaphore_mem>> -> memref<1x!tpu.dma_semaphore, #tpu.memory_space<semaphore_mem>>
    %dma_start3A_321 = tpu.memref_squeeze %dma_start3A_320 : memref<1x!tpu.dma_semaphore, #tpu.memory_space<semaphore_mem>> -> memref<!tpu.dma_semaphore, #tpu.memory_space<semaphore_mem>>
    tpu.enqueue_indirect_dma source(%dma_start3A_319 : memref<520000x128xf32, #tpu.memory_space<hbm>>) target(%dma_start3A_313 : memref<64x128xf32, #tpu.memory_space<vmem>>) offsets(%dma_start3A_316 : memref<64xi32, #tpu.memory_space<vmem>>) semaphore(%dma_start3A_321 : memref<!tpu.dma_semaphore, #tpu.memory_space<semaphore_mem>>)
    %dma_start3A_322 = arith.constant 0 : i32
    %dma_start3A_323 = arith.constant 0 : i32
    %dma_start3A_324 = arith.constant 0 : i32
    %dma_start3A_325 = arith.constant 64 : i32
    %dma_start3A_326 = arith.constant 0 : i32
    %dma_start3A_327 = tpu.memref_slice %arg5[%dma_start3A_323, %dma_start3A_325, %dma_start3A_326] : memref<2x313x128xf32, #tpu.memory_space<vmem>> -> memref<1x64x128xf32, #tpu.memory_space<vmem>>
    %dma_start3A_328 = tpu.memref_squeeze %dma_start3A_327 : memref<1x64x128xf32, #tpu.memory_space<vmem>> -> memref<64x128xf32, #tpu.memory_space<vmem>>
    %dma_start3A_329 = arith.constant 64 : i32
    %dma_start3A_330 = tpu.memref_slice %arg6[%dma_start3A_322, %dma_start3A_329] : memref<2x384xi32, #tpu.memory_space<vmem>> -> memref<1x64xi32, #tpu.memory_space<vmem>>
    %dma_start3A_331 = tpu.memref_squeeze %dma_start3A_330 : memref<1x64xi32, #tpu.memory_space<vmem>> -> memref<64xi32, #tpu.memory_space<vmem>>
    %dma_start3A_332 = arith.constant 0 : i32
    %dma_start3A_333 = arith.constant 0 : i32
    %dma_start3A_334 = tpu.memref_slice %arg2[%dma_start3A_332, %dma_start3A_333] : memref<520000x128xf32, #tpu.memory_space<hbm>> -> memref<520000x128xf32, #tpu.memory_space<hbm>>
    %dma_start3A_335 = tpu.memref_slice %arg9[%dma_start3A_324] : memref<2x!tpu.dma_semaphore, #tpu.memory_space<semaphore_mem>> -> memref<1x!tpu.dma_semaphore, #tpu.memory_space<semaphore_mem>>
    %dma_start3A_336 = tpu.memref_squeeze %dma_start3A_335 : memref<1x!tpu.dma_semaphore, #tpu.memory_space<semaphore_mem>> -> memref<!tpu.dma_semaphore, #tpu.memory_space<semaphore_mem>>
    tpu.enqueue_indirect_dma source(%dma_start3A_334 : memref<520000x128xf32, #tpu.memory_space<hbm>>) target(%dma_start3A_328 : memref<64x128xf32, #tpu.memory_space<vmem>>) offsets(%dma_start3A_331 : memref<64xi32, #tpu.memory_space<vmem>>) semaphore(%dma_start3A_336 : memref<!tpu.dma_semaphore, #tpu.memory_space<semaphore_mem>>)
    %dma_start3A_337 = arith.constant 0 : i32
    %dma_start3A_338 = arith.constant 0 : i32
    %dma_start3A_339 = arith.constant 0 : i32
    %dma_start3A_340 = arith.constant 128 : i32
    %dma_start3A_341 = arith.constant 0 : i32
    %dma_start3A_342 = tpu.memref_slice %arg5[%dma_start3A_338, %dma_start3A_340, %dma_start3A_341] : memref<2x313x128xf32, #tpu.memory_space<vmem>> -> memref<1x64x128xf32, #tpu.memory_space<vmem>>
    %dma_start3A_343 = tpu.memref_squeeze %dma_start3A_342 : memref<1x64x128xf32, #tpu.memory_space<vmem>> -> memref<64x128xf32, #tpu.memory_space<vmem>>
    %dma_start3A_344 = arith.constant 128 : i32
    %dma_start3A_345 = tpu.memref_slice %arg6[%dma_start3A_337, %dma_start3A_344] : memref<2x384xi32, #tpu.memory_space<vmem>> -> memref<1x64xi32, #tpu.memory_space<vmem>>
    %dma_start3A_346 = tpu.memref_squeeze %dma_start3A_345 : memref<1x64xi32, #tpu.memory_space<vmem>> -> memref<64xi32, #tpu.memory_space<vmem>>
    %dma_start3A_347 = arith.constant 0 : i32
    %dma_start3A_348 = arith.constant 0 : i32
    %dma_start3A_349 = tpu.memref_slice %arg2[%dma_start3A_347, %dma_start3A_348] : memref<520000x128xf32, #tpu.memory_space<hbm>> -> memref<520000x128xf32, #tpu.memory_space<hbm>>
    %dma_start3A_350 = tpu.memref_slice %arg9[%dma_start3A_339] : memref<2x!tpu.dma_semaphore, #tpu.memory_space<semaphore_mem>> -> memref<1x!tpu.dma_semaphore, #tpu.memory_space<semaphore_mem>>
    %dma_start3A_351 = tpu.memref_squeeze %dma_start3A_350 : memref<1x!tpu.dma_semaphore, #tpu.memory_space<semaphore_mem>> -> memref<!tpu.dma_semaphore, #tpu.memory_space<semaphore_mem>>
    tpu.enqueue_indirect_dma source(%dma_start3A_349 : memref<520000x128xf32, #tpu.memory_space<hbm>>) target(%dma_start3A_343 : memref<64x128xf32, #tpu.memory_space<vmem>>) offsets(%dma_start3A_346 : memref<64xi32, #tpu.memory_space<vmem>>) semaphore(%dma_start3A_351 : memref<!tpu.dma_semaphore, #tpu.memory_space<semaphore_mem>>)
    %dma_start3A_352 = arith.constant 0 : i32
    %dma_start3A_353 = arith.constant 0 : i32
    %dma_start3A_354 = arith.constant 0 : i32
    %dma_start3A_355 = arith.constant 192 : i32
    %dma_start3A_356 = arith.constant 0 : i32
    %dma_start3A_357 = tpu.memref_slice %arg5[%dma_start3A_353, %dma_start3A_355, %dma_start3A_356] : memref<2x313x128xf32, #tpu.memory_space<vmem>> -> memref<1x64x128xf32, #tpu.memory_space<vmem>>
    %dma_start3A_358 = tpu.memref_squeeze %dma_start3A_357 : memref<1x64x128xf32, #tpu.memory_space<vmem>> -> memref<64x128xf32, #tpu.memory_space<vmem>>
    %dma_start3A_359 = arith.constant 192 : i32
    %dma_start3A_360 = tpu.memref_slice %arg6[%dma_start3A_352, %dma_start3A_359] : memref<2x384xi32, #tpu.memory_space<vmem>> -> memref<1x64xi32, #tpu.memory_space<vmem>>
    %dma_start3A_361 = tpu.memref_squeeze %dma_start3A_360 : memref<1x64xi32, #tpu.memory_space<vmem>> -> memref<64xi32, #tpu.memory_space<vmem>>
    %dma_start3A_362 = arith.constant 0 : i32
    %dma_start3A_363 = arith.constant 0 : i32
    %dma_start3A_364 = tpu.memref_slice %arg2[%dma_start3A_362, %dma_start3A_363] : memref<520000x128xf32, #tpu.memory_space<hbm>> -> memref<520000x128xf32, #tpu.memory_space<hbm>>
    %dma_start3A_365 = tpu.memref_slice %arg9[%dma_start3A_354] : memref<2x!tpu.dma_semaphore, #tpu.memory_space<semaphore_mem>> -> memref<1x!tpu.dma_semaphore, #tpu.memory_space<semaphore_mem>>
    %dma_start3A_366 = tpu.memref_squeeze %dma_start3A_365 : memref<1x!tpu.dma_semaphore, #tpu.memory_space<semaphore_mem>> -> memref<!tpu.dma_semaphore, #tpu.memory_space<semaphore_mem>>
    tpu.enqueue_indirect_dma source(%dma_start3A_364 : memref<520000x128xf32, #tpu.memory_space<hbm>>) target(%dma_start3A_358 : memref<64x128xf32, #tpu.memory_space<vmem>>) offsets(%dma_start3A_361 : memref<64xi32, #tpu.memory_space<vmem>>) semaphore(%dma_start3A_366 : memref<!tpu.dma_semaphore, #tpu.memory_space<semaphore_mem>>)
    %dma_start3A_367 = arith.constant 0 : i32
    %dma_start3A_368 = arith.constant 0 : i32
    %dma_start3A_369 = arith.constant 0 : i32
    %dma_start3A_370 = arith.constant 256 : i32
    %dma_start3A_371 = arith.constant 0 : i32
    %dma_start3A_372 = tpu.memref_slice %arg5[%dma_start3A_368, %dma_start3A_370, %dma_start3A_371] : memref<2x313x128xf32, #tpu.memory_space<vmem>> -> memref<1x57x128xf32, #tpu.memory_space<vmem>>
    %dma_start3A_373 = tpu.memref_squeeze %dma_start3A_372 : memref<1x57x128xf32, #tpu.memory_space<vmem>> -> memref<57x128xf32, #tpu.memory_space<vmem>>
    %dma_start3A_374 = arith.constant 256 : i32
    %dma_start3A_375 = tpu.memref_slice %arg6[%dma_start3A_367, %dma_start3A_374] : memref<2x384xi32, #tpu.memory_space<vmem>> -> memref<1x57xi32, #tpu.memory_space<vmem>>
    %dma_start3A_376 = tpu.memref_squeeze %dma_start3A_375 : memref<1x57xi32, #tpu.memory_space<vmem>> -> memref<57xi32, #tpu.memory_space<vmem>>
    %dma_start3A_377 = arith.constant 0 : i32
    %dma_start3A_378 = arith.constant 0 : i32
    %dma_start3A_379 = tpu.memref_slice %arg2[%dma_start3A_377, %dma_start3A_378] : memref<520000x128xf32, #tpu.memory_space<hbm>> -> memref<520000x128xf32, #tpu.memory_space<hbm>>
    %dma_start3A_380 = tpu.memref_slice %arg9[%dma_start3A_369] : memref<2x!tpu.dma_semaphore, #tpu.memory_space<semaphore_mem>> -> memref<1x!tpu.dma_semaphore, #tpu.memory_space<semaphore_mem>>
    %dma_start3A_381 = tpu.memref_squeeze %dma_start3A_380 : memref<1x!tpu.dma_semaphore, #tpu.memory_space<semaphore_mem>> -> memref<!tpu.dma_semaphore, #tpu.memory_space<semaphore_mem>>
    tpu.enqueue_indirect_dma source(%dma_start3A_379 : memref<520000x128xf32, #tpu.memory_space<hbm>>) target(%dma_start3A_373 : memref<57x128xf32, #tpu.memory_space<vmem>>) offsets(%dma_start3A_376 : memref<57xi32, #tpu.memory_space<vmem>>) semaphore(%dma_start3A_381 : memref<!tpu.dma_semaphore, #tpu.memory_space<semaphore_mem>>)
    %dma_start3A_382 = arith.constant 0 : i32
    %dma_start3A_383 = arith.constant 0 : i32
    %dma_start3A_384 = tpu.memref_slice %arg3[%select_n3A, %dma_start3A_382, %dma_start3A_383] : memref<26x1x4096xi32, #tpu.memory_space<hbm>> -> memref<1x1x4096xi32, #tpu.memory_space<hbm>>
    %dma_start3A_385 = tpu.memref_squeeze %dma_start3A_384 : memref<1x1x4096xi32, #tpu.memory_space<hbm>> -> memref<4096xi32, #tpu.memory_space<hbm>>
    %dma_start3A_386 = arith.constant 0 : i32
    %dma_start3A_387 = tpu.memref_slice %arg3[%select_n3A, %dma_start3A_382, %dma_start3A_386] : memref<26x1x4096xi32, #tpu.memory_space<hbm>> -> memref<1x1x4096xi32, #tpu.memory_space<hbm>>
    %dma_start3A_388 = tpu.memref_squeeze %dma_start3A_387 : memref<1x1x4096xi32, #tpu.memory_space<hbm>> -> memref<4096xi32, #tpu.memory_space<hbm>>
    tpu.enqueue_dma source(%dma_start3A_388 : memref<4096xi32, #tpu.memory_space<hbm>>) target(%arg7 : memref<4096xi32, #tpu.memory_space<vmem>>) target_semaphore(%arg10 : memref<!tpu.dma_semaphore, #tpu.memory_space<semaphore_mem>>)
    %scan3A = arith.constant 0 : i32
    %scan3A_389 = arith.constant 7 : i32
    %scan3A_390 = arith.addi %scan3A, %scan3A_389 : i32
    %scan3A_391 = arith.constant 1 : i32
    scf.for %scan3A_402 = %scan3A to %scan3A_390 step %scan3A_391  : i32 {
      %mul3A_403 = arith.constant 1 : i32
      %mul3A_404 = arith.muli %scan3A_402, %mul3A_403 : i32
      %add3A_405 = arith.constant 0 : i32
      %add3A_406 = arith.addi %add3A_405, %mul3A_404 : i32
      %mul3A_407 = arith.constant 32 : i32
      %mul3A_408 = arith.muli %mul3A_407, %add3A_406 : i32
      %add3A_409 = arith.addi %add3A, %mul3A_408 : i32
      %jit3A_410 = arith.constant 8 : i32
      %div3A_411 = arith.divsi %add3A_409, %jit3A_410 : i32
      %sign3A_412 = arith.constant 0 : i32
      %sign3A_413 = arith.cmpi sgt, %add3A_409, %sign3A_412 : i32
      %sign3A_414 = arith.extui %sign3A_413 : i1 to i32
      %sign3A_415 = arith.constant 0 : i32
      %sign3A_416 = arith.cmpi slt, %add3A_409, %sign3A_415 : i32
      %sign3A_417 = arith.extui %sign3A_416 : i1 to i32
      %sign3A_418 = arith.subi %sign3A_414, %sign3A_417 : i32
      %sign3A_419 = arith.constant 0 : i32
      %sign3A_420 = arith.cmpi sgt, %jit3A_410, %sign3A_419 : i32
      %sign3A_421 = arith.extui %sign3A_420 : i1 to i32
      %sign3A_422 = arith.constant 0 : i32
      %sign3A_423 = arith.cmpi slt, %jit3A_410, %sign3A_422 : i32
      %sign3A_424 = arith.extui %sign3A_423 : i1 to i32
      %sign3A_425 = arith.subi %sign3A_421, %sign3A_424 : i32
      %ne3A_426 = arith.cmpi ne, %sign3A_418, %sign3A_425 : i32
      %rem3A_427 = arith.remsi %add3A_409, %jit3A_410 : i32
      %ne3A_428 = arith.constant 0 : i32
      %ne3A_429 = arith.cmpi ne, %rem3A_427, %ne3A_428 : i32
      %and3A_430 = arith.andi %ne3A_426, %ne3A_429 : i1
      %sub3A_431 = arith.constant 1 : i32
      %sub3A_432 = arith.subi %div3A_411, %sub3A_431 : i32
      %select_n3A_433 = arith.select %and3A_430, %sub3A_432, %div3A_411 : i32
      %jit3A_434 = arith.constant 8 : i32
      %eq3A_435 = arith.constant 0 : i32
      %eq3A_436 = arith.cmpi eq, %jit3A_434, %eq3A_435 : i32
      %jit3A_437 = arith.constant 1 : i32
      %select_n3A_438 = arith.select %eq3A_436, %jit3A_437, %jit3A_434 : i32
      %rem3A_439 = arith.remsi %add3A_409, %select_n3A_438 : i32
      %ne3A_440 = arith.constant 0 : i32
      %ne3A_441 = arith.cmpi ne, %rem3A_439, %ne3A_440 : i32
      %lt3A_442 = arith.constant 0 : i32
      %lt3A_443 = arith.cmpi slt, %rem3A_439, %lt3A_442 : i32
      %lt3A_444 = arith.constant 0 : i32
      %lt3A_445 = arith.cmpi slt, %select_n3A_438, %lt3A_444 : i32
      %ne3A_446 = arith.xori %lt3A_443, %lt3A_445 : i1
      %and3A_447 = arith.andi %ne3A_446, %ne3A_441 : i1
      %add3A_448 = arith.addi %rem3A_439, %select_n3A_438 : i32
      %select_n3A_449 = arith.select %and3A_447, %add3A_448, %rem3A_439 : i32
      %mul3A_450 = arith.constant 625 : i32
      %mul3A_451 = arith.muli %mul3A_450, %select_n3A_433 : i32
      %shift_right_arithmetic3A_452 = arith.constant 1 : i32
      %shift_right_arithmetic3A_453 = arith.shrsi %mul3A_451, %shift_right_arithmetic3A_452 : i32
      %and3A_454 = arith.constant 1 : i32
      %and3A_455 = arith.andi %select_n3A_433, %and3A_454 : i32
      %mul3A_456 = arith.constant 64 : i32
      %mul3A_457 = arith.muli %mul3A_456, %and3A_455 : i32
      %mul3A_458 = arith.constant 65000 : i32
      %mul3A_459 = arith.muli %select_n3A_449, %mul3A_458 : i32
      %mul3A_460 = arith.constant 8 : i32
      %mul3A_461 = arith.muli %mul3A_460, %shift_right_arithmetic3A_453 : i32
      %add3A_462 = arith.addi %mul3A_459, %mul3A_461 : i32
      %lt3A_463 = arith.constant 208 : i32
      %lt3A_464 = arith.cmpi slt, %add3A_409, %lt3A_463 : i32
      %convert_element_type3A = arith.extui %lt3A_464 : i1 to i32
      %cond3A = arith.constant 0 : i32
      %cond3A_465 = arith.cmpi ne, %convert_element_type3A, %cond3A : i32
      scf.if %cond3A_465 {
        %dma_wait3A_466 = arith.constant 0 : i32
        %dma_wait3A_467 = arith.constant 0 : i32
        %dma_wait3A_468 = tpu.memref_slice %arg3[%select_n3A_433, %dma_wait3A_466, %dma_wait3A_467] : memref<26x1x4096xi32, #tpu.memory_space<hbm>> -> memref<1x1x4096xi32, #tpu.memory_space<hbm>>
        %dma_wait3A_469 = tpu.memref_squeeze %dma_wait3A_468 : memref<1x1x4096xi32, #tpu.memory_space<hbm>> -> memref<4096xi32, #tpu.memory_space<hbm>>
        %dma_wait3A_470 = arith.constant 0 : i32
        %dma_wait3A_471 = tpu.memref_slice %arg3[%select_n3A_433, %dma_wait3A_466, %dma_wait3A_470] : memref<26x1x4096xi32, #tpu.memory_space<hbm>> -> memref<1x1x4096xi32, #tpu.memory_space<hbm>>
        %dma_wait3A_472 = tpu.memref_squeeze %dma_wait3A_471 : memref<1x1x4096xi32, #tpu.memory_space<hbm>> -> memref<4096xi32, #tpu.memory_space<hbm>>
        tpu.wait_dma2 semaphore(%arg10 : memref<!tpu.dma_semaphore, #tpu.memory_space<semaphore_mem>>) src(%dma_wait3A_472 : memref<4096xi32, #tpu.memory_space<hbm>>) dst(%arg7 : memref<4096xi32, #tpu.memory_space<vmem>>)
        %gt3A = arith.constant 0 : i32
        %gt3A_473 = arith.cmpi sgt, %add3A_406, %gt3A : i32
        %convert_element_type3A_474 = arith.extui %gt3A_473 : i1 to i32
        %cond3A_475 = arith.constant 0 : i32
        %cond3A_476 = arith.cmpi ne, %convert_element_type3A_474, %cond3A_475 : i32
        scf.if %cond3A_476 {
          %dma_wait3A_3635 = arith.constant 0 : i32
          %dma_wait3A_3636 = arith.constant 0 : i32
          %dma_wait3A_3637 = tpu.memref_slice %arg4[%select_n3A_433, %select_n3A_449, %dma_wait3A_3635, %dma_wait3A_3636] : memref<26x8x8x4096xf32, #tpu.memory_space<hbm>> -> memref<1x1x8x4096xf32, #tpu.memory_space<hbm>>
          %dma_wait3A_3638 = tpu.memref_squeeze %dma_wait3A_3637 : memref<1x1x8x4096xf32, #tpu.memory_space<hbm>> -> memref<8x4096xf32, #tpu.memory_space<hbm>>
          %dma_wait3A_3639 = arith.constant 0 : i32
          %dma_wait3A_3640 = arith.constant 0 : i32
          %dma_wait3A_3641 = tpu.memref_slice %arg4[%select_n3A_433, %select_n3A_449, %dma_wait3A_3639, %dma_wait3A_3640] : memref<26x8x8x4096xf32, #tpu.memory_space<hbm>> -> memref<1x1x8x4096xf32, #tpu.memory_space<hbm>>
          %dma_wait3A_3642 = tpu.memref_squeeze %dma_wait3A_3641 : memref<1x1x8x4096xf32, #tpu.memory_space<hbm>> -> memref<8x4096xf32, #tpu.memory_space<hbm>>
          tpu.wait_dma2 semaphore(%arg11 : memref<!tpu.dma_semaphore, #tpu.memory_space<semaphore_mem>>) src(%arg8 : memref<8x4096xf32, #tpu.memory_space<vmem>>) dst(%dma_wait3A_3642 : memref<8x4096xf32, #tpu.memory_space<hbm>>)
        } else {
        }
        %add3A_477 = arith.constant 0 : i32
        %add3A_478 = arith.addi %add3A_462, %add3A_477 : i32
        %add3A_479 = arith.constant 1 : i32
        %add3A_480 = arith.addi %add3A_478, %add3A_479 : i32
        %add3A_481 = arith.constant 0 : i32
        %add3A_482 = arith.addi %add3A_480, %add3A_481 : i32
        %mul3A_483 = arith.constant 8 : i32
        %mul3A_484 = vector.broadcast %mul3A_483 : i32 to vector<16xi32>
        %mul3A_485 = arith.muli %mul3A_484, %iota3A : vector<16xi32>
        %add3A_486 = vector.broadcast %add3A_482 : i32 to vector<16xi32>
        %add3A_487 = arith.addi %add3A_486, %mul3A_485 : vector<16xi32>
        %swap3A_488 = arith.constant 1 : i32
        %swap3A_489 = arith.index_cast %swap3A_488 : i32 to index
        %swap3A_490 = arith.constant 0 : index
        %swap3A_491 = tpu.vector_load %arg6[%swap3A_489, %swap3A_490] {strides = array<i32>} : memref<2x384xi32, #tpu.memory_space<vmem>>, vector<16xi32>,
        tpu.vector_store %arg6[%swap3A_489, %swap3A_490], %add3A_487 {strides = array<i32>} : memref<2x384xi32, #tpu.memory_space<vmem>>, vector<16xi32>,
        %add3A_492 = arith.constant 128 : i32
        %add3A_493 = arith.addi %add3A_480, %add3A_492 : i32
        %mul3A_494 = arith.constant 8 : i32
        %mul3A_495 = vector.broadcast %mul3A_494 : i32 to vector<16xi32>
        %mul3A_496 = arith.muli %mul3A_495, %iota3A : vector<16xi32>
        %add3A_497 = vector.broadcast %add3A_493 : i32 to vector<16xi32>
        %add3A_498 = arith.addi %add3A_497, %mul3A_496 : vector<16xi32>
        %swap3A_499 = arith.constant 1 : i32
        %swap3A_500 = arith.index_cast %swap3A_499 : i32 to index
        %swap3A_501 = arith.constant 16 : index
        %swap3A_502 = tpu.vector_load %arg6[%swap3A_500, %swap3A_501] {strides = array<i32>} : memref<2x384xi32, #tpu.memory_space<vmem>>, vector<16xi32>,
        tpu.vector_store %arg6[%swap3A_500, %swap3A_501], %add3A_498 {strides = array<i32>} : memref<2x384xi32, #tpu.memory_space<vmem>>, vector<16xi32>,
        %add3A_503 = arith.constant 256 : i32
        %add3A_504 = arith.addi %add3A_480, %add3A_503 : i32
        %mul3A_505 = arith.constant 8 : i32
        %mul3A_506 = vector.broadcast %mul3A_505 : i32 to vector<16xi32>
        %mul3A_507 = arith.muli %mul3A_506, %iota3A : vector<16xi32>
        %add3A_508 = vector.broadcast %add3A_504 : i32 to vector<16xi32>
        %add3A_509 = arith.addi %add3A_508, %mul3A_507 : vector<16xi32>
        %swap3A_510 = arith.constant 1 : i32
        %swap3A_511 = arith.index_cast %swap3A_510 : i32 to index
        %swap3A_512 = arith.constant 32 : index
        %swap3A_513 = tpu.vector_load %arg6[%swap3A_511, %swap3A_512] {strides = array<i32>} : memref<2x384xi32, #tpu.memory_space<vmem>>, vector<16xi32>,
        tpu.vector_store %arg6[%swap3A_511, %swap3A_512], %add3A_509 {strides = array<i32>} : memref<2x384xi32, #tpu.memory_space<vmem>>, vector<16xi32>,
        %add3A_514 = arith.constant 384 : i32
        %add3A_515 = arith.addi %add3A_480, %add3A_514 : i32
        %mul3A_516 = arith.constant 8 : i32
        %mul3A_517 = vector.broadcast %mul3A_516 : i32 to vector<16xi32>
        %mul3A_518 = arith.muli %mul3A_517, %iota3A : vector<16xi32>
        %add3A_519 = vector.broadcast %add3A_515 : i32 to vector<16xi32>
        %add3A_520 = arith.addi %add3A_519, %mul3A_518 : vector<16xi32>
        %swap3A_521 = arith.constant 1 : i32
        %swap3A_522 = arith.index_cast %swap3A_521 : i32 to index
        %swap3A_523 = arith.constant 48 : index
        %swap3A_524 = tpu.vector_load %arg6[%swap3A_522, %swap3A_523] {strides = array<i32>} : memref<2x384xi32, #tpu.memory_space<vmem>>, vector<16xi32>,
        tpu.vector_store %arg6[%swap3A_522, %swap3A_523], %add3A_520 {strides = array<i32>} : memref<2x384xi32, #tpu.memory_space<vmem>>, vector<16xi32>,
        %add3A_525 = arith.constant 512 : i32
        %add3A_526 = arith.addi %add3A_480, %add3A_525 : i32
        %mul3A_527 = arith.constant 8 : i32
        %mul3A_528 = vector.broadcast %mul3A_527 : i32 to vector<16xi32>
        %mul3A_529 = arith.muli %mul3A_528, %iota3A : vector<16xi32>
        %add3A_530 = vector.broadcast %add3A_526 : i32 to vector<16xi32>
        %add3A_531 = arith.addi %add3A_530, %mul3A_529 : vector<16xi32>
        %swap3A_532 = arith.constant 1 : i32
        %swap3A_533 = arith.index_cast %swap3A_532 : i32 to index
        %swap3A_534 = arith.constant 64 : index
        %swap3A_535 = tpu.vector_load %arg6[%swap3A_533, %swap3A_534] {strides = array<i32>} : memref<2x384xi32, #tpu.memory_space<vmem>>, vector<16xi32>,
        tpu.vector_store %arg6[%swap3A_533, %swap3A_534], %add3A_531 {strides = array<i32>} : memref<2x384xi32, #tpu.memory_space<vmem>>, vector<16xi32>,
        %add3A_536 = arith.constant 640 : i32
        %add3A_537 = arith.addi %add3A_480, %add3A_536 : i32
        %mul3A_538 = arith.constant 8 : i32
        %mul3A_539 = vector.broadcast %mul3A_538 : i32 to vector<16xi32>
        %mul3A_540 = arith.muli %mul3A_539, %iota3A : vector<16xi32>
        %add3A_541 = vector.broadcast %add3A_537 : i32 to vector<16xi32>
        %add3A_542 = arith.addi %add3A_541, %mul3A_540 : vector<16xi32>
        %swap3A_543 = arith.constant 1 : i32
        %swap3A_544 = arith.index_cast %swap3A_543 : i32 to index
        %swap3A_545 = arith.constant 80 : index
        %swap3A_546 = tpu.vector_load %arg6[%swap3A_544, %swap3A_545] {strides = array<i32>} : memref<2x384xi32, #tpu.memory_space<vmem>>, vector<16xi32>,
        tpu.vector_store %arg6[%swap3A_544, %swap3A_545], %add3A_542 {strides = array<i32>} : memref<2x384xi32, #tpu.memory_space<vmem>>, vector<16xi32>,
        %add3A_547 = arith.constant 768 : i32
        %add3A_548 = arith.addi %add3A_480, %add3A_547 : i32
        %mul3A_549 = arith.constant 8 : i32
        %mul3A_550 = vector.broadcast %mul3A_549 : i32 to vector<16xi32>
        %mul3A_551 = arith.muli %mul3A_550, %iota3A : vector<16xi32>
        %add3A_552 = vector.broadcast %add3A_548 : i32 to vector<16xi32>
        %add3A_553 = arith.addi %add3A_552, %mul3A_551 : vector<16xi32>
        %swap3A_554 = arith.constant 1 : i32
        %swap3A_555 = arith.index_cast %swap3A_554 : i32 to index
        %swap3A_556 = arith.constant 96 : index
        %swap3A_557 = tpu.vector_load %arg6[%swap3A_555, %swap3A_556] {strides = array<i32>} : memref<2x384xi32, #tpu.memory_space<vmem>>, vector<16xi32>,
        tpu.vector_store %arg6[%swap3A_555, %swap3A_556], %add3A_553 {strides = array<i32>} : memref<2x384xi32, #tpu.memory_space<vmem>>, vector<16xi32>,
        %add3A_558 = arith.constant 896 : i32
        %add3A_559 = arith.addi %add3A_480, %add3A_558 : i32
        %mul3A_560 = arith.constant 8 : i32
        %mul3A_561 = vector.broadcast %mul3A_560 : i32 to vector<16xi32>
        %mul3A_562 = arith.muli %mul3A_561, %iota3A : vector<16xi32>
        %add3A_563 = vector.broadcast %add3A_559 : i32 to vector<16xi32>
        %add3A_564 = arith.addi %add3A_563, %mul3A_562 : vector<16xi32>
        %swap3A_565 = arith.constant 1 : i32
        %swap3A_566 = arith.index_cast %swap3A_565 : i32 to index
        %swap3A_567 = arith.constant 112 : index
        %swap3A_568 = tpu.vector_load %arg6[%swap3A_566, %swap3A_567] {strides = array<i32>} : memref<2x384xi32, #tpu.memory_space<vmem>>, vector<16xi32>,
        tpu.vector_store %arg6[%swap3A_566, %swap3A_567], %add3A_564 {strides = array<i32>} : memref<2x384xi32, #tpu.memory_space<vmem>>, vector<16xi32>,
        %add3A_569 = arith.constant 1024 : i32
        %add3A_570 = arith.addi %add3A_480, %add3A_569 : i32
        %mul3A_571 = arith.constant 8 : i32
        %mul3A_572 = vector.broadcast %mul3A_571 : i32 to vector<16xi32>
        %mul3A_573 = arith.muli %mul3A_572, %iota3A : vector<16xi32>
        %add3A_574 = vector.broadcast %add3A_570 : i32 to vector<16xi32>
        %add3A_575 = arith.addi %add3A_574, %mul3A_573 : vector<16xi32>
        %swap3A_576 = arith.constant 1 : i32
        %swap3A_577 = arith.index_cast %swap3A_576 : i32 to index
        %swap3A_578 = arith.constant 128 : index
        %swap3A_579 = tpu.vector_load %arg6[%swap3A_577, %swap3A_578] {strides = array<i32>} : memref<2x384xi32, #tpu.memory_space<vmem>>, vector<16xi32>,
        tpu.vector_store %arg6[%swap3A_577, %swap3A_578], %add3A_575 {strides = array<i32>} : memref<2x384xi32, #tpu.memory_space<vmem>>, vector<16xi32>,
        %add3A_580 = arith.constant 1152 : i32
        %add3A_581 = arith.addi %add3A_480, %add3A_580 : i32
        %mul3A_582 = arith.constant 8 : i32
        %mul3A_583 = vector.broadcast %mul3A_582 : i32 to vector<16xi32>
        %mul3A_584 = arith.muli %mul3A_583, %iota3A : vector<16xi32>
        %add3A_585 = vector.broadcast %add3A_581 : i32 to vector<16xi32>
        %add3A_586 = arith.addi %add3A_585, %mul3A_584 : vector<16xi32>
        %swap3A_587 = arith.constant 1 : i32
        %swap3A_588 = arith.index_cast %swap3A_587 : i32 to index
        %swap3A_589 = arith.constant 144 : index
        %swap3A_590 = tpu.vector_load %arg6[%swap3A_588, %swap3A_589] {strides = array<i32>} : memref<2x384xi32, #tpu.memory_space<vmem>>, vector<16xi32>,
        tpu.vector_store %arg6[%swap3A_588, %swap3A_589], %add3A_586 {strides = array<i32>} : memref<2x384xi32, #tpu.memory_space<vmem>>, vector<16xi32>,
        %add3A_591 = arith.constant 1280 : i32
        %add3A_592 = arith.addi %add3A_480, %add3A_591 : i32
        %mul3A_593 = arith.constant 8 : i32
        %mul3A_594 = vector.broadcast %mul3A_593 : i32 to vector<16xi32>
        %mul3A_595 = arith.muli %mul3A_594, %iota3A : vector<16xi32>
        %add3A_596 = vector.broadcast %add3A_592 : i32 to vector<16xi32>
        %add3A_597 = arith.addi %add3A_596, %mul3A_595 : vector<16xi32>
        %swap3A_598 = arith.constant 1 : i32
        %swap3A_599 = arith.index_cast %swap3A_598 : i32 to index
        %swap3A_600 = arith.constant 160 : index
        %swap3A_601 = tpu.vector_load %arg6[%swap3A_599, %swap3A_600] {strides = array<i32>} : memref<2x384xi32, #tpu.memory_space<vmem>>, vector<16xi32>,
        tpu.vector_store %arg6[%swap3A_599, %swap3A_600], %add3A_597 {strides = array<i32>} : memref<2x384xi32, #tpu.memory_space<vmem>>, vector<16xi32>,
        %add3A_602 = arith.constant 1408 : i32
        %add3A_603 = arith.addi %add3A_480, %add3A_602 : i32
        %mul3A_604 = arith.constant 8 : i32
        %mul3A_605 = vector.broadcast %mul3A_604 : i32 to vector<16xi32>
        %mul3A_606 = arith.muli %mul3A_605, %iota3A : vector<16xi32>
        %add3A_607 = vector.broadcast %add3A_603 : i32 to vector<16xi32>
        %add3A_608 = arith.addi %add3A_607, %mul3A_606 : vector<16xi32>
        %swap3A_609 = arith.constant 1 : i32
        %swap3A_610 = arith.index_cast %swap3A_609 : i32 to index
        %swap3A_611 = arith.constant 176 : index
        %swap3A_612 = tpu.vector_load %arg6[%swap3A_610, %swap3A_611] {strides = array<i32>} : memref<2x384xi32, #tpu.memory_space<vmem>>, vector<16xi32>,
        tpu.vector_store %arg6[%swap3A_610, %swap3A_611], %add3A_608 {strides = array<i32>} : memref<2x384xi32, #tpu.memory_space<vmem>>, vector<16xi32>,
        %add3A_613 = arith.constant 1536 : i32
        %add3A_614 = arith.addi %add3A_480, %add3A_613 : i32
        %mul3A_615 = arith.constant 8 : i32
        %mul3A_616 = vector.broadcast %mul3A_615 : i32 to vector<16xi32>
        %mul3A_617 = arith.muli %mul3A_616, %iota3A : vector<16xi32>
        %add3A_618 = vector.broadcast %add3A_614 : i32 to vector<16xi32>
        %add3A_619 = arith.addi %add3A_618, %mul3A_617 : vector<16xi32>
        %swap3A_620 = arith.constant 1 : i32
        %swap3A_621 = arith.index_cast %swap3A_620 : i32 to index
        %swap3A_622 = arith.constant 192 : index
        %swap3A_623 = tpu.vector_load %arg6[%swap3A_621, %swap3A_622] {strides = array<i32>} : memref<2x384xi32, #tpu.memory_space<vmem>>, vector<16xi32>,
        tpu.vector_store %arg6[%swap3A_621, %swap3A_622], %add3A_619 {strides = array<i32>} : memref<2x384xi32, #tpu.memory_space<vmem>>, vector<16xi32>,
        %add3A_624 = arith.constant 1664 : i32
        %add3A_625 = arith.addi %add3A_480, %add3A_624 : i32
        %mul3A_626 = arith.constant 8 : i32
        %mul3A_627 = vector.broadcast %mul3A_626 : i32 to vector<16xi32>
        %mul3A_628 = arith.muli %mul3A_627, %iota3A : vector<16xi32>
        %add3A_629 = vector.broadcast %add3A_625 : i32 to vector<16xi32>
        %add3A_630 = arith.addi %add3A_629, %mul3A_628 : vector<16xi32>
        %swap3A_631 = arith.constant 1 : i32
        %swap3A_632 = arith.index_cast %swap3A_631 : i32 to index
        %swap3A_633 = arith.constant 208 : index
        %swap3A_634 = tpu.vector_load %arg6[%swap3A_632, %swap3A_633] {strides = array<i32>} : memref<2x384xi32, #tpu.memory_space<vmem>>, vector<16xi32>,
        tpu.vector_store %arg6[%swap3A_632, %swap3A_633], %add3A_630 {strides = array<i32>} : memref<2x384xi32, #tpu.memory_space<vmem>>, vector<16xi32>,
        %add3A_635 = arith.constant 1792 : i32
        %add3A_636 = arith.addi %add3A_480, %add3A_635 : i32
        %mul3A_637 = arith.constant 8 : i32
        %mul3A_638 = vector.broadcast %mul3A_637 : i32 to vector<16xi32>
        %mul3A_639 = arith.muli %mul3A_638, %iota3A : vector<16xi32>
        %add3A_640 = vector.broadcast %add3A_636 : i32 to vector<16xi32>
        %add3A_641 = arith.addi %add3A_640, %mul3A_639 : vector<16xi32>
        %swap3A_642 = arith.constant 1 : i32
        %swap3A_643 = arith.index_cast %swap3A_642 : i32 to index
        %swap3A_644 = arith.constant 224 : index
        %swap3A_645 = tpu.vector_load %arg6[%swap3A_643, %swap3A_644] {strides = array<i32>} : memref<2x384xi32, #tpu.memory_space<vmem>>, vector<16xi32>,
        tpu.vector_store %arg6[%swap3A_643, %swap3A_644], %add3A_641 {strides = array<i32>} : memref<2x384xi32, #tpu.memory_space<vmem>>, vector<16xi32>,
        %add3A_646 = arith.constant 1920 : i32
        %add3A_647 = arith.addi %add3A_480, %add3A_646 : i32
        %mul3A_648 = arith.constant 8 : i32
        %mul3A_649 = vector.broadcast %mul3A_648 : i32 to vector<16xi32>
        %mul3A_650 = arith.muli %mul3A_649, %iota3A : vector<16xi32>
        %add3A_651 = vector.broadcast %add3A_647 : i32 to vector<16xi32>
        %add3A_652 = arith.addi %add3A_651, %mul3A_650 : vector<16xi32>
        %swap3A_653 = arith.constant 1 : i32
        %swap3A_654 = arith.index_cast %swap3A_653 : i32 to index
        %swap3A_655 = arith.constant 240 : index
        %swap3A_656 = tpu.vector_load %arg6[%swap3A_654, %swap3A_655] {strides = array<i32>} : memref<2x384xi32, #tpu.memory_space<vmem>>, vector<16xi32>,
        tpu.vector_store %arg6[%swap3A_654, %swap3A_655], %add3A_652 {strides = array<i32>} : memref<2x384xi32, #tpu.memory_space<vmem>>, vector<16xi32>,
        %add3A_657 = arith.constant 2048 : i32
        %add3A_658 = arith.addi %add3A_480, %add3A_657 : i32
        %mul3A_659 = arith.constant 8 : i32
        %mul3A_660 = vector.broadcast %mul3A_659 : i32 to vector<16xi32>
        %mul3A_661 = arith.muli %mul3A_660, %iota3A : vector<16xi32>
        %add3A_662 = vector.broadcast %add3A_658 : i32 to vector<16xi32>
        %add3A_663 = arith.addi %add3A_662, %mul3A_661 : vector<16xi32>
        %swap3A_664 = arith.constant 1 : i32
        %swap3A_665 = arith.index_cast %swap3A_664 : i32 to index
        %swap3A_666 = arith.constant 256 : index
        %swap3A_667 = tpu.vector_load %arg6[%swap3A_665, %swap3A_666] {strides = array<i32>} : memref<2x384xi32, #tpu.memory_space<vmem>>, vector<16xi32>,
        tpu.vector_store %arg6[%swap3A_665, %swap3A_666], %add3A_663 {strides = array<i32>} : memref<2x384xi32, #tpu.memory_space<vmem>>, vector<16xi32>,
        %add3A_668 = arith.constant 2176 : i32
        %add3A_669 = arith.addi %add3A_480, %add3A_668 : i32
        %mul3A_670 = arith.constant 8 : i32
        %mul3A_671 = vector.broadcast %mul3A_670 : i32 to vector<16xi32>
        %mul3A_672 = arith.muli %mul3A_671, %iota3A : vector<16xi32>
        %add3A_673 = vector.broadcast %add3A_669 : i32 to vector<16xi32>
        %add3A_674 = arith.addi %add3A_673, %mul3A_672 : vector<16xi32>
        %swap3A_675 = arith.constant 1 : i32
        %swap3A_676 = arith.index_cast %swap3A_675 : i32 to index
        %swap3A_677 = arith.constant 272 : index
        %swap3A_678 = tpu.vector_load %arg6[%swap3A_676, %swap3A_677] {strides = array<i32>} : memref<2x384xi32, #tpu.memory_space<vmem>>, vector<16xi32>,
        tpu.vector_store %arg6[%swap3A_676, %swap3A_677], %add3A_674 {strides = array<i32>} : memref<2x384xi32, #tpu.memory_space<vmem>>, vector<16xi32>,
        %add3A_679 = arith.constant 2304 : i32
        %add3A_680 = arith.addi %add3A_480, %add3A_679 : i32
        %mul3A_681 = arith.constant 8 : i32
        %mul3A_682 = vector.broadcast %mul3A_681 : i32 to vector<16xi32>
        %mul3A_683 = arith.muli %mul3A_682, %iota3A : vector<16xi32>
        %add3A_684 = vector.broadcast %add3A_680 : i32 to vector<16xi32>
        %add3A_685 = arith.addi %add3A_684, %mul3A_683 : vector<16xi32>
        %swap3A_686 = arith.constant 1 : i32
        %swap3A_687 = arith.index_cast %swap3A_686 : i32 to index
        %swap3A_688 = arith.constant 288 : index
        %swap3A_689 = tpu.vector_load %arg6[%swap3A_687, %swap3A_688] {strides = array<i32>} : memref<2x384xi32, #tpu.memory_space<vmem>>, vector<16xi32>,
        tpu.vector_store %arg6[%swap3A_687, %swap3A_688], %add3A_685 {strides = array<i32>} : memref<2x384xi32, #tpu.memory_space<vmem>>, vector<16xi32>,
        %add3A_690 = arith.constant 2432 : i32
        %add3A_691 = arith.addi %add3A_480, %add3A_690 : i32
        %mul3A_692 = arith.constant 8 : i32
        %mul3A_693 = vector.broadcast %mul3A_692 : i32 to vector<16xi32>
        %mul3A_694 = arith.muli %mul3A_693, %iota3A : vector<16xi32>
        %add3A_695 = vector.broadcast %add3A_691 : i32 to vector<16xi32>
        %add3A_696 = arith.addi %add3A_695, %mul3A_694 : vector<16xi32>
        %swap3A_697 = arith.constant 1 : i32
        %swap3A_698 = arith.index_cast %swap3A_697 : i32 to index
        %swap3A_699 = arith.constant 304 : index
        %swap3A_700 = tpu.vector_load %arg6[%swap3A_698, %swap3A_699] {strides = array<i32>} : memref<2x384xi32, #tpu.memory_space<vmem>>, vector<16xi32>,
        tpu.vector_store %arg6[%swap3A_698, %swap3A_699], %add3A_696 {strides = array<i32>} : memref<2x384xi32, #tpu.memory_space<vmem>>, vector<16xi32>,
        %add3A_701 = arith.constant 2560 : i32
        %add3A_702 = arith.addi %add3A_480, %add3A_701 : i32
        %mul3A_703 = arith.constant 8 : i32
        %mul3A_704 = vector.broadcast %mul3A_703 : i32 to vector<16xi32>
        %mul3A_705 = arith.muli %mul3A_704, %iota3A : vector<16xi32>
        %add3A_706 = vector.broadcast %add3A_702 : i32 to vector<16xi32>
        %add3A_707 = arith.addi %add3A_706, %mul3A_705 : vector<16xi32>
        %swap3A_708 = arith.constant 1 : i32
        %swap3A_709 = arith.index_cast %swap3A_708 : i32 to index
        %swap3A_710 = arith.constant 320 : index
        %swap3A_711 = tpu.vector_load %arg6[%swap3A_709, %swap3A_710] {strides = array<i32>} : memref<2x384xi32, #tpu.memory_space<vmem>>, vector<16xi32>,
        tpu.vector_store %arg6[%swap3A_709, %swap3A_710], %add3A_707 {strides = array<i32>} : memref<2x384xi32, #tpu.memory_space<vmem>>, vector<16xi32>,
        %add3A_712 = arith.constant 2688 : i32
        %add3A_713 = arith.addi %add3A_480, %add3A_712 : i32
        %mul3A_714 = arith.constant 8 : i32
        %mul3A_715 = vector.broadcast %mul3A_714 : i32 to vector<16xi32>
        %mul3A_716 = arith.muli %mul3A_715, %iota3A : vector<16xi32>
        %add3A_717 = vector.broadcast %add3A_713 : i32 to vector<16xi32>
        %add3A_718 = arith.addi %add3A_717, %mul3A_716 : vector<16xi32>
        %swap3A_719 = arith.constant 1 : i32
        %swap3A_720 = arith.index_cast %swap3A_719 : i32 to index
        %swap3A_721 = arith.constant 336 : index
        %swap3A_722 = tpu.vector_load %arg6[%swap3A_720, %swap3A_721] {strides = array<i32>} : memref<2x384xi32, #tpu.memory_space<vmem>>, vector<16xi32>,
        tpu.vector_store %arg6[%swap3A_720, %swap3A_721], %add3A_718 {strides = array<i32>} : memref<2x384xi32, #tpu.memory_space<vmem>>, vector<16xi32>,
        %add3A_723 = arith.constant 2816 : i32
        %add3A_724 = arith.addi %add3A_480, %add3A_723 : i32
        %mul3A_725 = arith.constant 8 : i32
        %mul3A_726 = vector.broadcast %mul3A_725 : i32 to vector<16xi32>
        %mul3A_727 = arith.muli %mul3A_726, %iota3A : vector<16xi32>
        %add3A_728 = vector.broadcast %add3A_724 : i32 to vector<16xi32>
        %add3A_729 = arith.addi %add3A_728, %mul3A_727 : vector<16xi32>
        %swap3A_730 = arith.constant 1 : i32
        %swap3A_731 = arith.index_cast %swap3A_730 : i32 to index
        %swap3A_732 = arith.constant 352 : index
        %swap3A_733 = tpu.vector_load %arg6[%swap3A_731, %swap3A_732] {strides = array<i32>} : memref<2x384xi32, #tpu.memory_space<vmem>>, vector<16xi32>,
        tpu.vector_store %arg6[%swap3A_731, %swap3A_732], %add3A_729 {strides = array<i32>} : memref<2x384xi32, #tpu.memory_space<vmem>>, vector<16xi32>,
        %add3A_734 = arith.constant 2944 : i32
        %add3A_735 = arith.addi %add3A_480, %add3A_734 : i32
        %mul3A_736 = arith.constant 8 : i32
        %mul3A_737 = vector.broadcast %mul3A_736 : i32 to vector<16xi32>
        %mul3A_738 = arith.muli %mul3A_737, %iota3A : vector<16xi32>
        %add3A_739 = vector.broadcast %add3A_735 : i32 to vector<16xi32>
        %add3A_740 = arith.addi %add3A_739, %mul3A_738 : vector<16xi32>
        %swap3A_741 = arith.constant 1 : i32
        %swap3A_742 = arith.index_cast %swap3A_741 : i32 to index
        %swap3A_743 = arith.constant 368 : index
        %swap3A_744 = tpu.vector_load %arg6[%swap3A_742, %swap3A_743] {strides = array<i32>} : memref<2x384xi32, #tpu.memory_space<vmem>>, vector<16xi32>,
        tpu.vector_store %arg6[%swap3A_742, %swap3A_743], %add3A_740 {strides = array<i32>} : memref<2x384xi32, #tpu.memory_space<vmem>>, vector<16xi32>,
        %dma_start3A_745 = arith.constant 1 : i32
        %dma_start3A_746 = arith.constant 1 : i32
        %dma_start3A_747 = arith.constant 1 : i32
        %dma_start3A_748 = arith.constant 0 : i32
        %dma_start3A_749 = arith.constant 0 : i32
        %dma_start3A_750 = tpu.memref_slice %arg5[%dma_start3A_746, %dma_start3A_748, %dma_start3A_749] : memref<2x313x128xf32, #tpu.memory_space<vmem>> -> memref<1x64x128xf32, #tpu.memory_space<vmem>>
        %dma_start3A_751 = tpu.memref_squeeze %dma_start3A_750 : memref<1x64x128xf32, #tpu.memory_space<vmem>> -> memref<64x128xf32, #tpu.memory_space<vmem>>
        %dma_start3A_752 = arith.constant 0 : i32
        %dma_start3A_753 = tpu.memref_slice %arg6[%dma_start3A_745, %dma_start3A_752] : memref<2x384xi32, #tpu.memory_space<vmem>> -> memref<1x64xi32, #tpu.memory_space<vmem>>
        %dma_start3A_754 = tpu.memref_squeeze %dma_start3A_753 : memref<1x64xi32, #tpu.memory_space<vmem>> -> memref<64xi32, #tpu.memory_space<vmem>>
        %dma_start3A_755 = arith.constant 0 : i32
        %dma_start3A_756 = arith.constant 0 : i32
        %dma_start3A_757 = tpu.memref_slice %arg2[%dma_start3A_755, %dma_start3A_756] : memref<520000x128xf32, #tpu.memory_space<hbm>> -> memref<520000x128xf32, #tpu.memory_space<hbm>>
        %dma_start3A_758 = tpu.memref_slice %arg9[%dma_start3A_747] : memref<2x!tpu.dma_semaphore, #tpu.memory_space<semaphore_mem>> -> memref<1x!tpu.dma_semaphore, #tpu.memory_space<semaphore_mem>>
        %dma_start3A_759 = tpu.memref_squeeze %dma_start3A_758 : memref<1x!tpu.dma_semaphore, #tpu.memory_space<semaphore_mem>> -> memref<!tpu.dma_semaphore, #tpu.memory_space<semaphore_mem>>
        tpu.enqueue_indirect_dma source(%dma_start3A_757 : memref<520000x128xf32, #tpu.memory_space<hbm>>) target(%dma_start3A_751 : memref<64x128xf32, #tpu.memory_space<vmem>>) offsets(%dma_start3A_754 : memref<64xi32, #tpu.memory_space<vmem>>) semaphore(%dma_start3A_759 : memref<!tpu.dma_semaphore, #tpu.memory_space<semaphore_mem>>)
        %dma_start3A_760 = arith.constant 1 : i32
        %dma_start3A_761 = arith.constant 1 : i32
        %dma_start3A_762 = arith.constant 1 : i32
        %dma_start3A_763 = arith.constant 64 : i32
        %dma_start3A_764 = arith.constant 0 : i32
        %dma_start3A_765 = tpu.memref_slice %arg5[%dma_start3A_761, %dma_start3A_763, %dma_start3A_764] : memref<2x313x128xf32, #tpu.memory_space<vmem>> -> memref<1x64x128xf32, #tpu.memory_space<vmem>>
        %dma_start3A_766 = tpu.memref_squeeze %dma_start3A_765 : memref<1x64x128xf32, #tpu.memory_space<vmem>> -> memref<64x128xf32, #tpu.memory_space<vmem>>
        %dma_start3A_767 = arith.constant 64 : i32
        %dma_start3A_768 = tpu.memref_slice %arg6[%dma_start3A_760, %dma_start3A_767] : memref<2x384xi32, #tpu.memory_space<vmem>> -> memref<1x64xi32, #tpu.memory_space<vmem>>
        %dma_start3A_769 = tpu.memref_squeeze %dma_start3A_768 : memref<1x64xi32, #tpu.memory_space<vmem>> -> memref<64xi32, #tpu.memory_space<vmem>>
        %dma_start3A_770 = arith.constant 0 : i32
        %dma_start3A_771 = arith.constant 0 : i32
        %dma_start3A_772 = tpu.memref_slice %arg2[%dma_start3A_770, %dma_start3A_771] : memref<520000x128xf32, #tpu.memory_space<hbm>> -> memref<520000x128xf32, #tpu.memory_space<hbm>>
        %dma_start3A_773 = tpu.memref_slice %arg9[%dma_start3A_762] : memref<2x!tpu.dma_semaphore, #tpu.memory_space<semaphore_mem>> -> memref<1x!tpu.dma_semaphore, #tpu.memory_space<semaphore_mem>>
        %dma_start3A_774 = tpu.memref_squeeze %dma_start3A_773 : memref<1x!tpu.dma_semaphore, #tpu.memory_space<semaphore_mem>> -> memref<!tpu.dma_semaphore, #tpu.memory_space<semaphore_mem>>
        tpu.enqueue_indirect_dma source(%dma_start3A_772 : memref<520000x128xf32, #tpu.memory_space<hbm>>) target(%dma_start3A_766 : memref<64x128xf32, #tpu.memory_space<vmem>>) offsets(%dma_start3A_769 : memref<64xi32, #tpu.memory_space<vmem>>) semaphore(%dma_start3A_774 : memref<!tpu.dma_semaphore, #tpu.memory_space<semaphore_mem>>)
        %dma_start3A_775 = arith.constant 1 : i32
        %dma_start3A_776 = arith.constant 1 : i32
        %dma_start3A_777 = arith.constant 1 : i32
        %dma_start3A_778 = arith.constant 128 : i32
        %dma_start3A_779 = arith.constant 0 : i32
        %dma_start3A_780 = tpu.memref_slice %arg5[%dma_start3A_776, %dma_start3A_778, %dma_start3A_779] : memref<2x313x128xf32, #tpu.memory_space<vmem>> -> memref<1x64x128xf32, #tpu.memory_space<vmem>>
        %dma_start3A_781 = tpu.memref_squeeze %dma_start3A_780 : memref<1x64x128xf32, #tpu.memory_space<vmem>> -> memref<64x128xf32, #tpu.memory_space<vmem>>
        %dma_start3A_782 = arith.constant 128 : i32
        %dma_start3A_783 = tpu.memref_slice %arg6[%dma_start3A_775, %dma_start3A_782] : memref<2x384xi32, #tpu.memory_space<vmem>> -> memref<1x64xi32, #tpu.memory_space<vmem>>
        %dma_start3A_784 = tpu.memref_squeeze %dma_start3A_783 : memref<1x64xi32, #tpu.memory_space<vmem>> -> memref<64xi32, #tpu.memory_space<vmem>>
        %dma_start3A_785 = arith.constant 0 : i32
        %dma_start3A_786 = arith.constant 0 : i32
        %dma_start3A_787 = tpu.memref_slice %arg2[%dma_start3A_785, %dma_start3A_786] : memref<520000x128xf32, #tpu.memory_space<hbm>> -> memref<520000x128xf32, #tpu.memory_space<hbm>>
        %dma_start3A_788 = tpu.memref_slice %arg9[%dma_start3A_777] : memref<2x!tpu.dma_semaphore, #tpu.memory_space<semaphore_mem>> -> memref<1x!tpu.dma_semaphore, #tpu.memory_space<semaphore_mem>>
        %dma_start3A_789 = tpu.memref_squeeze %dma_start3A_788 : memref<1x!tpu.dma_semaphore, #tpu.memory_space<semaphore_mem>> -> memref<!tpu.dma_semaphore, #tpu.memory_space<semaphore_mem>>
        tpu.enqueue_indirect_dma source(%dma_start3A_787 : memref<520000x128xf32, #tpu.memory_space<hbm>>) target(%dma_start3A_781 : memref<64x128xf32, #tpu.memory_space<vmem>>) offsets(%dma_start3A_784 : memref<64xi32, #tpu.memory_space<vmem>>) semaphore(%dma_start3A_789 : memref<!tpu.dma_semaphore, #tpu.memory_space<semaphore_mem>>)
        %dma_start3A_790 = arith.constant 1 : i32
        %dma_start3A_791 = arith.constant 1 : i32
        %dma_start3A_792 = arith.constant 1 : i32
        %dma_start3A_793 = arith.constant 192 : i32
        %dma_start3A_794 = arith.constant 0 : i32
        %dma_start3A_795 = tpu.memref_slice %arg5[%dma_start3A_791, %dma_start3A_793, %dma_start3A_794] : memref<2x313x128xf32, #tpu.memory_space<vmem>> -> memref<1x64x128xf32, #tpu.memory_space<vmem>>
        %dma_start3A_796 = tpu.memref_squeeze %dma_start3A_795 : memref<1x64x128xf32, #tpu.memory_space<vmem>> -> memref<64x128xf32, #tpu.memory_space<vmem>>
        %dma_start3A_797 = arith.constant 192 : i32
        %dma_start3A_798 = tpu.memref_slice %arg6[%dma_start3A_790, %dma_start3A_797] : memref<2x384xi32, #tpu.memory_space<vmem>> -> memref<1x64xi32, #tpu.memory_space<vmem>>
        %dma_start3A_799 = tpu.memref_squeeze %dma_start3A_798 : memref<1x64xi32, #tpu.memory_space<vmem>> -> memref<64xi32, #tpu.memory_space<vmem>>
        %dma_start3A_800 = arith.constant 0 : i32
        %dma_start3A_801 = arith.constant 0 : i32
        %dma_start3A_802 = tpu.memref_slice %arg2[%dma_start3A_800, %dma_start3A_801] : memref<520000x128xf32, #tpu.memory_space<hbm>> -> memref<520000x128xf32, #tpu.memory_space<hbm>>
        %dma_start3A_803 = tpu.memref_slice %arg9[%dma_start3A_792] : memref<2x!tpu.dma_semaphore, #tpu.memory_space<semaphore_mem>> -> memref<1x!tpu.dma_semaphore, #tpu.memory_space<semaphore_mem>>
        %dma_start3A_804 = tpu.memref_squeeze %dma_start3A_803 : memref<1x!tpu.dma_semaphore, #tpu.memory_space<semaphore_mem>> -> memref<!tpu.dma_semaphore, #tpu.memory_space<semaphore_mem>>
        tpu.enqueue_indirect_dma source(%dma_start3A_802 : memref<520000x128xf32, #tpu.memory_space<hbm>>) target(%dma_start3A_796 : memref<64x128xf32, #tpu.memory_space<vmem>>) offsets(%dma_start3A_799 : memref<64xi32, #tpu.memory_space<vmem>>) semaphore(%dma_start3A_804 : memref<!tpu.dma_semaphore, #tpu.memory_space<semaphore_mem>>)
        %dma_start3A_805 = arith.constant 1 : i32
        %dma_start3A_806 = arith.constant 1 : i32
        %dma_start3A_807 = arith.constant 1 : i32
        %dma_start3A_808 = arith.constant 256 : i32
        %dma_start3A_809 = arith.constant 0 : i32
        %dma_start3A_810 = tpu.memref_slice %arg5[%dma_start3A_806, %dma_start3A_808, %dma_start3A_809] : memref<2x313x128xf32, #tpu.memory_space<vmem>> -> memref<1x57x128xf32, #tpu.memory_space<vmem>>
        %dma_start3A_811 = tpu.memref_squeeze %dma_start3A_810 : memref<1x57x128xf32, #tpu.memory_space<vmem>> -> memref<57x128xf32, #tpu.memory_space<vmem>>
        %dma_start3A_812 = arith.constant 256 : i32
        %dma_start3A_813 = tpu.memref_slice %arg6[%dma_start3A_805, %dma_start3A_812] : memref<2x384xi32, #tpu.memory_space<vmem>> -> memref<1x57xi32, #tpu.memory_space<vmem>>
        %dma_start3A_814 = tpu.memref_squeeze %dma_start3A_813 : memref<1x57xi32, #tpu.memory_space<vmem>> -> memref<57xi32, #tpu.memory_space<vmem>>
        %dma_start3A_815 = arith.constant 0 : i32
        %dma_start3A_816 = arith.constant 0 : i32
        %dma_start3A_817 = tpu.memref_slice %arg2[%dma_start3A_815, %dma_start3A_816] : memref<520000x128xf32, #tpu.memory_space<hbm>> -> memref<520000x128xf32, #tpu.memory_space<hbm>>
        %dma_start3A_818 = tpu.memref_slice %arg9[%dma_start3A_807] : memref<2x!tpu.dma_semaphore, #tpu.memory_space<semaphore_mem>> -> memref<1x!tpu.dma_semaphore, #tpu.memory_space<semaphore_mem>>
        %dma_start3A_819 = tpu.memref_squeeze %dma_start3A_818 : memref<1x!tpu.dma_semaphore, #tpu.memory_space<semaphore_mem>> -> memref<!tpu.dma_semaphore, #tpu.memory_space<semaphore_mem>>
        tpu.enqueue_indirect_dma source(%dma_start3A_817 : memref<520000x128xf32, #tpu.memory_space<hbm>>) target(%dma_start3A_811 : memref<57x128xf32, #tpu.memory_space<vmem>>) offsets(%dma_start3A_814 : memref<57xi32, #tpu.memory_space<vmem>>) semaphore(%dma_start3A_819 : memref<!tpu.dma_semaphore, #tpu.memory_space<semaphore_mem>>)
        %dma_wait3A_820 = arith.constant 0 : i32
        %dma_wait3A_821 = arith.constant 0 : i32
        %dma_wait3A_822 = arith.constant 0 : i32
        %dma_wait3A_823 = arith.constant 0 : i32
        %dma_wait3A_824 = arith.constant 0 : i32
        %dma_wait3A_825 = tpu.memref_slice %arg5[%dma_wait3A_821, %dma_wait3A_823, %dma_wait3A_824] : memref<2x313x128xf32, #tpu.memory_space<vmem>> -> memref<1x64x128xf32, #tpu.memory_space<vmem>>
        %dma_wait3A_826 = tpu.memref_squeeze %dma_wait3A_825 : memref<1x64x128xf32, #tpu.memory_space<vmem>> -> memref<64x128xf32, #tpu.memory_space<vmem>>
        %dma_wait3A_827 = arith.constant 0 : i32
        %dma_wait3A_828 = tpu.memref_slice %arg6[%dma_wait3A_820, %dma_wait3A_827] : memref<2x384xi32, #tpu.memory_space<vmem>> -> memref<1x64xi32, #tpu.memory_space<vmem>>
        %dma_wait3A_829 = tpu.memref_squeeze %dma_wait3A_828 : memref<1x64xi32, #tpu.memory_space<vmem>> -> memref<64xi32, #tpu.memory_space<vmem>>
        %dma_wait3A_830 = arith.constant 0 : i32
        %dma_wait3A_831 = arith.constant 0 : i32
        %dma_wait3A_832 = tpu.memref_slice %arg2[%dma_wait3A_830, %dma_wait3A_831] : memref<520000x128xf32, #tpu.memory_space<hbm>> -> memref<520000x128xf32, #tpu.memory_space<hbm>>
        %dma_wait3A_833 = tpu.memref_slice %arg9[%dma_wait3A_822] : memref<2x!tpu.dma_semaphore, #tpu.memory_space<semaphore_mem>> -> memref<1x!tpu.dma_semaphore, #tpu.memory_space<semaphore_mem>>
        %dma_wait3A_834 = tpu.memref_squeeze %dma_wait3A_833 : memref<1x!tpu.dma_semaphore, #tpu.memory_space<semaphore_mem>> -> memref<!tpu.dma_semaphore, #tpu.memory_space<semaphore_mem>>
        tpu.wait_indirect_dma semaphore(%dma_wait3A_834 : memref<!tpu.dma_semaphore, #tpu.memory_space<semaphore_mem>>) src(%dma_wait3A_832 : memref<520000x128xf32, #tpu.memory_space<hbm>>) dst(%dma_wait3A_826 : memref<64x128xf32, #tpu.memory_space<vmem>>)
        %dma_wait3A_835 = arith.constant 0 : i32
        %dma_wait3A_836 = arith.constant 0 : i32
        %dma_wait3A_837 = arith.constant 0 : i32
        %dma_wait3A_838 = arith.constant 64 : i32
        %dma_wait3A_839 = arith.constant 0 : i32
        %dma_wait3A_840 = tpu.memref_slice %arg5[%dma_wait3A_836, %dma_wait3A_838, %dma_wait3A_839] : memref<2x313x128xf32, #tpu.memory_space<vmem>> -> memref<1x64x128xf32, #tpu.memory_space<vmem>>
        %dma_wait3A_841 = tpu.memref_squeeze %dma_wait3A_840 : memref<1x64x128xf32, #tpu.memory_space<vmem>> -> memref<64x128xf32, #tpu.memory_space<vmem>>
        %dma_wait3A_842 = arith.constant 64 : i32
        %dma_wait3A_843 = tpu.memref_slice %arg6[%dma_wait3A_835, %dma_wait3A_842] : memref<2x384xi32, #tpu.memory_space<vmem>> -> memref<1x64xi32, #tpu.memory_space<vmem>>
        %dma_wait3A_844 = tpu.memref_squeeze %dma_wait3A_843 : memref<1x64xi32, #tpu.memory_space<vmem>> -> memref<64xi32, #tpu.memory_space<vmem>>
        %dma_wait3A_845 = arith.constant 0 : i32
        %dma_wait3A_846 = arith.constant 0 : i32
        %dma_wait3A_847 = tpu.memref_slice %arg2[%dma_wait3A_845, %dma_wait3A_846] : memref<520000x128xf32, #tpu.memory_space<hbm>> -> memref<520000x128xf32, #tpu.memory_space<hbm>>
        %dma_wait3A_848 = tpu.memref_slice %arg9[%dma_wait3A_837] : memref<2x!tpu.dma_semaphore, #tpu.memory_space<semaphore_mem>> -> memref<1x!tpu.dma_semaphore, #tpu.memory_space<semaphore_mem>>
        %dma_wait3A_849 = tpu.memref_squeeze %dma_wait3A_848 : memref<1x!tpu.dma_semaphore, #tpu.memory_space<semaphore_mem>> -> memref<!tpu.dma_semaphore, #tpu.memory_space<semaphore_mem>>
        tpu.wait_indirect_dma semaphore(%dma_wait3A_849 : memref<!tpu.dma_semaphore, #tpu.memory_space<semaphore_mem>>) src(%dma_wait3A_847 : memref<520000x128xf32, #tpu.memory_space<hbm>>) dst(%dma_wait3A_841 : memref<64x128xf32, #tpu.memory_space<vmem>>)
        %dma_wait3A_850 = arith.constant 0 : i32
        %dma_wait3A_851 = arith.constant 0 : i32
        %dma_wait3A_852 = arith.constant 0 : i32
        %dma_wait3A_853 = arith.constant 128 : i32
        %dma_wait3A_854 = arith.constant 0 : i32
        %dma_wait3A_855 = tpu.memref_slice %arg5[%dma_wait3A_851, %dma_wait3A_853, %dma_wait3A_854] : memref<2x313x128xf32, #tpu.memory_space<vmem>> -> memref<1x64x128xf32, #tpu.memory_space<vmem>>
        %dma_wait3A_856 = tpu.memref_squeeze %dma_wait3A_855 : memref<1x64x128xf32, #tpu.memory_space<vmem>> -> memref<64x128xf32, #tpu.memory_space<vmem>>
        %dma_wait3A_857 = arith.constant 128 : i32
        %dma_wait3A_858 = tpu.memref_slice %arg6[%dma_wait3A_850, %dma_wait3A_857] : memref<2x384xi32, #tpu.memory_space<vmem>> -> memref<1x64xi32, #tpu.memory_space<vmem>>
        %dma_wait3A_859 = tpu.memref_squeeze %dma_wait3A_858 : memref<1x64xi32, #tpu.memory_space<vmem>> -> memref<64xi32, #tpu.memory_space<vmem>>
        %dma_wait3A_860 = arith.constant 0 : i32
        %dma_wait3A_861 = arith.constant 0 : i32
        %dma_wait3A_862 = tpu.memref_slice %arg2[%dma_wait3A_860, %dma_wait3A_861] : memref<520000x128xf32, #tpu.memory_space<hbm>> -> memref<520000x128xf32, #tpu.memory_space<hbm>>
        %dma_wait3A_863 = tpu.memref_slice %arg9[%dma_wait3A_852] : memref<2x!tpu.dma_semaphore, #tpu.memory_space<semaphore_mem>> -> memref<1x!tpu.dma_semaphore, #tpu.memory_space<semaphore_mem>>
        %dma_wait3A_864 = tpu.memref_squeeze %dma_wait3A_863 : memref<1x!tpu.dma_semaphore, #tpu.memory_space<semaphore_mem>> -> memref<!tpu.dma_semaphore, #tpu.memory_space<semaphore_mem>>
        tpu.wait_indirect_dma semaphore(%dma_wait3A_864 : memref<!tpu.dma_semaphore, #tpu.memory_space<semaphore_mem>>) src(%dma_wait3A_862 : memref<520000x128xf32, #tpu.memory_space<hbm>>) dst(%dma_wait3A_856 : memref<64x128xf32, #tpu.memory_space<vmem>>)
        %dma_wait3A_865 = arith.constant 0 : i32
        %dma_wait3A_866 = arith.constant 0 : i32
        %dma_wait3A_867 = arith.constant 0 : i32
        %dma_wait3A_868 = arith.constant 192 : i32
        %dma_wait3A_869 = arith.constant 0 : i32
        %dma_wait3A_870 = tpu.memref_slice %arg5[%dma_wait3A_866, %dma_wait3A_868, %dma_wait3A_869] : memref<2x313x128xf32, #tpu.memory_space<vmem>> -> memref<1x64x128xf32, #tpu.memory_space<vmem>>
        %dma_wait3A_871 = tpu.memref_squeeze %dma_wait3A_870 : memref<1x64x128xf32, #tpu.memory_space<vmem>> -> memref<64x128xf32, #tpu.memory_space<vmem>>
        %dma_wait3A_872 = arith.constant 192 : i32
        %dma_wait3A_873 = tpu.memref_slice %arg6[%dma_wait3A_865, %dma_wait3A_872] : memref<2x384xi32, #tpu.memory_space<vmem>> -> memref<1x64xi32, #tpu.memory_space<vmem>>
        %dma_wait3A_874 = tpu.memref_squeeze %dma_wait3A_873 : memref<1x64xi32, #tpu.memory_space<vmem>> -> memref<64xi32, #tpu.memory_space<vmem>>
        %dma_wait3A_875 = arith.constant 0 : i32
        %dma_wait3A_876 = arith.constant 0 : i32
        %dma_wait3A_877 = tpu.memref_slice %arg2[%dma_wait3A_875, %dma_wait3A_876] : memref<520000x128xf32, #tpu.memory_space<hbm>> -> memref<520000x128xf32, #tpu.memory_space<hbm>>
        %dma_wait3A_878 = tpu.memref_slice %arg9[%dma_wait3A_867] : memref<2x!tpu.dma_semaphore, #tpu.memory_space<semaphore_mem>> -> memref<1x!tpu.dma_semaphore, #tpu.memory_space<semaphore_mem>>
        %dma_wait3A_879 = tpu.memref_squeeze %dma_wait3A_878 : memref<1x!tpu.dma_semaphore, #tpu.memory_space<semaphore_mem>> -> memref<!tpu.dma_semaphore, #tpu.memory_space<semaphore_mem>>
        tpu.wait_indirect_dma semaphore(%dma_wait3A_879 : memref<!tpu.dma_semaphore, #tpu.memory_space<semaphore_mem>>) src(%dma_wait3A_877 : memref<520000x128xf32, #tpu.memory_space<hbm>>) dst(%dma_wait3A_871 : memref<64x128xf32, #tpu.memory_space<vmem>>)
        %dma_wait3A_880 = arith.constant 0 : i32
        %dma_wait3A_881 = arith.constant 0 : i32
        %dma_wait3A_882 = arith.constant 0 : i32
        %dma_wait3A_883 = arith.constant 256 : i32
        %dma_wait3A_884 = arith.constant 0 : i32
        %dma_wait3A_885 = tpu.memref_slice %arg5[%dma_wait3A_881, %dma_wait3A_883, %dma_wait3A_884] : memref<2x313x128xf32, #tpu.memory_space<vmem>> -> memref<1x57x128xf32, #tpu.memory_space<vmem>>
        %dma_wait3A_886 = tpu.memref_squeeze %dma_wait3A_885 : memref<1x57x128xf32, #tpu.memory_space<vmem>> -> memref<57x128xf32, #tpu.memory_space<vmem>>
        %dma_wait3A_887 = arith.constant 256 : i32
        %dma_wait3A_888 = tpu.memref_slice %arg6[%dma_wait3A_880, %dma_wait3A_887] : memref<2x384xi32, #tpu.memory_space<vmem>> -> memref<1x57xi32, #tpu.memory_space<vmem>>
        %dma_wait3A_889 = tpu.memref_squeeze %dma_wait3A_888 : memref<1x57xi32, #tpu.memory_space<vmem>> -> memref<57xi32, #tpu.memory_space<vmem>>
        %dma_wait3A_890 = arith.constant 0 : i32
        %dma_wait3A_891 = arith.constant 0 : i32
        %dma_wait3A_892 = tpu.memref_slice %arg2[%dma_wait3A_890, %dma_wait3A_891] : memref<520000x128xf32, #tpu.memory_space<hbm>> -> memref<520000x128xf32, #tpu.memory_space<hbm>>
        %dma_wait3A_893 = tpu.memref_slice %arg9[%dma_wait3A_882] : memref<2x!tpu.dma_semaphore, #tpu.memory_space<semaphore_mem>> -> memref<1x!tpu.dma_semaphore, #tpu.memory_space<semaphore_mem>>
        %dma_wait3A_894 = tpu.memref_squeeze %dma_wait3A_893 : memref<1x!tpu.dma_semaphore, #tpu.memory_space<semaphore_mem>> -> memref<!tpu.dma_semaphore, #tpu.memory_space<semaphore_mem>>
        tpu.wait_indirect_dma semaphore(%dma_wait3A_894 : memref<!tpu.dma_semaphore, #tpu.memory_space<semaphore_mem>>) src(%dma_wait3A_892 : memref<520000x128xf32, #tpu.memory_space<hbm>>) dst(%dma_wait3A_886 : memref<57x128xf32, #tpu.memory_space<vmem>>)
        %parallel_loop3A = arith.constant 0 : i32
        %parallel_loop3A_895 = arith.constant 4096 : i32
        %parallel_loop3A_896 = arith.constant 16 : i32
        scf.for %parallel_loop3A_3635 = %parallel_loop3A to %parallel_loop3A_895 step %parallel_loop3A_896  : i32 {
          %parallel_loop3A_3636 = arith.index_cast %parallel_loop3A_3635 : i32 to index
          %parallel_loop3A_3637 = tpu.vector_load %arg7[%parallel_loop3A_3636] {strides = array<i32>} : memref<4096xi32, #tpu.memory_space<vmem>>, vector<16xi32>,
          %parallel_loop3A_3638 = vector.broadcast %mul3A_457 : i32 to vector<16xi32>
          %parallel_loop3A_3639 = arith.addi %parallel_loop3A_3637, %parallel_loop3A_3638 : vector<16xi32>
          %parallel_loop3A_3640 = arith.constant 7 : i32
          %parallel_loop3A_3641 = vector.broadcast %parallel_loop3A_3640 : i32 to vector<16xi32>
          %parallel_loop3A_3642 = arith.shrsi %parallel_loop3A_3639, %parallel_loop3A_3641 : vector<16xi32>
          %parallel_loop3A_3643 = arith.constant 127 : i32
          %parallel_loop3A_3644 = vector.broadcast %parallel_loop3A_3643 : i32 to vector<16xi32>
          %parallel_loop3A_3645 = arith.andi %parallel_loop3A_3639, %parallel_loop3A_3644 : vector<16xi32>
          %parallel_loop3A_3646 = arith.constant 0 : i32
          %parallel_loop3A_3647 = arith.constant 0 : i32
          %parallel_loop3A_3648 = arith.constant 0 : i32
          %parallel_loop3A_3649 = tpu.memref_slice %arg5[%parallel_loop3A_3646, %parallel_loop3A_3647, %parallel_loop3A_3648] : memref<2x313x128xf32, #tpu.memory_space<vmem>> -> memref<1x313x128xf32, #tpu.memory_space<vmem>>
          %parallel_loop3A_3650 = tpu.memref_squeeze %parallel_loop3A_3649 : memref<1x313x128xf32, #tpu.memory_space<vmem>> -> memref<313x128xf32, #tpu.memory_space<vmem>>
          %parallel_loop3A_3651 = tpu.vector_load_idx %parallel_loop3A_3650[%parallel_loop3A_3642, %parallel_loop3A_3645] : memref<313x128xf32, #tpu.memory_space<vmem>>[vector<16xi32>, vector<16xi32>], vector<16xf32>,
          %parallel_loop3A_3652 = arith.constant 0 : i32
          %parallel_loop3A_3653 = arith.index_cast %parallel_loop3A_3652 : i32 to index
          %parallel_loop3A_3654 = arith.index_cast %parallel_loop3A_3635 : i32 to index
          %parallel_loop3A_3655 = tpu.vector_load %arg8[%parallel_loop3A_3653, %parallel_loop3A_3654] {strides = array<i32>} : memref<8x4096xf32, #tpu.memory_space<vmem>>, vector<16xf32>,
          tpu.vector_store %arg8[%parallel_loop3A_3653, %parallel_loop3A_3654], %parallel_loop3A_3651 {strides = array<i32>} : memref<8x4096xf32, #tpu.memory_space<vmem>>, vector<16xf32>,
        } {sc.loop_unroll_factor = 8 : i64, sc.parallel_access}
        %add3A_897 = arith.constant 1 : i32
        %add3A_898 = arith.addi %add3A_462, %add3A_897 : i32
        %add3A_899 = arith.constant 1 : i32
        %add3A_900 = arith.addi %add3A_898, %add3A_899 : i32
        %add3A_901 = arith.constant 0 : i32
        %add3A_902 = arith.addi %add3A_900, %add3A_901 : i32
        %mul3A_903 = arith.constant 8 : i32
        %mul3A_904 = vector.broadcast %mul3A_903 : i32 to vector<16xi32>
        %mul3A_905 = arith.muli %mul3A_904, %iota3A : vector<16xi32>
        %add3A_906 = vector.broadcast %add3A_902 : i32 to vector<16xi32>
        %add3A_907 = arith.addi %add3A_906, %mul3A_905 : vector<16xi32>
        %swap3A_908 = arith.constant 0 : i32
        %swap3A_909 = arith.index_cast %swap3A_908 : i32 to index
        %swap3A_910 = arith.constant 0 : index
        %swap3A_911 = tpu.vector_load %arg6[%swap3A_909, %swap3A_910] {strides = array<i32>} : memref<2x384xi32, #tpu.memory_space<vmem>>, vector<16xi32>,
        tpu.vector_store %arg6[%swap3A_909, %swap3A_910], %add3A_907 {strides = array<i32>} : memref<2x384xi32, #tpu.memory_space<vmem>>, vector<16xi32>,
        %add3A_912 = arith.constant 128 : i32
        %add3A_913 = arith.addi %add3A_900, %add3A_912 : i32
        %mul3A_914 = arith.constant 8 : i32
        %mul3A_915 = vector.broadcast %mul3A_914 : i32 to vector<16xi32>
        %mul3A_916 = arith.muli %mul3A_915, %iota3A : vector<16xi32>
        %add3A_917 = vector.broadcast %add3A_913 : i32 to vector<16xi32>
        %add3A_918 = arith.addi %add3A_917, %mul3A_916 : vector<16xi32>
        %swap3A_919 = arith.constant 0 : i32
        %swap3A_920 = arith.index_cast %swap3A_919 : i32 to index
        %swap3A_921 = arith.constant 16 : index
        %swap3A_922 = tpu.vector_load %arg6[%swap3A_920, %swap3A_921] {strides = array<i32>} : memref<2x384xi32, #tpu.memory_space<vmem>>, vector<16xi32>,
        tpu.vector_store %arg6[%swap3A_920, %swap3A_921], %add3A_918 {strides = array<i32>} : memref<2x384xi32, #tpu.memory_space<vmem>>, vector<16xi32>,
        %add3A_923 = arith.constant 256 : i32
        %add3A_924 = arith.addi %add3A_900, %add3A_923 : i32
        %mul3A_925 = arith.constant 8 : i32
        %mul3A_926 = vector.broadcast %mul3A_925 : i32 to vector<16xi32>
        %mul3A_927 = arith.muli %mul3A_926, %iota3A : vector<16xi32>
        %add3A_928 = vector.broadcast %add3A_924 : i32 to vector<16xi32>
        %add3A_929 = arith.addi %add3A_928, %mul3A_927 : vector<16xi32>
        %swap3A_930 = arith.constant 0 : i32
        %swap3A_931 = arith.index_cast %swap3A_930 : i32 to index
        %swap3A_932 = arith.constant 32 : index
        %swap3A_933 = tpu.vector_load %arg6[%swap3A_931, %swap3A_932] {strides = array<i32>} : memref<2x384xi32, #tpu.memory_space<vmem>>, vector<16xi32>,
        tpu.vector_store %arg6[%swap3A_931, %swap3A_932], %add3A_929 {strides = array<i32>} : memref<2x384xi32, #tpu.memory_space<vmem>>, vector<16xi32>,
        %add3A_934 = arith.constant 384 : i32
        %add3A_935 = arith.addi %add3A_900, %add3A_934 : i32
        %mul3A_936 = arith.constant 8 : i32
        %mul3A_937 = vector.broadcast %mul3A_936 : i32 to vector<16xi32>
        %mul3A_938 = arith.muli %mul3A_937, %iota3A : vector<16xi32>
        %add3A_939 = vector.broadcast %add3A_935 : i32 to vector<16xi32>
        %add3A_940 = arith.addi %add3A_939, %mul3A_938 : vector<16xi32>
        %swap3A_941 = arith.constant 0 : i32
        %swap3A_942 = arith.index_cast %swap3A_941 : i32 to index
        %swap3A_943 = arith.constant 48 : index
        %swap3A_944 = tpu.vector_load %arg6[%swap3A_942, %swap3A_943] {strides = array<i32>} : memref<2x384xi32, #tpu.memory_space<vmem>>, vector<16xi32>,
        tpu.vector_store %arg6[%swap3A_942, %swap3A_943], %add3A_940 {strides = array<i32>} : memref<2x384xi32, #tpu.memory_space<vmem>>, vector<16xi32>,
        %add3A_945 = arith.constant 512 : i32
        %add3A_946 = arith.addi %add3A_900, %add3A_945 : i32
        %mul3A_947 = arith.constant 8 : i32
        %mul3A_948 = vector.broadcast %mul3A_947 : i32 to vector<16xi32>
        %mul3A_949 = arith.muli %mul3A_948, %iota3A : vector<16xi32>
        %add3A_950 = vector.broadcast %add3A_946 : i32 to vector<16xi32>
        %add3A_951 = arith.addi %add3A_950, %mul3A_949 : vector<16xi32>
        %swap3A_952 = arith.constant 0 : i32
        %swap3A_953 = arith.index_cast %swap3A_952 : i32 to index
        %swap3A_954 = arith.constant 64 : index
        %swap3A_955 = tpu.vector_load %arg6[%swap3A_953, %swap3A_954] {strides = array<i32>} : memref<2x384xi32, #tpu.memory_space<vmem>>, vector<16xi32>,
        tpu.vector_store %arg6[%swap3A_953, %swap3A_954], %add3A_951 {strides = array<i32>} : memref<2x384xi32, #tpu.memory_space<vmem>>, vector<16xi32>,
        %add3A_956 = arith.constant 640 : i32
        %add3A_957 = arith.addi %add3A_900, %add3A_956 : i32
        %mul3A_958 = arith.constant 8 : i32
        %mul3A_959 = vector.broadcast %mul3A_958 : i32 to vector<16xi32>
        %mul3A_960 = arith.muli %mul3A_959, %iota3A : vector<16xi32>
        %add3A_961 = vector.broadcast %add3A_957 : i32 to vector<16xi32>
        %add3A_962 = arith.addi %add3A_961, %mul3A_960 : vector<16xi32>
        %swap3A_963 = arith.constant 0 : i32
        %swap3A_964 = arith.index_cast %swap3A_963 : i32 to index
        %swap3A_965 = arith.constant 80 : index
        %swap3A_966 = tpu.vector_load %arg6[%swap3A_964, %swap3A_965] {strides = array<i32>} : memref<2x384xi32, #tpu.memory_space<vmem>>, vector<16xi32>,
        tpu.vector_store %arg6[%swap3A_964, %swap3A_965], %add3A_962 {strides = array<i32>} : memref<2x384xi32, #tpu.memory_space<vmem>>, vector<16xi32>,
        %add3A_967 = arith.constant 768 : i32
        %add3A_968 = arith.addi %add3A_900, %add3A_967 : i32
        %mul3A_969 = arith.constant 8 : i32
        %mul3A_970 = vector.broadcast %mul3A_969 : i32 to vector<16xi32>
        %mul3A_971 = arith.muli %mul3A_970, %iota3A : vector<16xi32>
        %add3A_972 = vector.broadcast %add3A_968 : i32 to vector<16xi32>
        %add3A_973 = arith.addi %add3A_972, %mul3A_971 : vector<16xi32>
        %swap3A_974 = arith.constant 0 : i32
        %swap3A_975 = arith.index_cast %swap3A_974 : i32 to index
        %swap3A_976 = arith.constant 96 : index
        %swap3A_977 = tpu.vector_load %arg6[%swap3A_975, %swap3A_976] {strides = array<i32>} : memref<2x384xi32, #tpu.memory_space<vmem>>, vector<16xi32>,
        tpu.vector_store %arg6[%swap3A_975, %swap3A_976], %add3A_973 {strides = array<i32>} : memref<2x384xi32, #tpu.memory_space<vmem>>, vector<16xi32>,
        %add3A_978 = arith.constant 896 : i32
        %add3A_979 = arith.addi %add3A_900, %add3A_978 : i32
        %mul3A_980 = arith.constant 8 : i32
        %mul3A_981 = vector.broadcast %mul3A_980 : i32 to vector<16xi32>
        %mul3A_982 = arith.muli %mul3A_981, %iota3A : vector<16xi32>
        %add3A_983 = vector.broadcast %add3A_979 : i32 to vector<16xi32>
        %add3A_984 = arith.addi %add3A_983, %mul3A_982 : vector<16xi32>
        %swap3A_985 = arith.constant 0 : i32
        %swap3A_986 = arith.index_cast %swap3A_985 : i32 to index
        %swap3A_987 = arith.constant 112 : index
        %swap3A_988 = tpu.vector_load %arg6[%swap3A_986, %swap3A_987] {strides = array<i32>} : memref<2x384xi32, #tpu.memory_space<vmem>>, vector<16xi32>,
        tpu.vector_store %arg6[%swap3A_986, %swap3A_987], %add3A_984 {strides = array<i32>} : memref<2x384xi32, #tpu.memory_space<vmem>>, vector<16xi32>,
        %add3A_989 = arith.constant 1024 : i32
        %add3A_990 = arith.addi %add3A_900, %add3A_989 : i32
        %mul3A_991 = arith.constant 8 : i32
        %mul3A_992 = vector.broadcast %mul3A_991 : i32 to vector<16xi32>
        %mul3A_993 = arith.muli %mul3A_992, %iota3A : vector<16xi32>
        %add3A_994 = vector.broadcast %add3A_990 : i32 to vector<16xi32>
        %add3A_995 = arith.addi %add3A_994, %mul3A_993 : vector<16xi32>
        %swap3A_996 = arith.constant 0 : i32
        %swap3A_997 = arith.index_cast %swap3A_996 : i32 to index
        %swap3A_998 = arith.constant 128 : index
        %swap3A_999 = tpu.vector_load %arg6[%swap3A_997, %swap3A_998] {strides = array<i32>} : memref<2x384xi32, #tpu.memory_space<vmem>>, vector<16xi32>,
        tpu.vector_store %arg6[%swap3A_997, %swap3A_998], %add3A_995 {strides = array<i32>} : memref<2x384xi32, #tpu.memory_space<vmem>>, vector<16xi32>,
        %add3A_1000 = arith.constant 1152 : i32
        %add3A_1001 = arith.addi %add3A_900, %add3A_1000 : i32
        %mul3A_1002 = arith.constant 8 : i32
        %mul3A_1003 = vector.broadcast %mul3A_1002 : i32 to vector<16xi32>
        %mul3A_1004 = arith.muli %mul3A_1003, %iota3A : vector<16xi32>
        %add3A_1005 = vector.broadcast %add3A_1001 : i32 to vector<16xi32>
        %add3A_1006 = arith.addi %add3A_1005, %mul3A_1004 : vector<16xi32>
        %swap3A_1007 = arith.constant 0 : i32
        %swap3A_1008 = arith.index_cast %swap3A_1007 : i32 to index
        %swap3A_1009 = arith.constant 144 : index
        %swap3A_1010 = tpu.vector_load %arg6[%swap3A_1008, %swap3A_1009] {strides = array<i32>} : memref<2x384xi32, #tpu.memory_space<vmem>>, vector<16xi32>,
        tpu.vector_store %arg6[%swap3A_1008, %swap3A_1009], %add3A_1006 {strides = array<i32>} : memref<2x384xi32, #tpu.memory_space<vmem>>, vector<16xi32>,
        %add3A_1011 = arith.constant 1280 : i32
        %add3A_1012 = arith.addi %add3A_900, %add3A_1011 : i32
        %mul3A_1013 = arith.constant 8 : i32
        %mul3A_1014 = vector.broadcast %mul3A_1013 : i32 to vector<16xi32>
        %mul3A_1015 = arith.muli %mul3A_1014, %iota3A : vector<16xi32>
        %add3A_1016 = vector.broadcast %add3A_1012 : i32 to vector<16xi32>
        %add3A_1017 = arith.addi %add3A_1016, %mul3A_1015 : vector<16xi32>
        %swap3A_1018 = arith.constant 0 : i32
        %swap3A_1019 = arith.index_cast %swap3A_1018 : i32 to index
        %swap3A_1020 = arith.constant 160 : index
        %swap3A_1021 = tpu.vector_load %arg6[%swap3A_1019, %swap3A_1020] {strides = array<i32>} : memref<2x384xi32, #tpu.memory_space<vmem>>, vector<16xi32>,
        tpu.vector_store %arg6[%swap3A_1019, %swap3A_1020], %add3A_1017 {strides = array<i32>} : memref<2x384xi32, #tpu.memory_space<vmem>>, vector<16xi32>,
        %add3A_1022 = arith.constant 1408 : i32
        %add3A_1023 = arith.addi %add3A_900, %add3A_1022 : i32
        %mul3A_1024 = arith.constant 8 : i32
        %mul3A_1025 = vector.broadcast %mul3A_1024 : i32 to vector<16xi32>
        %mul3A_1026 = arith.muli %mul3A_1025, %iota3A : vector<16xi32>
        %add3A_1027 = vector.broadcast %add3A_1023 : i32 to vector<16xi32>
        %add3A_1028 = arith.addi %add3A_1027, %mul3A_1026 : vector<16xi32>
        %swap3A_1029 = arith.constant 0 : i32
        %swap3A_1030 = arith.index_cast %swap3A_1029 : i32 to index
        %swap3A_1031 = arith.constant 176 : index
        %swap3A_1032 = tpu.vector_load %arg6[%swap3A_1030, %swap3A_1031] {strides = array<i32>} : memref<2x384xi32, #tpu.memory_space<vmem>>, vector<16xi32>,
        tpu.vector_store %arg6[%swap3A_1030, %swap3A_1031], %add3A_1028 {strides = array<i32>} : memref<2x384xi32, #tpu.memory_space<vmem>>, vector<16xi32>,
        %add3A_1033 = arith.constant 1536 : i32
        %add3A_1034 = arith.addi %add3A_900, %add3A_1033 : i32
        %mul3A_1035 = arith.constant 8 : i32
        %mul3A_1036 = vector.broadcast %mul3A_1035 : i32 to vector<16xi32>
        %mul3A_1037 = arith.muli %mul3A_1036, %iota3A : vector<16xi32>
        %add3A_1038 = vector.broadcast %add3A_1034 : i32 to vector<16xi32>
        %add3A_1039 = arith.addi %add3A_1038, %mul3A_1037 : vector<16xi32>
        %swap3A_1040 = arith.constant 0 : i32
        %swap3A_1041 = arith.index_cast %swap3A_1040 : i32 to index
        %swap3A_1042 = arith.constant 192 : index
        %swap3A_1043 = tpu.vector_load %arg6[%swap3A_1041, %swap3A_1042] {strides = array<i32>} : memref<2x384xi32, #tpu.memory_space<vmem>>, vector<16xi32>,
        tpu.vector_store %arg6[%swap3A_1041, %swap3A_1042], %add3A_1039 {strides = array<i32>} : memref<2x384xi32, #tpu.memory_space<vmem>>, vector<16xi32>,
        %add3A_1044 = arith.constant 1664 : i32
        %add3A_1045 = arith.addi %add3A_900, %add3A_1044 : i32
        %mul3A_1046 = arith.constant 8 : i32
        %mul3A_1047 = vector.broadcast %mul3A_1046 : i32 to vector<16xi32>
        %mul3A_1048 = arith.muli %mul3A_1047, %iota3A : vector<16xi32>
        %add3A_1049 = vector.broadcast %add3A_1045 : i32 to vector<16xi32>
        %add3A_1050 = arith.addi %add3A_1049, %mul3A_1048 : vector<16xi32>
        %swap3A_1051 = arith.constant 0 : i32
        %swap3A_1052 = arith.index_cast %swap3A_1051 : i32 to index
        %swap3A_1053 = arith.constant 208 : index
        %swap3A_1054 = tpu.vector_load %arg6[%swap3A_1052, %swap3A_1053] {strides = array<i32>} : memref<2x384xi32, #tpu.memory_space<vmem>>, vector<16xi32>,
        tpu.vector_store %arg6[%swap3A_1052, %swap3A_1053], %add3A_1050 {strides = array<i32>} : memref<2x384xi32, #tpu.memory_space<vmem>>, vector<16xi32>,
        %add3A_1055 = arith.constant 1792 : i32
        %add3A_1056 = arith.addi %add3A_900, %add3A_1055 : i32
        %mul3A_1057 = arith.constant 8 : i32
        %mul3A_1058 = vector.broadcast %mul3A_1057 : i32 to vector<16xi32>
        %mul3A_1059 = arith.muli %mul3A_1058, %iota3A : vector<16xi32>
        %add3A_1060 = vector.broadcast %add3A_1056 : i32 to vector<16xi32>
        %add3A_1061 = arith.addi %add3A_1060, %mul3A_1059 : vector<16xi32>
        %swap3A_1062 = arith.constant 0 : i32
        %swap3A_1063 = arith.index_cast %swap3A_1062 : i32 to index
        %swap3A_1064 = arith.constant 224 : index
        %swap3A_1065 = tpu.vector_load %arg6[%swap3A_1063, %swap3A_1064] {strides = array<i32>} : memref<2x384xi32, #tpu.memory_space<vmem>>, vector<16xi32>,
        tpu.vector_store %arg6[%swap3A_1063, %swap3A_1064], %add3A_1061 {strides = array<i32>} : memref<2x384xi32, #tpu.memory_space<vmem>>, vector<16xi32>,
        %add3A_1066 = arith.constant 1920 : i32
        %add3A_1067 = arith.addi %add3A_900, %add3A_1066 : i32
        %mul3A_1068 = arith.constant 8 : i32
        %mul3A_1069 = vector.broadcast %mul3A_1068 : i32 to vector<16xi32>
        %mul3A_1070 = arith.muli %mul3A_1069, %iota3A : vector<16xi32>
        %add3A_1071 = vector.broadcast %add3A_1067 : i32 to vector<16xi32>
        %add3A_1072 = arith.addi %add3A_1071, %mul3A_1070 : vector<16xi32>
        %swap3A_1073 = arith.constant 0 : i32
        %swap3A_1074 = arith.index_cast %swap3A_1073 : i32 to index
        %swap3A_1075 = arith.constant 240 : index
        %swap3A_1076 = tpu.vector_load %arg6[%swap3A_1074, %swap3A_1075] {strides = array<i32>} : memref<2x384xi32, #tpu.memory_space<vmem>>, vector<16xi32>,
        tpu.vector_store %arg6[%swap3A_1074, %swap3A_1075], %add3A_1072 {strides = array<i32>} : memref<2x384xi32, #tpu.memory_space<vmem>>, vector<16xi32>,
        %add3A_1077 = arith.constant 2048 : i32
        %add3A_1078 = arith.addi %add3A_900, %add3A_1077 : i32
        %mul3A_1079 = arith.constant 8 : i32
        %mul3A_1080 = vector.broadcast %mul3A_1079 : i32 to vector<16xi32>
        %mul3A_1081 = arith.muli %mul3A_1080, %iota3A : vector<16xi32>
        %add3A_1082 = vector.broadcast %add3A_1078 : i32 to vector<16xi32>
        %add3A_1083 = arith.addi %add3A_1082, %mul3A_1081 : vector<16xi32>
        %swap3A_1084 = arith.constant 0 : i32
        %swap3A_1085 = arith.index_cast %swap3A_1084 : i32 to index
        %swap3A_1086 = arith.constant 256 : index
        %swap3A_1087 = tpu.vector_load %arg6[%swap3A_1085, %swap3A_1086] {strides = array<i32>} : memref<2x384xi32, #tpu.memory_space<vmem>>, vector<16xi32>,
        tpu.vector_store %arg6[%swap3A_1085, %swap3A_1086], %add3A_1083 {strides = array<i32>} : memref<2x384xi32, #tpu.memory_space<vmem>>, vector<16xi32>,
        %add3A_1088 = arith.constant 2176 : i32
        %add3A_1089 = arith.addi %add3A_900, %add3A_1088 : i32
        %mul3A_1090 = arith.constant 8 : i32
        %mul3A_1091 = vector.broadcast %mul3A_1090 : i32 to vector<16xi32>
        %mul3A_1092 = arith.muli %mul3A_1091, %iota3A : vector<16xi32>
        %add3A_1093 = vector.broadcast %add3A_1089 : i32 to vector<16xi32>
        %add3A_1094 = arith.addi %add3A_1093, %mul3A_1092 : vector<16xi32>
        %swap3A_1095 = arith.constant 0 : i32
        %swap3A_1096 = arith.index_cast %swap3A_1095 : i32 to index
        %swap3A_1097 = arith.constant 272 : index
        %swap3A_1098 = tpu.vector_load %arg6[%swap3A_1096, %swap3A_1097] {strides = array<i32>} : memref<2x384xi32, #tpu.memory_space<vmem>>, vector<16xi32>,
        tpu.vector_store %arg6[%swap3A_1096, %swap3A_1097], %add3A_1094 {strides = array<i32>} : memref<2x384xi32, #tpu.memory_space<vmem>>, vector<16xi32>,
        %add3A_1099 = arith.constant 2304 : i32
        %add3A_1100 = arith.addi %add3A_900, %add3A_1099 : i32
        %mul3A_1101 = arith.constant 8 : i32
        %mul3A_1102 = vector.broadcast %mul3A_1101 : i32 to vector<16xi32>
        %mul3A_1103 = arith.muli %mul3A_1102, %iota3A : vector<16xi32>
        %add3A_1104 = vector.broadcast %add3A_1100 : i32 to vector<16xi32>
        %add3A_1105 = arith.addi %add3A_1104, %mul3A_1103 : vector<16xi32>
        %swap3A_1106 = arith.constant 0 : i32
        %swap3A_1107 = arith.index_cast %swap3A_1106 : i32 to index
        %swap3A_1108 = arith.constant 288 : index
        %swap3A_1109 = tpu.vector_load %arg6[%swap3A_1107, %swap3A_1108] {strides = array<i32>} : memref<2x384xi32, #tpu.memory_space<vmem>>, vector<16xi32>,
        tpu.vector_store %arg6[%swap3A_1107, %swap3A_1108], %add3A_1105 {strides = array<i32>} : memref<2x384xi32, #tpu.memory_space<vmem>>, vector<16xi32>,
        %add3A_1110 = arith.constant 2432 : i32
        %add3A_1111 = arith.addi %add3A_900, %add3A_1110 : i32
        %mul3A_1112 = arith.constant 8 : i32
        %mul3A_1113 = vector.broadcast %mul3A_1112 : i32 to vector<16xi32>
        %mul3A_1114 = arith.muli %mul3A_1113, %iota3A : vector<16xi32>
        %add3A_1115 = vector.broadcast %add3A_1111 : i32 to vector<16xi32>
        %add3A_1116 = arith.addi %add3A_1115, %mul3A_1114 : vector<16xi32>
        %swap3A_1117 = arith.constant 0 : i32
        %swap3A_1118 = arith.index_cast %swap3A_1117 : i32 to index
        %swap3A_1119 = arith.constant 304 : index
        %swap3A_1120 = tpu.vector_load %arg6[%swap3A_1118, %swap3A_1119] {strides = array<i32>} : memref<2x384xi32, #tpu.memory_space<vmem>>, vector<16xi32>,
        tpu.vector_store %arg6[%swap3A_1118, %swap3A_1119], %add3A_1116 {strides = array<i32>} : memref<2x384xi32, #tpu.memory_space<vmem>>, vector<16xi32>,
        %add3A_1121 = arith.constant 2560 : i32
        %add3A_1122 = arith.addi %add3A_900, %add3A_1121 : i32
        %mul3A_1123 = arith.constant 8 : i32
        %mul3A_1124 = vector.broadcast %mul3A_1123 : i32 to vector<16xi32>
        %mul3A_1125 = arith.muli %mul3A_1124, %iota3A : vector<16xi32>
        %add3A_1126 = vector.broadcast %add3A_1122 : i32 to vector<16xi32>
        %add3A_1127 = arith.addi %add3A_1126, %mul3A_1125 : vector<16xi32>
        %swap3A_1128 = arith.constant 0 : i32
        %swap3A_1129 = arith.index_cast %swap3A_1128 : i32 to index
        %swap3A_1130 = arith.constant 320 : index
        %swap3A_1131 = tpu.vector_load %arg6[%swap3A_1129, %swap3A_1130] {strides = array<i32>} : memref<2x384xi32, #tpu.memory_space<vmem>>, vector<16xi32>,
        tpu.vector_store %arg6[%swap3A_1129, %swap3A_1130], %add3A_1127 {strides = array<i32>} : memref<2x384xi32, #tpu.memory_space<vmem>>, vector<16xi32>,
        %add3A_1132 = arith.constant 2688 : i32
        %add3A_1133 = arith.addi %add3A_900, %add3A_1132 : i32
        %mul3A_1134 = arith.constant 8 : i32
        %mul3A_1135 = vector.broadcast %mul3A_1134 : i32 to vector<16xi32>
        %mul3A_1136 = arith.muli %mul3A_1135, %iota3A : vector<16xi32>
        %add3A_1137 = vector.broadcast %add3A_1133 : i32 to vector<16xi32>
        %add3A_1138 = arith.addi %add3A_1137, %mul3A_1136 : vector<16xi32>
        %swap3A_1139 = arith.constant 0 : i32
        %swap3A_1140 = arith.index_cast %swap3A_1139 : i32 to index
        %swap3A_1141 = arith.constant 336 : index
        %swap3A_1142 = tpu.vector_load %arg6[%swap3A_1140, %swap3A_1141] {strides = array<i32>} : memref<2x384xi32, #tpu.memory_space<vmem>>, vector<16xi32>,
        tpu.vector_store %arg6[%swap3A_1140, %swap3A_1141], %add3A_1138 {strides = array<i32>} : memref<2x384xi32, #tpu.memory_space<vmem>>, vector<16xi32>,
        %add3A_1143 = arith.constant 2816 : i32
        %add3A_1144 = arith.addi %add3A_900, %add3A_1143 : i32
        %mul3A_1145 = arith.constant 8 : i32
        %mul3A_1146 = vector.broadcast %mul3A_1145 : i32 to vector<16xi32>
        %mul3A_1147 = arith.muli %mul3A_1146, %iota3A : vector<16xi32>
        %add3A_1148 = vector.broadcast %add3A_1144 : i32 to vector<16xi32>
        %add3A_1149 = arith.addi %add3A_1148, %mul3A_1147 : vector<16xi32>
        %swap3A_1150 = arith.constant 0 : i32
        %swap3A_1151 = arith.index_cast %swap3A_1150 : i32 to index
        %swap3A_1152 = arith.constant 352 : index
        %swap3A_1153 = tpu.vector_load %arg6[%swap3A_1151, %swap3A_1152] {strides = array<i32>} : memref<2x384xi32, #tpu.memory_space<vmem>>, vector<16xi32>,
        tpu.vector_store %arg6[%swap3A_1151, %swap3A_1152], %add3A_1149 {strides = array<i32>} : memref<2x384xi32, #tpu.memory_space<vmem>>, vector<16xi32>,
        %add3A_1154 = arith.constant 2944 : i32
        %add3A_1155 = arith.addi %add3A_900, %add3A_1154 : i32
        %mul3A_1156 = arith.constant 8 : i32
        %mul3A_1157 = vector.broadcast %mul3A_1156 : i32 to vector<16xi32>
        %mul3A_1158 = arith.muli %mul3A_1157, %iota3A : vector<16xi32>
        %add3A_1159 = vector.broadcast %add3A_1155 : i32 to vector<16xi32>
        %add3A_1160 = arith.addi %add3A_1159, %mul3A_1158 : vector<16xi32>
        %swap3A_1161 = arith.constant 0 : i32
        %swap3A_1162 = arith.index_cast %swap3A_1161 : i32 to index
        %swap3A_1163 = arith.constant 368 : index
        %swap3A_1164 = tpu.vector_load %arg6[%swap3A_1162, %swap3A_1163] {strides = array<i32>} : memref<2x384xi32, #tpu.memory_space<vmem>>, vector<16xi32>,
        tpu.vector_store %arg6[%swap3A_1162, %swap3A_1163], %add3A_1160 {strides = array<i32>} : memref<2x384xi32, #tpu.memory_space<vmem>>, vector<16xi32>,
        %dma_start3A_1165 = arith.constant 0 : i32
        %dma_start3A_1166 = arith.constant 0 : i32
        %dma_start3A_1167 = arith.constant 0 : i32
        %dma_start3A_1168 = arith.constant 0 : i32
        %dma_start3A_1169 = arith.constant 0 : i32
        %dma_start3A_1170 = tpu.memref_slice %arg5[%dma_start3A_1166, %dma_start3A_1168, %dma_start3A_1169] : memref<2x313x128xf32, #tpu.memory_space<vmem>> -> memref<1x64x128xf32, #tpu.memory_space<vmem>>
        %dma_start3A_1171 = tpu.memref_squeeze %dma_start3A_1170 : memref<1x64x128xf32, #tpu.memory_space<vmem>> -> memref<64x128xf32, #tpu.memory_space<vmem>>
        %dma_start3A_1172 = arith.constant 0 : i32
        %dma_start3A_1173 = tpu.memref_slice %arg6[%dma_start3A_1165, %dma_start3A_1172] : memref<2x384xi32, #tpu.memory_space<vmem>> -> memref<1x64xi32, #tpu.memory_space<vmem>>
        %dma_start3A_1174 = tpu.memref_squeeze %dma_start3A_1173 : memref<1x64xi32, #tpu.memory_space<vmem>> -> memref<64xi32, #tpu.memory_space<vmem>>
        %dma_start3A_1175 = arith.constant 0 : i32
        %dma_start3A_1176 = arith.constant 0 : i32
        %dma_start3A_1177 = tpu.memref_slice %arg2[%dma_start3A_1175, %dma_start3A_1176] : memref<520000x128xf32, #tpu.memory_space<hbm>> -> memref<520000x128xf32, #tpu.memory_space<hbm>>
        %dma_start3A_1178 = tpu.memref_slice %arg9[%dma_start3A_1167] : memref<2x!tpu.dma_semaphore, #tpu.memory_space<semaphore_mem>> -> memref<1x!tpu.dma_semaphore, #tpu.memory_space<semaphore_mem>>
        %dma_start3A_1179 = tpu.memref_squeeze %dma_start3A_1178 : memref<1x!tpu.dma_semaphore, #tpu.memory_space<semaphore_mem>> -> memref<!tpu.dma_semaphore, #tpu.memory_space<semaphore_mem>>
        tpu.enqueue_indirect_dma source(%dma_start3A_1177 : memref<520000x128xf32, #tpu.memory_space<hbm>>) target(%dma_start3A_1171 : memref<64x128xf32, #tpu.memory_space<vmem>>) offsets(%dma_start3A_1174 : memref<64xi32, #tpu.memory_space<vmem>>) semaphore(%dma_start3A_1179 : memref<!tpu.dma_semaphore, #tpu.memory_space<semaphore_mem>>)
        %dma_start3A_1180 = arith.constant 0 : i32
        %dma_start3A_1181 = arith.constant 0 : i32
        %dma_start3A_1182 = arith.constant 0 : i32
        %dma_start3A_1183 = arith.constant 64 : i32
        %dma_start3A_1184 = arith.constant 0 : i32
        %dma_start3A_1185 = tpu.memref_slice %arg5[%dma_start3A_1181, %dma_start3A_1183, %dma_start3A_1184] : memref<2x313x128xf32, #tpu.memory_space<vmem>> -> memref<1x64x128xf32, #tpu.memory_space<vmem>>
        %dma_start3A_1186 = tpu.memref_squeeze %dma_start3A_1185 : memref<1x64x128xf32, #tpu.memory_space<vmem>> -> memref<64x128xf32, #tpu.memory_space<vmem>>
        %dma_start3A_1187 = arith.constant 64 : i32
        %dma_start3A_1188 = tpu.memref_slice %arg6[%dma_start3A_1180, %dma_start3A_1187] : memref<2x384xi32, #tpu.memory_space<vmem>> -> memref<1x64xi32, #tpu.memory_space<vmem>>
        %dma_start3A_1189 = tpu.memref_squeeze %dma_start3A_1188 : memref<1x64xi32, #tpu.memory_space<vmem>> -> memref<64xi32, #tpu.memory_space<vmem>>
        %dma_start3A_1190 = arith.constant 0 : i32
        %dma_start3A_1191 = arith.constant 0 : i32
        %dma_start3A_1192 = tpu.memref_slice %arg2[%dma_start3A_1190, %dma_start3A_1191] : memref<520000x128xf32, #tpu.memory_space<hbm>> -> memref<520000x128xf32, #tpu.memory_space<hbm>>
        %dma_start3A_1193 = tpu.memref_slice %arg9[%dma_start3A_1182] : memref<2x!tpu.dma_semaphore, #tpu.memory_space<semaphore_mem>> -> memref<1x!tpu.dma_semaphore, #tpu.memory_space<semaphore_mem>>
        %dma_start3A_1194 = tpu.memref_squeeze %dma_start3A_1193 : memref<1x!tpu.dma_semaphore, #tpu.memory_space<semaphore_mem>> -> memref<!tpu.dma_semaphore, #tpu.memory_space<semaphore_mem>>
        tpu.enqueue_indirect_dma source(%dma_start3A_1192 : memref<520000x128xf32, #tpu.memory_space<hbm>>) target(%dma_start3A_1186 : memref<64x128xf32, #tpu.memory_space<vmem>>) offsets(%dma_start3A_1189 : memref<64xi32, #tpu.memory_space<vmem>>) semaphore(%dma_start3A_1194 : memref<!tpu.dma_semaphore, #tpu.memory_space<semaphore_mem>>)
        %dma_start3A_1195 = arith.constant 0 : i32
        %dma_start3A_1196 = arith.constant 0 : i32
        %dma_start3A_1197 = arith.constant 0 : i32
        %dma_start3A_1198 = arith.constant 128 : i32
        %dma_start3A_1199 = arith.constant 0 : i32
        %dma_start3A_1200 = tpu.memref_slice %arg5[%dma_start3A_1196, %dma_start3A_1198, %dma_start3A_1199] : memref<2x313x128xf32, #tpu.memory_space<vmem>> -> memref<1x64x128xf32, #tpu.memory_space<vmem>>
        %dma_start3A_1201 = tpu.memref_squeeze %dma_start3A_1200 : memref<1x64x128xf32, #tpu.memory_space<vmem>> -> memref<64x128xf32, #tpu.memory_space<vmem>>
        %dma_start3A_1202 = arith.constant 128 : i32
        %dma_start3A_1203 = tpu.memref_slice %arg6[%dma_start3A_1195, %dma_start3A_1202] : memref<2x384xi32, #tpu.memory_space<vmem>> -> memref<1x64xi32, #tpu.memory_space<vmem>>
        %dma_start3A_1204 = tpu.memref_squeeze %dma_start3A_1203 : memref<1x64xi32, #tpu.memory_space<vmem>> -> memref<64xi32, #tpu.memory_space<vmem>>
        %dma_start3A_1205 = arith.constant 0 : i32
        %dma_start3A_1206 = arith.constant 0 : i32
        %dma_start3A_1207 = tpu.memref_slice %arg2[%dma_start3A_1205, %dma_start3A_1206] : memref<520000x128xf32, #tpu.memory_space<hbm>> -> memref<520000x128xf32, #tpu.memory_space<hbm>>
        %dma_start3A_1208 = tpu.memref_slice %arg9[%dma_start3A_1197] : memref<2x!tpu.dma_semaphore, #tpu.memory_space<semaphore_mem>> -> memref<1x!tpu.dma_semaphore, #tpu.memory_space<semaphore_mem>>
        %dma_start3A_1209 = tpu.memref_squeeze %dma_start3A_1208 : memref<1x!tpu.dma_semaphore, #tpu.memory_space<semaphore_mem>> -> memref<!tpu.dma_semaphore, #tpu.memory_space<semaphore_mem>>
        tpu.enqueue_indirect_dma source(%dma_start3A_1207 : memref<520000x128xf32, #tpu.memory_space<hbm>>) target(%dma_start3A_1201 : memref<64x128xf32, #tpu.memory_space<vmem>>) offsets(%dma_start3A_1204 : memref<64xi32, #tpu.memory_space<vmem>>) semaphore(%dma_start3A_1209 : memref<!tpu.dma_semaphore, #tpu.memory_space<semaphore_mem>>)
        %dma_start3A_1210 = arith.constant 0 : i32
        %dma_start3A_1211 = arith.constant 0 : i32
        %dma_start3A_1212 = arith.constant 0 : i32
        %dma_start3A_1213 = arith.constant 192 : i32
        %dma_start3A_1214 = arith.constant 0 : i32
        %dma_start3A_1215 = tpu.memref_slice %arg5[%dma_start3A_1211, %dma_start3A_1213, %dma_start3A_1214] : memref<2x313x128xf32, #tpu.memory_space<vmem>> -> memref<1x64x128xf32, #tpu.memory_space<vmem>>
        %dma_start3A_1216 = tpu.memref_squeeze %dma_start3A_1215 : memref<1x64x128xf32, #tpu.memory_space<vmem>> -> memref<64x128xf32, #tpu.memory_space<vmem>>
        %dma_start3A_1217 = arith.constant 192 : i32
        %dma_start3A_1218 = tpu.memref_slice %arg6[%dma_start3A_1210, %dma_start3A_1217] : memref<2x384xi32, #tpu.memory_space<vmem>> -> memref<1x64xi32, #tpu.memory_space<vmem>>
        %dma_start3A_1219 = tpu.memref_squeeze %dma_start3A_1218 : memref<1x64xi32, #tpu.memory_space<vmem>> -> memref<64xi32, #tpu.memory_space<vmem>>
        %dma_start3A_1220 = arith.constant 0 : i32
        %dma_start3A_1221 = arith.constant 0 : i32
        %dma_start3A_1222 = tpu.memref_slice %arg2[%dma_start3A_1220, %dma_start3A_1221] : memref<520000x128xf32, #tpu.memory_space<hbm>> -> memref<520000x128xf32, #tpu.memory_space<hbm>>
        %dma_start3A_1223 = tpu.memref_slice %arg9[%dma_start3A_1212] : memref<2x!tpu.dma_semaphore, #tpu.memory_space<semaphore_mem>> -> memref<1x!tpu.dma_semaphore, #tpu.memory_space<semaphore_mem>>
        %dma_start3A_1224 = tpu.memref_squeeze %dma_start3A_1223 : memref<1x!tpu.dma_semaphore, #tpu.memory_space<semaphore_mem>> -> memref<!tpu.dma_semaphore, #tpu.memory_space<semaphore_mem>>
        tpu.enqueue_indirect_dma source(%dma_start3A_1222 : memref<520000x128xf32, #tpu.memory_space<hbm>>) target(%dma_start3A_1216 : memref<64x128xf32, #tpu.memory_space<vmem>>) offsets(%dma_start3A_1219 : memref<64xi32, #tpu.memory_space<vmem>>) semaphore(%dma_start3A_1224 : memref<!tpu.dma_semaphore, #tpu.memory_space<semaphore_mem>>)
        %dma_start3A_1225 = arith.constant 0 : i32
        %dma_start3A_1226 = arith.constant 0 : i32
        %dma_start3A_1227 = arith.constant 0 : i32
        %dma_start3A_1228 = arith.constant 256 : i32
        %dma_start3A_1229 = arith.constant 0 : i32
        %dma_start3A_1230 = tpu.memref_slice %arg5[%dma_start3A_1226, %dma_start3A_1228, %dma_start3A_1229] : memref<2x313x128xf32, #tpu.memory_space<vmem>> -> memref<1x57x128xf32, #tpu.memory_space<vmem>>
        %dma_start3A_1231 = tpu.memref_squeeze %dma_start3A_1230 : memref<1x57x128xf32, #tpu.memory_space<vmem>> -> memref<57x128xf32, #tpu.memory_space<vmem>>
        %dma_start3A_1232 = arith.constant 256 : i32
        %dma_start3A_1233 = tpu.memref_slice %arg6[%dma_start3A_1225, %dma_start3A_1232] : memref<2x384xi32, #tpu.memory_space<vmem>> -> memref<1x57xi32, #tpu.memory_space<vmem>>
        %dma_start3A_1234 = tpu.memref_squeeze %dma_start3A_1233 : memref<1x57xi32, #tpu.memory_space<vmem>> -> memref<57xi32, #tpu.memory_space<vmem>>
        %dma_start3A_1235 = arith.constant 0 : i32
        %dma_start3A_1236 = arith.constant 0 : i32
        %dma_start3A_1237 = tpu.memref_slice %arg2[%dma_start3A_1235, %dma_start3A_1236] : memref<520000x128xf32, #tpu.memory_space<hbm>> -> memref<520000x128xf32, #tpu.memory_space<hbm>>
        %dma_start3A_1238 = tpu.memref_slice %arg9[%dma_start3A_1227] : memref<2x!tpu.dma_semaphore, #tpu.memory_space<semaphore_mem>> -> memref<1x!tpu.dma_semaphore, #tpu.memory_space<semaphore_mem>>
        %dma_start3A_1239 = tpu.memref_squeeze %dma_start3A_1238 : memref<1x!tpu.dma_semaphore, #tpu.memory_space<semaphore_mem>> -> memref<!tpu.dma_semaphore, #tpu.memory_space<semaphore_mem>>
        tpu.enqueue_indirect_dma source(%dma_start3A_1237 : memref<520000x128xf32, #tpu.memory_space<hbm>>) target(%dma_start3A_1231 : memref<57x128xf32, #tpu.memory_space<vmem>>) offsets(%dma_start3A_1234 : memref<57xi32, #tpu.memory_space<vmem>>) semaphore(%dma_start3A_1239 : memref<!tpu.dma_semaphore, #tpu.memory_space<semaphore_mem>>)
        %dma_wait3A_1240 = arith.constant 1 : i32
        %dma_wait3A_1241 = arith.constant 1 : i32
        %dma_wait3A_1242 = arith.constant 1 : i32
        %dma_wait3A_1243 = arith.constant 0 : i32
        %dma_wait3A_1244 = arith.constant 0 : i32
        %dma_wait3A_1245 = tpu.memref_slice %arg5[%dma_wait3A_1241, %dma_wait3A_1243, %dma_wait3A_1244] : memref<2x313x128xf32, #tpu.memory_space<vmem>> -> memref<1x64x128xf32, #tpu.memory_space<vmem>>
        %dma_wait3A_1246 = tpu.memref_squeeze %dma_wait3A_1245 : memref<1x64x128xf32, #tpu.memory_space<vmem>> -> memref<64x128xf32, #tpu.memory_space<vmem>>
        %dma_wait3A_1247 = arith.constant 0 : i32
        %dma_wait3A_1248 = tpu.memref_slice %arg6[%dma_wait3A_1240, %dma_wait3A_1247] : memref<2x384xi32, #tpu.memory_space<vmem>> -> memref<1x64xi32, #tpu.memory_space<vmem>>
        %dma_wait3A_1249 = tpu.memref_squeeze %dma_wait3A_1248 : memref<1x64xi32, #tpu.memory_space<vmem>> -> memref<64xi32, #tpu.memory_space<vmem>>
        %dma_wait3A_1250 = arith.constant 0 : i32
        %dma_wait3A_1251 = arith.constant 0 : i32
        %dma_wait3A_1252 = tpu.memref_slice %arg2[%dma_wait3A_1250, %dma_wait3A_1251] : memref<520000x128xf32, #tpu.memory_space<hbm>> -> memref<520000x128xf32, #tpu.memory_space<hbm>>
        %dma_wait3A_1253 = tpu.memref_slice %arg9[%dma_wait3A_1242] : memref<2x!tpu.dma_semaphore, #tpu.memory_space<semaphore_mem>> -> memref<1x!tpu.dma_semaphore, #tpu.memory_space<semaphore_mem>>
        %dma_wait3A_1254 = tpu.memref_squeeze %dma_wait3A_1253 : memref<1x!tpu.dma_semaphore, #tpu.memory_space<semaphore_mem>> -> memref<!tpu.dma_semaphore, #tpu.memory_space<semaphore_mem>>
        tpu.wait_indirect_dma semaphore(%dma_wait3A_1254 : memref<!tpu.dma_semaphore, #tpu.memory_space<semaphore_mem>>) src(%dma_wait3A_1252 : memref<520000x128xf32, #tpu.memory_space<hbm>>) dst(%dma_wait3A_1246 : memref<64x128xf32, #tpu.memory_space<vmem>>)
        %dma_wait3A_1255 = arith.constant 1 : i32
        %dma_wait3A_1256 = arith.constant 1 : i32
        %dma_wait3A_1257 = arith.constant 1 : i32
        %dma_wait3A_1258 = arith.constant 64 : i32
        %dma_wait3A_1259 = arith.constant 0 : i32
        %dma_wait3A_1260 = tpu.memref_slice %arg5[%dma_wait3A_1256, %dma_wait3A_1258, %dma_wait3A_1259] : memref<2x313x128xf32, #tpu.memory_space<vmem>> -> memref<1x64x128xf32, #tpu.memory_space<vmem>>
        %dma_wait3A_1261 = tpu.memref_squeeze %dma_wait3A_1260 : memref<1x64x128xf32, #tpu.memory_space<vmem>> -> memref<64x128xf32, #tpu.memory_space<vmem>>
        %dma_wait3A_1262 = arith.constant 64 : i32
        %dma_wait3A_1263 = tpu.memref_slice %arg6[%dma_wait3A_1255, %dma_wait3A_1262] : memref<2x384xi32, #tpu.memory_space<vmem>> -> memref<1x64xi32, #tpu.memory_space<vmem>>
        %dma_wait3A_1264 = tpu.memref_squeeze %dma_wait3A_1263 : memref<1x64xi32, #tpu.memory_space<vmem>> -> memref<64xi32, #tpu.memory_space<vmem>>
        %dma_wait3A_1265 = arith.constant 0 : i32
        %dma_wait3A_1266 = arith.constant 0 : i32
        %dma_wait3A_1267 = tpu.memref_slice %arg2[%dma_wait3A_1265, %dma_wait3A_1266] : memref<520000x128xf32, #tpu.memory_space<hbm>> -> memref<520000x128xf32, #tpu.memory_space<hbm>>
        %dma_wait3A_1268 = tpu.memref_slice %arg9[%dma_wait3A_1257] : memref<2x!tpu.dma_semaphore, #tpu.memory_space<semaphore_mem>> -> memref<1x!tpu.dma_semaphore, #tpu.memory_space<semaphore_mem>>
        %dma_wait3A_1269 = tpu.memref_squeeze %dma_wait3A_1268 : memref<1x!tpu.dma_semaphore, #tpu.memory_space<semaphore_mem>> -> memref<!tpu.dma_semaphore, #tpu.memory_space<semaphore_mem>>
        tpu.wait_indirect_dma semaphore(%dma_wait3A_1269 : memref<!tpu.dma_semaphore, #tpu.memory_space<semaphore_mem>>) src(%dma_wait3A_1267 : memref<520000x128xf32, #tpu.memory_space<hbm>>) dst(%dma_wait3A_1261 : memref<64x128xf32, #tpu.memory_space<vmem>>)
        %dma_wait3A_1270 = arith.constant 1 : i32
        %dma_wait3A_1271 = arith.constant 1 : i32
        %dma_wait3A_1272 = arith.constant 1 : i32
        %dma_wait3A_1273 = arith.constant 128 : i32
        %dma_wait3A_1274 = arith.constant 0 : i32
        %dma_wait3A_1275 = tpu.memref_slice %arg5[%dma_wait3A_1271, %dma_wait3A_1273, %dma_wait3A_1274] : memref<2x313x128xf32, #tpu.memory_space<vmem>> -> memref<1x64x128xf32, #tpu.memory_space<vmem>>
        %dma_wait3A_1276 = tpu.memref_squeeze %dma_wait3A_1275 : memref<1x64x128xf32, #tpu.memory_space<vmem>> -> memref<64x128xf32, #tpu.memory_space<vmem>>
        %dma_wait3A_1277 = arith.constant 128 : i32
        %dma_wait3A_1278 = tpu.memref_slice %arg6[%dma_wait3A_1270, %dma_wait3A_1277] : memref<2x384xi32, #tpu.memory_space<vmem>> -> memref<1x64xi32, #tpu.memory_space<vmem>>
        %dma_wait3A_1279 = tpu.memref_squeeze %dma_wait3A_1278 : memref<1x64xi32, #tpu.memory_space<vmem>> -> memref<64xi32, #tpu.memory_space<vmem>>
        %dma_wait3A_1280 = arith.constant 0 : i32
        %dma_wait3A_1281 = arith.constant 0 : i32
        %dma_wait3A_1282 = tpu.memref_slice %arg2[%dma_wait3A_1280, %dma_wait3A_1281] : memref<520000x128xf32, #tpu.memory_space<hbm>> -> memref<520000x128xf32, #tpu.memory_space<hbm>>
        %dma_wait3A_1283 = tpu.memref_slice %arg9[%dma_wait3A_1272] : memref<2x!tpu.dma_semaphore, #tpu.memory_space<semaphore_mem>> -> memref<1x!tpu.dma_semaphore, #tpu.memory_space<semaphore_mem>>
        %dma_wait3A_1284 = tpu.memref_squeeze %dma_wait3A_1283 : memref<1x!tpu.dma_semaphore, #tpu.memory_space<semaphore_mem>> -> memref<!tpu.dma_semaphore, #tpu.memory_space<semaphore_mem>>
        tpu.wait_indirect_dma semaphore(%dma_wait3A_1284 : memref<!tpu.dma_semaphore, #tpu.memory_space<semaphore_mem>>) src(%dma_wait3A_1282 : memref<520000x128xf32, #tpu.memory_space<hbm>>) dst(%dma_wait3A_1276 : memref<64x128xf32, #tpu.memory_space<vmem>>)
        %dma_wait3A_1285 = arith.constant 1 : i32
        %dma_wait3A_1286 = arith.constant 1 : i32
        %dma_wait3A_1287 = arith.constant 1 : i32
        %dma_wait3A_1288 = arith.constant 192 : i32
        %dma_wait3A_1289 = arith.constant 0 : i32
        %dma_wait3A_1290 = tpu.memref_slice %arg5[%dma_wait3A_1286, %dma_wait3A_1288, %dma_wait3A_1289] : memref<2x313x128xf32, #tpu.memory_space<vmem>> -> memref<1x64x128xf32, #tpu.memory_space<vmem>>
        %dma_wait3A_1291 = tpu.memref_squeeze %dma_wait3A_1290 : memref<1x64x128xf32, #tpu.memory_space<vmem>> -> memref<64x128xf32, #tpu.memory_space<vmem>>
        %dma_wait3A_1292 = arith.constant 192 : i32
        %dma_wait3A_1293 = tpu.memref_slice %arg6[%dma_wait3A_1285, %dma_wait3A_1292] : memref<2x384xi32, #tpu.memory_space<vmem>> -> memref<1x64xi32, #tpu.memory_space<vmem>>
        %dma_wait3A_1294 = tpu.memref_squeeze %dma_wait3A_1293 : memref<1x64xi32, #tpu.memory_space<vmem>> -> memref<64xi32, #tpu.memory_space<vmem>>
        %dma_wait3A_1295 = arith.constant 0 : i32
        %dma_wait3A_1296 = arith.constant 0 : i32
        %dma_wait3A_1297 = tpu.memref_slice %arg2[%dma_wait3A_1295, %dma_wait3A_1296] : memref<520000x128xf32, #tpu.memory_space<hbm>> -> memref<520000x128xf32, #tpu.memory_space<hbm>>
        %dma_wait3A_1298 = tpu.memref_slice %arg9[%dma_wait3A_1287] : memref<2x!tpu.dma_semaphore, #tpu.memory_space<semaphore_mem>> -> memref<1x!tpu.dma_semaphore, #tpu.memory_space<semaphore_mem>>
        %dma_wait3A_1299 = tpu.memref_squeeze %dma_wait3A_1298 : memref<1x!tpu.dma_semaphore, #tpu.memory_space<semaphore_mem>> -> memref<!tpu.dma_semaphore, #tpu.memory_space<semaphore_mem>>
        tpu.wait_indirect_dma semaphore(%dma_wait3A_1299 : memref<!tpu.dma_semaphore, #tpu.memory_space<semaphore_mem>>) src(%dma_wait3A_1297 : memref<520000x128xf32, #tpu.memory_space<hbm>>) dst(%dma_wait3A_1291 : memref<64x128xf32, #tpu.memory_space<vmem>>)
        %dma_wait3A_1300 = arith.constant 1 : i32
        %dma_wait3A_1301 = arith.constant 1 : i32
        %dma_wait3A_1302 = arith.constant 1 : i32
        %dma_wait3A_1303 = arith.constant 256 : i32
        %dma_wait3A_1304 = arith.constant 0 : i32
        %dma_wait3A_1305 = tpu.memref_slice %arg5[%dma_wait3A_1301, %dma_wait3A_1303, %dma_wait3A_1304] : memref<2x313x128xf32, #tpu.memory_space<vmem>> -> memref<1x57x128xf32, #tpu.memory_space<vmem>>
        %dma_wait3A_1306 = tpu.memref_squeeze %dma_wait3A_1305 : memref<1x57x128xf32, #tpu.memory_space<vmem>> -> memref<57x128xf32, #tpu.memory_space<vmem>>
        %dma_wait3A_1307 = arith.constant 256 : i32
        %dma_wait3A_1308 = tpu.memref_slice %arg6[%dma_wait3A_1300, %dma_wait3A_1307] : memref<2x384xi32, #tpu.memory_space<vmem>> -> memref<1x57xi32, #tpu.memory_space<vmem>>
        %dma_wait3A_1309 = tpu.memref_squeeze %dma_wait3A_1308 : memref<1x57xi32, #tpu.memory_space<vmem>> -> memref<57xi32, #tpu.memory_space<vmem>>
        %dma_wait3A_1310 = arith.constant 0 : i32
        %dma_wait3A_1311 = arith.constant 0 : i32
        %dma_wait3A_1312 = tpu.memref_slice %arg2[%dma_wait3A_1310, %dma_wait3A_1311] : memref<520000x128xf32, #tpu.memory_space<hbm>> -> memref<520000x128xf32, #tpu.memory_space<hbm>>
        %dma_wait3A_1313 = tpu.memref_slice %arg9[%dma_wait3A_1302] : memref<2x!tpu.dma_semaphore, #tpu.memory_space<semaphore_mem>> -> memref<1x!tpu.dma_semaphore, #tpu.memory_space<semaphore_mem>>
        %dma_wait3A_1314 = tpu.memref_squeeze %dma_wait3A_1313 : memref<1x!tpu.dma_semaphore, #tpu.memory_space<semaphore_mem>> -> memref<!tpu.dma_semaphore, #tpu.memory_space<semaphore_mem>>
        tpu.wait_indirect_dma semaphore(%dma_wait3A_1314 : memref<!tpu.dma_semaphore, #tpu.memory_space<semaphore_mem>>) src(%dma_wait3A_1312 : memref<520000x128xf32, #tpu.memory_space<hbm>>) dst(%dma_wait3A_1306 : memref<57x128xf32, #tpu.memory_space<vmem>>)
        %parallel_loop3A_1315 = arith.constant 0 : i32
        %parallel_loop3A_1316 = arith.constant 4096 : i32
        %parallel_loop3A_1317 = arith.constant 16 : i32
        scf.for %parallel_loop3A_3635 = %parallel_loop3A_1315 to %parallel_loop3A_1316 step %parallel_loop3A_1317  : i32 {
          %parallel_loop3A_3636 = arith.index_cast %parallel_loop3A_3635 : i32 to index
          %parallel_loop3A_3637 = tpu.vector_load %arg7[%parallel_loop3A_3636] {strides = array<i32>} : memref<4096xi32, #tpu.memory_space<vmem>>, vector<16xi32>,
          %parallel_loop3A_3638 = vector.broadcast %mul3A_457 : i32 to vector<16xi32>
          %parallel_loop3A_3639 = arith.addi %parallel_loop3A_3637, %parallel_loop3A_3638 : vector<16xi32>
          %parallel_loop3A_3640 = arith.constant 7 : i32
          %parallel_loop3A_3641 = vector.broadcast %parallel_loop3A_3640 : i32 to vector<16xi32>
          %parallel_loop3A_3642 = arith.shrsi %parallel_loop3A_3639, %parallel_loop3A_3641 : vector<16xi32>
          %parallel_loop3A_3643 = arith.constant 127 : i32
          %parallel_loop3A_3644 = vector.broadcast %parallel_loop3A_3643 : i32 to vector<16xi32>
          %parallel_loop3A_3645 = arith.andi %parallel_loop3A_3639, %parallel_loop3A_3644 : vector<16xi32>
          %parallel_loop3A_3646 = arith.constant 1 : i32
          %parallel_loop3A_3647 = arith.constant 0 : i32
          %parallel_loop3A_3648 = arith.constant 0 : i32
          %parallel_loop3A_3649 = tpu.memref_slice %arg5[%parallel_loop3A_3646, %parallel_loop3A_3647, %parallel_loop3A_3648] : memref<2x313x128xf32, #tpu.memory_space<vmem>> -> memref<1x313x128xf32, #tpu.memory_space<vmem>>
          %parallel_loop3A_3650 = tpu.memref_squeeze %parallel_loop3A_3649 : memref<1x313x128xf32, #tpu.memory_space<vmem>> -> memref<313x128xf32, #tpu.memory_space<vmem>>
          %parallel_loop3A_3651 = tpu.vector_load_idx %parallel_loop3A_3650[%parallel_loop3A_3642, %parallel_loop3A_3645] : memref<313x128xf32, #tpu.memory_space<vmem>>[vector<16xi32>, vector<16xi32>], vector<16xf32>,
          %parallel_loop3A_3652 = arith.constant 1 : i32
          %parallel_loop3A_3653 = arith.index_cast %parallel_loop3A_3652 : i32 to index
          %parallel_loop3A_3654 = arith.index_cast %parallel_loop3A_3635 : i32 to index
          %parallel_loop3A_3655 = tpu.vector_load %arg8[%parallel_loop3A_3653, %parallel_loop3A_3654] {strides = array<i32>} : memref<8x4096xf32, #tpu.memory_space<vmem>>, vector<16xf32>,
          tpu.vector_store %arg8[%parallel_loop3A_3653, %parallel_loop3A_3654], %parallel_loop3A_3651 {strides = array<i32>} : memref<8x4096xf32, #tpu.memory_space<vmem>>, vector<16xf32>,
        } {sc.loop_unroll_factor = 8 : i64, sc.parallel_access}
        %add3A_1318 = arith.constant 2 : i32
        %add3A_1319 = arith.addi %add3A_462, %add3A_1318 : i32
        %add3A_1320 = arith.constant 1 : i32
        %add3A_1321 = arith.addi %add3A_1319, %add3A_1320 : i32
        %add3A_1322 = arith.constant 0 : i32
        %add3A_1323 = arith.addi %add3A_1321, %add3A_1322 : i32
        %mul3A_1324 = arith.constant 8 : i32
        %mul3A_1325 = vector.broadcast %mul3A_1324 : i32 to vector<16xi32>
        %mul3A_1326 = arith.muli %mul3A_1325, %iota3A : vector<16xi32>
        %add3A_1327 = vector.broadcast %add3A_1323 : i32 to vector<16xi32>
        %add3A_1328 = arith.addi %add3A_1327, %mul3A_1326 : vector<16xi32>
        %swap3A_1329 = arith.constant 1 : i32
        %swap3A_1330 = arith.index_cast %swap3A_1329 : i32 to index
        %swap3A_1331 = arith.constant 0 : index
        %swap3A_1332 = tpu.vector_load %arg6[%swap3A_1330, %swap3A_1331] {strides = array<i32>} : memref<2x384xi32, #tpu.memory_space<vmem>>, vector<16xi32>,
        tpu.vector_store %arg6[%swap3A_1330, %swap3A_1331], %add3A_1328 {strides = array<i32>} : memref<2x384xi32, #tpu.memory_space<vmem>>, vector<16xi32>,
        %add3A_1333 = arith.constant 128 : i32
        %add3A_1334 = arith.addi %add3A_1321, %add3A_1333 : i32
        %mul3A_1335 = arith.constant 8 : i32
        %mul3A_1336 = vector.broadcast %mul3A_1335 : i32 to vector<16xi32>
        %mul3A_1337 = arith.muli %mul3A_1336, %iota3A : vector<16xi32>
        %add3A_1338 = vector.broadcast %add3A_1334 : i32 to vector<16xi32>
        %add3A_1339 = arith.addi %add3A_1338, %mul3A_1337 : vector<16xi32>
        %swap3A_1340 = arith.constant 1 : i32
        %swap3A_1341 = arith.index_cast %swap3A_1340 : i32 to index
        %swap3A_1342 = arith.constant 16 : index
        %swap3A_1343 = tpu.vector_load %arg6[%swap3A_1341, %swap3A_1342] {strides = array<i32>} : memref<2x384xi32, #tpu.memory_space<vmem>>, vector<16xi32>,
        tpu.vector_store %arg6[%swap3A_1341, %swap3A_1342], %add3A_1339 {strides = array<i32>} : memref<2x384xi32, #tpu.memory_space<vmem>>, vector<16xi32>,
        %add3A_1344 = arith.constant 256 : i32
        %add3A_1345 = arith.addi %add3A_1321, %add3A_1344 : i32
        %mul3A_1346 = arith.constant 8 : i32
        %mul3A_1347 = vector.broadcast %mul3A_1346 : i32 to vector<16xi32>
        %mul3A_1348 = arith.muli %mul3A_1347, %iota3A : vector<16xi32>
        %add3A_1349 = vector.broadcast %add3A_1345 : i32 to vector<16xi32>
        %add3A_1350 = arith.addi %add3A_1349, %mul3A_1348 : vector<16xi32>
        %swap3A_1351 = arith.constant 1 : i32
        %swap3A_1352 = arith.index_cast %swap3A_1351 : i32 to index
        %swap3A_1353 = arith.constant 32 : index
        %swap3A_1354 = tpu.vector_load %arg6[%swap3A_1352, %swap3A_1353] {strides = array<i32>} : memref<2x384xi32, #tpu.memory_space<vmem>>, vector<16xi32>,
        tpu.vector_store %arg6[%swap3A_1352, %swap3A_1353], %add3A_1350 {strides = array<i32>} : memref<2x384xi32, #tpu.memory_space<vmem>>, vector<16xi32>,
        %add3A_1355 = arith.constant 384 : i32
        %add3A_1356 = arith.addi %add3A_1321, %add3A_1355 : i32
        %mul3A_1357 = arith.constant 8 : i32
        %mul3A_1358 = vector.broadcast %mul3A_1357 : i32 to vector<16xi32>
        %mul3A_1359 = arith.muli %mul3A_1358, %iota3A : vector<16xi32>
        %add3A_1360 = vector.broadcast %add3A_1356 : i32 to vector<16xi32>
        %add3A_1361 = arith.addi %add3A_1360, %mul3A_1359 : vector<16xi32>
        %swap3A_1362 = arith.constant 1 : i32
        %swap3A_1363 = arith.index_cast %swap3A_1362 : i32 to index
        %swap3A_1364 = arith.constant 48 : index
        %swap3A_1365 = tpu.vector_load %arg6[%swap3A_1363, %swap3A_1364] {strides = array<i32>} : memref<2x384xi32, #tpu.memory_space<vmem>>, vector<16xi32>,
        tpu.vector_store %arg6[%swap3A_1363, %swap3A_1364], %add3A_1361 {strides = array<i32>} : memref<2x384xi32, #tpu.memory_space<vmem>>, vector<16xi32>,
        %add3A_1366 = arith.constant 512 : i32
        %add3A_1367 = arith.addi %add3A_1321, %add3A_1366 : i32
        %mul3A_1368 = arith.constant 8 : i32
        %mul3A_1369 = vector.broadcast %mul3A_1368 : i32 to vector<16xi32>
        %mul3A_1370 = arith.muli %mul3A_1369, %iota3A : vector<16xi32>
        %add3A_1371 = vector.broadcast %add3A_1367 : i32 to vector<16xi32>
        %add3A_1372 = arith.addi %add3A_1371, %mul3A_1370 : vector<16xi32>
        %swap3A_1373 = arith.constant 1 : i32
        %swap3A_1374 = arith.index_cast %swap3A_1373 : i32 to index
        %swap3A_1375 = arith.constant 64 : index
        %swap3A_1376 = tpu.vector_load %arg6[%swap3A_1374, %swap3A_1375] {strides = array<i32>} : memref<2x384xi32, #tpu.memory_space<vmem>>, vector<16xi32>,
        tpu.vector_store %arg6[%swap3A_1374, %swap3A_1375], %add3A_1372 {strides = array<i32>} : memref<2x384xi32, #tpu.memory_space<vmem>>, vector<16xi32>,
        %add3A_1377 = arith.constant 640 : i32
        %add3A_1378 = arith.addi %add3A_1321, %add3A_1377 : i32
        %mul3A_1379 = arith.constant 8 : i32
        %mul3A_1380 = vector.broadcast %mul3A_1379 : i32 to vector<16xi32>
        %mul3A_1381 = arith.muli %mul3A_1380, %iota3A : vector<16xi32>
        %add3A_1382 = vector.broadcast %add3A_1378 : i32 to vector<16xi32>
        %add3A_1383 = arith.addi %add3A_1382, %mul3A_1381 : vector<16xi32>
        %swap3A_1384 = arith.constant 1 : i32
        %swap3A_1385 = arith.index_cast %swap3A_1384 : i32 to index
        %swap3A_1386 = arith.constant 80 : index
        %swap3A_1387 = tpu.vector_load %arg6[%swap3A_1385, %swap3A_1386] {strides = array<i32>} : memref<2x384xi32, #tpu.memory_space<vmem>>, vector<16xi32>,
        tpu.vector_store %arg6[%swap3A_1385, %swap3A_1386], %add3A_1383 {strides = array<i32>} : memref<2x384xi32, #tpu.memory_space<vmem>>, vector<16xi32>,
        %add3A_1388 = arith.constant 768 : i32
        %add3A_1389 = arith.addi %add3A_1321, %add3A_1388 : i32
        %mul3A_1390 = arith.constant 8 : i32
        %mul3A_1391 = vector.broadcast %mul3A_1390 : i32 to vector<16xi32>
        %mul3A_1392 = arith.muli %mul3A_1391, %iota3A : vector<16xi32>
        %add3A_1393 = vector.broadcast %add3A_1389 : i32 to vector<16xi32>
        %add3A_1394 = arith.addi %add3A_1393, %mul3A_1392 : vector<16xi32>
        %swap3A_1395 = arith.constant 1 : i32
        %swap3A_1396 = arith.index_cast %swap3A_1395 : i32 to index
        %swap3A_1397 = arith.constant 96 : index
        %swap3A_1398 = tpu.vector_load %arg6[%swap3A_1396, %swap3A_1397] {strides = array<i32>} : memref<2x384xi32, #tpu.memory_space<vmem>>, vector<16xi32>,
        tpu.vector_store %arg6[%swap3A_1396, %swap3A_1397], %add3A_1394 {strides = array<i32>} : memref<2x384xi32, #tpu.memory_space<vmem>>, vector<16xi32>,
        %add3A_1399 = arith.constant 896 : i32
        %add3A_1400 = arith.addi %add3A_1321, %add3A_1399 : i32
        %mul3A_1401 = arith.constant 8 : i32
        %mul3A_1402 = vector.broadcast %mul3A_1401 : i32 to vector<16xi32>
        %mul3A_1403 = arith.muli %mul3A_1402, %iota3A : vector<16xi32>
        %add3A_1404 = vector.broadcast %add3A_1400 : i32 to vector<16xi32>
        %add3A_1405 = arith.addi %add3A_1404, %mul3A_1403 : vector<16xi32>
        %swap3A_1406 = arith.constant 1 : i32
        %swap3A_1407 = arith.index_cast %swap3A_1406 : i32 to index
        %swap3A_1408 = arith.constant 112 : index
        %swap3A_1409 = tpu.vector_load %arg6[%swap3A_1407, %swap3A_1408] {strides = array<i32>} : memref<2x384xi32, #tpu.memory_space<vmem>>, vector<16xi32>,
        tpu.vector_store %arg6[%swap3A_1407, %swap3A_1408], %add3A_1405 {strides = array<i32>} : memref<2x384xi32, #tpu.memory_space<vmem>>, vector<16xi32>,
        %add3A_1410 = arith.constant 1024 : i32
        %add3A_1411 = arith.addi %add3A_1321, %add3A_1410 : i32
        %mul3A_1412 = arith.constant 8 : i32
        %mul3A_1413 = vector.broadcast %mul3A_1412 : i32 to vector<16xi32>
        %mul3A_1414 = arith.muli %mul3A_1413, %iota3A : vector<16xi32>
        %add3A_1415 = vector.broadcast %add3A_1411 : i32 to vector<16xi32>
        %add3A_1416 = arith.addi %add3A_1415, %mul3A_1414 : vector<16xi32>
        %swap3A_1417 = arith.constant 1 : i32
        %swap3A_1418 = arith.index_cast %swap3A_1417 : i32 to index
        %swap3A_1419 = arith.constant 128 : index
        %swap3A_1420 = tpu.vector_load %arg6[%swap3A_1418, %swap3A_1419] {strides = array<i32>} : memref<2x384xi32, #tpu.memory_space<vmem>>, vector<16xi32>,
        tpu.vector_store %arg6[%swap3A_1418, %swap3A_1419], %add3A_1416 {strides = array<i32>} : memref<2x384xi32, #tpu.memory_space<vmem>>, vector<16xi32>,
        %add3A_1421 = arith.constant 1152 : i32
        %add3A_1422 = arith.addi %add3A_1321, %add3A_1421 : i32
        %mul3A_1423 = arith.constant 8 : i32
        %mul3A_1424 = vector.broadcast %mul3A_1423 : i32 to vector<16xi32>
        %mul3A_1425 = arith.muli %mul3A_1424, %iota3A : vector<16xi32>
        %add3A_1426 = vector.broadcast %add3A_1422 : i32 to vector<16xi32>
        %add3A_1427 = arith.addi %add3A_1426, %mul3A_1425 : vector<16xi32>
        %swap3A_1428 = arith.constant 1 : i32
        %swap3A_1429 = arith.index_cast %swap3A_1428 : i32 to index
        %swap3A_1430 = arith.constant 144 : index
        %swap3A_1431 = tpu.vector_load %arg6[%swap3A_1429, %swap3A_1430] {strides = array<i32>} : memref<2x384xi32, #tpu.memory_space<vmem>>, vector<16xi32>,
        tpu.vector_store %arg6[%swap3A_1429, %swap3A_1430], %add3A_1427 {strides = array<i32>} : memref<2x384xi32, #tpu.memory_space<vmem>>, vector<16xi32>,
        %add3A_1432 = arith.constant 1280 : i32
        %add3A_1433 = arith.addi %add3A_1321, %add3A_1432 : i32
        %mul3A_1434 = arith.constant 8 : i32
        %mul3A_1435 = vector.broadcast %mul3A_1434 : i32 to vector<16xi32>
        %mul3A_1436 = arith.muli %mul3A_1435, %iota3A : vector<16xi32>
        %add3A_1437 = vector.broadcast %add3A_1433 : i32 to vector<16xi32>
        %add3A_1438 = arith.addi %add3A_1437, %mul3A_1436 : vector<16xi32>
        %swap3A_1439 = arith.constant 1 : i32
        %swap3A_1440 = arith.index_cast %swap3A_1439 : i32 to index
        %swap3A_1441 = arith.constant 160 : index
        %swap3A_1442 = tpu.vector_load %arg6[%swap3A_1440, %swap3A_1441] {strides = array<i32>} : memref<2x384xi32, #tpu.memory_space<vmem>>, vector<16xi32>,
        tpu.vector_store %arg6[%swap3A_1440, %swap3A_1441], %add3A_1438 {strides = array<i32>} : memref<2x384xi32, #tpu.memory_space<vmem>>, vector<16xi32>,
        %add3A_1443 = arith.constant 1408 : i32
        %add3A_1444 = arith.addi %add3A_1321, %add3A_1443 : i32
        %mul3A_1445 = arith.constant 8 : i32
        %mul3A_1446 = vector.broadcast %mul3A_1445 : i32 to vector<16xi32>
        %mul3A_1447 = arith.muli %mul3A_1446, %iota3A : vector<16xi32>
        %add3A_1448 = vector.broadcast %add3A_1444 : i32 to vector<16xi32>
        %add3A_1449 = arith.addi %add3A_1448, %mul3A_1447 : vector<16xi32>
        %swap3A_1450 = arith.constant 1 : i32
        %swap3A_1451 = arith.index_cast %swap3A_1450 : i32 to index
        %swap3A_1452 = arith.constant 176 : index
        %swap3A_1453 = tpu.vector_load %arg6[%swap3A_1451, %swap3A_1452] {strides = array<i32>} : memref<2x384xi32, #tpu.memory_space<vmem>>, vector<16xi32>,
        tpu.vector_store %arg6[%swap3A_1451, %swap3A_1452], %add3A_1449 {strides = array<i32>} : memref<2x384xi32, #tpu.memory_space<vmem>>, vector<16xi32>,
        %add3A_1454 = arith.constant 1536 : i32
        %add3A_1455 = arith.addi %add3A_1321, %add3A_1454 : i32
        %mul3A_1456 = arith.constant 8 : i32
        %mul3A_1457 = vector.broadcast %mul3A_1456 : i32 to vector<16xi32>
        %mul3A_1458 = arith.muli %mul3A_1457, %iota3A : vector<16xi32>
        %add3A_1459 = vector.broadcast %add3A_1455 : i32 to vector<16xi32>
        %add3A_1460 = arith.addi %add3A_1459, %mul3A_1458 : vector<16xi32>
        %swap3A_1461 = arith.constant 1 : i32
        %swap3A_1462 = arith.index_cast %swap3A_1461 : i32 to index
        %swap3A_1463 = arith.constant 192 : index
        %swap3A_1464 = tpu.vector_load %arg6[%swap3A_1462, %swap3A_1463] {strides = array<i32>} : memref<2x384xi32, #tpu.memory_space<vmem>>, vector<16xi32>,
        tpu.vector_store %arg6[%swap3A_1462, %swap3A_1463], %add3A_1460 {strides = array<i32>} : memref<2x384xi32, #tpu.memory_space<vmem>>, vector<16xi32>,
        %add3A_1465 = arith.constant 1664 : i32
        %add3A_1466 = arith.addi %add3A_1321, %add3A_1465 : i32
        %mul3A_1467 = arith.constant 8 : i32
        %mul3A_1468 = vector.broadcast %mul3A_1467 : i32 to vector<16xi32>
        %mul3A_1469 = arith.muli %mul3A_1468, %iota3A : vector<16xi32>
        %add3A_1470 = vector.broadcast %add3A_1466 : i32 to vector<16xi32>
        %add3A_1471 = arith.addi %add3A_1470, %mul3A_1469 : vector<16xi32>
        %swap3A_1472 = arith.constant 1 : i32
        %swap3A_1473 = arith.index_cast %swap3A_1472 : i32 to index
        %swap3A_1474 = arith.constant 208 : index
        %swap3A_1475 = tpu.vector_load %arg6[%swap3A_1473, %swap3A_1474] {strides = array<i32>} : memref<2x384xi32, #tpu.memory_space<vmem>>, vector<16xi32>,
        tpu.vector_store %arg6[%swap3A_1473, %swap3A_1474], %add3A_1471 {strides = array<i32>} : memref<2x384xi32, #tpu.memory_space<vmem>>, vector<16xi32>,
        %add3A_1476 = arith.constant 1792 : i32
        %add3A_1477 = arith.addi %add3A_1321, %add3A_1476 : i32
        %mul3A_1478 = arith.constant 8 : i32
        %mul3A_1479 = vector.broadcast %mul3A_1478 : i32 to vector<16xi32>
        %mul3A_1480 = arith.muli %mul3A_1479, %iota3A : vector<16xi32>
        %add3A_1481 = vector.broadcast %add3A_1477 : i32 to vector<16xi32>
        %add3A_1482 = arith.addi %add3A_1481, %mul3A_1480 : vector<16xi32>
        %swap3A_1483 = arith.constant 1 : i32
        %swap3A_1484 = arith.index_cast %swap3A_1483 : i32 to index
        %swap3A_1485 = arith.constant 224 : index
        %swap3A_1486 = tpu.vector_load %arg6[%swap3A_1484, %swap3A_1485] {strides = array<i32>} : memref<2x384xi32, #tpu.memory_space<vmem>>, vector<16xi32>,
        tpu.vector_store %arg6[%swap3A_1484, %swap3A_1485], %add3A_1482 {strides = array<i32>} : memref<2x384xi32, #tpu.memory_space<vmem>>, vector<16xi32>,
        %add3A_1487 = arith.constant 1920 : i32
        %add3A_1488 = arith.addi %add3A_1321, %add3A_1487 : i32
        %mul3A_1489 = arith.constant 8 : i32
        %mul3A_1490 = vector.broadcast %mul3A_1489 : i32 to vector<16xi32>
        %mul3A_1491 = arith.muli %mul3A_1490, %iota3A : vector<16xi32>
        %add3A_1492 = vector.broadcast %add3A_1488 : i32 to vector<16xi32>
        %add3A_1493 = arith.addi %add3A_1492, %mul3A_1491 : vector<16xi32>
        %swap3A_1494 = arith.constant 1 : i32
        %swap3A_1495 = arith.index_cast %swap3A_1494 : i32 to index
        %swap3A_1496 = arith.constant 240 : index
        %swap3A_1497 = tpu.vector_load %arg6[%swap3A_1495, %swap3A_1496] {strides = array<i32>} : memref<2x384xi32, #tpu.memory_space<vmem>>, vector<16xi32>,
        tpu.vector_store %arg6[%swap3A_1495, %swap3A_1496], %add3A_1493 {strides = array<i32>} : memref<2x384xi32, #tpu.memory_space<vmem>>, vector<16xi32>,
        %add3A_1498 = arith.constant 2048 : i32
        %add3A_1499 = arith.addi %add3A_1321, %add3A_1498 : i32
        %mul3A_1500 = arith.constant 8 : i32
        %mul3A_1501 = vector.broadcast %mul3A_1500 : i32 to vector<16xi32>
        %mul3A_1502 = arith.muli %mul3A_1501, %iota3A : vector<16xi32>
        %add3A_1503 = vector.broadcast %add3A_1499 : i32 to vector<16xi32>
        %add3A_1504 = arith.addi %add3A_1503, %mul3A_1502 : vector<16xi32>
        %swap3A_1505 = arith.constant 1 : i32
        %swap3A_1506 = arith.index_cast %swap3A_1505 : i32 to index
        %swap3A_1507 = arith.constant 256 : index
        %swap3A_1508 = tpu.vector_load %arg6[%swap3A_1506, %swap3A_1507] {strides = array<i32>} : memref<2x384xi32, #tpu.memory_space<vmem>>, vector<16xi32>,
        tpu.vector_store %arg6[%swap3A_1506, %swap3A_1507], %add3A_1504 {strides = array<i32>} : memref<2x384xi32, #tpu.memory_space<vmem>>, vector<16xi32>,
        %add3A_1509 = arith.constant 2176 : i32
        %add3A_1510 = arith.addi %add3A_1321, %add3A_1509 : i32
        %mul3A_1511 = arith.constant 8 : i32
        %mul3A_1512 = vector.broadcast %mul3A_1511 : i32 to vector<16xi32>
        %mul3A_1513 = arith.muli %mul3A_1512, %iota3A : vector<16xi32>
        %add3A_1514 = vector.broadcast %add3A_1510 : i32 to vector<16xi32>
        %add3A_1515 = arith.addi %add3A_1514, %mul3A_1513 : vector<16xi32>
        %swap3A_1516 = arith.constant 1 : i32
        %swap3A_1517 = arith.index_cast %swap3A_1516 : i32 to index
        %swap3A_1518 = arith.constant 272 : index
        %swap3A_1519 = tpu.vector_load %arg6[%swap3A_1517, %swap3A_1518] {strides = array<i32>} : memref<2x384xi32, #tpu.memory_space<vmem>>, vector<16xi32>,
        tpu.vector_store %arg6[%swap3A_1517, %swap3A_1518], %add3A_1515 {strides = array<i32>} : memref<2x384xi32, #tpu.memory_space<vmem>>, vector<16xi32>,
        %add3A_1520 = arith.constant 2304 : i32
        %add3A_1521 = arith.addi %add3A_1321, %add3A_1520 : i32
        %mul3A_1522 = arith.constant 8 : i32
        %mul3A_1523 = vector.broadcast %mul3A_1522 : i32 to vector<16xi32>
        %mul3A_1524 = arith.muli %mul3A_1523, %iota3A : vector<16xi32>
        %add3A_1525 = vector.broadcast %add3A_1521 : i32 to vector<16xi32>
        %add3A_1526 = arith.addi %add3A_1525, %mul3A_1524 : vector<16xi32>
        %swap3A_1527 = arith.constant 1 : i32
        %swap3A_1528 = arith.index_cast %swap3A_1527 : i32 to index
        %swap3A_1529 = arith.constant 288 : index
        %swap3A_1530 = tpu.vector_load %arg6[%swap3A_1528, %swap3A_1529] {strides = array<i32>} : memref<2x384xi32, #tpu.memory_space<vmem>>, vector<16xi32>,
        tpu.vector_store %arg6[%swap3A_1528, %swap3A_1529], %add3A_1526 {strides = array<i32>} : memref<2x384xi32, #tpu.memory_space<vmem>>, vector<16xi32>,
        %add3A_1531 = arith.constant 2432 : i32
        %add3A_1532 = arith.addi %add3A_1321, %add3A_1531 : i32
        %mul3A_1533 = arith.constant 8 : i32
        %mul3A_1534 = vector.broadcast %mul3A_1533 : i32 to vector<16xi32>
        %mul3A_1535 = arith.muli %mul3A_1534, %iota3A : vector<16xi32>
        %add3A_1536 = vector.broadcast %add3A_1532 : i32 to vector<16xi32>
        %add3A_1537 = arith.addi %add3A_1536, %mul3A_1535 : vector<16xi32>
        %swap3A_1538 = arith.constant 1 : i32
        %swap3A_1539 = arith.index_cast %swap3A_1538 : i32 to index
        %swap3A_1540 = arith.constant 304 : index
        %swap3A_1541 = tpu.vector_load %arg6[%swap3A_1539, %swap3A_1540] {strides = array<i32>} : memref<2x384xi32, #tpu.memory_space<vmem>>, vector<16xi32>,
        tpu.vector_store %arg6[%swap3A_1539, %swap3A_1540], %add3A_1537 {strides = array<i32>} : memref<2x384xi32, #tpu.memory_space<vmem>>, vector<16xi32>,
        %add3A_1542 = arith.constant 2560 : i32
        %add3A_1543 = arith.addi %add3A_1321, %add3A_1542 : i32
        %mul3A_1544 = arith.constant 8 : i32
        %mul3A_1545 = vector.broadcast %mul3A_1544 : i32 to vector<16xi32>
        %mul3A_1546 = arith.muli %mul3A_1545, %iota3A : vector<16xi32>
        %add3A_1547 = vector.broadcast %add3A_1543 : i32 to vector<16xi32>
        %add3A_1548 = arith.addi %add3A_1547, %mul3A_1546 : vector<16xi32>
        %swap3A_1549 = arith.constant 1 : i32
        %swap3A_1550 = arith.index_cast %swap3A_1549 : i32 to index
        %swap3A_1551 = arith.constant 320 : index
        %swap3A_1552 = tpu.vector_load %arg6[%swap3A_1550, %swap3A_1551] {strides = array<i32>} : memref<2x384xi32, #tpu.memory_space<vmem>>, vector<16xi32>,
        tpu.vector_store %arg6[%swap3A_1550, %swap3A_1551], %add3A_1548 {strides = array<i32>} : memref<2x384xi32, #tpu.memory_space<vmem>>, vector<16xi32>,
        %add3A_1553 = arith.constant 2688 : i32
        %add3A_1554 = arith.addi %add3A_1321, %add3A_1553 : i32
        %mul3A_1555 = arith.constant 8 : i32
        %mul3A_1556 = vector.broadcast %mul3A_1555 : i32 to vector<16xi32>
        %mul3A_1557 = arith.muli %mul3A_1556, %iota3A : vector<16xi32>
        %add3A_1558 = vector.broadcast %add3A_1554 : i32 to vector<16xi32>
        %add3A_1559 = arith.addi %add3A_1558, %mul3A_1557 : vector<16xi32>
        %swap3A_1560 = arith.constant 1 : i32
        %swap3A_1561 = arith.index_cast %swap3A_1560 : i32 to index
        %swap3A_1562 = arith.constant 336 : index
        %swap3A_1563 = tpu.vector_load %arg6[%swap3A_1561, %swap3A_1562] {strides = array<i32>} : memref<2x384xi32, #tpu.memory_space<vmem>>, vector<16xi32>,
        tpu.vector_store %arg6[%swap3A_1561, %swap3A_1562], %add3A_1559 {strides = array<i32>} : memref<2x384xi32, #tpu.memory_space<vmem>>, vector<16xi32>,
        %add3A_1564 = arith.constant 2816 : i32
        %add3A_1565 = arith.addi %add3A_1321, %add3A_1564 : i32
        %mul3A_1566 = arith.constant 8 : i32
        %mul3A_1567 = vector.broadcast %mul3A_1566 : i32 to vector<16xi32>
        %mul3A_1568 = arith.muli %mul3A_1567, %iota3A : vector<16xi32>
        %add3A_1569 = vector.broadcast %add3A_1565 : i32 to vector<16xi32>
        %add3A_1570 = arith.addi %add3A_1569, %mul3A_1568 : vector<16xi32>
        %swap3A_1571 = arith.constant 1 : i32
        %swap3A_1572 = arith.index_cast %swap3A_1571 : i32 to index
        %swap3A_1573 = arith.constant 352 : index
        %swap3A_1574 = tpu.vector_load %arg6[%swap3A_1572, %swap3A_1573] {strides = array<i32>} : memref<2x384xi32, #tpu.memory_space<vmem>>, vector<16xi32>,
        tpu.vector_store %arg6[%swap3A_1572, %swap3A_1573], %add3A_1570 {strides = array<i32>} : memref<2x384xi32, #tpu.memory_space<vmem>>, vector<16xi32>,
        %add3A_1575 = arith.constant 2944 : i32
        %add3A_1576 = arith.addi %add3A_1321, %add3A_1575 : i32
        %mul3A_1577 = arith.constant 8 : i32
        %mul3A_1578 = vector.broadcast %mul3A_1577 : i32 to vector<16xi32>
        %mul3A_1579 = arith.muli %mul3A_1578, %iota3A : vector<16xi32>
        %add3A_1580 = vector.broadcast %add3A_1576 : i32 to vector<16xi32>
        %add3A_1581 = arith.addi %add3A_1580, %mul3A_1579 : vector<16xi32>
        %swap3A_1582 = arith.constant 1 : i32
        %swap3A_1583 = arith.index_cast %swap3A_1582 : i32 to index
        %swap3A_1584 = arith.constant 368 : index
        %swap3A_1585 = tpu.vector_load %arg6[%swap3A_1583, %swap3A_1584] {strides = array<i32>} : memref<2x384xi32, #tpu.memory_space<vmem>>, vector<16xi32>,
        tpu.vector_store %arg6[%swap3A_1583, %swap3A_1584], %add3A_1581 {strides = array<i32>} : memref<2x384xi32, #tpu.memory_space<vmem>>, vector<16xi32>,
        %dma_start3A_1586 = arith.constant 1 : i32
        %dma_start3A_1587 = arith.constant 1 : i32
        %dma_start3A_1588 = arith.constant 1 : i32
        %dma_start3A_1589 = arith.constant 0 : i32
        %dma_start3A_1590 = arith.constant 0 : i32
        %dma_start3A_1591 = tpu.memref_slice %arg5[%dma_start3A_1587, %dma_start3A_1589, %dma_start3A_1590] : memref<2x313x128xf32, #tpu.memory_space<vmem>> -> memref<1x64x128xf32, #tpu.memory_space<vmem>>
        %dma_start3A_1592 = tpu.memref_squeeze %dma_start3A_1591 : memref<1x64x128xf32, #tpu.memory_space<vmem>> -> memref<64x128xf32, #tpu.memory_space<vmem>>
        %dma_start3A_1593 = arith.constant 0 : i32
        %dma_start3A_1594 = tpu.memref_slice %arg6[%dma_start3A_1586, %dma_start3A_1593] : memref<2x384xi32, #tpu.memory_space<vmem>> -> memref<1x64xi32, #tpu.memory_space<vmem>>
        %dma_start3A_1595 = tpu.memref_squeeze %dma_start3A_1594 : memref<1x64xi32, #tpu.memory_space<vmem>> -> memref<64xi32, #tpu.memory_space<vmem>>
        %dma_start3A_1596 = arith.constant 0 : i32
        %dma_start3A_1597 = arith.constant 0 : i32
        %dma_start3A_1598 = tpu.memref_slice %arg2[%dma_start3A_1596, %dma_start3A_1597] : memref<520000x128xf32, #tpu.memory_space<hbm>> -> memref<520000x128xf32, #tpu.memory_space<hbm>>
        %dma_start3A_1599 = tpu.memref_slice %arg9[%dma_start3A_1588] : memref<2x!tpu.dma_semaphore, #tpu.memory_space<semaphore_mem>> -> memref<1x!tpu.dma_semaphore, #tpu.memory_space<semaphore_mem>>
        %dma_start3A_1600 = tpu.memref_squeeze %dma_start3A_1599 : memref<1x!tpu.dma_semaphore, #tpu.memory_space<semaphore_mem>> -> memref<!tpu.dma_semaphore, #tpu.memory_space<semaphore_mem>>
        tpu.enqueue_indirect_dma source(%dma_start3A_1598 : memref<520000x128xf32, #tpu.memory_space<hbm>>) target(%dma_start3A_1592 : memref<64x128xf32, #tpu.memory_space<vmem>>) offsets(%dma_start3A_1595 : memref<64xi32, #tpu.memory_space<vmem>>) semaphore(%dma_start3A_1600 : memref<!tpu.dma_semaphore, #tpu.memory_space<semaphore_mem>>)
        %dma_start3A_1601 = arith.constant 1 : i32
        %dma_start3A_1602 = arith.constant 1 : i32
        %dma_start3A_1603 = arith.constant 1 : i32
        %dma_start3A_1604 = arith.constant 64 : i32
        %dma_start3A_1605 = arith.constant 0 : i32
        %dma_start3A_1606 = tpu.memref_slice %arg5[%dma_start3A_1602, %dma_start3A_1604, %dma_start3A_1605] : memref<2x313x128xf32, #tpu.memory_space<vmem>> -> memref<1x64x128xf32, #tpu.memory_space<vmem>>
        %dma_start3A_1607 = tpu.memref_squeeze %dma_start3A_1606 : memref<1x64x128xf32, #tpu.memory_space<vmem>> -> memref<64x128xf32, #tpu.memory_space<vmem>>
        %dma_start3A_1608 = arith.constant 64 : i32
        %dma_start3A_1609 = tpu.memref_slice %arg6[%dma_start3A_1601, %dma_start3A_1608] : memref<2x384xi32, #tpu.memory_space<vmem>> -> memref<1x64xi32, #tpu.memory_space<vmem>>
        %dma_start3A_1610 = tpu.memref_squeeze %dma_start3A_1609 : memref<1x64xi32, #tpu.memory_space<vmem>> -> memref<64xi32, #tpu.memory_space<vmem>>
        %dma_start3A_1611 = arith.constant 0 : i32
        %dma_start3A_1612 = arith.constant 0 : i32
        %dma_start3A_1613 = tpu.memref_slice %arg2[%dma_start3A_1611, %dma_start3A_1612] : memref<520000x128xf32, #tpu.memory_space<hbm>> -> memref<520000x128xf32, #tpu.memory_space<hbm>>
        %dma_start3A_1614 = tpu.memref_slice %arg9[%dma_start3A_1603] : memref<2x!tpu.dma_semaphore, #tpu.memory_space<semaphore_mem>> -> memref<1x!tpu.dma_semaphore, #tpu.memory_space<semaphore_mem>>
        %dma_start3A_1615 = tpu.memref_squeeze %dma_start3A_1614 : memref<1x!tpu.dma_semaphore, #tpu.memory_space<semaphore_mem>> -> memref<!tpu.dma_semaphore, #tpu.memory_space<semaphore_mem>>
        tpu.enqueue_indirect_dma source(%dma_start3A_1613 : memref<520000x128xf32, #tpu.memory_space<hbm>>) target(%dma_start3A_1607 : memref<64x128xf32, #tpu.memory_space<vmem>>) offsets(%dma_start3A_1610 : memref<64xi32, #tpu.memory_space<vmem>>) semaphore(%dma_start3A_1615 : memref<!tpu.dma_semaphore, #tpu.memory_space<semaphore_mem>>)
        %dma_start3A_1616 = arith.constant 1 : i32
        %dma_start3A_1617 = arith.constant 1 : i32
        %dma_start3A_1618 = arith.constant 1 : i32
        %dma_start3A_1619 = arith.constant 128 : i32
        %dma_start3A_1620 = arith.constant 0 : i32
        %dma_start3A_1621 = tpu.memref_slice %arg5[%dma_start3A_1617, %dma_start3A_1619, %dma_start3A_1620] : memref<2x313x128xf32, #tpu.memory_space<vmem>> -> memref<1x64x128xf32, #tpu.memory_space<vmem>>
        %dma_start3A_1622 = tpu.memref_squeeze %dma_start3A_1621 : memref<1x64x128xf32, #tpu.memory_space<vmem>> -> memref<64x128xf32, #tpu.memory_space<vmem>>
        %dma_start3A_1623 = arith.constant 128 : i32
        %dma_start3A_1624 = tpu.memref_slice %arg6[%dma_start3A_1616, %dma_start3A_1623] : memref<2x384xi32, #tpu.memory_space<vmem>> -> memref<1x64xi32, #tpu.memory_space<vmem>>
        %dma_start3A_1625 = tpu.memref_squeeze %dma_start3A_1624 : memref<1x64xi32, #tpu.memory_space<vmem>> -> memref<64xi32, #tpu.memory_space<vmem>>
        %dma_start3A_1626 = arith.constant 0 : i32
        %dma_start3A_1627 = arith.constant 0 : i32
        %dma_start3A_1628 = tpu.memref_slice %arg2[%dma_start3A_1626, %dma_start3A_1627] : memref<520000x128xf32, #tpu.memory_space<hbm>> -> memref<520000x128xf32, #tpu.memory_space<hbm>>
        %dma_start3A_1629 = tpu.memref_slice %arg9[%dma_start3A_1618] : memref<2x!tpu.dma_semaphore, #tpu.memory_space<semaphore_mem>> -> memref<1x!tpu.dma_semaphore, #tpu.memory_space<semaphore_mem>>
        %dma_start3A_1630 = tpu.memref_squeeze %dma_start3A_1629 : memref<1x!tpu.dma_semaphore, #tpu.memory_space<semaphore_mem>> -> memref<!tpu.dma_semaphore, #tpu.memory_space<semaphore_mem>>
        tpu.enqueue_indirect_dma source(%dma_start3A_1628 : memref<520000x128xf32, #tpu.memory_space<hbm>>) target(%dma_start3A_1622 : memref<64x128xf32, #tpu.memory_space<vmem>>) offsets(%dma_start3A_1625 : memref<64xi32, #tpu.memory_space<vmem>>) semaphore(%dma_start3A_1630 : memref<!tpu.dma_semaphore, #tpu.memory_space<semaphore_mem>>)
        %dma_start3A_1631 = arith.constant 1 : i32
        %dma_start3A_1632 = arith.constant 1 : i32
        %dma_start3A_1633 = arith.constant 1 : i32
        %dma_start3A_1634 = arith.constant 192 : i32
        %dma_start3A_1635 = arith.constant 0 : i32
        %dma_start3A_1636 = tpu.memref_slice %arg5[%dma_start3A_1632, %dma_start3A_1634, %dma_start3A_1635] : memref<2x313x128xf32, #tpu.memory_space<vmem>> -> memref<1x64x128xf32, #tpu.memory_space<vmem>>
        %dma_start3A_1637 = tpu.memref_squeeze %dma_start3A_1636 : memref<1x64x128xf32, #tpu.memory_space<vmem>> -> memref<64x128xf32, #tpu.memory_space<vmem>>
        %dma_start3A_1638 = arith.constant 192 : i32
        %dma_start3A_1639 = tpu.memref_slice %arg6[%dma_start3A_1631, %dma_start3A_1638] : memref<2x384xi32, #tpu.memory_space<vmem>> -> memref<1x64xi32, #tpu.memory_space<vmem>>
        %dma_start3A_1640 = tpu.memref_squeeze %dma_start3A_1639 : memref<1x64xi32, #tpu.memory_space<vmem>> -> memref<64xi32, #tpu.memory_space<vmem>>
        %dma_start3A_1641 = arith.constant 0 : i32
        %dma_start3A_1642 = arith.constant 0 : i32
        %dma_start3A_1643 = tpu.memref_slice %arg2[%dma_start3A_1641, %dma_start3A_1642] : memref<520000x128xf32, #tpu.memory_space<hbm>> -> memref<520000x128xf32, #tpu.memory_space<hbm>>
        %dma_start3A_1644 = tpu.memref_slice %arg9[%dma_start3A_1633] : memref<2x!tpu.dma_semaphore, #tpu.memory_space<semaphore_mem>> -> memref<1x!tpu.dma_semaphore, #tpu.memory_space<semaphore_mem>>
        %dma_start3A_1645 = tpu.memref_squeeze %dma_start3A_1644 : memref<1x!tpu.dma_semaphore, #tpu.memory_space<semaphore_mem>> -> memref<!tpu.dma_semaphore, #tpu.memory_space<semaphore_mem>>
        tpu.enqueue_indirect_dma source(%dma_start3A_1643 : memref<520000x128xf32, #tpu.memory_space<hbm>>) target(%dma_start3A_1637 : memref<64x128xf32, #tpu.memory_space<vmem>>) offsets(%dma_start3A_1640 : memref<64xi32, #tpu.memory_space<vmem>>) semaphore(%dma_start3A_1645 : memref<!tpu.dma_semaphore, #tpu.memory_space<semaphore_mem>>)
        %dma_start3A_1646 = arith.constant 1 : i32
        %dma_start3A_1647 = arith.constant 1 : i32
        %dma_start3A_1648 = arith.constant 1 : i32
        %dma_start3A_1649 = arith.constant 256 : i32
        %dma_start3A_1650 = arith.constant 0 : i32
        %dma_start3A_1651 = tpu.memref_slice %arg5[%dma_start3A_1647, %dma_start3A_1649, %dma_start3A_1650] : memref<2x313x128xf32, #tpu.memory_space<vmem>> -> memref<1x57x128xf32, #tpu.memory_space<vmem>>
        %dma_start3A_1652 = tpu.memref_squeeze %dma_start3A_1651 : memref<1x57x128xf32, #tpu.memory_space<vmem>> -> memref<57x128xf32, #tpu.memory_space<vmem>>
        %dma_start3A_1653 = arith.constant 256 : i32
        %dma_start3A_1654 = tpu.memref_slice %arg6[%dma_start3A_1646, %dma_start3A_1653] : memref<2x384xi32, #tpu.memory_space<vmem>> -> memref<1x57xi32, #tpu.memory_space<vmem>>
        %dma_start3A_1655 = tpu.memref_squeeze %dma_start3A_1654 : memref<1x57xi32, #tpu.memory_space<vmem>> -> memref<57xi32, #tpu.memory_space<vmem>>
        %dma_start3A_1656 = arith.constant 0 : i32
        %dma_start3A_1657 = arith.constant 0 : i32
        %dma_start3A_1658 = tpu.memref_slice %arg2[%dma_start3A_1656, %dma_start3A_1657] : memref<520000x128xf32, #tpu.memory_space<hbm>> -> memref<520000x128xf32, #tpu.memory_space<hbm>>
        %dma_start3A_1659 = tpu.memref_slice %arg9[%dma_start3A_1648] : memref<2x!tpu.dma_semaphore, #tpu.memory_space<semaphore_mem>> -> memref<1x!tpu.dma_semaphore, #tpu.memory_space<semaphore_mem>>
        %dma_start3A_1660 = tpu.memref_squeeze %dma_start3A_1659 : memref<1x!tpu.dma_semaphore, #tpu.memory_space<semaphore_mem>> -> memref<!tpu.dma_semaphore, #tpu.memory_space<semaphore_mem>>
        tpu.enqueue_indirect_dma source(%dma_start3A_1658 : memref<520000x128xf32, #tpu.memory_space<hbm>>) target(%dma_start3A_1652 : memref<57x128xf32, #tpu.memory_space<vmem>>) offsets(%dma_start3A_1655 : memref<57xi32, #tpu.memory_space<vmem>>) semaphore(%dma_start3A_1660 : memref<!tpu.dma_semaphore, #tpu.memory_space<semaphore_mem>>)
        %dma_wait3A_1661 = arith.constant 0 : i32
        %dma_wait3A_1662 = arith.constant 0 : i32
        %dma_wait3A_1663 = arith.constant 0 : i32
        %dma_wait3A_1664 = arith.constant 0 : i32
        %dma_wait3A_1665 = arith.constant 0 : i32
        %dma_wait3A_1666 = tpu.memref_slice %arg5[%dma_wait3A_1662, %dma_wait3A_1664, %dma_wait3A_1665] : memref<2x313x128xf32, #tpu.memory_space<vmem>> -> memref<1x64x128xf32, #tpu.memory_space<vmem>>
        %dma_wait3A_1667 = tpu.memref_squeeze %dma_wait3A_1666 : memref<1x64x128xf32, #tpu.memory_space<vmem>> -> memref<64x128xf32, #tpu.memory_space<vmem>>
        %dma_wait3A_1668 = arith.constant 0 : i32
        %dma_wait3A_1669 = tpu.memref_slice %arg6[%dma_wait3A_1661, %dma_wait3A_1668] : memref<2x384xi32, #tpu.memory_space<vmem>> -> memref<1x64xi32, #tpu.memory_space<vmem>>
        %dma_wait3A_1670 = tpu.memref_squeeze %dma_wait3A_1669 : memref<1x64xi32, #tpu.memory_space<vmem>> -> memref<64xi32, #tpu.memory_space<vmem>>
        %dma_wait3A_1671 = arith.constant 0 : i32
        %dma_wait3A_1672 = arith.constant 0 : i32
        %dma_wait3A_1673 = tpu.memref_slice %arg2[%dma_wait3A_1671, %dma_wait3A_1672] : memref<520000x128xf32, #tpu.memory_space<hbm>> -> memref<520000x128xf32, #tpu.memory_space<hbm>>
        %dma_wait3A_1674 = tpu.memref_slice %arg9[%dma_wait3A_1663] : memref<2x!tpu.dma_semaphore, #tpu.memory_space<semaphore_mem>> -> memref<1x!tpu.dma_semaphore, #tpu.memory_space<semaphore_mem>>
        %dma_wait3A_1675 = tpu.memref_squeeze %dma_wait3A_1674 : memref<1x!tpu.dma_semaphore, #tpu.memory_space<semaphore_mem>> -> memref<!tpu.dma_semaphore, #tpu.memory_space<semaphore_mem>>
        tpu.wait_indirect_dma semaphore(%dma_wait3A_1675 : memref<!tpu.dma_semaphore, #tpu.memory_space<semaphore_mem>>) src(%dma_wait3A_1673 : memref<520000x128xf32, #tpu.memory_space<hbm>>) dst(%dma_wait3A_1667 : memref<64x128xf32, #tpu.memory_space<vmem>>)
        %dma_wait3A_1676 = arith.constant 0 : i32
        %dma_wait3A_1677 = arith.constant 0 : i32
        %dma_wait3A_1678 = arith.constant 0 : i32
        %dma_wait3A_1679 = arith.constant 64 : i32
        %dma_wait3A_1680 = arith.constant 0 : i32
        %dma_wait3A_1681 = tpu.memref_slice %arg5[%dma_wait3A_1677, %dma_wait3A_1679, %dma_wait3A_1680] : memref<2x313x128xf32, #tpu.memory_space<vmem>> -> memref<1x64x128xf32, #tpu.memory_space<vmem>>
        %dma_wait3A_1682 = tpu.memref_squeeze %dma_wait3A_1681 : memref<1x64x128xf32, #tpu.memory_space<vmem>> -> memref<64x128xf32, #tpu.memory_space<vmem>>
        %dma_wait3A_1683 = arith.constant 64 : i32
        %dma_wait3A_1684 = tpu.memref_slice %arg6[%dma_wait3A_1676, %dma_wait3A_1683] : memref<2x384xi32, #tpu.memory_space<vmem>> -> memref<1x64xi32, #tpu.memory_space<vmem>>
        %dma_wait3A_1685 = tpu.memref_squeeze %dma_wait3A_1684 : memref<1x64xi32, #tpu.memory_space<vmem>> -> memref<64xi32, #tpu.memory_space<vmem>>
        %dma_wait3A_1686 = arith.constant 0 : i32
        %dma_wait3A_1687 = arith.constant 0 : i32
        %dma_wait3A_1688 = tpu.memref_slice %arg2[%dma_wait3A_1686, %dma_wait3A_1687] : memref<520000x128xf32, #tpu.memory_space<hbm>> -> memref<520000x128xf32, #tpu.memory_space<hbm>>
        %dma_wait3A_1689 = tpu.memref_slice %arg9[%dma_wait3A_1678] : memref<2x!tpu.dma_semaphore, #tpu.memory_space<semaphore_mem>> -> memref<1x!tpu.dma_semaphore, #tpu.memory_space<semaphore_mem>>
        %dma_wait3A_1690 = tpu.memref_squeeze %dma_wait3A_1689 : memref<1x!tpu.dma_semaphore, #tpu.memory_space<semaphore_mem>> -> memref<!tpu.dma_semaphore, #tpu.memory_space<semaphore_mem>>
        tpu.wait_indirect_dma semaphore(%dma_wait3A_1690 : memref<!tpu.dma_semaphore, #tpu.memory_space<semaphore_mem>>) src(%dma_wait3A_1688 : memref<520000x128xf32, #tpu.memory_space<hbm>>) dst(%dma_wait3A_1682 : memref<64x128xf32, #tpu.memory_space<vmem>>)
        %dma_wait3A_1691 = arith.constant 0 : i32
        %dma_wait3A_1692 = arith.constant 0 : i32
        %dma_wait3A_1693 = arith.constant 0 : i32
        %dma_wait3A_1694 = arith.constant 128 : i32
        %dma_wait3A_1695 = arith.constant 0 : i32
        %dma_wait3A_1696 = tpu.memref_slice %arg5[%dma_wait3A_1692, %dma_wait3A_1694, %dma_wait3A_1695] : memref<2x313x128xf32, #tpu.memory_space<vmem>> -> memref<1x64x128xf32, #tpu.memory_space<vmem>>
        %dma_wait3A_1697 = tpu.memref_squeeze %dma_wait3A_1696 : memref<1x64x128xf32, #tpu.memory_space<vmem>> -> memref<64x128xf32, #tpu.memory_space<vmem>>
        %dma_wait3A_1698 = arith.constant 128 : i32
        %dma_wait3A_1699 = tpu.memref_slice %arg6[%dma_wait3A_1691, %dma_wait3A_1698] : memref<2x384xi32, #tpu.memory_space<vmem>> -> memref<1x64xi32, #tpu.memory_space<vmem>>
        %dma_wait3A_1700 = tpu.memref_squeeze %dma_wait3A_1699 : memref<1x64xi32, #tpu.memory_space<vmem>> -> memref<64xi32, #tpu.memory_space<vmem>>
        %dma_wait3A_1701 = arith.constant 0 : i32
        %dma_wait3A_1702 = arith.constant 0 : i32
        %dma_wait3A_1703 = tpu.memref_slice %arg2[%dma_wait3A_1701, %dma_wait3A_1702] : memref<520000x128xf32, #tpu.memory_space<hbm>> -> memref<520000x128xf32, #tpu.memory_space<hbm>>
        %dma_wait3A_1704 = tpu.memref_slice %arg9[%dma_wait3A_1693] : memref<2x!tpu.dma_semaphore, #tpu.memory_space<semaphore_mem>> -> memref<1x!tpu.dma_semaphore, #tpu.memory_space<semaphore_mem>>
        %dma_wait3A_1705 = tpu.memref_squeeze %dma_wait3A_1704 : memref<1x!tpu.dma_semaphore, #tpu.memory_space<semaphore_mem>> -> memref<!tpu.dma_semaphore, #tpu.memory_space<semaphore_mem>>
        tpu.wait_indirect_dma semaphore(%dma_wait3A_1705 : memref<!tpu.dma_semaphore, #tpu.memory_space<semaphore_mem>>) src(%dma_wait3A_1703 : memref<520000x128xf32, #tpu.memory_space<hbm>>) dst(%dma_wait3A_1697 : memref<64x128xf32, #tpu.memory_space<vmem>>)
        %dma_wait3A_1706 = arith.constant 0 : i32
        %dma_wait3A_1707 = arith.constant 0 : i32
        %dma_wait3A_1708 = arith.constant 0 : i32
        %dma_wait3A_1709 = arith.constant 192 : i32
        %dma_wait3A_1710 = arith.constant 0 : i32
        %dma_wait3A_1711 = tpu.memref_slice %arg5[%dma_wait3A_1707, %dma_wait3A_1709, %dma_wait3A_1710] : memref<2x313x128xf32, #tpu.memory_space<vmem>> -> memref<1x64x128xf32, #tpu.memory_space<vmem>>
        %dma_wait3A_1712 = tpu.memref_squeeze %dma_wait3A_1711 : memref<1x64x128xf32, #tpu.memory_space<vmem>> -> memref<64x128xf32, #tpu.memory_space<vmem>>
        %dma_wait3A_1713 = arith.constant 192 : i32
        %dma_wait3A_1714 = tpu.memref_slice %arg6[%dma_wait3A_1706, %dma_wait3A_1713] : memref<2x384xi32, #tpu.memory_space<vmem>> -> memref<1x64xi32, #tpu.memory_space<vmem>>
        %dma_wait3A_1715 = tpu.memref_squeeze %dma_wait3A_1714 : memref<1x64xi32, #tpu.memory_space<vmem>> -> memref<64xi32, #tpu.memory_space<vmem>>
        %dma_wait3A_1716 = arith.constant 0 : i32
        %dma_wait3A_1717 = arith.constant 0 : i32
        %dma_wait3A_1718 = tpu.memref_slice %arg2[%dma_wait3A_1716, %dma_wait3A_1717] : memref<520000x128xf32, #tpu.memory_space<hbm>> -> memref<520000x128xf32, #tpu.memory_space<hbm>>
        %dma_wait3A_1719 = tpu.memref_slice %arg9[%dma_wait3A_1708] : memref<2x!tpu.dma_semaphore, #tpu.memory_space<semaphore_mem>> -> memref<1x!tpu.dma_semaphore, #tpu.memory_space<semaphore_mem>>
        %dma_wait3A_1720 = tpu.memref_squeeze %dma_wait3A_1719 : memref<1x!tpu.dma_semaphore, #tpu.memory_space<semaphore_mem>> -> memref<!tpu.dma_semaphore, #tpu.memory_space<semaphore_mem>>
        tpu.wait_indirect_dma semaphore(%dma_wait3A_1720 : memref<!tpu.dma_semaphore, #tpu.memory_space<semaphore_mem>>) src(%dma_wait3A_1718 : memref<520000x128xf32, #tpu.memory_space<hbm>>) dst(%dma_wait3A_1712 : memref<64x128xf32, #tpu.memory_space<vmem>>)
        %dma_wait3A_1721 = arith.constant 0 : i32
        %dma_wait3A_1722 = arith.constant 0 : i32
        %dma_wait3A_1723 = arith.constant 0 : i32
        %dma_wait3A_1724 = arith.constant 256 : i32
        %dma_wait3A_1725 = arith.constant 0 : i32
        %dma_wait3A_1726 = tpu.memref_slice %arg5[%dma_wait3A_1722, %dma_wait3A_1724, %dma_wait3A_1725] : memref<2x313x128xf32, #tpu.memory_space<vmem>> -> memref<1x57x128xf32, #tpu.memory_space<vmem>>
        %dma_wait3A_1727 = tpu.memref_squeeze %dma_wait3A_1726 : memref<1x57x128xf32, #tpu.memory_space<vmem>> -> memref<57x128xf32, #tpu.memory_space<vmem>>
        %dma_wait3A_1728 = arith.constant 256 : i32
        %dma_wait3A_1729 = tpu.memref_slice %arg6[%dma_wait3A_1721, %dma_wait3A_1728] : memref<2x384xi32, #tpu.memory_space<vmem>> -> memref<1x57xi32, #tpu.memory_space<vmem>>
        %dma_wait3A_1730 = tpu.memref_squeeze %dma_wait3A_1729 : memref<1x57xi32, #tpu.memory_space<vmem>> -> memref<57xi32, #tpu.memory_space<vmem>>
        %dma_wait3A_1731 = arith.constant 0 : i32
        %dma_wait3A_1732 = arith.constant 0 : i32
        %dma_wait3A_1733 = tpu.memref_slice %arg2[%dma_wait3A_1731, %dma_wait3A_1732] : memref<520000x128xf32, #tpu.memory_space<hbm>> -> memref<520000x128xf32, #tpu.memory_space<hbm>>
        %dma_wait3A_1734 = tpu.memref_slice %arg9[%dma_wait3A_1723] : memref<2x!tpu.dma_semaphore, #tpu.memory_space<semaphore_mem>> -> memref<1x!tpu.dma_semaphore, #tpu.memory_space<semaphore_mem>>
        %dma_wait3A_1735 = tpu.memref_squeeze %dma_wait3A_1734 : memref<1x!tpu.dma_semaphore, #tpu.memory_space<semaphore_mem>> -> memref<!tpu.dma_semaphore, #tpu.memory_space<semaphore_mem>>
        tpu.wait_indirect_dma semaphore(%dma_wait3A_1735 : memref<!tpu.dma_semaphore, #tpu.memory_space<semaphore_mem>>) src(%dma_wait3A_1733 : memref<520000x128xf32, #tpu.memory_space<hbm>>) dst(%dma_wait3A_1727 : memref<57x128xf32, #tpu.memory_space<vmem>>)
        %parallel_loop3A_1736 = arith.constant 0 : i32
        %parallel_loop3A_1737 = arith.constant 4096 : i32
        %parallel_loop3A_1738 = arith.constant 16 : i32
        scf.for %parallel_loop3A_3635 = %parallel_loop3A_1736 to %parallel_loop3A_1737 step %parallel_loop3A_1738  : i32 {
          %parallel_loop3A_3636 = arith.index_cast %parallel_loop3A_3635 : i32 to index
          %parallel_loop3A_3637 = tpu.vector_load %arg7[%parallel_loop3A_3636] {strides = array<i32>} : memref<4096xi32, #tpu.memory_space<vmem>>, vector<16xi32>,
          %parallel_loop3A_3638 = vector.broadcast %mul3A_457 : i32 to vector<16xi32>
          %parallel_loop3A_3639 = arith.addi %parallel_loop3A_3637, %parallel_loop3A_3638 : vector<16xi32>
          %parallel_loop3A_3640 = arith.constant 7 : i32
          %parallel_loop3A_3641 = vector.broadcast %parallel_loop3A_3640 : i32 to vector<16xi32>
          %parallel_loop3A_3642 = arith.shrsi %parallel_loop3A_3639, %parallel_loop3A_3641 : vector<16xi32>
          %parallel_loop3A_3643 = arith.constant 127 : i32
          %parallel_loop3A_3644 = vector.broadcast %parallel_loop3A_3643 : i32 to vector<16xi32>
          %parallel_loop3A_3645 = arith.andi %parallel_loop3A_3639, %parallel_loop3A_3644 : vector<16xi32>
          %parallel_loop3A_3646 = arith.constant 0 : i32
          %parallel_loop3A_3647 = arith.constant 0 : i32
          %parallel_loop3A_3648 = arith.constant 0 : i32
          %parallel_loop3A_3649 = tpu.memref_slice %arg5[%parallel_loop3A_3646, %parallel_loop3A_3647, %parallel_loop3A_3648] : memref<2x313x128xf32, #tpu.memory_space<vmem>> -> memref<1x313x128xf32, #tpu.memory_space<vmem>>
          %parallel_loop3A_3650 = tpu.memref_squeeze %parallel_loop3A_3649 : memref<1x313x128xf32, #tpu.memory_space<vmem>> -> memref<313x128xf32, #tpu.memory_space<vmem>>
          %parallel_loop3A_3651 = tpu.vector_load_idx %parallel_loop3A_3650[%parallel_loop3A_3642, %parallel_loop3A_3645] : memref<313x128xf32, #tpu.memory_space<vmem>>[vector<16xi32>, vector<16xi32>], vector<16xf32>,
          %parallel_loop3A_3652 = arith.constant 2 : i32
          %parallel_loop3A_3653 = arith.index_cast %parallel_loop3A_3652 : i32 to index
          %parallel_loop3A_3654 = arith.index_cast %parallel_loop3A_3635 : i32 to index
          %parallel_loop3A_3655 = tpu.vector_load %arg8[%parallel_loop3A_3653, %parallel_loop3A_3654] {strides = array<i32>} : memref<8x4096xf32, #tpu.memory_space<vmem>>, vector<16xf32>,
          tpu.vector_store %arg8[%parallel_loop3A_3653, %parallel_loop3A_3654], %parallel_loop3A_3651 {strides = array<i32>} : memref<8x4096xf32, #tpu.memory_space<vmem>>, vector<16xf32>,
        } {sc.loop_unroll_factor = 8 : i64, sc.parallel_access}
        %add3A_1739 = arith.constant 3 : i32
        %add3A_1740 = arith.addi %add3A_462, %add3A_1739 : i32
        %add3A_1741 = arith.constant 1 : i32
        %add3A_1742 = arith.addi %add3A_1740, %add3A_1741 : i32
        %add3A_1743 = arith.constant 0 : i32
        %add3A_1744 = arith.addi %add3A_1742, %add3A_1743 : i32
        %mul3A_1745 = arith.constant 8 : i32
        %mul3A_1746 = vector.broadcast %mul3A_1745 : i32 to vector<16xi32>
        %mul3A_1747 = arith.muli %mul3A_1746, %iota3A : vector<16xi32>
        %add3A_1748 = vector.broadcast %add3A_1744 : i32 to vector<16xi32>
        %add3A_1749 = arith.addi %add3A_1748, %mul3A_1747 : vector<16xi32>
        %swap3A_1750 = arith.constant 0 : i32
        %swap3A_1751 = arith.index_cast %swap3A_1750 : i32 to index
        %swap3A_1752 = arith.constant 0 : index
        %swap3A_1753 = tpu.vector_load %arg6[%swap3A_1751, %swap3A_1752] {strides = array<i32>} : memref<2x384xi32, #tpu.memory_space<vmem>>, vector<16xi32>,
        tpu.vector_store %arg6[%swap3A_1751, %swap3A_1752], %add3A_1749 {strides = array<i32>} : memref<2x384xi32, #tpu.memory_space<vmem>>, vector<16xi32>,
        %add3A_1754 = arith.constant 128 : i32
        %add3A_1755 = arith.addi %add3A_1742, %add3A_1754 : i32
        %mul3A_1756 = arith.constant 8 : i32
        %mul3A_1757 = vector.broadcast %mul3A_1756 : i32 to vector<16xi32>
        %mul3A_1758 = arith.muli %mul3A_1757, %iota3A : vector<16xi32>
        %add3A_1759 = vector.broadcast %add3A_1755 : i32 to vector<16xi32>
        %add3A_1760 = arith.addi %add3A_1759, %mul3A_1758 : vector<16xi32>
        %swap3A_1761 = arith.constant 0 : i32
        %swap3A_1762 = arith.index_cast %swap3A_1761 : i32 to index
        %swap3A_1763 = arith.constant 16 : index
        %swap3A_1764 = tpu.vector_load %arg6[%swap3A_1762, %swap3A_1763] {strides = array<i32>} : memref<2x384xi32, #tpu.memory_space<vmem>>, vector<16xi32>,
        tpu.vector_store %arg6[%swap3A_1762, %swap3A_1763], %add3A_1760 {strides = array<i32>} : memref<2x384xi32, #tpu.memory_space<vmem>>, vector<16xi32>,
        %add3A_1765 = arith.constant 256 : i32
        %add3A_1766 = arith.addi %add3A_1742, %add3A_1765 : i32
        %mul3A_1767 = arith.constant 8 : i32
        %mul3A_1768 = vector.broadcast %mul3A_1767 : i32 to vector<16xi32>
        %mul3A_1769 = arith.muli %mul3A_1768, %iota3A : vector<16xi32>
        %add3A_1770 = vector.broadcast %add3A_1766 : i32 to vector<16xi32>
        %add3A_1771 = arith.addi %add3A_1770, %mul3A_1769 : vector<16xi32>
        %swap3A_1772 = arith.constant 0 : i32
        %swap3A_1773 = arith.index_cast %swap3A_1772 : i32 to index
        %swap3A_1774 = arith.constant 32 : index
        %swap3A_1775 = tpu.vector_load %arg6[%swap3A_1773, %swap3A_1774] {strides = array<i32>} : memref<2x384xi32, #tpu.memory_space<vmem>>, vector<16xi32>,
        tpu.vector_store %arg6[%swap3A_1773, %swap3A_1774], %add3A_1771 {strides = array<i32>} : memref<2x384xi32, #tpu.memory_space<vmem>>, vector<16xi32>,
        %add3A_1776 = arith.constant 384 : i32
        %add3A_1777 = arith.addi %add3A_1742, %add3A_1776 : i32
        %mul3A_1778 = arith.constant 8 : i32
        %mul3A_1779 = vector.broadcast %mul3A_1778 : i32 to vector<16xi32>
        %mul3A_1780 = arith.muli %mul3A_1779, %iota3A : vector<16xi32>
        %add3A_1781 = vector.broadcast %add3A_1777 : i32 to vector<16xi32>
        %add3A_1782 = arith.addi %add3A_1781, %mul3A_1780 : vector<16xi32>
        %swap3A_1783 = arith.constant 0 : i32
        %swap3A_1784 = arith.index_cast %swap3A_1783 : i32 to index
        %swap3A_1785 = arith.constant 48 : index
        %swap3A_1786 = tpu.vector_load %arg6[%swap3A_1784, %swap3A_1785] {strides = array<i32>} : memref<2x384xi32, #tpu.memory_space<vmem>>, vector<16xi32>,
        tpu.vector_store %arg6[%swap3A_1784, %swap3A_1785], %add3A_1782 {strides = array<i32>} : memref<2x384xi32, #tpu.memory_space<vmem>>, vector<16xi32>,
        %add3A_1787 = arith.constant 512 : i32
        %add3A_1788 = arith.addi %add3A_1742, %add3A_1787 : i32
        %mul3A_1789 = arith.constant 8 : i32
        %mul3A_1790 = vector.broadcast %mul3A_1789 : i32 to vector<16xi32>
        %mul3A_1791 = arith.muli %mul3A_1790, %iota3A : vector<16xi32>
        %add3A_1792 = vector.broadcast %add3A_1788 : i32 to vector<16xi32>
        %add3A_1793 = arith.addi %add3A_1792, %mul3A_1791 : vector<16xi32>
        %swap3A_1794 = arith.constant 0 : i32
        %swap3A_1795 = arith.index_cast %swap3A_1794 : i32 to index
        %swap3A_1796 = arith.constant 64 : index
        %swap3A_1797 = tpu.vector_load %arg6[%swap3A_1795, %swap3A_1796] {strides = array<i32>} : memref<2x384xi32, #tpu.memory_space<vmem>>, vector<16xi32>,
        tpu.vector_store %arg6[%swap3A_1795, %swap3A_1796], %add3A_1793 {strides = array<i32>} : memref<2x384xi32, #tpu.memory_space<vmem>>, vector<16xi32>,
        %add3A_1798 = arith.constant 640 : i32
        %add3A_1799 = arith.addi %add3A_1742, %add3A_1798 : i32
        %mul3A_1800 = arith.constant 8 : i32
        %mul3A_1801 = vector.broadcast %mul3A_1800 : i32 to vector<16xi32>
        %mul3A_1802 = arith.muli %mul3A_1801, %iota3A : vector<16xi32>
        %add3A_1803 = vector.broadcast %add3A_1799 : i32 to vector<16xi32>
        %add3A_1804 = arith.addi %add3A_1803, %mul3A_1802 : vector<16xi32>
        %swap3A_1805 = arith.constant 0 : i32
        %swap3A_1806 = arith.index_cast %swap3A_1805 : i32 to index
        %swap3A_1807 = arith.constant 80 : index
        %swap3A_1808 = tpu.vector_load %arg6[%swap3A_1806, %swap3A_1807] {strides = array<i32>} : memref<2x384xi32, #tpu.memory_space<vmem>>, vector<16xi32>,
        tpu.vector_store %arg6[%swap3A_1806, %swap3A_1807], %add3A_1804 {strides = array<i32>} : memref<2x384xi32, #tpu.memory_space<vmem>>, vector<16xi32>,
        %add3A_1809 = arith.constant 768 : i32
        %add3A_1810 = arith.addi %add3A_1742, %add3A_1809 : i32
        %mul3A_1811 = arith.constant 8 : i32
        %mul3A_1812 = vector.broadcast %mul3A_1811 : i32 to vector<16xi32>
        %mul3A_1813 = arith.muli %mul3A_1812, %iota3A : vector<16xi32>
        %add3A_1814 = vector.broadcast %add3A_1810 : i32 to vector<16xi32>
        %add3A_1815 = arith.addi %add3A_1814, %mul3A_1813 : vector<16xi32>
        %swap3A_1816 = arith.constant 0 : i32
        %swap3A_1817 = arith.index_cast %swap3A_1816 : i32 to index
        %swap3A_1818 = arith.constant 96 : index
        %swap3A_1819 = tpu.vector_load %arg6[%swap3A_1817, %swap3A_1818] {strides = array<i32>} : memref<2x384xi32, #tpu.memory_space<vmem>>, vector<16xi32>,
        tpu.vector_store %arg6[%swap3A_1817, %swap3A_1818], %add3A_1815 {strides = array<i32>} : memref<2x384xi32, #tpu.memory_space<vmem>>, vector<16xi32>,
        %add3A_1820 = arith.constant 896 : i32
        %add3A_1821 = arith.addi %add3A_1742, %add3A_1820 : i32
        %mul3A_1822 = arith.constant 8 : i32
        %mul3A_1823 = vector.broadcast %mul3A_1822 : i32 to vector<16xi32>
        %mul3A_1824 = arith.muli %mul3A_1823, %iota3A : vector<16xi32>
        %add3A_1825 = vector.broadcast %add3A_1821 : i32 to vector<16xi32>
        %add3A_1826 = arith.addi %add3A_1825, %mul3A_1824 : vector<16xi32>
        %swap3A_1827 = arith.constant 0 : i32
        %swap3A_1828 = arith.index_cast %swap3A_1827 : i32 to index
        %swap3A_1829 = arith.constant 112 : index
        %swap3A_1830 = tpu.vector_load %arg6[%swap3A_1828, %swap3A_1829] {strides = array<i32>} : memref<2x384xi32, #tpu.memory_space<vmem>>, vector<16xi32>,
        tpu.vector_store %arg6[%swap3A_1828, %swap3A_1829], %add3A_1826 {strides = array<i32>} : memref<2x384xi32, #tpu.memory_space<vmem>>, vector<16xi32>,
        %add3A_1831 = arith.constant 1024 : i32
        %add3A_1832 = arith.addi %add3A_1742, %add3A_1831 : i32
        %mul3A_1833 = arith.constant 8 : i32
        %mul3A_1834 = vector.broadcast %mul3A_1833 : i32 to vector<16xi32>
        %mul3A_1835 = arith.muli %mul3A_1834, %iota3A : vector<16xi32>
        %add3A_1836 = vector.broadcast %add3A_1832 : i32 to vector<16xi32>
        %add3A_1837 = arith.addi %add3A_1836, %mul3A_1835 : vector<16xi32>
        %swap3A_1838 = arith.constant 0 : i32
        %swap3A_1839 = arith.index_cast %swap3A_1838 : i32 to index
        %swap3A_1840 = arith.constant 128 : index
        %swap3A_1841 = tpu.vector_load %arg6[%swap3A_1839, %swap3A_1840] {strides = array<i32>} : memref<2x384xi32, #tpu.memory_space<vmem>>, vector<16xi32>,
        tpu.vector_store %arg6[%swap3A_1839, %swap3A_1840], %add3A_1837 {strides = array<i32>} : memref<2x384xi32, #tpu.memory_space<vmem>>, vector<16xi32>,
        %add3A_1842 = arith.constant 1152 : i32
        %add3A_1843 = arith.addi %add3A_1742, %add3A_1842 : i32
        %mul3A_1844 = arith.constant 8 : i32
        %mul3A_1845 = vector.broadcast %mul3A_1844 : i32 to vector<16xi32>
        %mul3A_1846 = arith.muli %mul3A_1845, %iota3A : vector<16xi32>
        %add3A_1847 = vector.broadcast %add3A_1843 : i32 to vector<16xi32>
        %add3A_1848 = arith.addi %add3A_1847, %mul3A_1846 : vector<16xi32>
        %swap3A_1849 = arith.constant 0 : i32
        %swap3A_1850 = arith.index_cast %swap3A_1849 : i32 to index
        %swap3A_1851 = arith.constant 144 : index
        %swap3A_1852 = tpu.vector_load %arg6[%swap3A_1850, %swap3A_1851] {strides = array<i32>} : memref<2x384xi32, #tpu.memory_space<vmem>>, vector<16xi32>,
        tpu.vector_store %arg6[%swap3A_1850, %swap3A_1851], %add3A_1848 {strides = array<i32>} : memref<2x384xi32, #tpu.memory_space<vmem>>, vector<16xi32>,
        %add3A_1853 = arith.constant 1280 : i32
        %add3A_1854 = arith.addi %add3A_1742, %add3A_1853 : i32
        %mul3A_1855 = arith.constant 8 : i32
        %mul3A_1856 = vector.broadcast %mul3A_1855 : i32 to vector<16xi32>
        %mul3A_1857 = arith.muli %mul3A_1856, %iota3A : vector<16xi32>
        %add3A_1858 = vector.broadcast %add3A_1854 : i32 to vector<16xi32>
        %add3A_1859 = arith.addi %add3A_1858, %mul3A_1857 : vector<16xi32>
        %swap3A_1860 = arith.constant 0 : i32
        %swap3A_1861 = arith.index_cast %swap3A_1860 : i32 to index
        %swap3A_1862 = arith.constant 160 : index
        %swap3A_1863 = tpu.vector_load %arg6[%swap3A_1861, %swap3A_1862] {strides = array<i32>} : memref<2x384xi32, #tpu.memory_space<vmem>>, vector<16xi32>,
        tpu.vector_store %arg6[%swap3A_1861, %swap3A_1862], %add3A_1859 {strides = array<i32>} : memref<2x384xi32, #tpu.memory_space<vmem>>, vector<16xi32>,
        %add3A_1864 = arith.constant 1408 : i32
        %add3A_1865 = arith.addi %add3A_1742, %add3A_1864 : i32
        %mul3A_1866 = arith.constant 8 : i32
        %mul3A_1867 = vector.broadcast %mul3A_1866 : i32 to vector<16xi32>
        %mul3A_1868 = arith.muli %mul3A_1867, %iota3A : vector<16xi32>
        %add3A_1869 = vector.broadcast %add3A_1865 : i32 to vector<16xi32>
        %add3A_1870 = arith.addi %add3A_1869, %mul3A_1868 : vector<16xi32>
        %swap3A_1871 = arith.constant 0 : i32
        %swap3A_1872 = arith.index_cast %swap3A_1871 : i32 to index
        %swap3A_1873 = arith.constant 176 : index
        %swap3A_1874 = tpu.vector_load %arg6[%swap3A_1872, %swap3A_1873] {strides = array<i32>} : memref<2x384xi32, #tpu.memory_space<vmem>>, vector<16xi32>,
        tpu.vector_store %arg6[%swap3A_1872, %swap3A_1873], %add3A_1870 {strides = array<i32>} : memref<2x384xi32, #tpu.memory_space<vmem>>, vector<16xi32>,
        %add3A_1875 = arith.constant 1536 : i32
        %add3A_1876 = arith.addi %add3A_1742, %add3A_1875 : i32
        %mul3A_1877 = arith.constant 8 : i32
        %mul3A_1878 = vector.broadcast %mul3A_1877 : i32 to vector<16xi32>
        %mul3A_1879 = arith.muli %mul3A_1878, %iota3A : vector<16xi32>
        %add3A_1880 = vector.broadcast %add3A_1876 : i32 to vector<16xi32>
        %add3A_1881 = arith.addi %add3A_1880, %mul3A_1879 : vector<16xi32>
        %swap3A_1882 = arith.constant 0 : i32
        %swap3A_1883 = arith.index_cast %swap3A_1882 : i32 to index
        %swap3A_1884 = arith.constant 192 : index
        %swap3A_1885 = tpu.vector_load %arg6[%swap3A_1883, %swap3A_1884] {strides = array<i32>} : memref<2x384xi32, #tpu.memory_space<vmem>>, vector<16xi32>,
        tpu.vector_store %arg6[%swap3A_1883, %swap3A_1884], %add3A_1881 {strides = array<i32>} : memref<2x384xi32, #tpu.memory_space<vmem>>, vector<16xi32>,
        %add3A_1886 = arith.constant 1664 : i32
        %add3A_1887 = arith.addi %add3A_1742, %add3A_1886 : i32
        %mul3A_1888 = arith.constant 8 : i32
        %mul3A_1889 = vector.broadcast %mul3A_1888 : i32 to vector<16xi32>
        %mul3A_1890 = arith.muli %mul3A_1889, %iota3A : vector<16xi32>
        %add3A_1891 = vector.broadcast %add3A_1887 : i32 to vector<16xi32>
        %add3A_1892 = arith.addi %add3A_1891, %mul3A_1890 : vector<16xi32>
        %swap3A_1893 = arith.constant 0 : i32
        %swap3A_1894 = arith.index_cast %swap3A_1893 : i32 to index
        %swap3A_1895 = arith.constant 208 : index
        %swap3A_1896 = tpu.vector_load %arg6[%swap3A_1894, %swap3A_1895] {strides = array<i32>} : memref<2x384xi32, #tpu.memory_space<vmem>>, vector<16xi32>,
        tpu.vector_store %arg6[%swap3A_1894, %swap3A_1895], %add3A_1892 {strides = array<i32>} : memref<2x384xi32, #tpu.memory_space<vmem>>, vector<16xi32>,
        %add3A_1897 = arith.constant 1792 : i32
        %add3A_1898 = arith.addi %add3A_1742, %add3A_1897 : i32
        %mul3A_1899 = arith.constant 8 : i32
        %mul3A_1900 = vector.broadcast %mul3A_1899 : i32 to vector<16xi32>
        %mul3A_1901 = arith.muli %mul3A_1900, %iota3A : vector<16xi32>
        %add3A_1902 = vector.broadcast %add3A_1898 : i32 to vector<16xi32>
        %add3A_1903 = arith.addi %add3A_1902, %mul3A_1901 : vector<16xi32>
        %swap3A_1904 = arith.constant 0 : i32
        %swap3A_1905 = arith.index_cast %swap3A_1904 : i32 to index
        %swap3A_1906 = arith.constant 224 : index
        %swap3A_1907 = tpu.vector_load %arg6[%swap3A_1905, %swap3A_1906] {strides = array<i32>} : memref<2x384xi32, #tpu.memory_space<vmem>>, vector<16xi32>,
        tpu.vector_store %arg6[%swap3A_1905, %swap3A_1906], %add3A_1903 {strides = array<i32>} : memref<2x384xi32, #tpu.memory_space<vmem>>, vector<16xi32>,
        %add3A_1908 = arith.constant 1920 : i32
        %add3A_1909 = arith.addi %add3A_1742, %add3A_1908 : i32
        %mul3A_1910 = arith.constant 8 : i32
        %mul3A_1911 = vector.broadcast %mul3A_1910 : i32 to vector<16xi32>
        %mul3A_1912 = arith.muli %mul3A_1911, %iota3A : vector<16xi32>
        %add3A_1913 = vector.broadcast %add3A_1909 : i32 to vector<16xi32>
        %add3A_1914 = arith.addi %add3A_1913, %mul3A_1912 : vector<16xi32>
        %swap3A_1915 = arith.constant 0 : i32
        %swap3A_1916 = arith.index_cast %swap3A_1915 : i32 to index
        %swap3A_1917 = arith.constant 240 : index
        %swap3A_1918 = tpu.vector_load %arg6[%swap3A_1916, %swap3A_1917] {strides = array<i32>} : memref<2x384xi32, #tpu.memory_space<vmem>>, vector<16xi32>,
        tpu.vector_store %arg6[%swap3A_1916, %swap3A_1917], %add3A_1914 {strides = array<i32>} : memref<2x384xi32, #tpu.memory_space<vmem>>, vector<16xi32>,
        %add3A_1919 = arith.constant 2048 : i32
        %add3A_1920 = arith.addi %add3A_1742, %add3A_1919 : i32
        %mul3A_1921 = arith.constant 8 : i32
        %mul3A_1922 = vector.broadcast %mul3A_1921 : i32 to vector<16xi32>
        %mul3A_1923 = arith.muli %mul3A_1922, %iota3A : vector<16xi32>
        %add3A_1924 = vector.broadcast %add3A_1920 : i32 to vector<16xi32>
        %add3A_1925 = arith.addi %add3A_1924, %mul3A_1923 : vector<16xi32>
        %swap3A_1926 = arith.constant 0 : i32
        %swap3A_1927 = arith.index_cast %swap3A_1926 : i32 to index
        %swap3A_1928 = arith.constant 256 : index
        %swap3A_1929 = tpu.vector_load %arg6[%swap3A_1927, %swap3A_1928] {strides = array<i32>} : memref<2x384xi32, #tpu.memory_space<vmem>>, vector<16xi32>,
        tpu.vector_store %arg6[%swap3A_1927, %swap3A_1928], %add3A_1925 {strides = array<i32>} : memref<2x384xi32, #tpu.memory_space<vmem>>, vector<16xi32>,
        %add3A_1930 = arith.constant 2176 : i32
        %add3A_1931 = arith.addi %add3A_1742, %add3A_1930 : i32
        %mul3A_1932 = arith.constant 8 : i32
        %mul3A_1933 = vector.broadcast %mul3A_1932 : i32 to vector<16xi32>
        %mul3A_1934 = arith.muli %mul3A_1933, %iota3A : vector<16xi32>
        %add3A_1935 = vector.broadcast %add3A_1931 : i32 to vector<16xi32>
        %add3A_1936 = arith.addi %add3A_1935, %mul3A_1934 : vector<16xi32>
        %swap3A_1937 = arith.constant 0 : i32
        %swap3A_1938 = arith.index_cast %swap3A_1937 : i32 to index
        %swap3A_1939 = arith.constant 272 : index
        %swap3A_1940 = tpu.vector_load %arg6[%swap3A_1938, %swap3A_1939] {strides = array<i32>} : memref<2x384xi32, #tpu.memory_space<vmem>>, vector<16xi32>,
        tpu.vector_store %arg6[%swap3A_1938, %swap3A_1939], %add3A_1936 {strides = array<i32>} : memref<2x384xi32, #tpu.memory_space<vmem>>, vector<16xi32>,
        %add3A_1941 = arith.constant 2304 : i32
        %add3A_1942 = arith.addi %add3A_1742, %add3A_1941 : i32
        %mul3A_1943 = arith.constant 8 : i32
        %mul3A_1944 = vector.broadcast %mul3A_1943 : i32 to vector<16xi32>
        %mul3A_1945 = arith.muli %mul3A_1944, %iota3A : vector<16xi32>
        %add3A_1946 = vector.broadcast %add3A_1942 : i32 to vector<16xi32>
        %add3A_1947 = arith.addi %add3A_1946, %mul3A_1945 : vector<16xi32>
        %swap3A_1948 = arith.constant 0 : i32
        %swap3A_1949 = arith.index_cast %swap3A_1948 : i32 to index
        %swap3A_1950 = arith.constant 288 : index
        %swap3A_1951 = tpu.vector_load %arg6[%swap3A_1949, %swap3A_1950] {strides = array<i32>} : memref<2x384xi32, #tpu.memory_space<vmem>>, vector<16xi32>,
        tpu.vector_store %arg6[%swap3A_1949, %swap3A_1950], %add3A_1947 {strides = array<i32>} : memref<2x384xi32, #tpu.memory_space<vmem>>, vector<16xi32>,
        %add3A_1952 = arith.constant 2432 : i32
        %add3A_1953 = arith.addi %add3A_1742, %add3A_1952 : i32
        %mul3A_1954 = arith.constant 8 : i32
        %mul3A_1955 = vector.broadcast %mul3A_1954 : i32 to vector<16xi32>
        %mul3A_1956 = arith.muli %mul3A_1955, %iota3A : vector<16xi32>
        %add3A_1957 = vector.broadcast %add3A_1953 : i32 to vector<16xi32>
        %add3A_1958 = arith.addi %add3A_1957, %mul3A_1956 : vector<16xi32>
        %swap3A_1959 = arith.constant 0 : i32
        %swap3A_1960 = arith.index_cast %swap3A_1959 : i32 to index
        %swap3A_1961 = arith.constant 304 : index
        %swap3A_1962 = tpu.vector_load %arg6[%swap3A_1960, %swap3A_1961] {strides = array<i32>} : memref<2x384xi32, #tpu.memory_space<vmem>>, vector<16xi32>,
        tpu.vector_store %arg6[%swap3A_1960, %swap3A_1961], %add3A_1958 {strides = array<i32>} : memref<2x384xi32, #tpu.memory_space<vmem>>, vector<16xi32>,
        %add3A_1963 = arith.constant 2560 : i32
        %add3A_1964 = arith.addi %add3A_1742, %add3A_1963 : i32
        %mul3A_1965 = arith.constant 8 : i32
        %mul3A_1966 = vector.broadcast %mul3A_1965 : i32 to vector<16xi32>
        %mul3A_1967 = arith.muli %mul3A_1966, %iota3A : vector<16xi32>
        %add3A_1968 = vector.broadcast %add3A_1964 : i32 to vector<16xi32>
        %add3A_1969 = arith.addi %add3A_1968, %mul3A_1967 : vector<16xi32>
        %swap3A_1970 = arith.constant 0 : i32
        %swap3A_1971 = arith.index_cast %swap3A_1970 : i32 to index
        %swap3A_1972 = arith.constant 320 : index
        %swap3A_1973 = tpu.vector_load %arg6[%swap3A_1971, %swap3A_1972] {strides = array<i32>} : memref<2x384xi32, #tpu.memory_space<vmem>>, vector<16xi32>,
        tpu.vector_store %arg6[%swap3A_1971, %swap3A_1972], %add3A_1969 {strides = array<i32>} : memref<2x384xi32, #tpu.memory_space<vmem>>, vector<16xi32>,
        %add3A_1974 = arith.constant 2688 : i32
        %add3A_1975 = arith.addi %add3A_1742, %add3A_1974 : i32
        %mul3A_1976 = arith.constant 8 : i32
        %mul3A_1977 = vector.broadcast %mul3A_1976 : i32 to vector<16xi32>
        %mul3A_1978 = arith.muli %mul3A_1977, %iota3A : vector<16xi32>
        %add3A_1979 = vector.broadcast %add3A_1975 : i32 to vector<16xi32>
        %add3A_1980 = arith.addi %add3A_1979, %mul3A_1978 : vector<16xi32>
        %swap3A_1981 = arith.constant 0 : i32
        %swap3A_1982 = arith.index_cast %swap3A_1981 : i32 to index
        %swap3A_1983 = arith.constant 336 : index
        %swap3A_1984 = tpu.vector_load %arg6[%swap3A_1982, %swap3A_1983] {strides = array<i32>} : memref<2x384xi32, #tpu.memory_space<vmem>>, vector<16xi32>,
        tpu.vector_store %arg6[%swap3A_1982, %swap3A_1983], %add3A_1980 {strides = array<i32>} : memref<2x384xi32, #tpu.memory_space<vmem>>, vector<16xi32>,
        %add3A_1985 = arith.constant 2816 : i32
        %add3A_1986 = arith.addi %add3A_1742, %add3A_1985 : i32
        %mul3A_1987 = arith.constant 8 : i32
        %mul3A_1988 = vector.broadcast %mul3A_1987 : i32 to vector<16xi32>
        %mul3A_1989 = arith.muli %mul3A_1988, %iota3A : vector<16xi32>
        %add3A_1990 = vector.broadcast %add3A_1986 : i32 to vector<16xi32>
        %add3A_1991 = arith.addi %add3A_1990, %mul3A_1989 : vector<16xi32>
        %swap3A_1992 = arith.constant 0 : i32
        %swap3A_1993 = arith.index_cast %swap3A_1992 : i32 to index
        %swap3A_1994 = arith.constant 352 : index
        %swap3A_1995 = tpu.vector_load %arg6[%swap3A_1993, %swap3A_1994] {strides = array<i32>} : memref<2x384xi32, #tpu.memory_space<vmem>>, vector<16xi32>,
        tpu.vector_store %arg6[%swap3A_1993, %swap3A_1994], %add3A_1991 {strides = array<i32>} : memref<2x384xi32, #tpu.memory_space<vmem>>, vector<16xi32>,
        %add3A_1996 = arith.constant 2944 : i32
        %add3A_1997 = arith.addi %add3A_1742, %add3A_1996 : i32
        %mul3A_1998 = arith.constant 8 : i32
        %mul3A_1999 = vector.broadcast %mul3A_1998 : i32 to vector<16xi32>
        %mul3A_2000 = arith.muli %mul3A_1999, %iota3A : vector<16xi32>
        %add3A_2001 = vector.broadcast %add3A_1997 : i32 to vector<16xi32>
        %add3A_2002 = arith.addi %add3A_2001, %mul3A_2000 : vector<16xi32>
        %swap3A_2003 = arith.constant 0 : i32
        %swap3A_2004 = arith.index_cast %swap3A_2003 : i32 to index
        %swap3A_2005 = arith.constant 368 : index
        %swap3A_2006 = tpu.vector_load %arg6[%swap3A_2004, %swap3A_2005] {strides = array<i32>} : memref<2x384xi32, #tpu.memory_space<vmem>>, vector<16xi32>,
        tpu.vector_store %arg6[%swap3A_2004, %swap3A_2005], %add3A_2002 {strides = array<i32>} : memref<2x384xi32, #tpu.memory_space<vmem>>, vector<16xi32>,
        %dma_start3A_2007 = arith.constant 0 : i32
        %dma_start3A_2008 = arith.constant 0 : i32
        %dma_start3A_2009 = arith.constant 0 : i32
        %dma_start3A_2010 = arith.constant 0 : i32
        %dma_start3A_2011 = arith.constant 0 : i32
        %dma_start3A_2012 = tpu.memref_slice %arg5[%dma_start3A_2008, %dma_start3A_2010, %dma_start3A_2011] : memref<2x313x128xf32, #tpu.memory_space<vmem>> -> memref<1x64x128xf32, #tpu.memory_space<vmem>>
        %dma_start3A_2013 = tpu.memref_squeeze %dma_start3A_2012 : memref<1x64x128xf32, #tpu.memory_space<vmem>> -> memref<64x128xf32, #tpu.memory_space<vmem>>
        %dma_start3A_2014 = arith.constant 0 : i32
        %dma_start3A_2015 = tpu.memref_slice %arg6[%dma_start3A_2007, %dma_start3A_2014] : memref<2x384xi32, #tpu.memory_space<vmem>> -> memref<1x64xi32, #tpu.memory_space<vmem>>
        %dma_start3A_2016 = tpu.memref_squeeze %dma_start3A_2015 : memref<1x64xi32, #tpu.memory_space<vmem>> -> memref<64xi32, #tpu.memory_space<vmem>>
        %dma_start3A_2017 = arith.constant 0 : i32
        %dma_start3A_2018 = arith.constant 0 : i32
        %dma_start3A_2019 = tpu.memref_slice %arg2[%dma_start3A_2017, %dma_start3A_2018] : memref<520000x128xf32, #tpu.memory_space<hbm>> -> memref<520000x128xf32, #tpu.memory_space<hbm>>
        %dma_start3A_2020 = tpu.memref_slice %arg9[%dma_start3A_2009] : memref<2x!tpu.dma_semaphore, #tpu.memory_space<semaphore_mem>> -> memref<1x!tpu.dma_semaphore, #tpu.memory_space<semaphore_mem>>
        %dma_start3A_2021 = tpu.memref_squeeze %dma_start3A_2020 : memref<1x!tpu.dma_semaphore, #tpu.memory_space<semaphore_mem>> -> memref<!tpu.dma_semaphore, #tpu.memory_space<semaphore_mem>>
        tpu.enqueue_indirect_dma source(%dma_start3A_2019 : memref<520000x128xf32, #tpu.memory_space<hbm>>) target(%dma_start3A_2013 : memref<64x128xf32, #tpu.memory_space<vmem>>) offsets(%dma_start3A_2016 : memref<64xi32, #tpu.memory_space<vmem>>) semaphore(%dma_start3A_2021 : memref<!tpu.dma_semaphore, #tpu.memory_space<semaphore_mem>>)
        %dma_start3A_2022 = arith.constant 0 : i32
        %dma_start3A_2023 = arith.constant 0 : i32
        %dma_start3A_2024 = arith.constant 0 : i32
        %dma_start3A_2025 = arith.constant 64 : i32
        %dma_start3A_2026 = arith.constant 0 : i32
        %dma_start3A_2027 = tpu.memref_slice %arg5[%dma_start3A_2023, %dma_start3A_2025, %dma_start3A_2026] : memref<2x313x128xf32, #tpu.memory_space<vmem>> -> memref<1x64x128xf32, #tpu.memory_space<vmem>>
        %dma_start3A_2028 = tpu.memref_squeeze %dma_start3A_2027 : memref<1x64x128xf32, #tpu.memory_space<vmem>> -> memref<64x128xf32, #tpu.memory_space<vmem>>
        %dma_start3A_2029 = arith.constant 64 : i32
        %dma_start3A_2030 = tpu.memref_slice %arg6[%dma_start3A_2022, %dma_start3A_2029] : memref<2x384xi32, #tpu.memory_space<vmem>> -> memref<1x64xi32, #tpu.memory_space<vmem>>
        %dma_start3A_2031 = tpu.memref_squeeze %dma_start3A_2030 : memref<1x64xi32, #tpu.memory_space<vmem>> -> memref<64xi32, #tpu.memory_space<vmem>>
        %dma_start3A_2032 = arith.constant 0 : i32
        %dma_start3A_2033 = arith.constant 0 : i32
        %dma_start3A_2034 = tpu.memref_slice %arg2[%dma_start3A_2032, %dma_start3A_2033] : memref<520000x128xf32, #tpu.memory_space<hbm>> -> memref<520000x128xf32, #tpu.memory_space<hbm>>
        %dma_start3A_2035 = tpu.memref_slice %arg9[%dma_start3A_2024] : memref<2x!tpu.dma_semaphore, #tpu.memory_space<semaphore_mem>> -> memref<1x!tpu.dma_semaphore, #tpu.memory_space<semaphore_mem>>
        %dma_start3A_2036 = tpu.memref_squeeze %dma_start3A_2035 : memref<1x!tpu.dma_semaphore, #tpu.memory_space<semaphore_mem>> -> memref<!tpu.dma_semaphore, #tpu.memory_space<semaphore_mem>>
        tpu.enqueue_indirect_dma source(%dma_start3A_2034 : memref<520000x128xf32, #tpu.memory_space<hbm>>) target(%dma_start3A_2028 : memref<64x128xf32, #tpu.memory_space<vmem>>) offsets(%dma_start3A_2031 : memref<64xi32, #tpu.memory_space<vmem>>) semaphore(%dma_start3A_2036 : memref<!tpu.dma_semaphore, #tpu.memory_space<semaphore_mem>>)
        %dma_start3A_2037 = arith.constant 0 : i32
        %dma_start3A_2038 = arith.constant 0 : i32
        %dma_start3A_2039 = arith.constant 0 : i32
        %dma_start3A_2040 = arith.constant 128 : i32
        %dma_start3A_2041 = arith.constant 0 : i32
        %dma_start3A_2042 = tpu.memref_slice %arg5[%dma_start3A_2038, %dma_start3A_2040, %dma_start3A_2041] : memref<2x313x128xf32, #tpu.memory_space<vmem>> -> memref<1x64x128xf32, #tpu.memory_space<vmem>>
        %dma_start3A_2043 = tpu.memref_squeeze %dma_start3A_2042 : memref<1x64x128xf32, #tpu.memory_space<vmem>> -> memref<64x128xf32, #tpu.memory_space<vmem>>
        %dma_start3A_2044 = arith.constant 128 : i32
        %dma_start3A_2045 = tpu.memref_slice %arg6[%dma_start3A_2037, %dma_start3A_2044] : memref<2x384xi32, #tpu.memory_space<vmem>> -> memref<1x64xi32, #tpu.memory_space<vmem>>
        %dma_start3A_2046 = tpu.memref_squeeze %dma_start3A_2045 : memref<1x64xi32, #tpu.memory_space<vmem>> -> memref<64xi32, #tpu.memory_space<vmem>>
        %dma_start3A_2047 = arith.constant 0 : i32
        %dma_start3A_2048 = arith.constant 0 : i32
        %dma_start3A_2049 = tpu.memref_slice %arg2[%dma_start3A_2047, %dma_start3A_2048] : memref<520000x128xf32, #tpu.memory_space<hbm>> -> memref<520000x128xf32, #tpu.memory_space<hbm>>
        %dma_start3A_2050 = tpu.memref_slice %arg9[%dma_start3A_2039] : memref<2x!tpu.dma_semaphore, #tpu.memory_space<semaphore_mem>> -> memref<1x!tpu.dma_semaphore, #tpu.memory_space<semaphore_mem>>
        %dma_start3A_2051 = tpu.memref_squeeze %dma_start3A_2050 : memref<1x!tpu.dma_semaphore, #tpu.memory_space<semaphore_mem>> -> memref<!tpu.dma_semaphore, #tpu.memory_space<semaphore_mem>>
        tpu.enqueue_indirect_dma source(%dma_start3A_2049 : memref<520000x128xf32, #tpu.memory_space<hbm>>) target(%dma_start3A_2043 : memref<64x128xf32, #tpu.memory_space<vmem>>) offsets(%dma_start3A_2046 : memref<64xi32, #tpu.memory_space<vmem>>) semaphore(%dma_start3A_2051 : memref<!tpu.dma_semaphore, #tpu.memory_space<semaphore_mem>>)
        %dma_start3A_2052 = arith.constant 0 : i32
        %dma_start3A_2053 = arith.constant 0 : i32
        %dma_start3A_2054 = arith.constant 0 : i32
        %dma_start3A_2055 = arith.constant 192 : i32
        %dma_start3A_2056 = arith.constant 0 : i32
        %dma_start3A_2057 = tpu.memref_slice %arg5[%dma_start3A_2053, %dma_start3A_2055, %dma_start3A_2056] : memref<2x313x128xf32, #tpu.memory_space<vmem>> -> memref<1x64x128xf32, #tpu.memory_space<vmem>>
        %dma_start3A_2058 = tpu.memref_squeeze %dma_start3A_2057 : memref<1x64x128xf32, #tpu.memory_space<vmem>> -> memref<64x128xf32, #tpu.memory_space<vmem>>
        %dma_start3A_2059 = arith.constant 192 : i32
        %dma_start3A_2060 = tpu.memref_slice %arg6[%dma_start3A_2052, %dma_start3A_2059] : memref<2x384xi32, #tpu.memory_space<vmem>> -> memref<1x64xi32, #tpu.memory_space<vmem>>
        %dma_start3A_2061 = tpu.memref_squeeze %dma_start3A_2060 : memref<1x64xi32, #tpu.memory_space<vmem>> -> memref<64xi32, #tpu.memory_space<vmem>>
        %dma_start3A_2062 = arith.constant 0 : i32
        %dma_start3A_2063 = arith.constant 0 : i32
        %dma_start3A_2064 = tpu.memref_slice %arg2[%dma_start3A_2062, %dma_start3A_2063] : memref<520000x128xf32, #tpu.memory_space<hbm>> -> memref<520000x128xf32, #tpu.memory_space<hbm>>
        %dma_start3A_2065 = tpu.memref_slice %arg9[%dma_start3A_2054] : memref<2x!tpu.dma_semaphore, #tpu.memory_space<semaphore_mem>> -> memref<1x!tpu.dma_semaphore, #tpu.memory_space<semaphore_mem>>
        %dma_start3A_2066 = tpu.memref_squeeze %dma_start3A_2065 : memref<1x!tpu.dma_semaphore, #tpu.memory_space<semaphore_mem>> -> memref<!tpu.dma_semaphore, #tpu.memory_space<semaphore_mem>>
        tpu.enqueue_indirect_dma source(%dma_start3A_2064 : memref<520000x128xf32, #tpu.memory_space<hbm>>) target(%dma_start3A_2058 : memref<64x128xf32, #tpu.memory_space<vmem>>) offsets(%dma_start3A_2061 : memref<64xi32, #tpu.memory_space<vmem>>) semaphore(%dma_start3A_2066 : memref<!tpu.dma_semaphore, #tpu.memory_space<semaphore_mem>>)
        %dma_start3A_2067 = arith.constant 0 : i32
        %dma_start3A_2068 = arith.constant 0 : i32
        %dma_start3A_2069 = arith.constant 0 : i32
        %dma_start3A_2070 = arith.constant 256 : i32
        %dma_start3A_2071 = arith.constant 0 : i32
        %dma_start3A_2072 = tpu.memref_slice %arg5[%dma_start3A_2068, %dma_start3A_2070, %dma_start3A_2071] : memref<2x313x128xf32, #tpu.memory_space<vmem>> -> memref<1x57x128xf32, #tpu.memory_space<vmem>>
        %dma_start3A_2073 = tpu.memref_squeeze %dma_start3A_2072 : memref<1x57x128xf32, #tpu.memory_space<vmem>> -> memref<57x128xf32, #tpu.memory_space<vmem>>
        %dma_start3A_2074 = arith.constant 256 : i32
        %dma_start3A_2075 = tpu.memref_slice %arg6[%dma_start3A_2067, %dma_start3A_2074] : memref<2x384xi32, #tpu.memory_space<vmem>> -> memref<1x57xi32, #tpu.memory_space<vmem>>
        %dma_start3A_2076 = tpu.memref_squeeze %dma_start3A_2075 : memref<1x57xi32, #tpu.memory_space<vmem>> -> memref<57xi32, #tpu.memory_space<vmem>>
        %dma_start3A_2077 = arith.constant 0 : i32
        %dma_start3A_2078 = arith.constant 0 : i32
        %dma_start3A_2079 = tpu.memref_slice %arg2[%dma_start3A_2077, %dma_start3A_2078] : memref<520000x128xf32, #tpu.memory_space<hbm>> -> memref<520000x128xf32, #tpu.memory_space<hbm>>
        %dma_start3A_2080 = tpu.memref_slice %arg9[%dma_start3A_2069] : memref<2x!tpu.dma_semaphore, #tpu.memory_space<semaphore_mem>> -> memref<1x!tpu.dma_semaphore, #tpu.memory_space<semaphore_mem>>
        %dma_start3A_2081 = tpu.memref_squeeze %dma_start3A_2080 : memref<1x!tpu.dma_semaphore, #tpu.memory_space<semaphore_mem>> -> memref<!tpu.dma_semaphore, #tpu.memory_space<semaphore_mem>>
        tpu.enqueue_indirect_dma source(%dma_start3A_2079 : memref<520000x128xf32, #tpu.memory_space<hbm>>) target(%dma_start3A_2073 : memref<57x128xf32, #tpu.memory_space<vmem>>) offsets(%dma_start3A_2076 : memref<57xi32, #tpu.memory_space<vmem>>) semaphore(%dma_start3A_2081 : memref<!tpu.dma_semaphore, #tpu.memory_space<semaphore_mem>>)
        %dma_wait3A_2082 = arith.constant 1 : i32
        %dma_wait3A_2083 = arith.constant 1 : i32
        %dma_wait3A_2084 = arith.constant 1 : i32
        %dma_wait3A_2085 = arith.constant 0 : i32
        %dma_wait3A_2086 = arith.constant 0 : i32
        %dma_wait3A_2087 = tpu.memref_slice %arg5[%dma_wait3A_2083, %dma_wait3A_2085, %dma_wait3A_2086] : memref<2x313x128xf32, #tpu.memory_space<vmem>> -> memref<1x64x128xf32, #tpu.memory_space<vmem>>
        %dma_wait3A_2088 = tpu.memref_squeeze %dma_wait3A_2087 : memref<1x64x128xf32, #tpu.memory_space<vmem>> -> memref<64x128xf32, #tpu.memory_space<vmem>>
        %dma_wait3A_2089 = arith.constant 0 : i32
        %dma_wait3A_2090 = tpu.memref_slice %arg6[%dma_wait3A_2082, %dma_wait3A_2089] : memref<2x384xi32, #tpu.memory_space<vmem>> -> memref<1x64xi32, #tpu.memory_space<vmem>>
        %dma_wait3A_2091 = tpu.memref_squeeze %dma_wait3A_2090 : memref<1x64xi32, #tpu.memory_space<vmem>> -> memref<64xi32, #tpu.memory_space<vmem>>
        %dma_wait3A_2092 = arith.constant 0 : i32
        %dma_wait3A_2093 = arith.constant 0 : i32
        %dma_wait3A_2094 = tpu.memref_slice %arg2[%dma_wait3A_2092, %dma_wait3A_2093] : memref<520000x128xf32, #tpu.memory_space<hbm>> -> memref<520000x128xf32, #tpu.memory_space<hbm>>
        %dma_wait3A_2095 = tpu.memref_slice %arg9[%dma_wait3A_2084] : memref<2x!tpu.dma_semaphore, #tpu.memory_space<semaphore_mem>> -> memref<1x!tpu.dma_semaphore, #tpu.memory_space<semaphore_mem>>
        %dma_wait3A_2096 = tpu.memref_squeeze %dma_wait3A_2095 : memref<1x!tpu.dma_semaphore, #tpu.memory_space<semaphore_mem>> -> memref<!tpu.dma_semaphore, #tpu.memory_space<semaphore_mem>>
        tpu.wait_indirect_dma semaphore(%dma_wait3A_2096 : memref<!tpu.dma_semaphore, #tpu.memory_space<semaphore_mem>>) src(%dma_wait3A_2094 : memref<520000x128xf32, #tpu.memory_space<hbm>>) dst(%dma_wait3A_2088 : memref<64x128xf32, #tpu.memory_space<vmem>>)
        %dma_wait3A_2097 = arith.constant 1 : i32
        %dma_wait3A_2098 = arith.constant 1 : i32
        %dma_wait3A_2099 = arith.constant 1 : i32
        %dma_wait3A_2100 = arith.constant 64 : i32
        %dma_wait3A_2101 = arith.constant 0 : i32
        %dma_wait3A_2102 = tpu.memref_slice %arg5[%dma_wait3A_2098, %dma_wait3A_2100, %dma_wait3A_2101] : memref<2x313x128xf32, #tpu.memory_space<vmem>> -> memref<1x64x128xf32, #tpu.memory_space<vmem>>
        %dma_wait3A_2103 = tpu.memref_squeeze %dma_wait3A_2102 : memref<1x64x128xf32, #tpu.memory_space<vmem>> -> memref<64x128xf32, #tpu.memory_space<vmem>>
        %dma_wait3A_2104 = arith.constant 64 : i32
        %dma_wait3A_2105 = tpu.memref_slice %arg6[%dma_wait3A_2097, %dma_wait3A_2104] : memref<2x384xi32, #tpu.memory_space<vmem>> -> memref<1x64xi32, #tpu.memory_space<vmem>>
        %dma_wait3A_2106 = tpu.memref_squeeze %dma_wait3A_2105 : memref<1x64xi32, #tpu.memory_space<vmem>> -> memref<64xi32, #tpu.memory_space<vmem>>
        %dma_wait3A_2107 = arith.constant 0 : i32
        %dma_wait3A_2108 = arith.constant 0 : i32
        %dma_wait3A_2109 = tpu.memref_slice %arg2[%dma_wait3A_2107, %dma_wait3A_2108] : memref<520000x128xf32, #tpu.memory_space<hbm>> -> memref<520000x128xf32, #tpu.memory_space<hbm>>
        %dma_wait3A_2110 = tpu.memref_slice %arg9[%dma_wait3A_2099] : memref<2x!tpu.dma_semaphore, #tpu.memory_space<semaphore_mem>> -> memref<1x!tpu.dma_semaphore, #tpu.memory_space<semaphore_mem>>
        %dma_wait3A_2111 = tpu.memref_squeeze %dma_wait3A_2110 : memref<1x!tpu.dma_semaphore, #tpu.memory_space<semaphore_mem>> -> memref<!tpu.dma_semaphore, #tpu.memory_space<semaphore_mem>>
        tpu.wait_indirect_dma semaphore(%dma_wait3A_2111 : memref<!tpu.dma_semaphore, #tpu.memory_space<semaphore_mem>>) src(%dma_wait3A_2109 : memref<520000x128xf32, #tpu.memory_space<hbm>>) dst(%dma_wait3A_2103 : memref<64x128xf32, #tpu.memory_space<vmem>>)
        %dma_wait3A_2112 = arith.constant 1 : i32
        %dma_wait3A_2113 = arith.constant 1 : i32
        %dma_wait3A_2114 = arith.constant 1 : i32
        %dma_wait3A_2115 = arith.constant 128 : i32
        %dma_wait3A_2116 = arith.constant 0 : i32
        %dma_wait3A_2117 = tpu.memref_slice %arg5[%dma_wait3A_2113, %dma_wait3A_2115, %dma_wait3A_2116] : memref<2x313x128xf32, #tpu.memory_space<vmem>> -> memref<1x64x128xf32, #tpu.memory_space<vmem>>
        %dma_wait3A_2118 = tpu.memref_squeeze %dma_wait3A_2117 : memref<1x64x128xf32, #tpu.memory_space<vmem>> -> memref<64x128xf32, #tpu.memory_space<vmem>>
        %dma_wait3A_2119 = arith.constant 128 : i32
        %dma_wait3A_2120 = tpu.memref_slice %arg6[%dma_wait3A_2112, %dma_wait3A_2119] : memref<2x384xi32, #tpu.memory_space<vmem>> -> memref<1x64xi32, #tpu.memory_space<vmem>>
        %dma_wait3A_2121 = tpu.memref_squeeze %dma_wait3A_2120 : memref<1x64xi32, #tpu.memory_space<vmem>> -> memref<64xi32, #tpu.memory_space<vmem>>
        %dma_wait3A_2122 = arith.constant 0 : i32
        %dma_wait3A_2123 = arith.constant 0 : i32
        %dma_wait3A_2124 = tpu.memref_slice %arg2[%dma_wait3A_2122, %dma_wait3A_2123] : memref<520000x128xf32, #tpu.memory_space<hbm>> -> memref<520000x128xf32, #tpu.memory_space<hbm>>
        %dma_wait3A_2125 = tpu.memref_slice %arg9[%dma_wait3A_2114] : memref<2x!tpu.dma_semaphore, #tpu.memory_space<semaphore_mem>> -> memref<1x!tpu.dma_semaphore, #tpu.memory_space<semaphore_mem>>
        %dma_wait3A_2126 = tpu.memref_squeeze %dma_wait3A_2125 : memref<1x!tpu.dma_semaphore, #tpu.memory_space<semaphore_mem>> -> memref<!tpu.dma_semaphore, #tpu.memory_space<semaphore_mem>>
        tpu.wait_indirect_dma semaphore(%dma_wait3A_2126 : memref<!tpu.dma_semaphore, #tpu.memory_space<semaphore_mem>>) src(%dma_wait3A_2124 : memref<520000x128xf32, #tpu.memory_space<hbm>>) dst(%dma_wait3A_2118 : memref<64x128xf32, #tpu.memory_space<vmem>>)
        %dma_wait3A_2127 = arith.constant 1 : i32
        %dma_wait3A_2128 = arith.constant 1 : i32
        %dma_wait3A_2129 = arith.constant 1 : i32
        %dma_wait3A_2130 = arith.constant 192 : i32
        %dma_wait3A_2131 = arith.constant 0 : i32
        %dma_wait3A_2132 = tpu.memref_slice %arg5[%dma_wait3A_2128, %dma_wait3A_2130, %dma_wait3A_2131] : memref<2x313x128xf32, #tpu.memory_space<vmem>> -> memref<1x64x128xf32, #tpu.memory_space<vmem>>
        %dma_wait3A_2133 = tpu.memref_squeeze %dma_wait3A_2132 : memref<1x64x128xf32, #tpu.memory_space<vmem>> -> memref<64x128xf32, #tpu.memory_space<vmem>>
        %dma_wait3A_2134 = arith.constant 192 : i32
        %dma_wait3A_2135 = tpu.memref_slice %arg6[%dma_wait3A_2127, %dma_wait3A_2134] : memref<2x384xi32, #tpu.memory_space<vmem>> -> memref<1x64xi32, #tpu.memory_space<vmem>>
        %dma_wait3A_2136 = tpu.memref_squeeze %dma_wait3A_2135 : memref<1x64xi32, #tpu.memory_space<vmem>> -> memref<64xi32, #tpu.memory_space<vmem>>
        %dma_wait3A_2137 = arith.constant 0 : i32
        %dma_wait3A_2138 = arith.constant 0 : i32
        %dma_wait3A_2139 = tpu.memref_slice %arg2[%dma_wait3A_2137, %dma_wait3A_2138] : memref<520000x128xf32, #tpu.memory_space<hbm>> -> memref<520000x128xf32, #tpu.memory_space<hbm>>
        %dma_wait3A_2140 = tpu.memref_slice %arg9[%dma_wait3A_2129] : memref<2x!tpu.dma_semaphore, #tpu.memory_space<semaphore_mem>> -> memref<1x!tpu.dma_semaphore, #tpu.memory_space<semaphore_mem>>
        %dma_wait3A_2141 = tpu.memref_squeeze %dma_wait3A_2140 : memref<1x!tpu.dma_semaphore, #tpu.memory_space<semaphore_mem>> -> memref<!tpu.dma_semaphore, #tpu.memory_space<semaphore_mem>>
        tpu.wait_indirect_dma semaphore(%dma_wait3A_2141 : memref<!tpu.dma_semaphore, #tpu.memory_space<semaphore_mem>>) src(%dma_wait3A_2139 : memref<520000x128xf32, #tpu.memory_space<hbm>>) dst(%dma_wait3A_2133 : memref<64x128xf32, #tpu.memory_space<vmem>>)
        %dma_wait3A_2142 = arith.constant 1 : i32
        %dma_wait3A_2143 = arith.constant 1 : i32
        %dma_wait3A_2144 = arith.constant 1 : i32
        %dma_wait3A_2145 = arith.constant 256 : i32
        %dma_wait3A_2146 = arith.constant 0 : i32
        %dma_wait3A_2147 = tpu.memref_slice %arg5[%dma_wait3A_2143, %dma_wait3A_2145, %dma_wait3A_2146] : memref<2x313x128xf32, #tpu.memory_space<vmem>> -> memref<1x57x128xf32, #tpu.memory_space<vmem>>
        %dma_wait3A_2148 = tpu.memref_squeeze %dma_wait3A_2147 : memref<1x57x128xf32, #tpu.memory_space<vmem>> -> memref<57x128xf32, #tpu.memory_space<vmem>>
        %dma_wait3A_2149 = arith.constant 256 : i32
        %dma_wait3A_2150 = tpu.memref_slice %arg6[%dma_wait3A_2142, %dma_wait3A_2149] : memref<2x384xi32, #tpu.memory_space<vmem>> -> memref<1x57xi32, #tpu.memory_space<vmem>>
        %dma_wait3A_2151 = tpu.memref_squeeze %dma_wait3A_2150 : memref<1x57xi32, #tpu.memory_space<vmem>> -> memref<57xi32, #tpu.memory_space<vmem>>
        %dma_wait3A_2152 = arith.constant 0 : i32
        %dma_wait3A_2153 = arith.constant 0 : i32
        %dma_wait3A_2154 = tpu.memref_slice %arg2[%dma_wait3A_2152, %dma_wait3A_2153] : memref<520000x128xf32, #tpu.memory_space<hbm>> -> memref<520000x128xf32, #tpu.memory_space<hbm>>
        %dma_wait3A_2155 = tpu.memref_slice %arg9[%dma_wait3A_2144] : memref<2x!tpu.dma_semaphore, #tpu.memory_space<semaphore_mem>> -> memref<1x!tpu.dma_semaphore, #tpu.memory_space<semaphore_mem>>
        %dma_wait3A_2156 = tpu.memref_squeeze %dma_wait3A_2155 : memref<1x!tpu.dma_semaphore, #tpu.memory_space<semaphore_mem>> -> memref<!tpu.dma_semaphore, #tpu.memory_space<semaphore_mem>>
        tpu.wait_indirect_dma semaphore(%dma_wait3A_2156 : memref<!tpu.dma_semaphore, #tpu.memory_space<semaphore_mem>>) src(%dma_wait3A_2154 : memref<520000x128xf32, #tpu.memory_space<hbm>>) dst(%dma_wait3A_2148 : memref<57x128xf32, #tpu.memory_space<vmem>>)
        %parallel_loop3A_2157 = arith.constant 0 : i32
        %parallel_loop3A_2158 = arith.constant 4096 : i32
        %parallel_loop3A_2159 = arith.constant 16 : i32
        scf.for %parallel_loop3A_3635 = %parallel_loop3A_2157 to %parallel_loop3A_2158 step %parallel_loop3A_2159  : i32 {
          %parallel_loop3A_3636 = arith.index_cast %parallel_loop3A_3635 : i32 to index
          %parallel_loop3A_3637 = tpu.vector_load %arg7[%parallel_loop3A_3636] {strides = array<i32>} : memref<4096xi32, #tpu.memory_space<vmem>>, vector<16xi32>,
          %parallel_loop3A_3638 = vector.broadcast %mul3A_457 : i32 to vector<16xi32>
          %parallel_loop3A_3639 = arith.addi %parallel_loop3A_3637, %parallel_loop3A_3638 : vector<16xi32>
          %parallel_loop3A_3640 = arith.constant 7 : i32
          %parallel_loop3A_3641 = vector.broadcast %parallel_loop3A_3640 : i32 to vector<16xi32>
          %parallel_loop3A_3642 = arith.shrsi %parallel_loop3A_3639, %parallel_loop3A_3641 : vector<16xi32>
          %parallel_loop3A_3643 = arith.constant 127 : i32
          %parallel_loop3A_3644 = vector.broadcast %parallel_loop3A_3643 : i32 to vector<16xi32>
          %parallel_loop3A_3645 = arith.andi %parallel_loop3A_3639, %parallel_loop3A_3644 : vector<16xi32>
          %parallel_loop3A_3646 = arith.constant 1 : i32
          %parallel_loop3A_3647 = arith.constant 0 : i32
          %parallel_loop3A_3648 = arith.constant 0 : i32
          %parallel_loop3A_3649 = tpu.memref_slice %arg5[%parallel_loop3A_3646, %parallel_loop3A_3647, %parallel_loop3A_3648] : memref<2x313x128xf32, #tpu.memory_space<vmem>> -> memref<1x313x128xf32, #tpu.memory_space<vmem>>
          %parallel_loop3A_3650 = tpu.memref_squeeze %parallel_loop3A_3649 : memref<1x313x128xf32, #tpu.memory_space<vmem>> -> memref<313x128xf32, #tpu.memory_space<vmem>>
          %parallel_loop3A_3651 = tpu.vector_load_idx %parallel_loop3A_3650[%parallel_loop3A_3642, %parallel_loop3A_3645] : memref<313x128xf32, #tpu.memory_space<vmem>>[vector<16xi32>, vector<16xi32>], vector<16xf32>,
          %parallel_loop3A_3652 = arith.constant 3 : i32
          %parallel_loop3A_3653 = arith.index_cast %parallel_loop3A_3652 : i32 to index
          %parallel_loop3A_3654 = arith.index_cast %parallel_loop3A_3635 : i32 to index
          %parallel_loop3A_3655 = tpu.vector_load %arg8[%parallel_loop3A_3653, %parallel_loop3A_3654] {strides = array<i32>} : memref<8x4096xf32, #tpu.memory_space<vmem>>, vector<16xf32>,
          tpu.vector_store %arg8[%parallel_loop3A_3653, %parallel_loop3A_3654], %parallel_loop3A_3651 {strides = array<i32>} : memref<8x4096xf32, #tpu.memory_space<vmem>>, vector<16xf32>,
        } {sc.loop_unroll_factor = 8 : i64, sc.parallel_access}
        %add3A_2160 = arith.constant 4 : i32
        %add3A_2161 = arith.addi %add3A_462, %add3A_2160 : i32
        %add3A_2162 = arith.constant 1 : i32
        %add3A_2163 = arith.addi %add3A_2161, %add3A_2162 : i32
        %add3A_2164 = arith.constant 0 : i32
        %add3A_2165 = arith.addi %add3A_2163, %add3A_2164 : i32
        %mul3A_2166 = arith.constant 8 : i32
        %mul3A_2167 = vector.broadcast %mul3A_2166 : i32 to vector<16xi32>
        %mul3A_2168 = arith.muli %mul3A_2167, %iota3A : vector<16xi32>
        %add3A_2169 = vector.broadcast %add3A_2165 : i32 to vector<16xi32>
        %add3A_2170 = arith.addi %add3A_2169, %mul3A_2168 : vector<16xi32>
        %swap3A_2171 = arith.constant 1 : i32
        %swap3A_2172 = arith.index_cast %swap3A_2171 : i32 to index
        %swap3A_2173 = arith.constant 0 : index
        %swap3A_2174 = tpu.vector_load %arg6[%swap3A_2172, %swap3A_2173] {strides = array<i32>} : memref<2x384xi32, #tpu.memory_space<vmem>>, vector<16xi32>,
        tpu.vector_store %arg6[%swap3A_2172, %swap3A_2173], %add3A_2170 {strides = array<i32>} : memref<2x384xi32, #tpu.memory_space<vmem>>, vector<16xi32>,
        %add3A_2175 = arith.constant 128 : i32
        %add3A_2176 = arith.addi %add3A_2163, %add3A_2175 : i32
        %mul3A_2177 = arith.constant 8 : i32
        %mul3A_2178 = vector.broadcast %mul3A_2177 : i32 to vector<16xi32>
        %mul3A_2179 = arith.muli %mul3A_2178, %iota3A : vector<16xi32>
        %add3A_2180 = vector.broadcast %add3A_2176 : i32 to vector<16xi32>
        %add3A_2181 = arith.addi %add3A_2180, %mul3A_2179 : vector<16xi32>
        %swap3A_2182 = arith.constant 1 : i32
        %swap3A_2183 = arith.index_cast %swap3A_2182 : i32 to index
        %swap3A_2184 = arith.constant 16 : index
        %swap3A_2185 = tpu.vector_load %arg6[%swap3A_2183, %swap3A_2184] {strides = array<i32>} : memref<2x384xi32, #tpu.memory_space<vmem>>, vector<16xi32>,
        tpu.vector_store %arg6[%swap3A_2183, %swap3A_2184], %add3A_2181 {strides = array<i32>} : memref<2x384xi32, #tpu.memory_space<vmem>>, vector<16xi32>,
        %add3A_2186 = arith.constant 256 : i32
        %add3A_2187 = arith.addi %add3A_2163, %add3A_2186 : i32
        %mul3A_2188 = arith.constant 8 : i32
        %mul3A_2189 = vector.broadcast %mul3A_2188 : i32 to vector<16xi32>
        %mul3A_2190 = arith.muli %mul3A_2189, %iota3A : vector<16xi32>
        %add3A_2191 = vector.broadcast %add3A_2187 : i32 to vector<16xi32>
        %add3A_2192 = arith.addi %add3A_2191, %mul3A_2190 : vector<16xi32>
        %swap3A_2193 = arith.constant 1 : i32
        %swap3A_2194 = arith.index_cast %swap3A_2193 : i32 to index
        %swap3A_2195 = arith.constant 32 : index
        %swap3A_2196 = tpu.vector_load %arg6[%swap3A_2194, %swap3A_2195] {strides = array<i32>} : memref<2x384xi32, #tpu.memory_space<vmem>>, vector<16xi32>,
        tpu.vector_store %arg6[%swap3A_2194, %swap3A_2195], %add3A_2192 {strides = array<i32>} : memref<2x384xi32, #tpu.memory_space<vmem>>, vector<16xi32>,
        %add3A_2197 = arith.constant 384 : i32
        %add3A_2198 = arith.addi %add3A_2163, %add3A_2197 : i32
        %mul3A_2199 = arith.constant 8 : i32
        %mul3A_2200 = vector.broadcast %mul3A_2199 : i32 to vector<16xi32>
        %mul3A_2201 = arith.muli %mul3A_2200, %iota3A : vector<16xi32>
        %add3A_2202 = vector.broadcast %add3A_2198 : i32 to vector<16xi32>
        %add3A_2203 = arith.addi %add3A_2202, %mul3A_2201 : vector<16xi32>
        %swap3A_2204 = arith.constant 1 : i32
        %swap3A_2205 = arith.index_cast %swap3A_2204 : i32 to index
        %swap3A_2206 = arith.constant 48 : index
        %swap3A_2207 = tpu.vector_load %arg6[%swap3A_2205, %swap3A_2206] {strides = array<i32>} : memref<2x384xi32, #tpu.memory_space<vmem>>, vector<16xi32>,
        tpu.vector_store %arg6[%swap3A_2205, %swap3A_2206], %add3A_2203 {strides = array<i32>} : memref<2x384xi32, #tpu.memory_space<vmem>>, vector<16xi32>,
        %add3A_2208 = arith.constant 512 : i32
        %add3A_2209 = arith.addi %add3A_2163, %add3A_2208 : i32
        %mul3A_2210 = arith.constant 8 : i32
        %mul3A_2211 = vector.broadcast %mul3A_2210 : i32 to vector<16xi32>
        %mul3A_2212 = arith.muli %mul3A_2211, %iota3A : vector<16xi32>
        %add3A_2213 = vector.broadcast %add3A_2209 : i32 to vector<16xi32>
        %add3A_2214 = arith.addi %add3A_2213, %mul3A_2212 : vector<16xi32>
        %swap3A_2215 = arith.constant 1 : i32
        %swap3A_2216 = arith.index_cast %swap3A_2215 : i32 to index
        %swap3A_2217 = arith.constant 64 : index
        %swap3A_2218 = tpu.vector_load %arg6[%swap3A_2216, %swap3A_2217] {strides = array<i32>} : memref<2x384xi32, #tpu.memory_space<vmem>>, vector<16xi32>,
        tpu.vector_store %arg6[%swap3A_2216, %swap3A_2217], %add3A_2214 {strides = array<i32>} : memref<2x384xi32, #tpu.memory_space<vmem>>, vector<16xi32>,
        %add3A_2219 = arith.constant 640 : i32
        %add3A_2220 = arith.addi %add3A_2163, %add3A_2219 : i32
        %mul3A_2221 = arith.constant 8 : i32
        %mul3A_2222 = vector.broadcast %mul3A_2221 : i32 to vector<16xi32>
        %mul3A_2223 = arith.muli %mul3A_2222, %iota3A : vector<16xi32>
        %add3A_2224 = vector.broadcast %add3A_2220 : i32 to vector<16xi32>
        %add3A_2225 = arith.addi %add3A_2224, %mul3A_2223 : vector<16xi32>
        %swap3A_2226 = arith.constant 1 : i32
        %swap3A_2227 = arith.index_cast %swap3A_2226 : i32 to index
        %swap3A_2228 = arith.constant 80 : index
        %swap3A_2229 = tpu.vector_load %arg6[%swap3A_2227, %swap3A_2228] {strides = array<i32>} : memref<2x384xi32, #tpu.memory_space<vmem>>, vector<16xi32>,
        tpu.vector_store %arg6[%swap3A_2227, %swap3A_2228], %add3A_2225 {strides = array<i32>} : memref<2x384xi32, #tpu.memory_space<vmem>>, vector<16xi32>,
        %add3A_2230 = arith.constant 768 : i32
        %add3A_2231 = arith.addi %add3A_2163, %add3A_2230 : i32
        %mul3A_2232 = arith.constant 8 : i32
        %mul3A_2233 = vector.broadcast %mul3A_2232 : i32 to vector<16xi32>
        %mul3A_2234 = arith.muli %mul3A_2233, %iota3A : vector<16xi32>
        %add3A_2235 = vector.broadcast %add3A_2231 : i32 to vector<16xi32>
        %add3A_2236 = arith.addi %add3A_2235, %mul3A_2234 : vector<16xi32>
        %swap3A_2237 = arith.constant 1 : i32
        %swap3A_2238 = arith.index_cast %swap3A_2237 : i32 to index
        %swap3A_2239 = arith.constant 96 : index
        %swap3A_2240 = tpu.vector_load %arg6[%swap3A_2238, %swap3A_2239] {strides = array<i32>} : memref<2x384xi32, #tpu.memory_space<vmem>>, vector<16xi32>,
        tpu.vector_store %arg6[%swap3A_2238, %swap3A_2239], %add3A_2236 {strides = array<i32>} : memref<2x384xi32, #tpu.memory_space<vmem>>, vector<16xi32>,
        %add3A_2241 = arith.constant 896 : i32
        %add3A_2242 = arith.addi %add3A_2163, %add3A_2241 : i32
        %mul3A_2243 = arith.constant 8 : i32
        %mul3A_2244 = vector.broadcast %mul3A_2243 : i32 to vector<16xi32>
        %mul3A_2245 = arith.muli %mul3A_2244, %iota3A : vector<16xi32>
        %add3A_2246 = vector.broadcast %add3A_2242 : i32 to vector<16xi32>
        %add3A_2247 = arith.addi %add3A_2246, %mul3A_2245 : vector<16xi32>
        %swap3A_2248 = arith.constant 1 : i32
        %swap3A_2249 = arith.index_cast %swap3A_2248 : i32 to index
        %swap3A_2250 = arith.constant 112 : index
        %swap3A_2251 = tpu.vector_load %arg6[%swap3A_2249, %swap3A_2250] {strides = array<i32>} : memref<2x384xi32, #tpu.memory_space<vmem>>, vector<16xi32>,
        tpu.vector_store %arg6[%swap3A_2249, %swap3A_2250], %add3A_2247 {strides = array<i32>} : memref<2x384xi32, #tpu.memory_space<vmem>>, vector<16xi32>,
        %add3A_2252 = arith.constant 1024 : i32
        %add3A_2253 = arith.addi %add3A_2163, %add3A_2252 : i32
        %mul3A_2254 = arith.constant 8 : i32
        %mul3A_2255 = vector.broadcast %mul3A_2254 : i32 to vector<16xi32>
        %mul3A_2256 = arith.muli %mul3A_2255, %iota3A : vector<16xi32>
        %add3A_2257 = vector.broadcast %add3A_2253 : i32 to vector<16xi32>
        %add3A_2258 = arith.addi %add3A_2257, %mul3A_2256 : vector<16xi32>
        %swap3A_2259 = arith.constant 1 : i32
        %swap3A_2260 = arith.index_cast %swap3A_2259 : i32 to index
        %swap3A_2261 = arith.constant 128 : index
        %swap3A_2262 = tpu.vector_load %arg6[%swap3A_2260, %swap3A_2261] {strides = array<i32>} : memref<2x384xi32, #tpu.memory_space<vmem>>, vector<16xi32>,
        tpu.vector_store %arg6[%swap3A_2260, %swap3A_2261], %add3A_2258 {strides = array<i32>} : memref<2x384xi32, #tpu.memory_space<vmem>>, vector<16xi32>,
        %add3A_2263 = arith.constant 1152 : i32
        %add3A_2264 = arith.addi %add3A_2163, %add3A_2263 : i32
        %mul3A_2265 = arith.constant 8 : i32
        %mul3A_2266 = vector.broadcast %mul3A_2265 : i32 to vector<16xi32>
        %mul3A_2267 = arith.muli %mul3A_2266, %iota3A : vector<16xi32>
        %add3A_2268 = vector.broadcast %add3A_2264 : i32 to vector<16xi32>
        %add3A_2269 = arith.addi %add3A_2268, %mul3A_2267 : vector<16xi32>
        %swap3A_2270 = arith.constant 1 : i32
        %swap3A_2271 = arith.index_cast %swap3A_2270 : i32 to index
        %swap3A_2272 = arith.constant 144 : index
        %swap3A_2273 = tpu.vector_load %arg6[%swap3A_2271, %swap3A_2272] {strides = array<i32>} : memref<2x384xi32, #tpu.memory_space<vmem>>, vector<16xi32>,
        tpu.vector_store %arg6[%swap3A_2271, %swap3A_2272], %add3A_2269 {strides = array<i32>} : memref<2x384xi32, #tpu.memory_space<vmem>>, vector<16xi32>,
        %add3A_2274 = arith.constant 1280 : i32
        %add3A_2275 = arith.addi %add3A_2163, %add3A_2274 : i32
        %mul3A_2276 = arith.constant 8 : i32
        %mul3A_2277 = vector.broadcast %mul3A_2276 : i32 to vector<16xi32>
        %mul3A_2278 = arith.muli %mul3A_2277, %iota3A : vector<16xi32>
        %add3A_2279 = vector.broadcast %add3A_2275 : i32 to vector<16xi32>
        %add3A_2280 = arith.addi %add3A_2279, %mul3A_2278 : vector<16xi32>
        %swap3A_2281 = arith.constant 1 : i32
        %swap3A_2282 = arith.index_cast %swap3A_2281 : i32 to index
        %swap3A_2283 = arith.constant 160 : index
        %swap3A_2284 = tpu.vector_load %arg6[%swap3A_2282, %swap3A_2283] {strides = array<i32>} : memref<2x384xi32, #tpu.memory_space<vmem>>, vector<16xi32>,
        tpu.vector_store %arg6[%swap3A_2282, %swap3A_2283], %add3A_2280 {strides = array<i32>} : memref<2x384xi32, #tpu.memory_space<vmem>>, vector<16xi32>,
        %add3A_2285 = arith.constant 1408 : i32
        %add3A_2286 = arith.addi %add3A_2163, %add3A_2285 : i32
        %mul3A_2287 = arith.constant 8 : i32
        %mul3A_2288 = vector.broadcast %mul3A_2287 : i32 to vector<16xi32>
        %mul3A_2289 = arith.muli %mul3A_2288, %iota3A : vector<16xi32>
        %add3A_2290 = vector.broadcast %add3A_2286 : i32 to vector<16xi32>
        %add3A_2291 = arith.addi %add3A_2290, %mul3A_2289 : vector<16xi32>
        %swap3A_2292 = arith.constant 1 : i32
        %swap3A_2293 = arith.index_cast %swap3A_2292 : i32 to index
        %swap3A_2294 = arith.constant 176 : index
        %swap3A_2295 = tpu.vector_load %arg6[%swap3A_2293, %swap3A_2294] {strides = array<i32>} : memref<2x384xi32, #tpu.memory_space<vmem>>, vector<16xi32>,
        tpu.vector_store %arg6[%swap3A_2293, %swap3A_2294], %add3A_2291 {strides = array<i32>} : memref<2x384xi32, #tpu.memory_space<vmem>>, vector<16xi32>,
        %add3A_2296 = arith.constant 1536 : i32
        %add3A_2297 = arith.addi %add3A_2163, %add3A_2296 : i32
        %mul3A_2298 = arith.constant 8 : i32
        %mul3A_2299 = vector.broadcast %mul3A_2298 : i32 to vector<16xi32>
        %mul3A_2300 = arith.muli %mul3A_2299, %iota3A : vector<16xi32>
        %add3A_2301 = vector.broadcast %add3A_2297 : i32 to vector<16xi32>
        %add3A_2302 = arith.addi %add3A_2301, %mul3A_2300 : vector<16xi32>
        %swap3A_2303 = arith.constant 1 : i32
        %swap3A_2304 = arith.index_cast %swap3A_2303 : i32 to index
        %swap3A_2305 = arith.constant 192 : index
        %swap3A_2306 = tpu.vector_load %arg6[%swap3A_2304, %swap3A_2305] {strides = array<i32>} : memref<2x384xi32, #tpu.memory_space<vmem>>, vector<16xi32>,
        tpu.vector_store %arg6[%swap3A_2304, %swap3A_2305], %add3A_2302 {strides = array<i32>} : memref<2x384xi32, #tpu.memory_space<vmem>>, vector<16xi32>,
        %add3A_2307 = arith.constant 1664 : i32
        %add3A_2308 = arith.addi %add3A_2163, %add3A_2307 : i32
        %mul3A_2309 = arith.constant 8 : i32
        %mul3A_2310 = vector.broadcast %mul3A_2309 : i32 to vector<16xi32>
        %mul3A_2311 = arith.muli %mul3A_2310, %iota3A : vector<16xi32>
        %add3A_2312 = vector.broadcast %add3A_2308 : i32 to vector<16xi32>
        %add3A_2313 = arith.addi %add3A_2312, %mul3A_2311 : vector<16xi32>
        %swap3A_2314 = arith.constant 1 : i32
        %swap3A_2315 = arith.index_cast %swap3A_2314 : i32 to index
        %swap3A_2316 = arith.constant 208 : index
        %swap3A_2317 = tpu.vector_load %arg6[%swap3A_2315, %swap3A_2316] {strides = array<i32>} : memref<2x384xi32, #tpu.memory_space<vmem>>, vector<16xi32>,
        tpu.vector_store %arg6[%swap3A_2315, %swap3A_2316], %add3A_2313 {strides = array<i32>} : memref<2x384xi32, #tpu.memory_space<vmem>>, vector<16xi32>,
        %add3A_2318 = arith.constant 1792 : i32
        %add3A_2319 = arith.addi %add3A_2163, %add3A_2318 : i32
        %mul3A_2320 = arith.constant 8 : i32
        %mul3A_2321 = vector.broadcast %mul3A_2320 : i32 to vector<16xi32>
        %mul3A_2322 = arith.muli %mul3A_2321, %iota3A : vector<16xi32>
        %add3A_2323 = vector.broadcast %add3A_2319 : i32 to vector<16xi32>
        %add3A_2324 = arith.addi %add3A_2323, %mul3A_2322 : vector<16xi32>
        %swap3A_2325 = arith.constant 1 : i32
        %swap3A_2326 = arith.index_cast %swap3A_2325 : i32 to index
        %swap3A_2327 = arith.constant 224 : index
        %swap3A_2328 = tpu.vector_load %arg6[%swap3A_2326, %swap3A_2327] {strides = array<i32>} : memref<2x384xi32, #tpu.memory_space<vmem>>, vector<16xi32>,
        tpu.vector_store %arg6[%swap3A_2326, %swap3A_2327], %add3A_2324 {strides = array<i32>} : memref<2x384xi32, #tpu.memory_space<vmem>>, vector<16xi32>,
        %add3A_2329 = arith.constant 1920 : i32
        %add3A_2330 = arith.addi %add3A_2163, %add3A_2329 : i32
        %mul3A_2331 = arith.constant 8 : i32
        %mul3A_2332 = vector.broadcast %mul3A_2331 : i32 to vector<16xi32>
        %mul3A_2333 = arith.muli %mul3A_2332, %iota3A : vector<16xi32>
        %add3A_2334 = vector.broadcast %add3A_2330 : i32 to vector<16xi32>
        %add3A_2335 = arith.addi %add3A_2334, %mul3A_2333 : vector<16xi32>
        %swap3A_2336 = arith.constant 1 : i32
        %swap3A_2337 = arith.index_cast %swap3A_2336 : i32 to index
        %swap3A_2338 = arith.constant 240 : index
        %swap3A_2339 = tpu.vector_load %arg6[%swap3A_2337, %swap3A_2338] {strides = array<i32>} : memref<2x384xi32, #tpu.memory_space<vmem>>, vector<16xi32>,
        tpu.vector_store %arg6[%swap3A_2337, %swap3A_2338], %add3A_2335 {strides = array<i32>} : memref<2x384xi32, #tpu.memory_space<vmem>>, vector<16xi32>,
        %add3A_2340 = arith.constant 2048 : i32
        %add3A_2341 = arith.addi %add3A_2163, %add3A_2340 : i32
        %mul3A_2342 = arith.constant 8 : i32
        %mul3A_2343 = vector.broadcast %mul3A_2342 : i32 to vector<16xi32>
        %mul3A_2344 = arith.muli %mul3A_2343, %iota3A : vector<16xi32>
        %add3A_2345 = vector.broadcast %add3A_2341 : i32 to vector<16xi32>
        %add3A_2346 = arith.addi %add3A_2345, %mul3A_2344 : vector<16xi32>
        %swap3A_2347 = arith.constant 1 : i32
        %swap3A_2348 = arith.index_cast %swap3A_2347 : i32 to index
        %swap3A_2349 = arith.constant 256 : index
        %swap3A_2350 = tpu.vector_load %arg6[%swap3A_2348, %swap3A_2349] {strides = array<i32>} : memref<2x384xi32, #tpu.memory_space<vmem>>, vector<16xi32>,
        tpu.vector_store %arg6[%swap3A_2348, %swap3A_2349], %add3A_2346 {strides = array<i32>} : memref<2x384xi32, #tpu.memory_space<vmem>>, vector<16xi32>,
        %add3A_2351 = arith.constant 2176 : i32
        %add3A_2352 = arith.addi %add3A_2163, %add3A_2351 : i32
        %mul3A_2353 = arith.constant 8 : i32
        %mul3A_2354 = vector.broadcast %mul3A_2353 : i32 to vector<16xi32>
        %mul3A_2355 = arith.muli %mul3A_2354, %iota3A : vector<16xi32>
        %add3A_2356 = vector.broadcast %add3A_2352 : i32 to vector<16xi32>
        %add3A_2357 = arith.addi %add3A_2356, %mul3A_2355 : vector<16xi32>
        %swap3A_2358 = arith.constant 1 : i32
        %swap3A_2359 = arith.index_cast %swap3A_2358 : i32 to index
        %swap3A_2360 = arith.constant 272 : index
        %swap3A_2361 = tpu.vector_load %arg6[%swap3A_2359, %swap3A_2360] {strides = array<i32>} : memref<2x384xi32, #tpu.memory_space<vmem>>, vector<16xi32>,
        tpu.vector_store %arg6[%swap3A_2359, %swap3A_2360], %add3A_2357 {strides = array<i32>} : memref<2x384xi32, #tpu.memory_space<vmem>>, vector<16xi32>,
        %add3A_2362 = arith.constant 2304 : i32
        %add3A_2363 = arith.addi %add3A_2163, %add3A_2362 : i32
        %mul3A_2364 = arith.constant 8 : i32
        %mul3A_2365 = vector.broadcast %mul3A_2364 : i32 to vector<16xi32>
        %mul3A_2366 = arith.muli %mul3A_2365, %iota3A : vector<16xi32>
        %add3A_2367 = vector.broadcast %add3A_2363 : i32 to vector<16xi32>
        %add3A_2368 = arith.addi %add3A_2367, %mul3A_2366 : vector<16xi32>
        %swap3A_2369 = arith.constant 1 : i32
        %swap3A_2370 = arith.index_cast %swap3A_2369 : i32 to index
        %swap3A_2371 = arith.constant 288 : index
        %swap3A_2372 = tpu.vector_load %arg6[%swap3A_2370, %swap3A_2371] {strides = array<i32>} : memref<2x384xi32, #tpu.memory_space<vmem>>, vector<16xi32>,
        tpu.vector_store %arg6[%swap3A_2370, %swap3A_2371], %add3A_2368 {strides = array<i32>} : memref<2x384xi32, #tpu.memory_space<vmem>>, vector<16xi32>,
        %add3A_2373 = arith.constant 2432 : i32
        %add3A_2374 = arith.addi %add3A_2163, %add3A_2373 : i32
        %mul3A_2375 = arith.constant 8 : i32
        %mul3A_2376 = vector.broadcast %mul3A_2375 : i32 to vector<16xi32>
        %mul3A_2377 = arith.muli %mul3A_2376, %iota3A : vector<16xi32>
        %add3A_2378 = vector.broadcast %add3A_2374 : i32 to vector<16xi32>
        %add3A_2379 = arith.addi %add3A_2378, %mul3A_2377 : vector<16xi32>
        %swap3A_2380 = arith.constant 1 : i32
        %swap3A_2381 = arith.index_cast %swap3A_2380 : i32 to index
        %swap3A_2382 = arith.constant 304 : index
        %swap3A_2383 = tpu.vector_load %arg6[%swap3A_2381, %swap3A_2382] {strides = array<i32>} : memref<2x384xi32, #tpu.memory_space<vmem>>, vector<16xi32>,
        tpu.vector_store %arg6[%swap3A_2381, %swap3A_2382], %add3A_2379 {strides = array<i32>} : memref<2x384xi32, #tpu.memory_space<vmem>>, vector<16xi32>,
        %add3A_2384 = arith.constant 2560 : i32
        %add3A_2385 = arith.addi %add3A_2163, %add3A_2384 : i32
        %mul3A_2386 = arith.constant 8 : i32
        %mul3A_2387 = vector.broadcast %mul3A_2386 : i32 to vector<16xi32>
        %mul3A_2388 = arith.muli %mul3A_2387, %iota3A : vector<16xi32>
        %add3A_2389 = vector.broadcast %add3A_2385 : i32 to vector<16xi32>
        %add3A_2390 = arith.addi %add3A_2389, %mul3A_2388 : vector<16xi32>
        %swap3A_2391 = arith.constant 1 : i32
        %swap3A_2392 = arith.index_cast %swap3A_2391 : i32 to index
        %swap3A_2393 = arith.constant 320 : index
        %swap3A_2394 = tpu.vector_load %arg6[%swap3A_2392, %swap3A_2393] {strides = array<i32>} : memref<2x384xi32, #tpu.memory_space<vmem>>, vector<16xi32>,
        tpu.vector_store %arg6[%swap3A_2392, %swap3A_2393], %add3A_2390 {strides = array<i32>} : memref<2x384xi32, #tpu.memory_space<vmem>>, vector<16xi32>,
        %add3A_2395 = arith.constant 2688 : i32
        %add3A_2396 = arith.addi %add3A_2163, %add3A_2395 : i32
        %mul3A_2397 = arith.constant 8 : i32
        %mul3A_2398 = vector.broadcast %mul3A_2397 : i32 to vector<16xi32>
        %mul3A_2399 = arith.muli %mul3A_2398, %iota3A : vector<16xi32>
        %add3A_2400 = vector.broadcast %add3A_2396 : i32 to vector<16xi32>
        %add3A_2401 = arith.addi %add3A_2400, %mul3A_2399 : vector<16xi32>
        %swap3A_2402 = arith.constant 1 : i32
        %swap3A_2403 = arith.index_cast %swap3A_2402 : i32 to index
        %swap3A_2404 = arith.constant 336 : index
        %swap3A_2405 = tpu.vector_load %arg6[%swap3A_2403, %swap3A_2404] {strides = array<i32>} : memref<2x384xi32, #tpu.memory_space<vmem>>, vector<16xi32>,
        tpu.vector_store %arg6[%swap3A_2403, %swap3A_2404], %add3A_2401 {strides = array<i32>} : memref<2x384xi32, #tpu.memory_space<vmem>>, vector<16xi32>,
        %add3A_2406 = arith.constant 2816 : i32
        %add3A_2407 = arith.addi %add3A_2163, %add3A_2406 : i32
        %mul3A_2408 = arith.constant 8 : i32
        %mul3A_2409 = vector.broadcast %mul3A_2408 : i32 to vector<16xi32>
        %mul3A_2410 = arith.muli %mul3A_2409, %iota3A : vector<16xi32>
        %add3A_2411 = vector.broadcast %add3A_2407 : i32 to vector<16xi32>
        %add3A_2412 = arith.addi %add3A_2411, %mul3A_2410 : vector<16xi32>
        %swap3A_2413 = arith.constant 1 : i32
        %swap3A_2414 = arith.index_cast %swap3A_2413 : i32 to index
        %swap3A_2415 = arith.constant 352 : index
        %swap3A_2416 = tpu.vector_load %arg6[%swap3A_2414, %swap3A_2415] {strides = array<i32>} : memref<2x384xi32, #tpu.memory_space<vmem>>, vector<16xi32>,
        tpu.vector_store %arg6[%swap3A_2414, %swap3A_2415], %add3A_2412 {strides = array<i32>} : memref<2x384xi32, #tpu.memory_space<vmem>>, vector<16xi32>,
        %add3A_2417 = arith.constant 2944 : i32
        %add3A_2418 = arith.addi %add3A_2163, %add3A_2417 : i32
        %mul3A_2419 = arith.constant 8 : i32
        %mul3A_2420 = vector.broadcast %mul3A_2419 : i32 to vector<16xi32>
        %mul3A_2421 = arith.muli %mul3A_2420, %iota3A : vector<16xi32>
        %add3A_2422 = vector.broadcast %add3A_2418 : i32 to vector<16xi32>
        %add3A_2423 = arith.addi %add3A_2422, %mul3A_2421 : vector<16xi32>
        %swap3A_2424 = arith.constant 1 : i32
        %swap3A_2425 = arith.index_cast %swap3A_2424 : i32 to index
        %swap3A_2426 = arith.constant 368 : index
        %swap3A_2427 = tpu.vector_load %arg6[%swap3A_2425, %swap3A_2426] {strides = array<i32>} : memref<2x384xi32, #tpu.memory_space<vmem>>, vector<16xi32>,
        tpu.vector_store %arg6[%swap3A_2425, %swap3A_2426], %add3A_2423 {strides = array<i32>} : memref<2x384xi32, #tpu.memory_space<vmem>>, vector<16xi32>,
        %dma_start3A_2428 = arith.constant 1 : i32
        %dma_start3A_2429 = arith.constant 1 : i32
        %dma_start3A_2430 = arith.constant 1 : i32
        %dma_start3A_2431 = arith.constant 0 : i32
        %dma_start3A_2432 = arith.constant 0 : i32
        %dma_start3A_2433 = tpu.memref_slice %arg5[%dma_start3A_2429, %dma_start3A_2431, %dma_start3A_2432] : memref<2x313x128xf32, #tpu.memory_space<vmem>> -> memref<1x64x128xf32, #tpu.memory_space<vmem>>
        %dma_start3A_2434 = tpu.memref_squeeze %dma_start3A_2433 : memref<1x64x128xf32, #tpu.memory_space<vmem>> -> memref<64x128xf32, #tpu.memory_space<vmem>>
        %dma_start3A_2435 = arith.constant 0 : i32
        %dma_start3A_2436 = tpu.memref_slice %arg6[%dma_start3A_2428, %dma_start3A_2435] : memref<2x384xi32, #tpu.memory_space<vmem>> -> memref<1x64xi32, #tpu.memory_space<vmem>>
        %dma_start3A_2437 = tpu.memref_squeeze %dma_start3A_2436 : memref<1x64xi32, #tpu.memory_space<vmem>> -> memref<64xi32, #tpu.memory_space<vmem>>
        %dma_start3A_2438 = arith.constant 0 : i32
        %dma_start3A_2439 = arith.constant 0 : i32
        %dma_start3A_2440 = tpu.memref_slice %arg2[%dma_start3A_2438, %dma_start3A_2439] : memref<520000x128xf32, #tpu.memory_space<hbm>> -> memref<520000x128xf32, #tpu.memory_space<hbm>>
        %dma_start3A_2441 = tpu.memref_slice %arg9[%dma_start3A_2430] : memref<2x!tpu.dma_semaphore, #tpu.memory_space<semaphore_mem>> -> memref<1x!tpu.dma_semaphore, #tpu.memory_space<semaphore_mem>>
        %dma_start3A_2442 = tpu.memref_squeeze %dma_start3A_2441 : memref<1x!tpu.dma_semaphore, #tpu.memory_space<semaphore_mem>> -> memref<!tpu.dma_semaphore, #tpu.memory_space<semaphore_mem>>
        tpu.enqueue_indirect_dma source(%dma_start3A_2440 : memref<520000x128xf32, #tpu.memory_space<hbm>>) target(%dma_start3A_2434 : memref<64x128xf32, #tpu.memory_space<vmem>>) offsets(%dma_start3A_2437 : memref<64xi32, #tpu.memory_space<vmem>>) semaphore(%dma_start3A_2442 : memref<!tpu.dma_semaphore, #tpu.memory_space<semaphore_mem>>)
        %dma_start3A_2443 = arith.constant 1 : i32
        %dma_start3A_2444 = arith.constant 1 : i32
        %dma_start3A_2445 = arith.constant 1 : i32
        %dma_start3A_2446 = arith.constant 64 : i32
        %dma_start3A_2447 = arith.constant 0 : i32
        %dma_start3A_2448 = tpu.memref_slice %arg5[%dma_start3A_2444, %dma_start3A_2446, %dma_start3A_2447] : memref<2x313x128xf32, #tpu.memory_space<vmem>> -> memref<1x64x128xf32, #tpu.memory_space<vmem>>
        %dma_start3A_2449 = tpu.memref_squeeze %dma_start3A_2448 : memref<1x64x128xf32, #tpu.memory_space<vmem>> -> memref<64x128xf32, #tpu.memory_space<vmem>>
        %dma_start3A_2450 = arith.constant 64 : i32
        %dma_start3A_2451 = tpu.memref_slice %arg6[%dma_start3A_2443, %dma_start3A_2450] : memref<2x384xi32, #tpu.memory_space<vmem>> -> memref<1x64xi32, #tpu.memory_space<vmem>>
        %dma_start3A_2452 = tpu.memref_squeeze %dma_start3A_2451 : memref<1x64xi32, #tpu.memory_space<vmem>> -> memref<64xi32, #tpu.memory_space<vmem>>
        %dma_start3A_2453 = arith.constant 0 : i32
        %dma_start3A_2454 = arith.constant 0 : i32
        %dma_start3A_2455 = tpu.memref_slice %arg2[%dma_start3A_2453, %dma_start3A_2454] : memref<520000x128xf32, #tpu.memory_space<hbm>> -> memref<520000x128xf32, #tpu.memory_space<hbm>>
        %dma_start3A_2456 = tpu.memref_slice %arg9[%dma_start3A_2445] : memref<2x!tpu.dma_semaphore, #tpu.memory_space<semaphore_mem>> -> memref<1x!tpu.dma_semaphore, #tpu.memory_space<semaphore_mem>>
        %dma_start3A_2457 = tpu.memref_squeeze %dma_start3A_2456 : memref<1x!tpu.dma_semaphore, #tpu.memory_space<semaphore_mem>> -> memref<!tpu.dma_semaphore, #tpu.memory_space<semaphore_mem>>
        tpu.enqueue_indirect_dma source(%dma_start3A_2455 : memref<520000x128xf32, #tpu.memory_space<hbm>>) target(%dma_start3A_2449 : memref<64x128xf32, #tpu.memory_space<vmem>>) offsets(%dma_start3A_2452 : memref<64xi32, #tpu.memory_space<vmem>>) semaphore(%dma_start3A_2457 : memref<!tpu.dma_semaphore, #tpu.memory_space<semaphore_mem>>)
        %dma_start3A_2458 = arith.constant 1 : i32
        %dma_start3A_2459 = arith.constant 1 : i32
        %dma_start3A_2460 = arith.constant 1 : i32
        %dma_start3A_2461 = arith.constant 128 : i32
        %dma_start3A_2462 = arith.constant 0 : i32
        %dma_start3A_2463 = tpu.memref_slice %arg5[%dma_start3A_2459, %dma_start3A_2461, %dma_start3A_2462] : memref<2x313x128xf32, #tpu.memory_space<vmem>> -> memref<1x64x128xf32, #tpu.memory_space<vmem>>
        %dma_start3A_2464 = tpu.memref_squeeze %dma_start3A_2463 : memref<1x64x128xf32, #tpu.memory_space<vmem>> -> memref<64x128xf32, #tpu.memory_space<vmem>>
        %dma_start3A_2465 = arith.constant 128 : i32
        %dma_start3A_2466 = tpu.memref_slice %arg6[%dma_start3A_2458, %dma_start3A_2465] : memref<2x384xi32, #tpu.memory_space<vmem>> -> memref<1x64xi32, #tpu.memory_space<vmem>>
        %dma_start3A_2467 = tpu.memref_squeeze %dma_start3A_2466 : memref<1x64xi32, #tpu.memory_space<vmem>> -> memref<64xi32, #tpu.memory_space<vmem>>
        %dma_start3A_2468 = arith.constant 0 : i32
        %dma_start3A_2469 = arith.constant 0 : i32
        %dma_start3A_2470 = tpu.memref_slice %arg2[%dma_start3A_2468, %dma_start3A_2469] : memref<520000x128xf32, #tpu.memory_space<hbm>> -> memref<520000x128xf32, #tpu.memory_space<hbm>>
        %dma_start3A_2471 = tpu.memref_slice %arg9[%dma_start3A_2460] : memref<2x!tpu.dma_semaphore, #tpu.memory_space<semaphore_mem>> -> memref<1x!tpu.dma_semaphore, #tpu.memory_space<semaphore_mem>>
        %dma_start3A_2472 = tpu.memref_squeeze %dma_start3A_2471 : memref<1x!tpu.dma_semaphore, #tpu.memory_space<semaphore_mem>> -> memref<!tpu.dma_semaphore, #tpu.memory_space<semaphore_mem>>
        tpu.enqueue_indirect_dma source(%dma_start3A_2470 : memref<520000x128xf32, #tpu.memory_space<hbm>>) target(%dma_start3A_2464 : memref<64x128xf32, #tpu.memory_space<vmem>>) offsets(%dma_start3A_2467 : memref<64xi32, #tpu.memory_space<vmem>>) semaphore(%dma_start3A_2472 : memref<!tpu.dma_semaphore, #tpu.memory_space<semaphore_mem>>)
        %dma_start3A_2473 = arith.constant 1 : i32
        %dma_start3A_2474 = arith.constant 1 : i32
        %dma_start3A_2475 = arith.constant 1 : i32
        %dma_start3A_2476 = arith.constant 192 : i32
        %dma_start3A_2477 = arith.constant 0 : i32
        %dma_start3A_2478 = tpu.memref_slice %arg5[%dma_start3A_2474, %dma_start3A_2476, %dma_start3A_2477] : memref<2x313x128xf32, #tpu.memory_space<vmem>> -> memref<1x64x128xf32, #tpu.memory_space<vmem>>
        %dma_start3A_2479 = tpu.memref_squeeze %dma_start3A_2478 : memref<1x64x128xf32, #tpu.memory_space<vmem>> -> memref<64x128xf32, #tpu.memory_space<vmem>>
        %dma_start3A_2480 = arith.constant 192 : i32
        %dma_start3A_2481 = tpu.memref_slice %arg6[%dma_start3A_2473, %dma_start3A_2480] : memref<2x384xi32, #tpu.memory_space<vmem>> -> memref<1x64xi32, #tpu.memory_space<vmem>>
        %dma_start3A_2482 = tpu.memref_squeeze %dma_start3A_2481 : memref<1x64xi32, #tpu.memory_space<vmem>> -> memref<64xi32, #tpu.memory_space<vmem>>
        %dma_start3A_2483 = arith.constant 0 : i32
        %dma_start3A_2484 = arith.constant 0 : i32
        %dma_start3A_2485 = tpu.memref_slice %arg2[%dma_start3A_2483, %dma_start3A_2484] : memref<520000x128xf32, #tpu.memory_space<hbm>> -> memref<520000x128xf32, #tpu.memory_space<hbm>>
        %dma_start3A_2486 = tpu.memref_slice %arg9[%dma_start3A_2475] : memref<2x!tpu.dma_semaphore, #tpu.memory_space<semaphore_mem>> -> memref<1x!tpu.dma_semaphore, #tpu.memory_space<semaphore_mem>>
        %dma_start3A_2487 = tpu.memref_squeeze %dma_start3A_2486 : memref<1x!tpu.dma_semaphore, #tpu.memory_space<semaphore_mem>> -> memref<!tpu.dma_semaphore, #tpu.memory_space<semaphore_mem>>
        tpu.enqueue_indirect_dma source(%dma_start3A_2485 : memref<520000x128xf32, #tpu.memory_space<hbm>>) target(%dma_start3A_2479 : memref<64x128xf32, #tpu.memory_space<vmem>>) offsets(%dma_start3A_2482 : memref<64xi32, #tpu.memory_space<vmem>>) semaphore(%dma_start3A_2487 : memref<!tpu.dma_semaphore, #tpu.memory_space<semaphore_mem>>)
        %dma_start3A_2488 = arith.constant 1 : i32
        %dma_start3A_2489 = arith.constant 1 : i32
        %dma_start3A_2490 = arith.constant 1 : i32
        %dma_start3A_2491 = arith.constant 256 : i32
        %dma_start3A_2492 = arith.constant 0 : i32
        %dma_start3A_2493 = tpu.memref_slice %arg5[%dma_start3A_2489, %dma_start3A_2491, %dma_start3A_2492] : memref<2x313x128xf32, #tpu.memory_space<vmem>> -> memref<1x57x128xf32, #tpu.memory_space<vmem>>
        %dma_start3A_2494 = tpu.memref_squeeze %dma_start3A_2493 : memref<1x57x128xf32, #tpu.memory_space<vmem>> -> memref<57x128xf32, #tpu.memory_space<vmem>>
        %dma_start3A_2495 = arith.constant 256 : i32
        %dma_start3A_2496 = tpu.memref_slice %arg6[%dma_start3A_2488, %dma_start3A_2495] : memref<2x384xi32, #tpu.memory_space<vmem>> -> memref<1x57xi32, #tpu.memory_space<vmem>>
        %dma_start3A_2497 = tpu.memref_squeeze %dma_start3A_2496 : memref<1x57xi32, #tpu.memory_space<vmem>> -> memref<57xi32, #tpu.memory_space<vmem>>
        %dma_start3A_2498 = arith.constant 0 : i32
        %dma_start3A_2499 = arith.constant 0 : i32
        %dma_start3A_2500 = tpu.memref_slice %arg2[%dma_start3A_2498, %dma_start3A_2499] : memref<520000x128xf32, #tpu.memory_space<hbm>> -> memref<520000x128xf32, #tpu.memory_space<hbm>>
        %dma_start3A_2501 = tpu.memref_slice %arg9[%dma_start3A_2490] : memref<2x!tpu.dma_semaphore, #tpu.memory_space<semaphore_mem>> -> memref<1x!tpu.dma_semaphore, #tpu.memory_space<semaphore_mem>>
        %dma_start3A_2502 = tpu.memref_squeeze %dma_start3A_2501 : memref<1x!tpu.dma_semaphore, #tpu.memory_space<semaphore_mem>> -> memref<!tpu.dma_semaphore, #tpu.memory_space<semaphore_mem>>
        tpu.enqueue_indirect_dma source(%dma_start3A_2500 : memref<520000x128xf32, #tpu.memory_space<hbm>>) target(%dma_start3A_2494 : memref<57x128xf32, #tpu.memory_space<vmem>>) offsets(%dma_start3A_2497 : memref<57xi32, #tpu.memory_space<vmem>>) semaphore(%dma_start3A_2502 : memref<!tpu.dma_semaphore, #tpu.memory_space<semaphore_mem>>)
        %dma_wait3A_2503 = arith.constant 0 : i32
        %dma_wait3A_2504 = arith.constant 0 : i32
        %dma_wait3A_2505 = arith.constant 0 : i32
        %dma_wait3A_2506 = arith.constant 0 : i32
        %dma_wait3A_2507 = arith.constant 0 : i32
        %dma_wait3A_2508 = tpu.memref_slice %arg5[%dma_wait3A_2504, %dma_wait3A_2506, %dma_wait3A_2507] : memref<2x313x128xf32, #tpu.memory_space<vmem>> -> memref<1x64x128xf32, #tpu.memory_space<vmem>>
        %dma_wait3A_2509 = tpu.memref_squeeze %dma_wait3A_2508 : memref<1x64x128xf32, #tpu.memory_space<vmem>> -> memref<64x128xf32, #tpu.memory_space<vmem>>
        %dma_wait3A_2510 = arith.constant 0 : i32
        %dma_wait3A_2511 = tpu.memref_slice %arg6[%dma_wait3A_2503, %dma_wait3A_2510] : memref<2x384xi32, #tpu.memory_space<vmem>> -> memref<1x64xi32, #tpu.memory_space<vmem>>
        %dma_wait3A_2512 = tpu.memref_squeeze %dma_wait3A_2511 : memref<1x64xi32, #tpu.memory_space<vmem>> -> memref<64xi32, #tpu.memory_space<vmem>>
        %dma_wait3A_2513 = arith.constant 0 : i32
        %dma_wait3A_2514 = arith.constant 0 : i32
        %dma_wait3A_2515 = tpu.memref_slice %arg2[%dma_wait3A_2513, %dma_wait3A_2514] : memref<520000x128xf32, #tpu.memory_space<hbm>> -> memref<520000x128xf32, #tpu.memory_space<hbm>>
        %dma_wait3A_2516 = tpu.memref_slice %arg9[%dma_wait3A_2505] : memref<2x!tpu.dma_semaphore, #tpu.memory_space<semaphore_mem>> -> memref<1x!tpu.dma_semaphore, #tpu.memory_space<semaphore_mem>>
        %dma_wait3A_2517 = tpu.memref_squeeze %dma_wait3A_2516 : memref<1x!tpu.dma_semaphore, #tpu.memory_space<semaphore_mem>> -> memref<!tpu.dma_semaphore, #tpu.memory_space<semaphore_mem>>
        tpu.wait_indirect_dma semaphore(%dma_wait3A_2517 : memref<!tpu.dma_semaphore, #tpu.memory_space<semaphore_mem>>) src(%dma_wait3A_2515 : memref<520000x128xf32, #tpu.memory_space<hbm>>) dst(%dma_wait3A_2509 : memref<64x128xf32, #tpu.memory_space<vmem>>)
        %dma_wait3A_2518 = arith.constant 0 : i32
        %dma_wait3A_2519 = arith.constant 0 : i32
        %dma_wait3A_2520 = arith.constant 0 : i32
        %dma_wait3A_2521 = arith.constant 64 : i32
        %dma_wait3A_2522 = arith.constant 0 : i32
        %dma_wait3A_2523 = tpu.memref_slice %arg5[%dma_wait3A_2519, %dma_wait3A_2521, %dma_wait3A_2522] : memref<2x313x128xf32, #tpu.memory_space<vmem>> -> memref<1x64x128xf32, #tpu.memory_space<vmem>>
        %dma_wait3A_2524 = tpu.memref_squeeze %dma_wait3A_2523 : memref<1x64x128xf32, #tpu.memory_space<vmem>> -> memref<64x128xf32, #tpu.memory_space<vmem>>
        %dma_wait3A_2525 = arith.constant 64 : i32
        %dma_wait3A_2526 = tpu.memref_slice %arg6[%dma_wait3A_2518, %dma_wait3A_2525] : memref<2x384xi32, #tpu.memory_space<vmem>> -> memref<1x64xi32, #tpu.memory_space<vmem>>
        %dma_wait3A_2527 = tpu.memref_squeeze %dma_wait3A_2526 : memref<1x64xi32, #tpu.memory_space<vmem>> -> memref<64xi32, #tpu.memory_space<vmem>>
        %dma_wait3A_2528 = arith.constant 0 : i32
        %dma_wait3A_2529 = arith.constant 0 : i32
        %dma_wait3A_2530 = tpu.memref_slice %arg2[%dma_wait3A_2528, %dma_wait3A_2529] : memref<520000x128xf32, #tpu.memory_space<hbm>> -> memref<520000x128xf32, #tpu.memory_space<hbm>>
        %dma_wait3A_2531 = tpu.memref_slice %arg9[%dma_wait3A_2520] : memref<2x!tpu.dma_semaphore, #tpu.memory_space<semaphore_mem>> -> memref<1x!tpu.dma_semaphore, #tpu.memory_space<semaphore_mem>>
        %dma_wait3A_2532 = tpu.memref_squeeze %dma_wait3A_2531 : memref<1x!tpu.dma_semaphore, #tpu.memory_space<semaphore_mem>> -> memref<!tpu.dma_semaphore, #tpu.memory_space<semaphore_mem>>
        tpu.wait_indirect_dma semaphore(%dma_wait3A_2532 : memref<!tpu.dma_semaphore, #tpu.memory_space<semaphore_mem>>) src(%dma_wait3A_2530 : memref<520000x128xf32, #tpu.memory_space<hbm>>) dst(%dma_wait3A_2524 : memref<64x128xf32, #tpu.memory_space<vmem>>)
        %dma_wait3A_2533 = arith.constant 0 : i32
        %dma_wait3A_2534 = arith.constant 0 : i32
        %dma_wait3A_2535 = arith.constant 0 : i32
        %dma_wait3A_2536 = arith.constant 128 : i32
        %dma_wait3A_2537 = arith.constant 0 : i32
        %dma_wait3A_2538 = tpu.memref_slice %arg5[%dma_wait3A_2534, %dma_wait3A_2536, %dma_wait3A_2537] : memref<2x313x128xf32, #tpu.memory_space<vmem>> -> memref<1x64x128xf32, #tpu.memory_space<vmem>>
        %dma_wait3A_2539 = tpu.memref_squeeze %dma_wait3A_2538 : memref<1x64x128xf32, #tpu.memory_space<vmem>> -> memref<64x128xf32, #tpu.memory_space<vmem>>
        %dma_wait3A_2540 = arith.constant 128 : i32
        %dma_wait3A_2541 = tpu.memref_slice %arg6[%dma_wait3A_2533, %dma_wait3A_2540] : memref<2x384xi32, #tpu.memory_space<vmem>> -> memref<1x64xi32, #tpu.memory_space<vmem>>
        %dma_wait3A_2542 = tpu.memref_squeeze %dma_wait3A_2541 : memref<1x64xi32, #tpu.memory_space<vmem>> -> memref<64xi32, #tpu.memory_space<vmem>>
        %dma_wait3A_2543 = arith.constant 0 : i32
        %dma_wait3A_2544 = arith.constant 0 : i32
        %dma_wait3A_2545 = tpu.memref_slice %arg2[%dma_wait3A_2543, %dma_wait3A_2544] : memref<520000x128xf32, #tpu.memory_space<hbm>> -> memref<520000x128xf32, #tpu.memory_space<hbm>>
        %dma_wait3A_2546 = tpu.memref_slice %arg9[%dma_wait3A_2535] : memref<2x!tpu.dma_semaphore, #tpu.memory_space<semaphore_mem>> -> memref<1x!tpu.dma_semaphore, #tpu.memory_space<semaphore_mem>>
        %dma_wait3A_2547 = tpu.memref_squeeze %dma_wait3A_2546 : memref<1x!tpu.dma_semaphore, #tpu.memory_space<semaphore_mem>> -> memref<!tpu.dma_semaphore, #tpu.memory_space<semaphore_mem>>
        tpu.wait_indirect_dma semaphore(%dma_wait3A_2547 : memref<!tpu.dma_semaphore, #tpu.memory_space<semaphore_mem>>) src(%dma_wait3A_2545 : memref<520000x128xf32, #tpu.memory_space<hbm>>) dst(%dma_wait3A_2539 : memref<64x128xf32, #tpu.memory_space<vmem>>)
        %dma_wait3A_2548 = arith.constant 0 : i32
        %dma_wait3A_2549 = arith.constant 0 : i32
        %dma_wait3A_2550 = arith.constant 0 : i32
        %dma_wait3A_2551 = arith.constant 192 : i32
        %dma_wait3A_2552 = arith.constant 0 : i32
        %dma_wait3A_2553 = tpu.memref_slice %arg5[%dma_wait3A_2549, %dma_wait3A_2551, %dma_wait3A_2552] : memref<2x313x128xf32, #tpu.memory_space<vmem>> -> memref<1x64x128xf32, #tpu.memory_space<vmem>>
        %dma_wait3A_2554 = tpu.memref_squeeze %dma_wait3A_2553 : memref<1x64x128xf32, #tpu.memory_space<vmem>> -> memref<64x128xf32, #tpu.memory_space<vmem>>
        %dma_wait3A_2555 = arith.constant 192 : i32
        %dma_wait3A_2556 = tpu.memref_slice %arg6[%dma_wait3A_2548, %dma_wait3A_2555] : memref<2x384xi32, #tpu.memory_space<vmem>> -> memref<1x64xi32, #tpu.memory_space<vmem>>
        %dma_wait3A_2557 = tpu.memref_squeeze %dma_wait3A_2556 : memref<1x64xi32, #tpu.memory_space<vmem>> -> memref<64xi32, #tpu.memory_space<vmem>>
        %dma_wait3A_2558 = arith.constant 0 : i32
        %dma_wait3A_2559 = arith.constant 0 : i32
        %dma_wait3A_2560 = tpu.memref_slice %arg2[%dma_wait3A_2558, %dma_wait3A_2559] : memref<520000x128xf32, #tpu.memory_space<hbm>> -> memref<520000x128xf32, #tpu.memory_space<hbm>>
        %dma_wait3A_2561 = tpu.memref_slice %arg9[%dma_wait3A_2550] : memref<2x!tpu.dma_semaphore, #tpu.memory_space<semaphore_mem>> -> memref<1x!tpu.dma_semaphore, #tpu.memory_space<semaphore_mem>>
        %dma_wait3A_2562 = tpu.memref_squeeze %dma_wait3A_2561 : memref<1x!tpu.dma_semaphore, #tpu.memory_space<semaphore_mem>> -> memref<!tpu.dma_semaphore, #tpu.memory_space<semaphore_mem>>
        tpu.wait_indirect_dma semaphore(%dma_wait3A_2562 : memref<!tpu.dma_semaphore, #tpu.memory_space<semaphore_mem>>) src(%dma_wait3A_2560 : memref<520000x128xf32, #tpu.memory_space<hbm>>) dst(%dma_wait3A_2554 : memref<64x128xf32, #tpu.memory_space<vmem>>)
        %dma_wait3A_2563 = arith.constant 0 : i32
        %dma_wait3A_2564 = arith.constant 0 : i32
        %dma_wait3A_2565 = arith.constant 0 : i32
        %dma_wait3A_2566 = arith.constant 256 : i32
        %dma_wait3A_2567 = arith.constant 0 : i32
        %dma_wait3A_2568 = tpu.memref_slice %arg5[%dma_wait3A_2564, %dma_wait3A_2566, %dma_wait3A_2567] : memref<2x313x128xf32, #tpu.memory_space<vmem>> -> memref<1x57x128xf32, #tpu.memory_space<vmem>>
        %dma_wait3A_2569 = tpu.memref_squeeze %dma_wait3A_2568 : memref<1x57x128xf32, #tpu.memory_space<vmem>> -> memref<57x128xf32, #tpu.memory_space<vmem>>
        %dma_wait3A_2570 = arith.constant 256 : i32
        %dma_wait3A_2571 = tpu.memref_slice %arg6[%dma_wait3A_2563, %dma_wait3A_2570] : memref<2x384xi32, #tpu.memory_space<vmem>> -> memref<1x57xi32, #tpu.memory_space<vmem>>
        %dma_wait3A_2572 = tpu.memref_squeeze %dma_wait3A_2571 : memref<1x57xi32, #tpu.memory_space<vmem>> -> memref<57xi32, #tpu.memory_space<vmem>>
        %dma_wait3A_2573 = arith.constant 0 : i32
        %dma_wait3A_2574 = arith.constant 0 : i32
        %dma_wait3A_2575 = tpu.memref_slice %arg2[%dma_wait3A_2573, %dma_wait3A_2574] : memref<520000x128xf32, #tpu.memory_space<hbm>> -> memref<520000x128xf32, #tpu.memory_space<hbm>>
        %dma_wait3A_2576 = tpu.memref_slice %arg9[%dma_wait3A_2565] : memref<2x!tpu.dma_semaphore, #tpu.memory_space<semaphore_mem>> -> memref<1x!tpu.dma_semaphore, #tpu.memory_space<semaphore_mem>>
        %dma_wait3A_2577 = tpu.memref_squeeze %dma_wait3A_2576 : memref<1x!tpu.dma_semaphore, #tpu.memory_space<semaphore_mem>> -> memref<!tpu.dma_semaphore, #tpu.memory_space<semaphore_mem>>
        tpu.wait_indirect_dma semaphore(%dma_wait3A_2577 : memref<!tpu.dma_semaphore, #tpu.memory_space<semaphore_mem>>) src(%dma_wait3A_2575 : memref<520000x128xf32, #tpu.memory_space<hbm>>) dst(%dma_wait3A_2569 : memref<57x128xf32, #tpu.memory_space<vmem>>)
        %parallel_loop3A_2578 = arith.constant 0 : i32
        %parallel_loop3A_2579 = arith.constant 4096 : i32
        %parallel_loop3A_2580 = arith.constant 16 : i32
        scf.for %parallel_loop3A_3635 = %parallel_loop3A_2578 to %parallel_loop3A_2579 step %parallel_loop3A_2580  : i32 {
          %parallel_loop3A_3636 = arith.index_cast %parallel_loop3A_3635 : i32 to index
          %parallel_loop3A_3637 = tpu.vector_load %arg7[%parallel_loop3A_3636] {strides = array<i32>} : memref<4096xi32, #tpu.memory_space<vmem>>, vector<16xi32>,
          %parallel_loop3A_3638 = vector.broadcast %mul3A_457 : i32 to vector<16xi32>
          %parallel_loop3A_3639 = arith.addi %parallel_loop3A_3637, %parallel_loop3A_3638 : vector<16xi32>
          %parallel_loop3A_3640 = arith.constant 7 : i32
          %parallel_loop3A_3641 = vector.broadcast %parallel_loop3A_3640 : i32 to vector<16xi32>
          %parallel_loop3A_3642 = arith.shrsi %parallel_loop3A_3639, %parallel_loop3A_3641 : vector<16xi32>
          %parallel_loop3A_3643 = arith.constant 127 : i32
          %parallel_loop3A_3644 = vector.broadcast %parallel_loop3A_3643 : i32 to vector<16xi32>
          %parallel_loop3A_3645 = arith.andi %parallel_loop3A_3639, %parallel_loop3A_3644 : vector<16xi32>
          %parallel_loop3A_3646 = arith.constant 0 : i32
          %parallel_loop3A_3647 = arith.constant 0 : i32
          %parallel_loop3A_3648 = arith.constant 0 : i32
          %parallel_loop3A_3649 = tpu.memref_slice %arg5[%parallel_loop3A_3646, %parallel_loop3A_3647, %parallel_loop3A_3648] : memref<2x313x128xf32, #tpu.memory_space<vmem>> -> memref<1x313x128xf32, #tpu.memory_space<vmem>>
          %parallel_loop3A_3650 = tpu.memref_squeeze %parallel_loop3A_3649 : memref<1x313x128xf32, #tpu.memory_space<vmem>> -> memref<313x128xf32, #tpu.memory_space<vmem>>
          %parallel_loop3A_3651 = tpu.vector_load_idx %parallel_loop3A_3650[%parallel_loop3A_3642, %parallel_loop3A_3645] : memref<313x128xf32, #tpu.memory_space<vmem>>[vector<16xi32>, vector<16xi32>], vector<16xf32>,
          %parallel_loop3A_3652 = arith.constant 4 : i32
          %parallel_loop3A_3653 = arith.index_cast %parallel_loop3A_3652 : i32 to index
          %parallel_loop3A_3654 = arith.index_cast %parallel_loop3A_3635 : i32 to index
          %parallel_loop3A_3655 = tpu.vector_load %arg8[%parallel_loop3A_3653, %parallel_loop3A_3654] {strides = array<i32>} : memref<8x4096xf32, #tpu.memory_space<vmem>>, vector<16xf32>,
          tpu.vector_store %arg8[%parallel_loop3A_3653, %parallel_loop3A_3654], %parallel_loop3A_3651 {strides = array<i32>} : memref<8x4096xf32, #tpu.memory_space<vmem>>, vector<16xf32>,
        } {sc.loop_unroll_factor = 8 : i64, sc.parallel_access}
        %add3A_2581 = arith.constant 5 : i32
        %add3A_2582 = arith.addi %add3A_462, %add3A_2581 : i32
        %add3A_2583 = arith.constant 1 : i32
        %add3A_2584 = arith.addi %add3A_2582, %add3A_2583 : i32
        %add3A_2585 = arith.constant 0 : i32
        %add3A_2586 = arith.addi %add3A_2584, %add3A_2585 : i32
        %mul3A_2587 = arith.constant 8 : i32
        %mul3A_2588 = vector.broadcast %mul3A_2587 : i32 to vector<16xi32>
        %mul3A_2589 = arith.muli %mul3A_2588, %iota3A : vector<16xi32>
        %add3A_2590 = vector.broadcast %add3A_2586 : i32 to vector<16xi32>
        %add3A_2591 = arith.addi %add3A_2590, %mul3A_2589 : vector<16xi32>
        %swap3A_2592 = arith.constant 0 : i32
        %swap3A_2593 = arith.index_cast %swap3A_2592 : i32 to index
        %swap3A_2594 = arith.constant 0 : index
        %swap3A_2595 = tpu.vector_load %arg6[%swap3A_2593, %swap3A_2594] {strides = array<i32>} : memref<2x384xi32, #tpu.memory_space<vmem>>, vector<16xi32>,
        tpu.vector_store %arg6[%swap3A_2593, %swap3A_2594], %add3A_2591 {strides = array<i32>} : memref<2x384xi32, #tpu.memory_space<vmem>>, vector<16xi32>,
        %add3A_2596 = arith.constant 128 : i32
        %add3A_2597 = arith.addi %add3A_2584, %add3A_2596 : i32
        %mul3A_2598 = arith.constant 8 : i32
        %mul3A_2599 = vector.broadcast %mul3A_2598 : i32 to vector<16xi32>
        %mul3A_2600 = arith.muli %mul3A_2599, %iota3A : vector<16xi32>
        %add3A_2601 = vector.broadcast %add3A_2597 : i32 to vector<16xi32>
        %add3A_2602 = arith.addi %add3A_2601, %mul3A_2600 : vector<16xi32>
        %swap3A_2603 = arith.constant 0 : i32
        %swap3A_2604 = arith.index_cast %swap3A_2603 : i32 to index
        %swap3A_2605 = arith.constant 16 : index
        %swap3A_2606 = tpu.vector_load %arg6[%swap3A_2604, %swap3A_2605] {strides = array<i32>} : memref<2x384xi32, #tpu.memory_space<vmem>>, vector<16xi32>,
        tpu.vector_store %arg6[%swap3A_2604, %swap3A_2605], %add3A_2602 {strides = array<i32>} : memref<2x384xi32, #tpu.memory_space<vmem>>, vector<16xi32>,
        %add3A_2607 = arith.constant 256 : i32
        %add3A_2608 = arith.addi %add3A_2584, %add3A_2607 : i32
        %mul3A_2609 = arith.constant 8 : i32
        %mul3A_2610 = vector.broadcast %mul3A_2609 : i32 to vector<16xi32>
        %mul3A_2611 = arith.muli %mul3A_2610, %iota3A : vector<16xi32>
        %add3A_2612 = vector.broadcast %add3A_2608 : i32 to vector<16xi32>
        %add3A_2613 = arith.addi %add3A_2612, %mul3A_2611 : vector<16xi32>
        %swap3A_2614 = arith.constant 0 : i32
        %swap3A_2615 = arith.index_cast %swap3A_2614 : i32 to index
        %swap3A_2616 = arith.constant 32 : index
        %swap3A_2617 = tpu.vector_load %arg6[%swap3A_2615, %swap3A_2616] {strides = array<i32>} : memref<2x384xi32, #tpu.memory_space<vmem>>, vector<16xi32>,
        tpu.vector_store %arg6[%swap3A_2615, %swap3A_2616], %add3A_2613 {strides = array<i32>} : memref<2x384xi32, #tpu.memory_space<vmem>>, vector<16xi32>,
        %add3A_2618 = arith.constant 384 : i32
        %add3A_2619 = arith.addi %add3A_2584, %add3A_2618 : i32
        %mul3A_2620 = arith.constant 8 : i32
        %mul3A_2621 = vector.broadcast %mul3A_2620 : i32 to vector<16xi32>
        %mul3A_2622 = arith.muli %mul3A_2621, %iota3A : vector<16xi32>
        %add3A_2623 = vector.broadcast %add3A_2619 : i32 to vector<16xi32>
        %add3A_2624 = arith.addi %add3A_2623, %mul3A_2622 : vector<16xi32>
        %swap3A_2625 = arith.constant 0 : i32
        %swap3A_2626 = arith.index_cast %swap3A_2625 : i32 to index
        %swap3A_2627 = arith.constant 48 : index
        %swap3A_2628 = tpu.vector_load %arg6[%swap3A_2626, %swap3A_2627] {strides = array<i32>} : memref<2x384xi32, #tpu.memory_space<vmem>>, vector<16xi32>,
        tpu.vector_store %arg6[%swap3A_2626, %swap3A_2627], %add3A_2624 {strides = array<i32>} : memref<2x384xi32, #tpu.memory_space<vmem>>, vector<16xi32>,
        %add3A_2629 = arith.constant 512 : i32
        %add3A_2630 = arith.addi %add3A_2584, %add3A_2629 : i32
        %mul3A_2631 = arith.constant 8 : i32
        %mul3A_2632 = vector.broadcast %mul3A_2631 : i32 to vector<16xi32>
        %mul3A_2633 = arith.muli %mul3A_2632, %iota3A : vector<16xi32>
        %add3A_2634 = vector.broadcast %add3A_2630 : i32 to vector<16xi32>
        %add3A_2635 = arith.addi %add3A_2634, %mul3A_2633 : vector<16xi32>
        %swap3A_2636 = arith.constant 0 : i32
        %swap3A_2637 = arith.index_cast %swap3A_2636 : i32 to index
        %swap3A_2638 = arith.constant 64 : index
        %swap3A_2639 = tpu.vector_load %arg6[%swap3A_2637, %swap3A_2638] {strides = array<i32>} : memref<2x384xi32, #tpu.memory_space<vmem>>, vector<16xi32>,
        tpu.vector_store %arg6[%swap3A_2637, %swap3A_2638], %add3A_2635 {strides = array<i32>} : memref<2x384xi32, #tpu.memory_space<vmem>>, vector<16xi32>,
        %add3A_2640 = arith.constant 640 : i32
        %add3A_2641 = arith.addi %add3A_2584, %add3A_2640 : i32
        %mul3A_2642 = arith.constant 8 : i32
        %mul3A_2643 = vector.broadcast %mul3A_2642 : i32 to vector<16xi32>
        %mul3A_2644 = arith.muli %mul3A_2643, %iota3A : vector<16xi32>
        %add3A_2645 = vector.broadcast %add3A_2641 : i32 to vector<16xi32>
        %add3A_2646 = arith.addi %add3A_2645, %mul3A_2644 : vector<16xi32>
        %swap3A_2647 = arith.constant 0 : i32
        %swap3A_2648 = arith.index_cast %swap3A_2647 : i32 to index
        %swap3A_2649 = arith.constant 80 : index
        %swap3A_2650 = tpu.vector_load %arg6[%swap3A_2648, %swap3A_2649] {strides = array<i32>} : memref<2x384xi32, #tpu.memory_space<vmem>>, vector<16xi32>,
        tpu.vector_store %arg6[%swap3A_2648, %swap3A_2649], %add3A_2646 {strides = array<i32>} : memref<2x384xi32, #tpu.memory_space<vmem>>, vector<16xi32>,
        %add3A_2651 = arith.constant 768 : i32
        %add3A_2652 = arith.addi %add3A_2584, %add3A_2651 : i32
        %mul3A_2653 = arith.constant 8 : i32
        %mul3A_2654 = vector.broadcast %mul3A_2653 : i32 to vector<16xi32>
        %mul3A_2655 = arith.muli %mul3A_2654, %iota3A : vector<16xi32>
        %add3A_2656 = vector.broadcast %add3A_2652 : i32 to vector<16xi32>
        %add3A_2657 = arith.addi %add3A_2656, %mul3A_2655 : vector<16xi32>
        %swap3A_2658 = arith.constant 0 : i32
        %swap3A_2659 = arith.index_cast %swap3A_2658 : i32 to index
        %swap3A_2660 = arith.constant 96 : index
        %swap3A_2661 = tpu.vector_load %arg6[%swap3A_2659, %swap3A_2660] {strides = array<i32>} : memref<2x384xi32, #tpu.memory_space<vmem>>, vector<16xi32>,
        tpu.vector_store %arg6[%swap3A_2659, %swap3A_2660], %add3A_2657 {strides = array<i32>} : memref<2x384xi32, #tpu.memory_space<vmem>>, vector<16xi32>,
        %add3A_2662 = arith.constant 896 : i32
        %add3A_2663 = arith.addi %add3A_2584, %add3A_2662 : i32
        %mul3A_2664 = arith.constant 8 : i32
        %mul3A_2665 = vector.broadcast %mul3A_2664 : i32 to vector<16xi32>
        %mul3A_2666 = arith.muli %mul3A_2665, %iota3A : vector<16xi32>
        %add3A_2667 = vector.broadcast %add3A_2663 : i32 to vector<16xi32>
        %add3A_2668 = arith.addi %add3A_2667, %mul3A_2666 : vector<16xi32>
        %swap3A_2669 = arith.constant 0 : i32
        %swap3A_2670 = arith.index_cast %swap3A_2669 : i32 to index
        %swap3A_2671 = arith.constant 112 : index
        %swap3A_2672 = tpu.vector_load %arg6[%swap3A_2670, %swap3A_2671] {strides = array<i32>} : memref<2x384xi32, #tpu.memory_space<vmem>>, vector<16xi32>,
        tpu.vector_store %arg6[%swap3A_2670, %swap3A_2671], %add3A_2668 {strides = array<i32>} : memref<2x384xi32, #tpu.memory_space<vmem>>, vector<16xi32>,
        %add3A_2673 = arith.constant 1024 : i32
        %add3A_2674 = arith.addi %add3A_2584, %add3A_2673 : i32
        %mul3A_2675 = arith.constant 8 : i32
        %mul3A_2676 = vector.broadcast %mul3A_2675 : i32 to vector<16xi32>
        %mul3A_2677 = arith.muli %mul3A_2676, %iota3A : vector<16xi32>
        %add3A_2678 = vector.broadcast %add3A_2674 : i32 to vector<16xi32>
        %add3A_2679 = arith.addi %add3A_2678, %mul3A_2677 : vector<16xi32>
        %swap3A_2680 = arith.constant 0 : i32
        %swap3A_2681 = arith.index_cast %swap3A_2680 : i32 to index
        %swap3A_2682 = arith.constant 128 : index
        %swap3A_2683 = tpu.vector_load %arg6[%swap3A_2681, %swap3A_2682] {strides = array<i32>} : memref<2x384xi32, #tpu.memory_space<vmem>>, vector<16xi32>,
        tpu.vector_store %arg6[%swap3A_2681, %swap3A_2682], %add3A_2679 {strides = array<i32>} : memref<2x384xi32, #tpu.memory_space<vmem>>, vector<16xi32>,
        %add3A_2684 = arith.constant 1152 : i32
        %add3A_2685 = arith.addi %add3A_2584, %add3A_2684 : i32
        %mul3A_2686 = arith.constant 8 : i32
        %mul3A_2687 = vector.broadcast %mul3A_2686 : i32 to vector<16xi32>
        %mul3A_2688 = arith.muli %mul3A_2687, %iota3A : vector<16xi32>
        %add3A_2689 = vector.broadcast %add3A_2685 : i32 to vector<16xi32>
        %add3A_2690 = arith.addi %add3A_2689, %mul3A_2688 : vector<16xi32>
        %swap3A_2691 = arith.constant 0 : i32
        %swap3A_2692 = arith.index_cast %swap3A_2691 : i32 to index
        %swap3A_2693 = arith.constant 144 : index
        %swap3A_2694 = tpu.vector_load %arg6[%swap3A_2692, %swap3A_2693] {strides = array<i32>} : memref<2x384xi32, #tpu.memory_space<vmem>>, vector<16xi32>,
        tpu.vector_store %arg6[%swap3A_2692, %swap3A_2693], %add3A_2690 {strides = array<i32>} : memref<2x384xi32, #tpu.memory_space<vmem>>, vector<16xi32>,
        %add3A_2695 = arith.constant 1280 : i32
        %add3A_2696 = arith.addi %add3A_2584, %add3A_2695 : i32
        %mul3A_2697 = arith.constant 8 : i32
        %mul3A_2698 = vector.broadcast %mul3A_2697 : i32 to vector<16xi32>
        %mul3A_2699 = arith.muli %mul3A_2698, %iota3A : vector<16xi32>
        %add3A_2700 = vector.broadcast %add3A_2696 : i32 to vector<16xi32>
        %add3A_2701 = arith.addi %add3A_2700, %mul3A_2699 : vector<16xi32>
        %swap3A_2702 = arith.constant 0 : i32
        %swap3A_2703 = arith.index_cast %swap3A_2702 : i32 to index
        %swap3A_2704 = arith.constant 160 : index
        %swap3A_2705 = tpu.vector_load %arg6[%swap3A_2703, %swap3A_2704] {strides = array<i32>} : memref<2x384xi32, #tpu.memory_space<vmem>>, vector<16xi32>,
        tpu.vector_store %arg6[%swap3A_2703, %swap3A_2704], %add3A_2701 {strides = array<i32>} : memref<2x384xi32, #tpu.memory_space<vmem>>, vector<16xi32>,
        %add3A_2706 = arith.constant 1408 : i32
        %add3A_2707 = arith.addi %add3A_2584, %add3A_2706 : i32
        %mul3A_2708 = arith.constant 8 : i32
        %mul3A_2709 = vector.broadcast %mul3A_2708 : i32 to vector<16xi32>
        %mul3A_2710 = arith.muli %mul3A_2709, %iota3A : vector<16xi32>
        %add3A_2711 = vector.broadcast %add3A_2707 : i32 to vector<16xi32>
        %add3A_2712 = arith.addi %add3A_2711, %mul3A_2710 : vector<16xi32>
        %swap3A_2713 = arith.constant 0 : i32
        %swap3A_2714 = arith.index_cast %swap3A_2713 : i32 to index
        %swap3A_2715 = arith.constant 176 : index
        %swap3A_2716 = tpu.vector_load %arg6[%swap3A_2714, %swap3A_2715] {strides = array<i32>} : memref<2x384xi32, #tpu.memory_space<vmem>>, vector<16xi32>,
        tpu.vector_store %arg6[%swap3A_2714, %swap3A_2715], %add3A_2712 {strides = array<i32>} : memref<2x384xi32, #tpu.memory_space<vmem>>, vector<16xi32>,
        %add3A_2717 = arith.constant 1536 : i32
        %add3A_2718 = arith.addi %add3A_2584, %add3A_2717 : i32
        %mul3A_2719 = arith.constant 8 : i32
        %mul3A_2720 = vector.broadcast %mul3A_2719 : i32 to vector<16xi32>
        %mul3A_2721 = arith.muli %mul3A_2720, %iota3A : vector<16xi32>
        %add3A_2722 = vector.broadcast %add3A_2718 : i32 to vector<16xi32>
        %add3A_2723 = arith.addi %add3A_2722, %mul3A_2721 : vector<16xi32>
        %swap3A_2724 = arith.constant 0 : i32
        %swap3A_2725 = arith.index_cast %swap3A_2724 : i32 to index
        %swap3A_2726 = arith.constant 192 : index
        %swap3A_2727 = tpu.vector_load %arg6[%swap3A_2725, %swap3A_2726] {strides = array<i32>} : memref<2x384xi32, #tpu.memory_space<vmem>>, vector<16xi32>,
        tpu.vector_store %arg6[%swap3A_2725, %swap3A_2726], %add3A_2723 {strides = array<i32>} : memref<2x384xi32, #tpu.memory_space<vmem>>, vector<16xi32>,
        %add3A_2728 = arith.constant 1664 : i32
        %add3A_2729 = arith.addi %add3A_2584, %add3A_2728 : i32
        %mul3A_2730 = arith.constant 8 : i32
        %mul3A_2731 = vector.broadcast %mul3A_2730 : i32 to vector<16xi32>
        %mul3A_2732 = arith.muli %mul3A_2731, %iota3A : vector<16xi32>
        %add3A_2733 = vector.broadcast %add3A_2729 : i32 to vector<16xi32>
        %add3A_2734 = arith.addi %add3A_2733, %mul3A_2732 : vector<16xi32>
        %swap3A_2735 = arith.constant 0 : i32
        %swap3A_2736 = arith.index_cast %swap3A_2735 : i32 to index
        %swap3A_2737 = arith.constant 208 : index
        %swap3A_2738 = tpu.vector_load %arg6[%swap3A_2736, %swap3A_2737] {strides = array<i32>} : memref<2x384xi32, #tpu.memory_space<vmem>>, vector<16xi32>,
        tpu.vector_store %arg6[%swap3A_2736, %swap3A_2737], %add3A_2734 {strides = array<i32>} : memref<2x384xi32, #tpu.memory_space<vmem>>, vector<16xi32>,
        %add3A_2739 = arith.constant 1792 : i32
        %add3A_2740 = arith.addi %add3A_2584, %add3A_2739 : i32
        %mul3A_2741 = arith.constant 8 : i32
        %mul3A_2742 = vector.broadcast %mul3A_2741 : i32 to vector<16xi32>
        %mul3A_2743 = arith.muli %mul3A_2742, %iota3A : vector<16xi32>
        %add3A_2744 = vector.broadcast %add3A_2740 : i32 to vector<16xi32>
        %add3A_2745 = arith.addi %add3A_2744, %mul3A_2743 : vector<16xi32>
        %swap3A_2746 = arith.constant 0 : i32
        %swap3A_2747 = arith.index_cast %swap3A_2746 : i32 to index
        %swap3A_2748 = arith.constant 224 : index
        %swap3A_2749 = tpu.vector_load %arg6[%swap3A_2747, %swap3A_2748] {strides = array<i32>} : memref<2x384xi32, #tpu.memory_space<vmem>>, vector<16xi32>,
        tpu.vector_store %arg6[%swap3A_2747, %swap3A_2748], %add3A_2745 {strides = array<i32>} : memref<2x384xi32, #tpu.memory_space<vmem>>, vector<16xi32>,
        %add3A_2750 = arith.constant 1920 : i32
        %add3A_2751 = arith.addi %add3A_2584, %add3A_2750 : i32
        %mul3A_2752 = arith.constant 8 : i32
        %mul3A_2753 = vector.broadcast %mul3A_2752 : i32 to vector<16xi32>
        %mul3A_2754 = arith.muli %mul3A_2753, %iota3A : vector<16xi32>
        %add3A_2755 = vector.broadcast %add3A_2751 : i32 to vector<16xi32>
        %add3A_2756 = arith.addi %add3A_2755, %mul3A_2754 : vector<16xi32>
        %swap3A_2757 = arith.constant 0 : i32
        %swap3A_2758 = arith.index_cast %swap3A_2757 : i32 to index
        %swap3A_2759 = arith.constant 240 : index
        %swap3A_2760 = tpu.vector_load %arg6[%swap3A_2758, %swap3A_2759] {strides = array<i32>} : memref<2x384xi32, #tpu.memory_space<vmem>>, vector<16xi32>,
        tpu.vector_store %arg6[%swap3A_2758, %swap3A_2759], %add3A_2756 {strides = array<i32>} : memref<2x384xi32, #tpu.memory_space<vmem>>, vector<16xi32>,
        %add3A_2761 = arith.constant 2048 : i32
        %add3A_2762 = arith.addi %add3A_2584, %add3A_2761 : i32
        %mul3A_2763 = arith.constant 8 : i32
        %mul3A_2764 = vector.broadcast %mul3A_2763 : i32 to vector<16xi32>
        %mul3A_2765 = arith.muli %mul3A_2764, %iota3A : vector<16xi32>
        %add3A_2766 = vector.broadcast %add3A_2762 : i32 to vector<16xi32>
        %add3A_2767 = arith.addi %add3A_2766, %mul3A_2765 : vector<16xi32>
        %swap3A_2768 = arith.constant 0 : i32
        %swap3A_2769 = arith.index_cast %swap3A_2768 : i32 to index
        %swap3A_2770 = arith.constant 256 : index
        %swap3A_2771 = tpu.vector_load %arg6[%swap3A_2769, %swap3A_2770] {strides = array<i32>} : memref<2x384xi32, #tpu.memory_space<vmem>>, vector<16xi32>,
        tpu.vector_store %arg6[%swap3A_2769, %swap3A_2770], %add3A_2767 {strides = array<i32>} : memref<2x384xi32, #tpu.memory_space<vmem>>, vector<16xi32>,
        %add3A_2772 = arith.constant 2176 : i32
        %add3A_2773 = arith.addi %add3A_2584, %add3A_2772 : i32
        %mul3A_2774 = arith.constant 8 : i32
        %mul3A_2775 = vector.broadcast %mul3A_2774 : i32 to vector<16xi32>
        %mul3A_2776 = arith.muli %mul3A_2775, %iota3A : vector<16xi32>
        %add3A_2777 = vector.broadcast %add3A_2773 : i32 to vector<16xi32>
        %add3A_2778 = arith.addi %add3A_2777, %mul3A_2776 : vector<16xi32>
        %swap3A_2779 = arith.constant 0 : i32
        %swap3A_2780 = arith.index_cast %swap3A_2779 : i32 to index
        %swap3A_2781 = arith.constant 272 : index
        %swap3A_2782 = tpu.vector_load %arg6[%swap3A_2780, %swap3A_2781] {strides = array<i32>} : memref<2x384xi32, #tpu.memory_space<vmem>>, vector<16xi32>,
        tpu.vector_store %arg6[%swap3A_2780, %swap3A_2781], %add3A_2778 {strides = array<i32>} : memref<2x384xi32, #tpu.memory_space<vmem>>, vector<16xi32>,
        %add3A_2783 = arith.constant 2304 : i32
        %add3A_2784 = arith.addi %add3A_2584, %add3A_2783 : i32
        %mul3A_2785 = arith.constant 8 : i32
        %mul3A_2786 = vector.broadcast %mul3A_2785 : i32 to vector<16xi32>
        %mul3A_2787 = arith.muli %mul3A_2786, %iota3A : vector<16xi32>
        %add3A_2788 = vector.broadcast %add3A_2784 : i32 to vector<16xi32>
        %add3A_2789 = arith.addi %add3A_2788, %mul3A_2787 : vector<16xi32>
        %swap3A_2790 = arith.constant 0 : i32
        %swap3A_2791 = arith.index_cast %swap3A_2790 : i32 to index
        %swap3A_2792 = arith.constant 288 : index
        %swap3A_2793 = tpu.vector_load %arg6[%swap3A_2791, %swap3A_2792] {strides = array<i32>} : memref<2x384xi32, #tpu.memory_space<vmem>>, vector<16xi32>,
        tpu.vector_store %arg6[%swap3A_2791, %swap3A_2792], %add3A_2789 {strides = array<i32>} : memref<2x384xi32, #tpu.memory_space<vmem>>, vector<16xi32>,
        %add3A_2794 = arith.constant 2432 : i32
        %add3A_2795 = arith.addi %add3A_2584, %add3A_2794 : i32
        %mul3A_2796 = arith.constant 8 : i32
        %mul3A_2797 = vector.broadcast %mul3A_2796 : i32 to vector<16xi32>
        %mul3A_2798 = arith.muli %mul3A_2797, %iota3A : vector<16xi32>
        %add3A_2799 = vector.broadcast %add3A_2795 : i32 to vector<16xi32>
        %add3A_2800 = arith.addi %add3A_2799, %mul3A_2798 : vector<16xi32>
        %swap3A_2801 = arith.constant 0 : i32
        %swap3A_2802 = arith.index_cast %swap3A_2801 : i32 to index
        %swap3A_2803 = arith.constant 304 : index
        %swap3A_2804 = tpu.vector_load %arg6[%swap3A_2802, %swap3A_2803] {strides = array<i32>} : memref<2x384xi32, #tpu.memory_space<vmem>>, vector<16xi32>,
        tpu.vector_store %arg6[%swap3A_2802, %swap3A_2803], %add3A_2800 {strides = array<i32>} : memref<2x384xi32, #tpu.memory_space<vmem>>, vector<16xi32>,
        %add3A_2805 = arith.constant 2560 : i32
        %add3A_2806 = arith.addi %add3A_2584, %add3A_2805 : i32
        %mul3A_2807 = arith.constant 8 : i32
        %mul3A_2808 = vector.broadcast %mul3A_2807 : i32 to vector<16xi32>
        %mul3A_2809 = arith.muli %mul3A_2808, %iota3A : vector<16xi32>
        %add3A_2810 = vector.broadcast %add3A_2806 : i32 to vector<16xi32>
        %add3A_2811 = arith.addi %add3A_2810, %mul3A_2809 : vector<16xi32>
        %swap3A_2812 = arith.constant 0 : i32
        %swap3A_2813 = arith.index_cast %swap3A_2812 : i32 to index
        %swap3A_2814 = arith.constant 320 : index
        %swap3A_2815 = tpu.vector_load %arg6[%swap3A_2813, %swap3A_2814] {strides = array<i32>} : memref<2x384xi32, #tpu.memory_space<vmem>>, vector<16xi32>,
        tpu.vector_store %arg6[%swap3A_2813, %swap3A_2814], %add3A_2811 {strides = array<i32>} : memref<2x384xi32, #tpu.memory_space<vmem>>, vector<16xi32>,
        %add3A_2816 = arith.constant 2688 : i32
        %add3A_2817 = arith.addi %add3A_2584, %add3A_2816 : i32
        %mul3A_2818 = arith.constant 8 : i32
        %mul3A_2819 = vector.broadcast %mul3A_2818 : i32 to vector<16xi32>
        %mul3A_2820 = arith.muli %mul3A_2819, %iota3A : vector<16xi32>
        %add3A_2821 = vector.broadcast %add3A_2817 : i32 to vector<16xi32>
        %add3A_2822 = arith.addi %add3A_2821, %mul3A_2820 : vector<16xi32>
        %swap3A_2823 = arith.constant 0 : i32
        %swap3A_2824 = arith.index_cast %swap3A_2823 : i32 to index
        %swap3A_2825 = arith.constant 336 : index
        %swap3A_2826 = tpu.vector_load %arg6[%swap3A_2824, %swap3A_2825] {strides = array<i32>} : memref<2x384xi32, #tpu.memory_space<vmem>>, vector<16xi32>,
        tpu.vector_store %arg6[%swap3A_2824, %swap3A_2825], %add3A_2822 {strides = array<i32>} : memref<2x384xi32, #tpu.memory_space<vmem>>, vector<16xi32>,
        %add3A_2827 = arith.constant 2816 : i32
        %add3A_2828 = arith.addi %add3A_2584, %add3A_2827 : i32
        %mul3A_2829 = arith.constant 8 : i32
        %mul3A_2830 = vector.broadcast %mul3A_2829 : i32 to vector<16xi32>
        %mul3A_2831 = arith.muli %mul3A_2830, %iota3A : vector<16xi32>
        %add3A_2832 = vector.broadcast %add3A_2828 : i32 to vector<16xi32>
        %add3A_2833 = arith.addi %add3A_2832, %mul3A_2831 : vector<16xi32>
        %swap3A_2834 = arith.constant 0 : i32
        %swap3A_2835 = arith.index_cast %swap3A_2834 : i32 to index
        %swap3A_2836 = arith.constant 352 : index
        %swap3A_2837 = tpu.vector_load %arg6[%swap3A_2835, %swap3A_2836] {strides = array<i32>} : memref<2x384xi32, #tpu.memory_space<vmem>>, vector<16xi32>,
        tpu.vector_store %arg6[%swap3A_2835, %swap3A_2836], %add3A_2833 {strides = array<i32>} : memref<2x384xi32, #tpu.memory_space<vmem>>, vector<16xi32>,
        %add3A_2838 = arith.constant 2944 : i32
        %add3A_2839 = arith.addi %add3A_2584, %add3A_2838 : i32
        %mul3A_2840 = arith.constant 8 : i32
        %mul3A_2841 = vector.broadcast %mul3A_2840 : i32 to vector<16xi32>
        %mul3A_2842 = arith.muli %mul3A_2841, %iota3A : vector<16xi32>
        %add3A_2843 = vector.broadcast %add3A_2839 : i32 to vector<16xi32>
        %add3A_2844 = arith.addi %add3A_2843, %mul3A_2842 : vector<16xi32>
        %swap3A_2845 = arith.constant 0 : i32
        %swap3A_2846 = arith.index_cast %swap3A_2845 : i32 to index
        %swap3A_2847 = arith.constant 368 : index
        %swap3A_2848 = tpu.vector_load %arg6[%swap3A_2846, %swap3A_2847] {strides = array<i32>} : memref<2x384xi32, #tpu.memory_space<vmem>>, vector<16xi32>,
        tpu.vector_store %arg6[%swap3A_2846, %swap3A_2847], %add3A_2844 {strides = array<i32>} : memref<2x384xi32, #tpu.memory_space<vmem>>, vector<16xi32>,
        %dma_start3A_2849 = arith.constant 0 : i32
        %dma_start3A_2850 = arith.constant 0 : i32
        %dma_start3A_2851 = arith.constant 0 : i32
        %dma_start3A_2852 = arith.constant 0 : i32
        %dma_start3A_2853 = arith.constant 0 : i32
        %dma_start3A_2854 = tpu.memref_slice %arg5[%dma_start3A_2850, %dma_start3A_2852, %dma_start3A_2853] : memref<2x313x128xf32, #tpu.memory_space<vmem>> -> memref<1x64x128xf32, #tpu.memory_space<vmem>>
        %dma_start3A_2855 = tpu.memref_squeeze %dma_start3A_2854 : memref<1x64x128xf32, #tpu.memory_space<vmem>> -> memref<64x128xf32, #tpu.memory_space<vmem>>
        %dma_start3A_2856 = arith.constant 0 : i32
        %dma_start3A_2857 = tpu.memref_slice %arg6[%dma_start3A_2849, %dma_start3A_2856] : memref<2x384xi32, #tpu.memory_space<vmem>> -> memref<1x64xi32, #tpu.memory_space<vmem>>
        %dma_start3A_2858 = tpu.memref_squeeze %dma_start3A_2857 : memref<1x64xi32, #tpu.memory_space<vmem>> -> memref<64xi32, #tpu.memory_space<vmem>>
        %dma_start3A_2859 = arith.constant 0 : i32
        %dma_start3A_2860 = arith.constant 0 : i32
        %dma_start3A_2861 = tpu.memref_slice %arg2[%dma_start3A_2859, %dma_start3A_2860] : memref<520000x128xf32, #tpu.memory_space<hbm>> -> memref<520000x128xf32, #tpu.memory_space<hbm>>
        %dma_start3A_2862 = tpu.memref_slice %arg9[%dma_start3A_2851] : memref<2x!tpu.dma_semaphore, #tpu.memory_space<semaphore_mem>> -> memref<1x!tpu.dma_semaphore, #tpu.memory_space<semaphore_mem>>
        %dma_start3A_2863 = tpu.memref_squeeze %dma_start3A_2862 : memref<1x!tpu.dma_semaphore, #tpu.memory_space<semaphore_mem>> -> memref<!tpu.dma_semaphore, #tpu.memory_space<semaphore_mem>>
        tpu.enqueue_indirect_dma source(%dma_start3A_2861 : memref<520000x128xf32, #tpu.memory_space<hbm>>) target(%dma_start3A_2855 : memref<64x128xf32, #tpu.memory_space<vmem>>) offsets(%dma_start3A_2858 : memref<64xi32, #tpu.memory_space<vmem>>) semaphore(%dma_start3A_2863 : memref<!tpu.dma_semaphore, #tpu.memory_space<semaphore_mem>>)
        %dma_start3A_2864 = arith.constant 0 : i32
        %dma_start3A_2865 = arith.constant 0 : i32
        %dma_start3A_2866 = arith.constant 0 : i32
        %dma_start3A_2867 = arith.constant 64 : i32
        %dma_start3A_2868 = arith.constant 0 : i32
        %dma_start3A_2869 = tpu.memref_slice %arg5[%dma_start3A_2865, %dma_start3A_2867, %dma_start3A_2868] : memref<2x313x128xf32, #tpu.memory_space<vmem>> -> memref<1x64x128xf32, #tpu.memory_space<vmem>>
        %dma_start3A_2870 = tpu.memref_squeeze %dma_start3A_2869 : memref<1x64x128xf32, #tpu.memory_space<vmem>> -> memref<64x128xf32, #tpu.memory_space<vmem>>
        %dma_start3A_2871 = arith.constant 64 : i32
        %dma_start3A_2872 = tpu.memref_slice %arg6[%dma_start3A_2864, %dma_start3A_2871] : memref<2x384xi32, #tpu.memory_space<vmem>> -> memref<1x64xi32, #tpu.memory_space<vmem>>
        %dma_start3A_2873 = tpu.memref_squeeze %dma_start3A_2872 : memref<1x64xi32, #tpu.memory_space<vmem>> -> memref<64xi32, #tpu.memory_space<vmem>>
        %dma_start3A_2874 = arith.constant 0 : i32
        %dma_start3A_2875 = arith.constant 0 : i32
        %dma_start3A_2876 = tpu.memref_slice %arg2[%dma_start3A_2874, %dma_start3A_2875] : memref<520000x128xf32, #tpu.memory_space<hbm>> -> memref<520000x128xf32, #tpu.memory_space<hbm>>
        %dma_start3A_2877 = tpu.memref_slice %arg9[%dma_start3A_2866] : memref<2x!tpu.dma_semaphore, #tpu.memory_space<semaphore_mem>> -> memref<1x!tpu.dma_semaphore, #tpu.memory_space<semaphore_mem>>
        %dma_start3A_2878 = tpu.memref_squeeze %dma_start3A_2877 : memref<1x!tpu.dma_semaphore, #tpu.memory_space<semaphore_mem>> -> memref<!tpu.dma_semaphore, #tpu.memory_space<semaphore_mem>>
        tpu.enqueue_indirect_dma source(%dma_start3A_2876 : memref<520000x128xf32, #tpu.memory_space<hbm>>) target(%dma_start3A_2870 : memref<64x128xf32, #tpu.memory_space<vmem>>) offsets(%dma_start3A_2873 : memref<64xi32, #tpu.memory_space<vmem>>) semaphore(%dma_start3A_2878 : memref<!tpu.dma_semaphore, #tpu.memory_space<semaphore_mem>>)
        %dma_start3A_2879 = arith.constant 0 : i32
        %dma_start3A_2880 = arith.constant 0 : i32
        %dma_start3A_2881 = arith.constant 0 : i32
        %dma_start3A_2882 = arith.constant 128 : i32
        %dma_start3A_2883 = arith.constant 0 : i32
        %dma_start3A_2884 = tpu.memref_slice %arg5[%dma_start3A_2880, %dma_start3A_2882, %dma_start3A_2883] : memref<2x313x128xf32, #tpu.memory_space<vmem>> -> memref<1x64x128xf32, #tpu.memory_space<vmem>>
        %dma_start3A_2885 = tpu.memref_squeeze %dma_start3A_2884 : memref<1x64x128xf32, #tpu.memory_space<vmem>> -> memref<64x128xf32, #tpu.memory_space<vmem>>
        %dma_start3A_2886 = arith.constant 128 : i32
        %dma_start3A_2887 = tpu.memref_slice %arg6[%dma_start3A_2879, %dma_start3A_2886] : memref<2x384xi32, #tpu.memory_space<vmem>> -> memref<1x64xi32, #tpu.memory_space<vmem>>
        %dma_start3A_2888 = tpu.memref_squeeze %dma_start3A_2887 : memref<1x64xi32, #tpu.memory_space<vmem>> -> memref<64xi32, #tpu.memory_space<vmem>>
        %dma_start3A_2889 = arith.constant 0 : i32
        %dma_start3A_2890 = arith.constant 0 : i32
        %dma_start3A_2891 = tpu.memref_slice %arg2[%dma_start3A_2889, %dma_start3A_2890] : memref<520000x128xf32, #tpu.memory_space<hbm>> -> memref<520000x128xf32, #tpu.memory_space<hbm>>
        %dma_start3A_2892 = tpu.memref_slice %arg9[%dma_start3A_2881] : memref<2x!tpu.dma_semaphore, #tpu.memory_space<semaphore_mem>> -> memref<1x!tpu.dma_semaphore, #tpu.memory_space<semaphore_mem>>
        %dma_start3A_2893 = tpu.memref_squeeze %dma_start3A_2892 : memref<1x!tpu.dma_semaphore, #tpu.memory_space<semaphore_mem>> -> memref<!tpu.dma_semaphore, #tpu.memory_space<semaphore_mem>>
        tpu.enqueue_indirect_dma source(%dma_start3A_2891 : memref<520000x128xf32, #tpu.memory_space<hbm>>) target(%dma_start3A_2885 : memref<64x128xf32, #tpu.memory_space<vmem>>) offsets(%dma_start3A_2888 : memref<64xi32, #tpu.memory_space<vmem>>) semaphore(%dma_start3A_2893 : memref<!tpu.dma_semaphore, #tpu.memory_space<semaphore_mem>>)
        %dma_start3A_2894 = arith.constant 0 : i32
        %dma_start3A_2895 = arith.constant 0 : i32
        %dma_start3A_2896 = arith.constant 0 : i32
        %dma_start3A_2897 = arith.constant 192 : i32
        %dma_start3A_2898 = arith.constant 0 : i32
        %dma_start3A_2899 = tpu.memref_slice %arg5[%dma_start3A_2895, %dma_start3A_2897, %dma_start3A_2898] : memref<2x313x128xf32, #tpu.memory_space<vmem>> -> memref<1x64x128xf32, #tpu.memory_space<vmem>>
        %dma_start3A_2900 = tpu.memref_squeeze %dma_start3A_2899 : memref<1x64x128xf32, #tpu.memory_space<vmem>> -> memref<64x128xf32, #tpu.memory_space<vmem>>
        %dma_start3A_2901 = arith.constant 192 : i32
        %dma_start3A_2902 = tpu.memref_slice %arg6[%dma_start3A_2894, %dma_start3A_2901] : memref<2x384xi32, #tpu.memory_space<vmem>> -> memref<1x64xi32, #tpu.memory_space<vmem>>
        %dma_start3A_2903 = tpu.memref_squeeze %dma_start3A_2902 : memref<1x64xi32, #tpu.memory_space<vmem>> -> memref<64xi32, #tpu.memory_space<vmem>>
        %dma_start3A_2904 = arith.constant 0 : i32
        %dma_start3A_2905 = arith.constant 0 : i32
        %dma_start3A_2906 = tpu.memref_slice %arg2[%dma_start3A_2904, %dma_start3A_2905] : memref<520000x128xf32, #tpu.memory_space<hbm>> -> memref<520000x128xf32, #tpu.memory_space<hbm>>
        %dma_start3A_2907 = tpu.memref_slice %arg9[%dma_start3A_2896] : memref<2x!tpu.dma_semaphore, #tpu.memory_space<semaphore_mem>> -> memref<1x!tpu.dma_semaphore, #tpu.memory_space<semaphore_mem>>
        %dma_start3A_2908 = tpu.memref_squeeze %dma_start3A_2907 : memref<1x!tpu.dma_semaphore, #tpu.memory_space<semaphore_mem>> -> memref<!tpu.dma_semaphore, #tpu.memory_space<semaphore_mem>>
        tpu.enqueue_indirect_dma source(%dma_start3A_2906 : memref<520000x128xf32, #tpu.memory_space<hbm>>) target(%dma_start3A_2900 : memref<64x128xf32, #tpu.memory_space<vmem>>) offsets(%dma_start3A_2903 : memref<64xi32, #tpu.memory_space<vmem>>) semaphore(%dma_start3A_2908 : memref<!tpu.dma_semaphore, #tpu.memory_space<semaphore_mem>>)
        %dma_start3A_2909 = arith.constant 0 : i32
        %dma_start3A_2910 = arith.constant 0 : i32
        %dma_start3A_2911 = arith.constant 0 : i32
        %dma_start3A_2912 = arith.constant 256 : i32
        %dma_start3A_2913 = arith.constant 0 : i32
        %dma_start3A_2914 = tpu.memref_slice %arg5[%dma_start3A_2910, %dma_start3A_2912, %dma_start3A_2913] : memref<2x313x128xf32, #tpu.memory_space<vmem>> -> memref<1x57x128xf32, #tpu.memory_space<vmem>>
        %dma_start3A_2915 = tpu.memref_squeeze %dma_start3A_2914 : memref<1x57x128xf32, #tpu.memory_space<vmem>> -> memref<57x128xf32, #tpu.memory_space<vmem>>
        %dma_start3A_2916 = arith.constant 256 : i32
        %dma_start3A_2917 = tpu.memref_slice %arg6[%dma_start3A_2909, %dma_start3A_2916] : memref<2x384xi32, #tpu.memory_space<vmem>> -> memref<1x57xi32, #tpu.memory_space<vmem>>
        %dma_start3A_2918 = tpu.memref_squeeze %dma_start3A_2917 : memref<1x57xi32, #tpu.memory_space<vmem>> -> memref<57xi32, #tpu.memory_space<vmem>>
        %dma_start3A_2919 = arith.constant 0 : i32
        %dma_start3A_2920 = arith.constant 0 : i32
        %dma_start3A_2921 = tpu.memref_slice %arg2[%dma_start3A_2919, %dma_start3A_2920] : memref<520000x128xf32, #tpu.memory_space<hbm>> -> memref<520000x128xf32, #tpu.memory_space<hbm>>
        %dma_start3A_2922 = tpu.memref_slice %arg9[%dma_start3A_2911] : memref<2x!tpu.dma_semaphore, #tpu.memory_space<semaphore_mem>> -> memref<1x!tpu.dma_semaphore, #tpu.memory_space<semaphore_mem>>
        %dma_start3A_2923 = tpu.memref_squeeze %dma_start3A_2922 : memref<1x!tpu.dma_semaphore, #tpu.memory_space<semaphore_mem>> -> memref<!tpu.dma_semaphore, #tpu.memory_space<semaphore_mem>>
        tpu.enqueue_indirect_dma source(%dma_start3A_2921 : memref<520000x128xf32, #tpu.memory_space<hbm>>) target(%dma_start3A_2915 : memref<57x128xf32, #tpu.memory_space<vmem>>) offsets(%dma_start3A_2918 : memref<57xi32, #tpu.memory_space<vmem>>) semaphore(%dma_start3A_2923 : memref<!tpu.dma_semaphore, #tpu.memory_space<semaphore_mem>>)
        %dma_wait3A_2924 = arith.constant 1 : i32
        %dma_wait3A_2925 = arith.constant 1 : i32
        %dma_wait3A_2926 = arith.constant 1 : i32
        %dma_wait3A_2927 = arith.constant 0 : i32
        %dma_wait3A_2928 = arith.constant 0 : i32
        %dma_wait3A_2929 = tpu.memref_slice %arg5[%dma_wait3A_2925, %dma_wait3A_2927, %dma_wait3A_2928] : memref<2x313x128xf32, #tpu.memory_space<vmem>> -> memref<1x64x128xf32, #tpu.memory_space<vmem>>
        %dma_wait3A_2930 = tpu.memref_squeeze %dma_wait3A_2929 : memref<1x64x128xf32, #tpu.memory_space<vmem>> -> memref<64x128xf32, #tpu.memory_space<vmem>>
        %dma_wait3A_2931 = arith.constant 0 : i32
        %dma_wait3A_2932 = tpu.memref_slice %arg6[%dma_wait3A_2924, %dma_wait3A_2931] : memref<2x384xi32, #tpu.memory_space<vmem>> -> memref<1x64xi32, #tpu.memory_space<vmem>>
        %dma_wait3A_2933 = tpu.memref_squeeze %dma_wait3A_2932 : memref<1x64xi32, #tpu.memory_space<vmem>> -> memref<64xi32, #tpu.memory_space<vmem>>
        %dma_wait3A_2934 = arith.constant 0 : i32
        %dma_wait3A_2935 = arith.constant 0 : i32
        %dma_wait3A_2936 = tpu.memref_slice %arg2[%dma_wait3A_2934, %dma_wait3A_2935] : memref<520000x128xf32, #tpu.memory_space<hbm>> -> memref<520000x128xf32, #tpu.memory_space<hbm>>
        %dma_wait3A_2937 = tpu.memref_slice %arg9[%dma_wait3A_2926] : memref<2x!tpu.dma_semaphore, #tpu.memory_space<semaphore_mem>> -> memref<1x!tpu.dma_semaphore, #tpu.memory_space<semaphore_mem>>
        %dma_wait3A_2938 = tpu.memref_squeeze %dma_wait3A_2937 : memref<1x!tpu.dma_semaphore, #tpu.memory_space<semaphore_mem>> -> memref<!tpu.dma_semaphore, #tpu.memory_space<semaphore_mem>>
        tpu.wait_indirect_dma semaphore(%dma_wait3A_2938 : memref<!tpu.dma_semaphore, #tpu.memory_space<semaphore_mem>>) src(%dma_wait3A_2936 : memref<520000x128xf32, #tpu.memory_space<hbm>>) dst(%dma_wait3A_2930 : memref<64x128xf32, #tpu.memory_space<vmem>>)
        %dma_wait3A_2939 = arith.constant 1 : i32
        %dma_wait3A_2940 = arith.constant 1 : i32
        %dma_wait3A_2941 = arith.constant 1 : i32
        %dma_wait3A_2942 = arith.constant 64 : i32
        %dma_wait3A_2943 = arith.constant 0 : i32
        %dma_wait3A_2944 = tpu.memref_slice %arg5[%dma_wait3A_2940, %dma_wait3A_2942, %dma_wait3A_2943] : memref<2x313x128xf32, #tpu.memory_space<vmem>> -> memref<1x64x128xf32, #tpu.memory_space<vmem>>
        %dma_wait3A_2945 = tpu.memref_squeeze %dma_wait3A_2944 : memref<1x64x128xf32, #tpu.memory_space<vmem>> -> memref<64x128xf32, #tpu.memory_space<vmem>>
        %dma_wait3A_2946 = arith.constant 64 : i32
        %dma_wait3A_2947 = tpu.memref_slice %arg6[%dma_wait3A_2939, %dma_wait3A_2946] : memref<2x384xi32, #tpu.memory_space<vmem>> -> memref<1x64xi32, #tpu.memory_space<vmem>>
        %dma_wait3A_2948 = tpu.memref_squeeze %dma_wait3A_2947 : memref<1x64xi32, #tpu.memory_space<vmem>> -> memref<64xi32, #tpu.memory_space<vmem>>
        %dma_wait3A_2949 = arith.constant 0 : i32
        %dma_wait3A_2950 = arith.constant 0 : i32
        %dma_wait3A_2951 = tpu.memref_slice %arg2[%dma_wait3A_2949, %dma_wait3A_2950] : memref<520000x128xf32, #tpu.memory_space<hbm>> -> memref<520000x128xf32, #tpu.memory_space<hbm>>
        %dma_wait3A_2952 = tpu.memref_slice %arg9[%dma_wait3A_2941] : memref<2x!tpu.dma_semaphore, #tpu.memory_space<semaphore_mem>> -> memref<1x!tpu.dma_semaphore, #tpu.memory_space<semaphore_mem>>
        %dma_wait3A_2953 = tpu.memref_squeeze %dma_wait3A_2952 : memref<1x!tpu.dma_semaphore, #tpu.memory_space<semaphore_mem>> -> memref<!tpu.dma_semaphore, #tpu.memory_space<semaphore_mem>>
        tpu.wait_indirect_dma semaphore(%dma_wait3A_2953 : memref<!tpu.dma_semaphore, #tpu.memory_space<semaphore_mem>>) src(%dma_wait3A_2951 : memref<520000x128xf32, #tpu.memory_space<hbm>>) dst(%dma_wait3A_2945 : memref<64x128xf32, #tpu.memory_space<vmem>>)
        %dma_wait3A_2954 = arith.constant 1 : i32
        %dma_wait3A_2955 = arith.constant 1 : i32
        %dma_wait3A_2956 = arith.constant 1 : i32
        %dma_wait3A_2957 = arith.constant 128 : i32
        %dma_wait3A_2958 = arith.constant 0 : i32
        %dma_wait3A_2959 = tpu.memref_slice %arg5[%dma_wait3A_2955, %dma_wait3A_2957, %dma_wait3A_2958] : memref<2x313x128xf32, #tpu.memory_space<vmem>> -> memref<1x64x128xf32, #tpu.memory_space<vmem>>
        %dma_wait3A_2960 = tpu.memref_squeeze %dma_wait3A_2959 : memref<1x64x128xf32, #tpu.memory_space<vmem>> -> memref<64x128xf32, #tpu.memory_space<vmem>>
        %dma_wait3A_2961 = arith.constant 128 : i32
        %dma_wait3A_2962 = tpu.memref_slice %arg6[%dma_wait3A_2954, %dma_wait3A_2961] : memref<2x384xi32, #tpu.memory_space<vmem>> -> memref<1x64xi32, #tpu.memory_space<vmem>>
        %dma_wait3A_2963 = tpu.memref_squeeze %dma_wait3A_2962 : memref<1x64xi32, #tpu.memory_space<vmem>> -> memref<64xi32, #tpu.memory_space<vmem>>
        %dma_wait3A_2964 = arith.constant 0 : i32
        %dma_wait3A_2965 = arith.constant 0 : i32
        %dma_wait3A_2966 = tpu.memref_slice %arg2[%dma_wait3A_2964, %dma_wait3A_2965] : memref<520000x128xf32, #tpu.memory_space<hbm>> -> memref<520000x128xf32, #tpu.memory_space<hbm>>
        %dma_wait3A_2967 = tpu.memref_slice %arg9[%dma_wait3A_2956] : memref<2x!tpu.dma_semaphore, #tpu.memory_space<semaphore_mem>> -> memref<1x!tpu.dma_semaphore, #tpu.memory_space<semaphore_mem>>
        %dma_wait3A_2968 = tpu.memref_squeeze %dma_wait3A_2967 : memref<1x!tpu.dma_semaphore, #tpu.memory_space<semaphore_mem>> -> memref<!tpu.dma_semaphore, #tpu.memory_space<semaphore_mem>>
        tpu.wait_indirect_dma semaphore(%dma_wait3A_2968 : memref<!tpu.dma_semaphore, #tpu.memory_space<semaphore_mem>>) src(%dma_wait3A_2966 : memref<520000x128xf32, #tpu.memory_space<hbm>>) dst(%dma_wait3A_2960 : memref<64x128xf32, #tpu.memory_space<vmem>>)
        %dma_wait3A_2969 = arith.constant 1 : i32
        %dma_wait3A_2970 = arith.constant 1 : i32
        %dma_wait3A_2971 = arith.constant 1 : i32
        %dma_wait3A_2972 = arith.constant 192 : i32
        %dma_wait3A_2973 = arith.constant 0 : i32
        %dma_wait3A_2974 = tpu.memref_slice %arg5[%dma_wait3A_2970, %dma_wait3A_2972, %dma_wait3A_2973] : memref<2x313x128xf32, #tpu.memory_space<vmem>> -> memref<1x64x128xf32, #tpu.memory_space<vmem>>
        %dma_wait3A_2975 = tpu.memref_squeeze %dma_wait3A_2974 : memref<1x64x128xf32, #tpu.memory_space<vmem>> -> memref<64x128xf32, #tpu.memory_space<vmem>>
        %dma_wait3A_2976 = arith.constant 192 : i32
        %dma_wait3A_2977 = tpu.memref_slice %arg6[%dma_wait3A_2969, %dma_wait3A_2976] : memref<2x384xi32, #tpu.memory_space<vmem>> -> memref<1x64xi32, #tpu.memory_space<vmem>>
        %dma_wait3A_2978 = tpu.memref_squeeze %dma_wait3A_2977 : memref<1x64xi32, #tpu.memory_space<vmem>> -> memref<64xi32, #tpu.memory_space<vmem>>
        %dma_wait3A_2979 = arith.constant 0 : i32
        %dma_wait3A_2980 = arith.constant 0 : i32
        %dma_wait3A_2981 = tpu.memref_slice %arg2[%dma_wait3A_2979, %dma_wait3A_2980] : memref<520000x128xf32, #tpu.memory_space<hbm>> -> memref<520000x128xf32, #tpu.memory_space<hbm>>
        %dma_wait3A_2982 = tpu.memref_slice %arg9[%dma_wait3A_2971] : memref<2x!tpu.dma_semaphore, #tpu.memory_space<semaphore_mem>> -> memref<1x!tpu.dma_semaphore, #tpu.memory_space<semaphore_mem>>
        %dma_wait3A_2983 = tpu.memref_squeeze %dma_wait3A_2982 : memref<1x!tpu.dma_semaphore, #tpu.memory_space<semaphore_mem>> -> memref<!tpu.dma_semaphore, #tpu.memory_space<semaphore_mem>>
        tpu.wait_indirect_dma semaphore(%dma_wait3A_2983 : memref<!tpu.dma_semaphore, #tpu.memory_space<semaphore_mem>>) src(%dma_wait3A_2981 : memref<520000x128xf32, #tpu.memory_space<hbm>>) dst(%dma_wait3A_2975 : memref<64x128xf32, #tpu.memory_space<vmem>>)
        %dma_wait3A_2984 = arith.constant 1 : i32
        %dma_wait3A_2985 = arith.constant 1 : i32
        %dma_wait3A_2986 = arith.constant 1 : i32
        %dma_wait3A_2987 = arith.constant 256 : i32
        %dma_wait3A_2988 = arith.constant 0 : i32
        %dma_wait3A_2989 = tpu.memref_slice %arg5[%dma_wait3A_2985, %dma_wait3A_2987, %dma_wait3A_2988] : memref<2x313x128xf32, #tpu.memory_space<vmem>> -> memref<1x57x128xf32, #tpu.memory_space<vmem>>
        %dma_wait3A_2990 = tpu.memref_squeeze %dma_wait3A_2989 : memref<1x57x128xf32, #tpu.memory_space<vmem>> -> memref<57x128xf32, #tpu.memory_space<vmem>>
        %dma_wait3A_2991 = arith.constant 256 : i32
        %dma_wait3A_2992 = tpu.memref_slice %arg6[%dma_wait3A_2984, %dma_wait3A_2991] : memref<2x384xi32, #tpu.memory_space<vmem>> -> memref<1x57xi32, #tpu.memory_space<vmem>>
        %dma_wait3A_2993 = tpu.memref_squeeze %dma_wait3A_2992 : memref<1x57xi32, #tpu.memory_space<vmem>> -> memref<57xi32, #tpu.memory_space<vmem>>
        %dma_wait3A_2994 = arith.constant 0 : i32
        %dma_wait3A_2995 = arith.constant 0 : i32
        %dma_wait3A_2996 = tpu.memref_slice %arg2[%dma_wait3A_2994, %dma_wait3A_2995] : memref<520000x128xf32, #tpu.memory_space<hbm>> -> memref<520000x128xf32, #tpu.memory_space<hbm>>
        %dma_wait3A_2997 = tpu.memref_slice %arg9[%dma_wait3A_2986] : memref<2x!tpu.dma_semaphore, #tpu.memory_space<semaphore_mem>> -> memref<1x!tpu.dma_semaphore, #tpu.memory_space<semaphore_mem>>
        %dma_wait3A_2998 = tpu.memref_squeeze %dma_wait3A_2997 : memref<1x!tpu.dma_semaphore, #tpu.memory_space<semaphore_mem>> -> memref<!tpu.dma_semaphore, #tpu.memory_space<semaphore_mem>>
        tpu.wait_indirect_dma semaphore(%dma_wait3A_2998 : memref<!tpu.dma_semaphore, #tpu.memory_space<semaphore_mem>>) src(%dma_wait3A_2996 : memref<520000x128xf32, #tpu.memory_space<hbm>>) dst(%dma_wait3A_2990 : memref<57x128xf32, #tpu.memory_space<vmem>>)
        %parallel_loop3A_2999 = arith.constant 0 : i32
        %parallel_loop3A_3000 = arith.constant 4096 : i32
        %parallel_loop3A_3001 = arith.constant 16 : i32
        scf.for %parallel_loop3A_3635 = %parallel_loop3A_2999 to %parallel_loop3A_3000 step %parallel_loop3A_3001  : i32 {
          %parallel_loop3A_3636 = arith.index_cast %parallel_loop3A_3635 : i32 to index
          %parallel_loop3A_3637 = tpu.vector_load %arg7[%parallel_loop3A_3636] {strides = array<i32>} : memref<4096xi32, #tpu.memory_space<vmem>>, vector<16xi32>,
          %parallel_loop3A_3638 = vector.broadcast %mul3A_457 : i32 to vector<16xi32>
          %parallel_loop3A_3639 = arith.addi %parallel_loop3A_3637, %parallel_loop3A_3638 : vector<16xi32>
          %parallel_loop3A_3640 = arith.constant 7 : i32
          %parallel_loop3A_3641 = vector.broadcast %parallel_loop3A_3640 : i32 to vector<16xi32>
          %parallel_loop3A_3642 = arith.shrsi %parallel_loop3A_3639, %parallel_loop3A_3641 : vector<16xi32>
          %parallel_loop3A_3643 = arith.constant 127 : i32
          %parallel_loop3A_3644 = vector.broadcast %parallel_loop3A_3643 : i32 to vector<16xi32>
          %parallel_loop3A_3645 = arith.andi %parallel_loop3A_3639, %parallel_loop3A_3644 : vector<16xi32>
          %parallel_loop3A_3646 = arith.constant 1 : i32
          %parallel_loop3A_3647 = arith.constant 0 : i32
          %parallel_loop3A_3648 = arith.constant 0 : i32
          %parallel_loop3A_3649 = tpu.memref_slice %arg5[%parallel_loop3A_3646, %parallel_loop3A_3647, %parallel_loop3A_3648] : memref<2x313x128xf32, #tpu.memory_space<vmem>> -> memref<1x313x128xf32, #tpu.memory_space<vmem>>
          %parallel_loop3A_3650 = tpu.memref_squeeze %parallel_loop3A_3649 : memref<1x313x128xf32, #tpu.memory_space<vmem>> -> memref<313x128xf32, #tpu.memory_space<vmem>>
          %parallel_loop3A_3651 = tpu.vector_load_idx %parallel_loop3A_3650[%parallel_loop3A_3642, %parallel_loop3A_3645] : memref<313x128xf32, #tpu.memory_space<vmem>>[vector<16xi32>, vector<16xi32>], vector<16xf32>,
          %parallel_loop3A_3652 = arith.constant 5 : i32
          %parallel_loop3A_3653 = arith.index_cast %parallel_loop3A_3652 : i32 to index
          %parallel_loop3A_3654 = arith.index_cast %parallel_loop3A_3635 : i32 to index
          %parallel_loop3A_3655 = tpu.vector_load %arg8[%parallel_loop3A_3653, %parallel_loop3A_3654] {strides = array<i32>} : memref<8x4096xf32, #tpu.memory_space<vmem>>, vector<16xf32>,
          tpu.vector_store %arg8[%parallel_loop3A_3653, %parallel_loop3A_3654], %parallel_loop3A_3651 {strides = array<i32>} : memref<8x4096xf32, #tpu.memory_space<vmem>>, vector<16xf32>,
        } {sc.loop_unroll_factor = 8 : i64, sc.parallel_access}
        %add3A_3002 = arith.constant 6 : i32
        %add3A_3003 = arith.addi %add3A_462, %add3A_3002 : i32
        %add3A_3004 = arith.constant 1 : i32
        %add3A_3005 = arith.addi %add3A_3003, %add3A_3004 : i32
        %add3A_3006 = arith.constant 0 : i32
        %add3A_3007 = arith.addi %add3A_3005, %add3A_3006 : i32
        %mul3A_3008 = arith.constant 8 : i32
        %mul3A_3009 = vector.broadcast %mul3A_3008 : i32 to vector<16xi32>
        %mul3A_3010 = arith.muli %mul3A_3009, %iota3A : vector<16xi32>
        %add3A_3011 = vector.broadcast %add3A_3007 : i32 to vector<16xi32>
        %add3A_3012 = arith.addi %add3A_3011, %mul3A_3010 : vector<16xi32>
        %swap3A_3013 = arith.constant 1 : i32
        %swap3A_3014 = arith.index_cast %swap3A_3013 : i32 to index
        %swap3A_3015 = arith.constant 0 : index
        %swap3A_3016 = tpu.vector_load %arg6[%swap3A_3014, %swap3A_3015] {strides = array<i32>} : memref<2x384xi32, #tpu.memory_space<vmem>>, vector<16xi32>,
        tpu.vector_store %arg6[%swap3A_3014, %swap3A_3015], %add3A_3012 {strides = array<i32>} : memref<2x384xi32, #tpu.memory_space<vmem>>, vector<16xi32>,
        %add3A_3017 = arith.constant 128 : i32
        %add3A_3018 = arith.addi %add3A_3005, %add3A_3017 : i32
        %mul3A_3019 = arith.constant 8 : i32
        %mul3A_3020 = vector.broadcast %mul3A_3019 : i32 to vector<16xi32>
        %mul3A_3021 = arith.muli %mul3A_3020, %iota3A : vector<16xi32>
        %add3A_3022 = vector.broadcast %add3A_3018 : i32 to vector<16xi32>
        %add3A_3023 = arith.addi %add3A_3022, %mul3A_3021 : vector<16xi32>
        %swap3A_3024 = arith.constant 1 : i32
        %swap3A_3025 = arith.index_cast %swap3A_3024 : i32 to index
        %swap3A_3026 = arith.constant 16 : index
        %swap3A_3027 = tpu.vector_load %arg6[%swap3A_3025, %swap3A_3026] {strides = array<i32>} : memref<2x384xi32, #tpu.memory_space<vmem>>, vector<16xi32>,
        tpu.vector_store %arg6[%swap3A_3025, %swap3A_3026], %add3A_3023 {strides = array<i32>} : memref<2x384xi32, #tpu.memory_space<vmem>>, vector<16xi32>,
        %add3A_3028 = arith.constant 256 : i32
        %add3A_3029 = arith.addi %add3A_3005, %add3A_3028 : i32
        %mul3A_3030 = arith.constant 8 : i32
        %mul3A_3031 = vector.broadcast %mul3A_3030 : i32 to vector<16xi32>
        %mul3A_3032 = arith.muli %mul3A_3031, %iota3A : vector<16xi32>
        %add3A_3033 = vector.broadcast %add3A_3029 : i32 to vector<16xi32>
        %add3A_3034 = arith.addi %add3A_3033, %mul3A_3032 : vector<16xi32>
        %swap3A_3035 = arith.constant 1 : i32
        %swap3A_3036 = arith.index_cast %swap3A_3035 : i32 to index
        %swap3A_3037 = arith.constant 32 : index
        %swap3A_3038 = tpu.vector_load %arg6[%swap3A_3036, %swap3A_3037] {strides = array<i32>} : memref<2x384xi32, #tpu.memory_space<vmem>>, vector<16xi32>,
        tpu.vector_store %arg6[%swap3A_3036, %swap3A_3037], %add3A_3034 {strides = array<i32>} : memref<2x384xi32, #tpu.memory_space<vmem>>, vector<16xi32>,
        %add3A_3039 = arith.constant 384 : i32
        %add3A_3040 = arith.addi %add3A_3005, %add3A_3039 : i32
        %mul3A_3041 = arith.constant 8 : i32
        %mul3A_3042 = vector.broadcast %mul3A_3041 : i32 to vector<16xi32>
        %mul3A_3043 = arith.muli %mul3A_3042, %iota3A : vector<16xi32>
        %add3A_3044 = vector.broadcast %add3A_3040 : i32 to vector<16xi32>
        %add3A_3045 = arith.addi %add3A_3044, %mul3A_3043 : vector<16xi32>
        %swap3A_3046 = arith.constant 1 : i32
        %swap3A_3047 = arith.index_cast %swap3A_3046 : i32 to index
        %swap3A_3048 = arith.constant 48 : index
        %swap3A_3049 = tpu.vector_load %arg6[%swap3A_3047, %swap3A_3048] {strides = array<i32>} : memref<2x384xi32, #tpu.memory_space<vmem>>, vector<16xi32>,
        tpu.vector_store %arg6[%swap3A_3047, %swap3A_3048], %add3A_3045 {strides = array<i32>} : memref<2x384xi32, #tpu.memory_space<vmem>>, vector<16xi32>,
        %add3A_3050 = arith.constant 512 : i32
        %add3A_3051 = arith.addi %add3A_3005, %add3A_3050 : i32
        %mul3A_3052 = arith.constant 8 : i32
        %mul3A_3053 = vector.broadcast %mul3A_3052 : i32 to vector<16xi32>
        %mul3A_3054 = arith.muli %mul3A_3053, %iota3A : vector<16xi32>
        %add3A_3055 = vector.broadcast %add3A_3051 : i32 to vector<16xi32>
        %add3A_3056 = arith.addi %add3A_3055, %mul3A_3054 : vector<16xi32>
        %swap3A_3057 = arith.constant 1 : i32
        %swap3A_3058 = arith.index_cast %swap3A_3057 : i32 to index
        %swap3A_3059 = arith.constant 64 : index
        %swap3A_3060 = tpu.vector_load %arg6[%swap3A_3058, %swap3A_3059] {strides = array<i32>} : memref<2x384xi32, #tpu.memory_space<vmem>>, vector<16xi32>,
        tpu.vector_store %arg6[%swap3A_3058, %swap3A_3059], %add3A_3056 {strides = array<i32>} : memref<2x384xi32, #tpu.memory_space<vmem>>, vector<16xi32>,
        %add3A_3061 = arith.constant 640 : i32
        %add3A_3062 = arith.addi %add3A_3005, %add3A_3061 : i32
        %mul3A_3063 = arith.constant 8 : i32
        %mul3A_3064 = vector.broadcast %mul3A_3063 : i32 to vector<16xi32>
        %mul3A_3065 = arith.muli %mul3A_3064, %iota3A : vector<16xi32>
        %add3A_3066 = vector.broadcast %add3A_3062 : i32 to vector<16xi32>
        %add3A_3067 = arith.addi %add3A_3066, %mul3A_3065 : vector<16xi32>
        %swap3A_3068 = arith.constant 1 : i32
        %swap3A_3069 = arith.index_cast %swap3A_3068 : i32 to index
        %swap3A_3070 = arith.constant 80 : index
        %swap3A_3071 = tpu.vector_load %arg6[%swap3A_3069, %swap3A_3070] {strides = array<i32>} : memref<2x384xi32, #tpu.memory_space<vmem>>, vector<16xi32>,
        tpu.vector_store %arg6[%swap3A_3069, %swap3A_3070], %add3A_3067 {strides = array<i32>} : memref<2x384xi32, #tpu.memory_space<vmem>>, vector<16xi32>,
        %add3A_3072 = arith.constant 768 : i32
        %add3A_3073 = arith.addi %add3A_3005, %add3A_3072 : i32
        %mul3A_3074 = arith.constant 8 : i32
        %mul3A_3075 = vector.broadcast %mul3A_3074 : i32 to vector<16xi32>
        %mul3A_3076 = arith.muli %mul3A_3075, %iota3A : vector<16xi32>
        %add3A_3077 = vector.broadcast %add3A_3073 : i32 to vector<16xi32>
        %add3A_3078 = arith.addi %add3A_3077, %mul3A_3076 : vector<16xi32>
        %swap3A_3079 = arith.constant 1 : i32
        %swap3A_3080 = arith.index_cast %swap3A_3079 : i32 to index
        %swap3A_3081 = arith.constant 96 : index
        %swap3A_3082 = tpu.vector_load %arg6[%swap3A_3080, %swap3A_3081] {strides = array<i32>} : memref<2x384xi32, #tpu.memory_space<vmem>>, vector<16xi32>,
        tpu.vector_store %arg6[%swap3A_3080, %swap3A_3081], %add3A_3078 {strides = array<i32>} : memref<2x384xi32, #tpu.memory_space<vmem>>, vector<16xi32>,
        %add3A_3083 = arith.constant 896 : i32
        %add3A_3084 = arith.addi %add3A_3005, %add3A_3083 : i32
        %mul3A_3085 = arith.constant 8 : i32
        %mul3A_3086 = vector.broadcast %mul3A_3085 : i32 to vector<16xi32>
        %mul3A_3087 = arith.muli %mul3A_3086, %iota3A : vector<16xi32>
        %add3A_3088 = vector.broadcast %add3A_3084 : i32 to vector<16xi32>
        %add3A_3089 = arith.addi %add3A_3088, %mul3A_3087 : vector<16xi32>
        %swap3A_3090 = arith.constant 1 : i32
        %swap3A_3091 = arith.index_cast %swap3A_3090 : i32 to index
        %swap3A_3092 = arith.constant 112 : index
        %swap3A_3093 = tpu.vector_load %arg6[%swap3A_3091, %swap3A_3092] {strides = array<i32>} : memref<2x384xi32, #tpu.memory_space<vmem>>, vector<16xi32>,
        tpu.vector_store %arg6[%swap3A_3091, %swap3A_3092], %add3A_3089 {strides = array<i32>} : memref<2x384xi32, #tpu.memory_space<vmem>>, vector<16xi32>,
        %add3A_3094 = arith.constant 1024 : i32
        %add3A_3095 = arith.addi %add3A_3005, %add3A_3094 : i32
        %mul3A_3096 = arith.constant 8 : i32
        %mul3A_3097 = vector.broadcast %mul3A_3096 : i32 to vector<16xi32>
        %mul3A_3098 = arith.muli %mul3A_3097, %iota3A : vector<16xi32>
        %add3A_3099 = vector.broadcast %add3A_3095 : i32 to vector<16xi32>
        %add3A_3100 = arith.addi %add3A_3099, %mul3A_3098 : vector<16xi32>
        %swap3A_3101 = arith.constant 1 : i32
        %swap3A_3102 = arith.index_cast %swap3A_3101 : i32 to index
        %swap3A_3103 = arith.constant 128 : index
        %swap3A_3104 = tpu.vector_load %arg6[%swap3A_3102, %swap3A_3103] {strides = array<i32>} : memref<2x384xi32, #tpu.memory_space<vmem>>, vector<16xi32>,
        tpu.vector_store %arg6[%swap3A_3102, %swap3A_3103], %add3A_3100 {strides = array<i32>} : memref<2x384xi32, #tpu.memory_space<vmem>>, vector<16xi32>,
        %add3A_3105 = arith.constant 1152 : i32
        %add3A_3106 = arith.addi %add3A_3005, %add3A_3105 : i32
        %mul3A_3107 = arith.constant 8 : i32
        %mul3A_3108 = vector.broadcast %mul3A_3107 : i32 to vector<16xi32>
        %mul3A_3109 = arith.muli %mul3A_3108, %iota3A : vector<16xi32>
        %add3A_3110 = vector.broadcast %add3A_3106 : i32 to vector<16xi32>
        %add3A_3111 = arith.addi %add3A_3110, %mul3A_3109 : vector<16xi32>
        %swap3A_3112 = arith.constant 1 : i32
        %swap3A_3113 = arith.index_cast %swap3A_3112 : i32 to index
        %swap3A_3114 = arith.constant 144 : index
        %swap3A_3115 = tpu.vector_load %arg6[%swap3A_3113, %swap3A_3114] {strides = array<i32>} : memref<2x384xi32, #tpu.memory_space<vmem>>, vector<16xi32>,
        tpu.vector_store %arg6[%swap3A_3113, %swap3A_3114], %add3A_3111 {strides = array<i32>} : memref<2x384xi32, #tpu.memory_space<vmem>>, vector<16xi32>,
        %add3A_3116 = arith.constant 1280 : i32
        %add3A_3117 = arith.addi %add3A_3005, %add3A_3116 : i32
        %mul3A_3118 = arith.constant 8 : i32
        %mul3A_3119 = vector.broadcast %mul3A_3118 : i32 to vector<16xi32>
        %mul3A_3120 = arith.muli %mul3A_3119, %iota3A : vector<16xi32>
        %add3A_3121 = vector.broadcast %add3A_3117 : i32 to vector<16xi32>
        %add3A_3122 = arith.addi %add3A_3121, %mul3A_3120 : vector<16xi32>
        %swap3A_3123 = arith.constant 1 : i32
        %swap3A_3124 = arith.index_cast %swap3A_3123 : i32 to index
        %swap3A_3125 = arith.constant 160 : index
        %swap3A_3126 = tpu.vector_load %arg6[%swap3A_3124, %swap3A_3125] {strides = array<i32>} : memref<2x384xi32, #tpu.memory_space<vmem>>, vector<16xi32>,
        tpu.vector_store %arg6[%swap3A_3124, %swap3A_3125], %add3A_3122 {strides = array<i32>} : memref<2x384xi32, #tpu.memory_space<vmem>>, vector<16xi32>,
        %add3A_3127 = arith.constant 1408 : i32
        %add3A_3128 = arith.addi %add3A_3005, %add3A_3127 : i32
        %mul3A_3129 = arith.constant 8 : i32
        %mul3A_3130 = vector.broadcast %mul3A_3129 : i32 to vector<16xi32>
        %mul3A_3131 = arith.muli %mul3A_3130, %iota3A : vector<16xi32>
        %add3A_3132 = vector.broadcast %add3A_3128 : i32 to vector<16xi32>
        %add3A_3133 = arith.addi %add3A_3132, %mul3A_3131 : vector<16xi32>
        %swap3A_3134 = arith.constant 1 : i32
        %swap3A_3135 = arith.index_cast %swap3A_3134 : i32 to index
        %swap3A_3136 = arith.constant 176 : index
        %swap3A_3137 = tpu.vector_load %arg6[%swap3A_3135, %swap3A_3136] {strides = array<i32>} : memref<2x384xi32, #tpu.memory_space<vmem>>, vector<16xi32>,
        tpu.vector_store %arg6[%swap3A_3135, %swap3A_3136], %add3A_3133 {strides = array<i32>} : memref<2x384xi32, #tpu.memory_space<vmem>>, vector<16xi32>,
        %add3A_3138 = arith.constant 1536 : i32
        %add3A_3139 = arith.addi %add3A_3005, %add3A_3138 : i32
        %mul3A_3140 = arith.constant 8 : i32
        %mul3A_3141 = vector.broadcast %mul3A_3140 : i32 to vector<16xi32>
        %mul3A_3142 = arith.muli %mul3A_3141, %iota3A : vector<16xi32>
        %add3A_3143 = vector.broadcast %add3A_3139 : i32 to vector<16xi32>
        %add3A_3144 = arith.addi %add3A_3143, %mul3A_3142 : vector<16xi32>
        %swap3A_3145 = arith.constant 1 : i32
        %swap3A_3146 = arith.index_cast %swap3A_3145 : i32 to index
        %swap3A_3147 = arith.constant 192 : index
        %swap3A_3148 = tpu.vector_load %arg6[%swap3A_3146, %swap3A_3147] {strides = array<i32>} : memref<2x384xi32, #tpu.memory_space<vmem>>, vector<16xi32>,
        tpu.vector_store %arg6[%swap3A_3146, %swap3A_3147], %add3A_3144 {strides = array<i32>} : memref<2x384xi32, #tpu.memory_space<vmem>>, vector<16xi32>,
        %add3A_3149 = arith.constant 1664 : i32
        %add3A_3150 = arith.addi %add3A_3005, %add3A_3149 : i32
        %mul3A_3151 = arith.constant 8 : i32
        %mul3A_3152 = vector.broadcast %mul3A_3151 : i32 to vector<16xi32>
        %mul3A_3153 = arith.muli %mul3A_3152, %iota3A : vector<16xi32>
        %add3A_3154 = vector.broadcast %add3A_3150 : i32 to vector<16xi32>
        %add3A_3155 = arith.addi %add3A_3154, %mul3A_3153 : vector<16xi32>
        %swap3A_3156 = arith.constant 1 : i32
        %swap3A_3157 = arith.index_cast %swap3A_3156 : i32 to index
        %swap3A_3158 = arith.constant 208 : index
        %swap3A_3159 = tpu.vector_load %arg6[%swap3A_3157, %swap3A_3158] {strides = array<i32>} : memref<2x384xi32, #tpu.memory_space<vmem>>, vector<16xi32>,
        tpu.vector_store %arg6[%swap3A_3157, %swap3A_3158], %add3A_3155 {strides = array<i32>} : memref<2x384xi32, #tpu.memory_space<vmem>>, vector<16xi32>,
        %add3A_3160 = arith.constant 1792 : i32
        %add3A_3161 = arith.addi %add3A_3005, %add3A_3160 : i32
        %mul3A_3162 = arith.constant 8 : i32
        %mul3A_3163 = vector.broadcast %mul3A_3162 : i32 to vector<16xi32>
        %mul3A_3164 = arith.muli %mul3A_3163, %iota3A : vector<16xi32>
        %add3A_3165 = vector.broadcast %add3A_3161 : i32 to vector<16xi32>
        %add3A_3166 = arith.addi %add3A_3165, %mul3A_3164 : vector<16xi32>
        %swap3A_3167 = arith.constant 1 : i32
        %swap3A_3168 = arith.index_cast %swap3A_3167 : i32 to index
        %swap3A_3169 = arith.constant 224 : index
        %swap3A_3170 = tpu.vector_load %arg6[%swap3A_3168, %swap3A_3169] {strides = array<i32>} : memref<2x384xi32, #tpu.memory_space<vmem>>, vector<16xi32>,
        tpu.vector_store %arg6[%swap3A_3168, %swap3A_3169], %add3A_3166 {strides = array<i32>} : memref<2x384xi32, #tpu.memory_space<vmem>>, vector<16xi32>,
        %add3A_3171 = arith.constant 1920 : i32
        %add3A_3172 = arith.addi %add3A_3005, %add3A_3171 : i32
        %mul3A_3173 = arith.constant 8 : i32
        %mul3A_3174 = vector.broadcast %mul3A_3173 : i32 to vector<16xi32>
        %mul3A_3175 = arith.muli %mul3A_3174, %iota3A : vector<16xi32>
        %add3A_3176 = vector.broadcast %add3A_3172 : i32 to vector<16xi32>
        %add3A_3177 = arith.addi %add3A_3176, %mul3A_3175 : vector<16xi32>
        %swap3A_3178 = arith.constant 1 : i32
        %swap3A_3179 = arith.index_cast %swap3A_3178 : i32 to index
        %swap3A_3180 = arith.constant 240 : index
        %swap3A_3181 = tpu.vector_load %arg6[%swap3A_3179, %swap3A_3180] {strides = array<i32>} : memref<2x384xi32, #tpu.memory_space<vmem>>, vector<16xi32>,
        tpu.vector_store %arg6[%swap3A_3179, %swap3A_3180], %add3A_3177 {strides = array<i32>} : memref<2x384xi32, #tpu.memory_space<vmem>>, vector<16xi32>,
        %add3A_3182 = arith.constant 2048 : i32
        %add3A_3183 = arith.addi %add3A_3005, %add3A_3182 : i32
        %mul3A_3184 = arith.constant 8 : i32
        %mul3A_3185 = vector.broadcast %mul3A_3184 : i32 to vector<16xi32>
        %mul3A_3186 = arith.muli %mul3A_3185, %iota3A : vector<16xi32>
        %add3A_3187 = vector.broadcast %add3A_3183 : i32 to vector<16xi32>
        %add3A_3188 = arith.addi %add3A_3187, %mul3A_3186 : vector<16xi32>
        %swap3A_3189 = arith.constant 1 : i32
        %swap3A_3190 = arith.index_cast %swap3A_3189 : i32 to index
        %swap3A_3191 = arith.constant 256 : index
        %swap3A_3192 = tpu.vector_load %arg6[%swap3A_3190, %swap3A_3191] {strides = array<i32>} : memref<2x384xi32, #tpu.memory_space<vmem>>, vector<16xi32>,
        tpu.vector_store %arg6[%swap3A_3190, %swap3A_3191], %add3A_3188 {strides = array<i32>} : memref<2x384xi32, #tpu.memory_space<vmem>>, vector<16xi32>,
        %add3A_3193 = arith.constant 2176 : i32
        %add3A_3194 = arith.addi %add3A_3005, %add3A_3193 : i32
        %mul3A_3195 = arith.constant 8 : i32
        %mul3A_3196 = vector.broadcast %mul3A_3195 : i32 to vector<16xi32>
        %mul3A_3197 = arith.muli %mul3A_3196, %iota3A : vector<16xi32>
        %add3A_3198 = vector.broadcast %add3A_3194 : i32 to vector<16xi32>
        %add3A_3199 = arith.addi %add3A_3198, %mul3A_3197 : vector<16xi32>
        %swap3A_3200 = arith.constant 1 : i32
        %swap3A_3201 = arith.index_cast %swap3A_3200 : i32 to index
        %swap3A_3202 = arith.constant 272 : index
        %swap3A_3203 = tpu.vector_load %arg6[%swap3A_3201, %swap3A_3202] {strides = array<i32>} : memref<2x384xi32, #tpu.memory_space<vmem>>, vector<16xi32>,
        tpu.vector_store %arg6[%swap3A_3201, %swap3A_3202], %add3A_3199 {strides = array<i32>} : memref<2x384xi32, #tpu.memory_space<vmem>>, vector<16xi32>,
        %add3A_3204 = arith.constant 2304 : i32
        %add3A_3205 = arith.addi %add3A_3005, %add3A_3204 : i32
        %mul3A_3206 = arith.constant 8 : i32
        %mul3A_3207 = vector.broadcast %mul3A_3206 : i32 to vector<16xi32>
        %mul3A_3208 = arith.muli %mul3A_3207, %iota3A : vector<16xi32>
        %add3A_3209 = vector.broadcast %add3A_3205 : i32 to vector<16xi32>
        %add3A_3210 = arith.addi %add3A_3209, %mul3A_3208 : vector<16xi32>
        %swap3A_3211 = arith.constant 1 : i32
        %swap3A_3212 = arith.index_cast %swap3A_3211 : i32 to index
        %swap3A_3213 = arith.constant 288 : index
        %swap3A_3214 = tpu.vector_load %arg6[%swap3A_3212, %swap3A_3213] {strides = array<i32>} : memref<2x384xi32, #tpu.memory_space<vmem>>, vector<16xi32>,
        tpu.vector_store %arg6[%swap3A_3212, %swap3A_3213], %add3A_3210 {strides = array<i32>} : memref<2x384xi32, #tpu.memory_space<vmem>>, vector<16xi32>,
        %add3A_3215 = arith.constant 2432 : i32
        %add3A_3216 = arith.addi %add3A_3005, %add3A_3215 : i32
        %mul3A_3217 = arith.constant 8 : i32
        %mul3A_3218 = vector.broadcast %mul3A_3217 : i32 to vector<16xi32>
        %mul3A_3219 = arith.muli %mul3A_3218, %iota3A : vector<16xi32>
        %add3A_3220 = vector.broadcast %add3A_3216 : i32 to vector<16xi32>
        %add3A_3221 = arith.addi %add3A_3220, %mul3A_3219 : vector<16xi32>
        %swap3A_3222 = arith.constant 1 : i32
        %swap3A_3223 = arith.index_cast %swap3A_3222 : i32 to index
        %swap3A_3224 = arith.constant 304 : index
        %swap3A_3225 = tpu.vector_load %arg6[%swap3A_3223, %swap3A_3224] {strides = array<i32>} : memref<2x384xi32, #tpu.memory_space<vmem>>, vector<16xi32>,
        tpu.vector_store %arg6[%swap3A_3223, %swap3A_3224], %add3A_3221 {strides = array<i32>} : memref<2x384xi32, #tpu.memory_space<vmem>>, vector<16xi32>,
        %add3A_3226 = arith.constant 2560 : i32
        %add3A_3227 = arith.addi %add3A_3005, %add3A_3226 : i32
        %mul3A_3228 = arith.constant 8 : i32
        %mul3A_3229 = vector.broadcast %mul3A_3228 : i32 to vector<16xi32>
        %mul3A_3230 = arith.muli %mul3A_3229, %iota3A : vector<16xi32>
        %add3A_3231 = vector.broadcast %add3A_3227 : i32 to vector<16xi32>
        %add3A_3232 = arith.addi %add3A_3231, %mul3A_3230 : vector<16xi32>
        %swap3A_3233 = arith.constant 1 : i32
        %swap3A_3234 = arith.index_cast %swap3A_3233 : i32 to index
        %swap3A_3235 = arith.constant 320 : index
        %swap3A_3236 = tpu.vector_load %arg6[%swap3A_3234, %swap3A_3235] {strides = array<i32>} : memref<2x384xi32, #tpu.memory_space<vmem>>, vector<16xi32>,
        tpu.vector_store %arg6[%swap3A_3234, %swap3A_3235], %add3A_3232 {strides = array<i32>} : memref<2x384xi32, #tpu.memory_space<vmem>>, vector<16xi32>,
        %add3A_3237 = arith.constant 2688 : i32
        %add3A_3238 = arith.addi %add3A_3005, %add3A_3237 : i32
        %mul3A_3239 = arith.constant 8 : i32
        %mul3A_3240 = vector.broadcast %mul3A_3239 : i32 to vector<16xi32>
        %mul3A_3241 = arith.muli %mul3A_3240, %iota3A : vector<16xi32>
        %add3A_3242 = vector.broadcast %add3A_3238 : i32 to vector<16xi32>
        %add3A_3243 = arith.addi %add3A_3242, %mul3A_3241 : vector<16xi32>
        %swap3A_3244 = arith.constant 1 : i32
        %swap3A_3245 = arith.index_cast %swap3A_3244 : i32 to index
        %swap3A_3246 = arith.constant 336 : index
        %swap3A_3247 = tpu.vector_load %arg6[%swap3A_3245, %swap3A_3246] {strides = array<i32>} : memref<2x384xi32, #tpu.memory_space<vmem>>, vector<16xi32>,
        tpu.vector_store %arg6[%swap3A_3245, %swap3A_3246], %add3A_3243 {strides = array<i32>} : memref<2x384xi32, #tpu.memory_space<vmem>>, vector<16xi32>,
        %add3A_3248 = arith.constant 2816 : i32
        %add3A_3249 = arith.addi %add3A_3005, %add3A_3248 : i32
        %mul3A_3250 = arith.constant 8 : i32
        %mul3A_3251 = vector.broadcast %mul3A_3250 : i32 to vector<16xi32>
        %mul3A_3252 = arith.muli %mul3A_3251, %iota3A : vector<16xi32>
        %add3A_3253 = vector.broadcast %add3A_3249 : i32 to vector<16xi32>
        %add3A_3254 = arith.addi %add3A_3253, %mul3A_3252 : vector<16xi32>
        %swap3A_3255 = arith.constant 1 : i32
        %swap3A_3256 = arith.index_cast %swap3A_3255 : i32 to index
        %swap3A_3257 = arith.constant 352 : index
        %swap3A_3258 = tpu.vector_load %arg6[%swap3A_3256, %swap3A_3257] {strides = array<i32>} : memref<2x384xi32, #tpu.memory_space<vmem>>, vector<16xi32>,
        tpu.vector_store %arg6[%swap3A_3256, %swap3A_3257], %add3A_3254 {strides = array<i32>} : memref<2x384xi32, #tpu.memory_space<vmem>>, vector<16xi32>,
        %add3A_3259 = arith.constant 2944 : i32
        %add3A_3260 = arith.addi %add3A_3005, %add3A_3259 : i32
        %mul3A_3261 = arith.constant 8 : i32
        %mul3A_3262 = vector.broadcast %mul3A_3261 : i32 to vector<16xi32>
        %mul3A_3263 = arith.muli %mul3A_3262, %iota3A : vector<16xi32>
        %add3A_3264 = vector.broadcast %add3A_3260 : i32 to vector<16xi32>
        %add3A_3265 = arith.addi %add3A_3264, %mul3A_3263 : vector<16xi32>
        %swap3A_3266 = arith.constant 1 : i32
        %swap3A_3267 = arith.index_cast %swap3A_3266 : i32 to index
        %swap3A_3268 = arith.constant 368 : index
        %swap3A_3269 = tpu.vector_load %arg6[%swap3A_3267, %swap3A_3268] {strides = array<i32>} : memref<2x384xi32, #tpu.memory_space<vmem>>, vector<16xi32>,
        tpu.vector_store %arg6[%swap3A_3267, %swap3A_3268], %add3A_3265 {strides = array<i32>} : memref<2x384xi32, #tpu.memory_space<vmem>>, vector<16xi32>,
        %dma_start3A_3270 = arith.constant 1 : i32
        %dma_start3A_3271 = arith.constant 1 : i32
        %dma_start3A_3272 = arith.constant 1 : i32
        %dma_start3A_3273 = arith.constant 0 : i32
        %dma_start3A_3274 = arith.constant 0 : i32
        %dma_start3A_3275 = tpu.memref_slice %arg5[%dma_start3A_3271, %dma_start3A_3273, %dma_start3A_3274] : memref<2x313x128xf32, #tpu.memory_space<vmem>> -> memref<1x64x128xf32, #tpu.memory_space<vmem>>
        %dma_start3A_3276 = tpu.memref_squeeze %dma_start3A_3275 : memref<1x64x128xf32, #tpu.memory_space<vmem>> -> memref<64x128xf32, #tpu.memory_space<vmem>>
        %dma_start3A_3277 = arith.constant 0 : i32
        %dma_start3A_3278 = tpu.memref_slice %arg6[%dma_start3A_3270, %dma_start3A_3277] : memref<2x384xi32, #tpu.memory_space<vmem>> -> memref<1x64xi32, #tpu.memory_space<vmem>>
        %dma_start3A_3279 = tpu.memref_squeeze %dma_start3A_3278 : memref<1x64xi32, #tpu.memory_space<vmem>> -> memref<64xi32, #tpu.memory_space<vmem>>
        %dma_start3A_3280 = arith.constant 0 : i32
        %dma_start3A_3281 = arith.constant 0 : i32
        %dma_start3A_3282 = tpu.memref_slice %arg2[%dma_start3A_3280, %dma_start3A_3281] : memref<520000x128xf32, #tpu.memory_space<hbm>> -> memref<520000x128xf32, #tpu.memory_space<hbm>>
        %dma_start3A_3283 = tpu.memref_slice %arg9[%dma_start3A_3272] : memref<2x!tpu.dma_semaphore, #tpu.memory_space<semaphore_mem>> -> memref<1x!tpu.dma_semaphore, #tpu.memory_space<semaphore_mem>>
        %dma_start3A_3284 = tpu.memref_squeeze %dma_start3A_3283 : memref<1x!tpu.dma_semaphore, #tpu.memory_space<semaphore_mem>> -> memref<!tpu.dma_semaphore, #tpu.memory_space<semaphore_mem>>
        tpu.enqueue_indirect_dma source(%dma_start3A_3282 : memref<520000x128xf32, #tpu.memory_space<hbm>>) target(%dma_start3A_3276 : memref<64x128xf32, #tpu.memory_space<vmem>>) offsets(%dma_start3A_3279 : memref<64xi32, #tpu.memory_space<vmem>>) semaphore(%dma_start3A_3284 : memref<!tpu.dma_semaphore, #tpu.memory_space<semaphore_mem>>)
        %dma_start3A_3285 = arith.constant 1 : i32
        %dma_start3A_3286 = arith.constant 1 : i32
        %dma_start3A_3287 = arith.constant 1 : i32
        %dma_start3A_3288 = arith.constant 64 : i32
        %dma_start3A_3289 = arith.constant 0 : i32
        %dma_start3A_3290 = tpu.memref_slice %arg5[%dma_start3A_3286, %dma_start3A_3288, %dma_start3A_3289] : memref<2x313x128xf32, #tpu.memory_space<vmem>> -> memref<1x64x128xf32, #tpu.memory_space<vmem>>
        %dma_start3A_3291 = tpu.memref_squeeze %dma_start3A_3290 : memref<1x64x128xf32, #tpu.memory_space<vmem>> -> memref<64x128xf32, #tpu.memory_space<vmem>>
        %dma_start3A_3292 = arith.constant 64 : i32
        %dma_start3A_3293 = tpu.memref_slice %arg6[%dma_start3A_3285, %dma_start3A_3292] : memref<2x384xi32, #tpu.memory_space<vmem>> -> memref<1x64xi32, #tpu.memory_space<vmem>>
        %dma_start3A_3294 = tpu.memref_squeeze %dma_start3A_3293 : memref<1x64xi32, #tpu.memory_space<vmem>> -> memref<64xi32, #tpu.memory_space<vmem>>
        %dma_start3A_3295 = arith.constant 0 : i32
        %dma_start3A_3296 = arith.constant 0 : i32
        %dma_start3A_3297 = tpu.memref_slice %arg2[%dma_start3A_3295, %dma_start3A_3296] : memref<520000x128xf32, #tpu.memory_space<hbm>> -> memref<520000x128xf32, #tpu.memory_space<hbm>>
        %dma_start3A_3298 = tpu.memref_slice %arg9[%dma_start3A_3287] : memref<2x!tpu.dma_semaphore, #tpu.memory_space<semaphore_mem>> -> memref<1x!tpu.dma_semaphore, #tpu.memory_space<semaphore_mem>>
        %dma_start3A_3299 = tpu.memref_squeeze %dma_start3A_3298 : memref<1x!tpu.dma_semaphore, #tpu.memory_space<semaphore_mem>> -> memref<!tpu.dma_semaphore, #tpu.memory_space<semaphore_mem>>
        tpu.enqueue_indirect_dma source(%dma_start3A_3297 : memref<520000x128xf32, #tpu.memory_space<hbm>>) target(%dma_start3A_3291 : memref<64x128xf32, #tpu.memory_space<vmem>>) offsets(%dma_start3A_3294 : memref<64xi32, #tpu.memory_space<vmem>>) semaphore(%dma_start3A_3299 : memref<!tpu.dma_semaphore, #tpu.memory_space<semaphore_mem>>)
        %dma_start3A_3300 = arith.constant 1 : i32
        %dma_start3A_3301 = arith.constant 1 : i32
        %dma_start3A_3302 = arith.constant 1 : i32
        %dma_start3A_3303 = arith.constant 128 : i32
        %dma_start3A_3304 = arith.constant 0 : i32
        %dma_start3A_3305 = tpu.memref_slice %arg5[%dma_start3A_3301, %dma_start3A_3303, %dma_start3A_3304] : memref<2x313x128xf32, #tpu.memory_space<vmem>> -> memref<1x64x128xf32, #tpu.memory_space<vmem>>
        %dma_start3A_3306 = tpu.memref_squeeze %dma_start3A_3305 : memref<1x64x128xf32, #tpu.memory_space<vmem>> -> memref<64x128xf32, #tpu.memory_space<vmem>>
        %dma_start3A_3307 = arith.constant 128 : i32
        %dma_start3A_3308 = tpu.memref_slice %arg6[%dma_start3A_3300, %dma_start3A_3307] : memref<2x384xi32, #tpu.memory_space<vmem>> -> memref<1x64xi32, #tpu.memory_space<vmem>>
        %dma_start3A_3309 = tpu.memref_squeeze %dma_start3A_3308 : memref<1x64xi32, #tpu.memory_space<vmem>> -> memref<64xi32, #tpu.memory_space<vmem>>
        %dma_start3A_3310 = arith.constant 0 : i32
        %dma_start3A_3311 = arith.constant 0 : i32
        %dma_start3A_3312 = tpu.memref_slice %arg2[%dma_start3A_3310, %dma_start3A_3311] : memref<520000x128xf32, #tpu.memory_space<hbm>> -> memref<520000x128xf32, #tpu.memory_space<hbm>>
        %dma_start3A_3313 = tpu.memref_slice %arg9[%dma_start3A_3302] : memref<2x!tpu.dma_semaphore, #tpu.memory_space<semaphore_mem>> -> memref<1x!tpu.dma_semaphore, #tpu.memory_space<semaphore_mem>>
        %dma_start3A_3314 = tpu.memref_squeeze %dma_start3A_3313 : memref<1x!tpu.dma_semaphore, #tpu.memory_space<semaphore_mem>> -> memref<!tpu.dma_semaphore, #tpu.memory_space<semaphore_mem>>
        tpu.enqueue_indirect_dma source(%dma_start3A_3312 : memref<520000x128xf32, #tpu.memory_space<hbm>>) target(%dma_start3A_3306 : memref<64x128xf32, #tpu.memory_space<vmem>>) offsets(%dma_start3A_3309 : memref<64xi32, #tpu.memory_space<vmem>>) semaphore(%dma_start3A_3314 : memref<!tpu.dma_semaphore, #tpu.memory_space<semaphore_mem>>)
        %dma_start3A_3315 = arith.constant 1 : i32
        %dma_start3A_3316 = arith.constant 1 : i32
        %dma_start3A_3317 = arith.constant 1 : i32
        %dma_start3A_3318 = arith.constant 192 : i32
        %dma_start3A_3319 = arith.constant 0 : i32
        %dma_start3A_3320 = tpu.memref_slice %arg5[%dma_start3A_3316, %dma_start3A_3318, %dma_start3A_3319] : memref<2x313x128xf32, #tpu.memory_space<vmem>> -> memref<1x64x128xf32, #tpu.memory_space<vmem>>
        %dma_start3A_3321 = tpu.memref_squeeze %dma_start3A_3320 : memref<1x64x128xf32, #tpu.memory_space<vmem>> -> memref<64x128xf32, #tpu.memory_space<vmem>>
        %dma_start3A_3322 = arith.constant 192 : i32
        %dma_start3A_3323 = tpu.memref_slice %arg6[%dma_start3A_3315, %dma_start3A_3322] : memref<2x384xi32, #tpu.memory_space<vmem>> -> memref<1x64xi32, #tpu.memory_space<vmem>>
        %dma_start3A_3324 = tpu.memref_squeeze %dma_start3A_3323 : memref<1x64xi32, #tpu.memory_space<vmem>> -> memref<64xi32, #tpu.memory_space<vmem>>
        %dma_start3A_3325 = arith.constant 0 : i32
        %dma_start3A_3326 = arith.constant 0 : i32
        %dma_start3A_3327 = tpu.memref_slice %arg2[%dma_start3A_3325, %dma_start3A_3326] : memref<520000x128xf32, #tpu.memory_space<hbm>> -> memref<520000x128xf32, #tpu.memory_space<hbm>>
        %dma_start3A_3328 = tpu.memref_slice %arg9[%dma_start3A_3317] : memref<2x!tpu.dma_semaphore, #tpu.memory_space<semaphore_mem>> -> memref<1x!tpu.dma_semaphore, #tpu.memory_space<semaphore_mem>>
        %dma_start3A_3329 = tpu.memref_squeeze %dma_start3A_3328 : memref<1x!tpu.dma_semaphore, #tpu.memory_space<semaphore_mem>> -> memref<!tpu.dma_semaphore, #tpu.memory_space<semaphore_mem>>
        tpu.enqueue_indirect_dma source(%dma_start3A_3327 : memref<520000x128xf32, #tpu.memory_space<hbm>>) target(%dma_start3A_3321 : memref<64x128xf32, #tpu.memory_space<vmem>>) offsets(%dma_start3A_3324 : memref<64xi32, #tpu.memory_space<vmem>>) semaphore(%dma_start3A_3329 : memref<!tpu.dma_semaphore, #tpu.memory_space<semaphore_mem>>)
        %dma_start3A_3330 = arith.constant 1 : i32
        %dma_start3A_3331 = arith.constant 1 : i32
        %dma_start3A_3332 = arith.constant 1 : i32
        %dma_start3A_3333 = arith.constant 256 : i32
        %dma_start3A_3334 = arith.constant 0 : i32
        %dma_start3A_3335 = tpu.memref_slice %arg5[%dma_start3A_3331, %dma_start3A_3333, %dma_start3A_3334] : memref<2x313x128xf32, #tpu.memory_space<vmem>> -> memref<1x57x128xf32, #tpu.memory_space<vmem>>
        %dma_start3A_3336 = tpu.memref_squeeze %dma_start3A_3335 : memref<1x57x128xf32, #tpu.memory_space<vmem>> -> memref<57x128xf32, #tpu.memory_space<vmem>>
        %dma_start3A_3337 = arith.constant 256 : i32
        %dma_start3A_3338 = tpu.memref_slice %arg6[%dma_start3A_3330, %dma_start3A_3337] : memref<2x384xi32, #tpu.memory_space<vmem>> -> memref<1x57xi32, #tpu.memory_space<vmem>>
        %dma_start3A_3339 = tpu.memref_squeeze %dma_start3A_3338 : memref<1x57xi32, #tpu.memory_space<vmem>> -> memref<57xi32, #tpu.memory_space<vmem>>
        %dma_start3A_3340 = arith.constant 0 : i32
        %dma_start3A_3341 = arith.constant 0 : i32
        %dma_start3A_3342 = tpu.memref_slice %arg2[%dma_start3A_3340, %dma_start3A_3341] : memref<520000x128xf32, #tpu.memory_space<hbm>> -> memref<520000x128xf32, #tpu.memory_space<hbm>>
        %dma_start3A_3343 = tpu.memref_slice %arg9[%dma_start3A_3332] : memref<2x!tpu.dma_semaphore, #tpu.memory_space<semaphore_mem>> -> memref<1x!tpu.dma_semaphore, #tpu.memory_space<semaphore_mem>>
        %dma_start3A_3344 = tpu.memref_squeeze %dma_start3A_3343 : memref<1x!tpu.dma_semaphore, #tpu.memory_space<semaphore_mem>> -> memref<!tpu.dma_semaphore, #tpu.memory_space<semaphore_mem>>
        tpu.enqueue_indirect_dma source(%dma_start3A_3342 : memref<520000x128xf32, #tpu.memory_space<hbm>>) target(%dma_start3A_3336 : memref<57x128xf32, #tpu.memory_space<vmem>>) offsets(%dma_start3A_3339 : memref<57xi32, #tpu.memory_space<vmem>>) semaphore(%dma_start3A_3344 : memref<!tpu.dma_semaphore, #tpu.memory_space<semaphore_mem>>)
        %dma_wait3A_3345 = arith.constant 0 : i32
        %dma_wait3A_3346 = arith.constant 0 : i32
        %dma_wait3A_3347 = arith.constant 0 : i32
        %dma_wait3A_3348 = arith.constant 0 : i32
        %dma_wait3A_3349 = arith.constant 0 : i32
        %dma_wait3A_3350 = tpu.memref_slice %arg5[%dma_wait3A_3346, %dma_wait3A_3348, %dma_wait3A_3349] : memref<2x313x128xf32, #tpu.memory_space<vmem>> -> memref<1x64x128xf32, #tpu.memory_space<vmem>>
        %dma_wait3A_3351 = tpu.memref_squeeze %dma_wait3A_3350 : memref<1x64x128xf32, #tpu.memory_space<vmem>> -> memref<64x128xf32, #tpu.memory_space<vmem>>
        %dma_wait3A_3352 = arith.constant 0 : i32
        %dma_wait3A_3353 = tpu.memref_slice %arg6[%dma_wait3A_3345, %dma_wait3A_3352] : memref<2x384xi32, #tpu.memory_space<vmem>> -> memref<1x64xi32, #tpu.memory_space<vmem>>
        %dma_wait3A_3354 = tpu.memref_squeeze %dma_wait3A_3353 : memref<1x64xi32, #tpu.memory_space<vmem>> -> memref<64xi32, #tpu.memory_space<vmem>>
        %dma_wait3A_3355 = arith.constant 0 : i32
        %dma_wait3A_3356 = arith.constant 0 : i32
        %dma_wait3A_3357 = tpu.memref_slice %arg2[%dma_wait3A_3355, %dma_wait3A_3356] : memref<520000x128xf32, #tpu.memory_space<hbm>> -> memref<520000x128xf32, #tpu.memory_space<hbm>>
        %dma_wait3A_3358 = tpu.memref_slice %arg9[%dma_wait3A_3347] : memref<2x!tpu.dma_semaphore, #tpu.memory_space<semaphore_mem>> -> memref<1x!tpu.dma_semaphore, #tpu.memory_space<semaphore_mem>>
        %dma_wait3A_3359 = tpu.memref_squeeze %dma_wait3A_3358 : memref<1x!tpu.dma_semaphore, #tpu.memory_space<semaphore_mem>> -> memref<!tpu.dma_semaphore, #tpu.memory_space<semaphore_mem>>
        tpu.wait_indirect_dma semaphore(%dma_wait3A_3359 : memref<!tpu.dma_semaphore, #tpu.memory_space<semaphore_mem>>) src(%dma_wait3A_3357 : memref<520000x128xf32, #tpu.memory_space<hbm>>) dst(%dma_wait3A_3351 : memref<64x128xf32, #tpu.memory_space<vmem>>)
        %dma_wait3A_3360 = arith.constant 0 : i32
        %dma_wait3A_3361 = arith.constant 0 : i32
        %dma_wait3A_3362 = arith.constant 0 : i32
        %dma_wait3A_3363 = arith.constant 64 : i32
        %dma_wait3A_3364 = arith.constant 0 : i32
        %dma_wait3A_3365 = tpu.memref_slice %arg5[%dma_wait3A_3361, %dma_wait3A_3363, %dma_wait3A_3364] : memref<2x313x128xf32, #tpu.memory_space<vmem>> -> memref<1x64x128xf32, #tpu.memory_space<vmem>>
        %dma_wait3A_3366 = tpu.memref_squeeze %dma_wait3A_3365 : memref<1x64x128xf32, #tpu.memory_space<vmem>> -> memref<64x128xf32, #tpu.memory_space<vmem>>
        %dma_wait3A_3367 = arith.constant 64 : i32
        %dma_wait3A_3368 = tpu.memref_slice %arg6[%dma_wait3A_3360, %dma_wait3A_3367] : memref<2x384xi32, #tpu.memory_space<vmem>> -> memref<1x64xi32, #tpu.memory_space<vmem>>
        %dma_wait3A_3369 = tpu.memref_squeeze %dma_wait3A_3368 : memref<1x64xi32, #tpu.memory_space<vmem>> -> memref<64xi32, #tpu.memory_space<vmem>>
        %dma_wait3A_3370 = arith.constant 0 : i32
        %dma_wait3A_3371 = arith.constant 0 : i32
        %dma_wait3A_3372 = tpu.memref_slice %arg2[%dma_wait3A_3370, %dma_wait3A_3371] : memref<520000x128xf32, #tpu.memory_space<hbm>> -> memref<520000x128xf32, #tpu.memory_space<hbm>>
        %dma_wait3A_3373 = tpu.memref_slice %arg9[%dma_wait3A_3362] : memref<2x!tpu.dma_semaphore, #tpu.memory_space<semaphore_mem>> -> memref<1x!tpu.dma_semaphore, #tpu.memory_space<semaphore_mem>>
        %dma_wait3A_3374 = tpu.memref_squeeze %dma_wait3A_3373 : memref<1x!tpu.dma_semaphore, #tpu.memory_space<semaphore_mem>> -> memref<!tpu.dma_semaphore, #tpu.memory_space<semaphore_mem>>
        tpu.wait_indirect_dma semaphore(%dma_wait3A_3374 : memref<!tpu.dma_semaphore, #tpu.memory_space<semaphore_mem>>) src(%dma_wait3A_3372 : memref<520000x128xf32, #tpu.memory_space<hbm>>) dst(%dma_wait3A_3366 : memref<64x128xf32, #tpu.memory_space<vmem>>)
        %dma_wait3A_3375 = arith.constant 0 : i32
        %dma_wait3A_3376 = arith.constant 0 : i32
        %dma_wait3A_3377 = arith.constant 0 : i32
        %dma_wait3A_3378 = arith.constant 128 : i32
        %dma_wait3A_3379 = arith.constant 0 : i32
        %dma_wait3A_3380 = tpu.memref_slice %arg5[%dma_wait3A_3376, %dma_wait3A_3378, %dma_wait3A_3379] : memref<2x313x128xf32, #tpu.memory_space<vmem>> -> memref<1x64x128xf32, #tpu.memory_space<vmem>>
        %dma_wait3A_3381 = tpu.memref_squeeze %dma_wait3A_3380 : memref<1x64x128xf32, #tpu.memory_space<vmem>> -> memref<64x128xf32, #tpu.memory_space<vmem>>
        %dma_wait3A_3382 = arith.constant 128 : i32
        %dma_wait3A_3383 = tpu.memref_slice %arg6[%dma_wait3A_3375, %dma_wait3A_3382] : memref<2x384xi32, #tpu.memory_space<vmem>> -> memref<1x64xi32, #tpu.memory_space<vmem>>
        %dma_wait3A_3384 = tpu.memref_squeeze %dma_wait3A_3383 : memref<1x64xi32, #tpu.memory_space<vmem>> -> memref<64xi32, #tpu.memory_space<vmem>>
        %dma_wait3A_3385 = arith.constant 0 : i32
        %dma_wait3A_3386 = arith.constant 0 : i32
        %dma_wait3A_3387 = tpu.memref_slice %arg2[%dma_wait3A_3385, %dma_wait3A_3386] : memref<520000x128xf32, #tpu.memory_space<hbm>> -> memref<520000x128xf32, #tpu.memory_space<hbm>>
        %dma_wait3A_3388 = tpu.memref_slice %arg9[%dma_wait3A_3377] : memref<2x!tpu.dma_semaphore, #tpu.memory_space<semaphore_mem>> -> memref<1x!tpu.dma_semaphore, #tpu.memory_space<semaphore_mem>>
        %dma_wait3A_3389 = tpu.memref_squeeze %dma_wait3A_3388 : memref<1x!tpu.dma_semaphore, #tpu.memory_space<semaphore_mem>> -> memref<!tpu.dma_semaphore, #tpu.memory_space<semaphore_mem>>
        tpu.wait_indirect_dma semaphore(%dma_wait3A_3389 : memref<!tpu.dma_semaphore, #tpu.memory_space<semaphore_mem>>) src(%dma_wait3A_3387 : memref<520000x128xf32, #tpu.memory_space<hbm>>) dst(%dma_wait3A_3381 : memref<64x128xf32, #tpu.memory_space<vmem>>)
        %dma_wait3A_3390 = arith.constant 0 : i32
        %dma_wait3A_3391 = arith.constant 0 : i32
        %dma_wait3A_3392 = arith.constant 0 : i32
        %dma_wait3A_3393 = arith.constant 192 : i32
        %dma_wait3A_3394 = arith.constant 0 : i32
        %dma_wait3A_3395 = tpu.memref_slice %arg5[%dma_wait3A_3391, %dma_wait3A_3393, %dma_wait3A_3394] : memref<2x313x128xf32, #tpu.memory_space<vmem>> -> memref<1x64x128xf32, #tpu.memory_space<vmem>>
        %dma_wait3A_3396 = tpu.memref_squeeze %dma_wait3A_3395 : memref<1x64x128xf32, #tpu.memory_space<vmem>> -> memref<64x128xf32, #tpu.memory_space<vmem>>
        %dma_wait3A_3397 = arith.constant 192 : i32
        %dma_wait3A_3398 = tpu.memref_slice %arg6[%dma_wait3A_3390, %dma_wait3A_3397] : memref<2x384xi32, #tpu.memory_space<vmem>> -> memref<1x64xi32, #tpu.memory_space<vmem>>
        %dma_wait3A_3399 = tpu.memref_squeeze %dma_wait3A_3398 : memref<1x64xi32, #tpu.memory_space<vmem>> -> memref<64xi32, #tpu.memory_space<vmem>>
        %dma_wait3A_3400 = arith.constant 0 : i32
        %dma_wait3A_3401 = arith.constant 0 : i32
        %dma_wait3A_3402 = tpu.memref_slice %arg2[%dma_wait3A_3400, %dma_wait3A_3401] : memref<520000x128xf32, #tpu.memory_space<hbm>> -> memref<520000x128xf32, #tpu.memory_space<hbm>>
        %dma_wait3A_3403 = tpu.memref_slice %arg9[%dma_wait3A_3392] : memref<2x!tpu.dma_semaphore, #tpu.memory_space<semaphore_mem>> -> memref<1x!tpu.dma_semaphore, #tpu.memory_space<semaphore_mem>>
        %dma_wait3A_3404 = tpu.memref_squeeze %dma_wait3A_3403 : memref<1x!tpu.dma_semaphore, #tpu.memory_space<semaphore_mem>> -> memref<!tpu.dma_semaphore, #tpu.memory_space<semaphore_mem>>
        tpu.wait_indirect_dma semaphore(%dma_wait3A_3404 : memref<!tpu.dma_semaphore, #tpu.memory_space<semaphore_mem>>) src(%dma_wait3A_3402 : memref<520000x128xf32, #tpu.memory_space<hbm>>) dst(%dma_wait3A_3396 : memref<64x128xf32, #tpu.memory_space<vmem>>)
        %dma_wait3A_3405 = arith.constant 0 : i32
        %dma_wait3A_3406 = arith.constant 0 : i32
        %dma_wait3A_3407 = arith.constant 0 : i32
        %dma_wait3A_3408 = arith.constant 256 : i32
        %dma_wait3A_3409 = arith.constant 0 : i32
        %dma_wait3A_3410 = tpu.memref_slice %arg5[%dma_wait3A_3406, %dma_wait3A_3408, %dma_wait3A_3409] : memref<2x313x128xf32, #tpu.memory_space<vmem>> -> memref<1x57x128xf32, #tpu.memory_space<vmem>>
        %dma_wait3A_3411 = tpu.memref_squeeze %dma_wait3A_3410 : memref<1x57x128xf32, #tpu.memory_space<vmem>> -> memref<57x128xf32, #tpu.memory_space<vmem>>
        %dma_wait3A_3412 = arith.constant 256 : i32
        %dma_wait3A_3413 = tpu.memref_slice %arg6[%dma_wait3A_3405, %dma_wait3A_3412] : memref<2x384xi32, #tpu.memory_space<vmem>> -> memref<1x57xi32, #tpu.memory_space<vmem>>
        %dma_wait3A_3414 = tpu.memref_squeeze %dma_wait3A_3413 : memref<1x57xi32, #tpu.memory_space<vmem>> -> memref<57xi32, #tpu.memory_space<vmem>>
        %dma_wait3A_3415 = arith.constant 0 : i32
        %dma_wait3A_3416 = arith.constant 0 : i32
        %dma_wait3A_3417 = tpu.memref_slice %arg2[%dma_wait3A_3415, %dma_wait3A_3416] : memref<520000x128xf32, #tpu.memory_space<hbm>> -> memref<520000x128xf32, #tpu.memory_space<hbm>>
        %dma_wait3A_3418 = tpu.memref_slice %arg9[%dma_wait3A_3407] : memref<2x!tpu.dma_semaphore, #tpu.memory_space<semaphore_mem>> -> memref<1x!tpu.dma_semaphore, #tpu.memory_space<semaphore_mem>>
        %dma_wait3A_3419 = tpu.memref_squeeze %dma_wait3A_3418 : memref<1x!tpu.dma_semaphore, #tpu.memory_space<semaphore_mem>> -> memref<!tpu.dma_semaphore, #tpu.memory_space<semaphore_mem>>
        tpu.wait_indirect_dma semaphore(%dma_wait3A_3419 : memref<!tpu.dma_semaphore, #tpu.memory_space<semaphore_mem>>) src(%dma_wait3A_3417 : memref<520000x128xf32, #tpu.memory_space<hbm>>) dst(%dma_wait3A_3411 : memref<57x128xf32, #tpu.memory_space<vmem>>)
        %parallel_loop3A_3420 = arith.constant 0 : i32
        %parallel_loop3A_3421 = arith.constant 4096 : i32
        %parallel_loop3A_3422 = arith.constant 16 : i32
        scf.for %parallel_loop3A_3635 = %parallel_loop3A_3420 to %parallel_loop3A_3421 step %parallel_loop3A_3422  : i32 {
          %parallel_loop3A_3636 = arith.index_cast %parallel_loop3A_3635 : i32 to index
          %parallel_loop3A_3637 = tpu.vector_load %arg7[%parallel_loop3A_3636] {strides = array<i32>} : memref<4096xi32, #tpu.memory_space<vmem>>, vector<16xi32>,
          %parallel_loop3A_3638 = vector.broadcast %mul3A_457 : i32 to vector<16xi32>
          %parallel_loop3A_3639 = arith.addi %parallel_loop3A_3637, %parallel_loop3A_3638 : vector<16xi32>
          %parallel_loop3A_3640 = arith.constant 7 : i32
          %parallel_loop3A_3641 = vector.broadcast %parallel_loop3A_3640 : i32 to vector<16xi32>
          %parallel_loop3A_3642 = arith.shrsi %parallel_loop3A_3639, %parallel_loop3A_3641 : vector<16xi32>
          %parallel_loop3A_3643 = arith.constant 127 : i32
          %parallel_loop3A_3644 = vector.broadcast %parallel_loop3A_3643 : i32 to vector<16xi32>
          %parallel_loop3A_3645 = arith.andi %parallel_loop3A_3639, %parallel_loop3A_3644 : vector<16xi32>
          %parallel_loop3A_3646 = arith.constant 0 : i32
          %parallel_loop3A_3647 = arith.constant 0 : i32
          %parallel_loop3A_3648 = arith.constant 0 : i32
          %parallel_loop3A_3649 = tpu.memref_slice %arg5[%parallel_loop3A_3646, %parallel_loop3A_3647, %parallel_loop3A_3648] : memref<2x313x128xf32, #tpu.memory_space<vmem>> -> memref<1x313x128xf32, #tpu.memory_space<vmem>>
          %parallel_loop3A_3650 = tpu.memref_squeeze %parallel_loop3A_3649 : memref<1x313x128xf32, #tpu.memory_space<vmem>> -> memref<313x128xf32, #tpu.memory_space<vmem>>
          %parallel_loop3A_3651 = tpu.vector_load_idx %parallel_loop3A_3650[%parallel_loop3A_3642, %parallel_loop3A_3645] : memref<313x128xf32, #tpu.memory_space<vmem>>[vector<16xi32>, vector<16xi32>], vector<16xf32>,
          %parallel_loop3A_3652 = arith.constant 6 : i32
          %parallel_loop3A_3653 = arith.index_cast %parallel_loop3A_3652 : i32 to index
          %parallel_loop3A_3654 = arith.index_cast %parallel_loop3A_3635 : i32 to index
          %parallel_loop3A_3655 = tpu.vector_load %arg8[%parallel_loop3A_3653, %parallel_loop3A_3654] {strides = array<i32>} : memref<8x4096xf32, #tpu.memory_space<vmem>>, vector<16xf32>,
          tpu.vector_store %arg8[%parallel_loop3A_3653, %parallel_loop3A_3654], %parallel_loop3A_3651 {strides = array<i32>} : memref<8x4096xf32, #tpu.memory_space<vmem>>, vector<16xf32>,
        } {sc.loop_unroll_factor = 8 : i64, sc.parallel_access}
        %add3A_3423 = arith.constant 1 : i32
        %add3A_3424 = arith.addi %add3A_406, %add3A_3423 : i32
        %mul3A_3425 = arith.constant 32 : i32
        %mul3A_3426 = arith.muli %mul3A_3425, %add3A_3424 : i32
        %add3A_3427 = arith.addi %add3A, %mul3A_3426 : i32
        %jit3A_3428 = arith.constant 8 : i32
        %div3A_3429 = arith.divsi %add3A_3427, %jit3A_3428 : i32
        %sign3A_3430 = arith.constant 0 : i32
        %sign3A_3431 = arith.cmpi sgt, %add3A_3427, %sign3A_3430 : i32
        %sign3A_3432 = arith.extui %sign3A_3431 : i1 to i32
        %sign3A_3433 = arith.constant 0 : i32
        %sign3A_3434 = arith.cmpi slt, %add3A_3427, %sign3A_3433 : i32
        %sign3A_3435 = arith.extui %sign3A_3434 : i1 to i32
        %sign3A_3436 = arith.subi %sign3A_3432, %sign3A_3435 : i32
        %sign3A_3437 = arith.constant 0 : i32
        %sign3A_3438 = arith.cmpi sgt, %jit3A_3428, %sign3A_3437 : i32
        %sign3A_3439 = arith.extui %sign3A_3438 : i1 to i32
        %sign3A_3440 = arith.constant 0 : i32
        %sign3A_3441 = arith.cmpi slt, %jit3A_3428, %sign3A_3440 : i32
        %sign3A_3442 = arith.extui %sign3A_3441 : i1 to i32
        %sign3A_3443 = arith.subi %sign3A_3439, %sign3A_3442 : i32
        %ne3A_3444 = arith.cmpi ne, %sign3A_3436, %sign3A_3443 : i32
        %rem3A_3445 = arith.remsi %add3A_3427, %jit3A_3428 : i32
        %ne3A_3446 = arith.constant 0 : i32
        %ne3A_3447 = arith.cmpi ne, %rem3A_3445, %ne3A_3446 : i32
        %and3A_3448 = arith.andi %ne3A_3444, %ne3A_3447 : i1
        %sub3A_3449 = arith.constant 1 : i32
        %sub3A_3450 = arith.subi %div3A_3429, %sub3A_3449 : i32
        %select_n3A_3451 = arith.select %and3A_3448, %sub3A_3450, %div3A_3429 : i32
        %jit3A_3452 = arith.constant 8 : i32
        %eq3A_3453 = arith.constant 0 : i32
        %eq3A_3454 = arith.cmpi eq, %jit3A_3452, %eq3A_3453 : i32
        %jit3A_3455 = arith.constant 1 : i32
        %select_n3A_3456 = arith.select %eq3A_3454, %jit3A_3455, %jit3A_3452 : i32
        %rem3A_3457 = arith.remsi %add3A_3427, %select_n3A_3456 : i32
        %ne3A_3458 = arith.constant 0 : i32
        %ne3A_3459 = arith.cmpi ne, %rem3A_3457, %ne3A_3458 : i32
        %lt3A_3460 = arith.constant 0 : i32
        %lt3A_3461 = arith.cmpi slt, %rem3A_3457, %lt3A_3460 : i32
        %lt3A_3462 = arith.constant 0 : i32
        %lt3A_3463 = arith.cmpi slt, %select_n3A_3456, %lt3A_3462 : i32
        %ne3A_3464 = arith.xori %lt3A_3461, %lt3A_3463 : i1
        %and3A_3465 = arith.andi %ne3A_3464, %ne3A_3459 : i1
        %add3A_3466 = arith.addi %rem3A_3457, %select_n3A_3456 : i32
        %select_n3A_3467 = arith.select %and3A_3465, %add3A_3466, %rem3A_3457 : i32
        %mul3A_3468 = arith.constant 625 : i32
        %mul3A_3469 = arith.muli %mul3A_3468, %select_n3A_3451 : i32
        %shift_right_arithmetic3A_3470 = arith.constant 1 : i32
        %shift_right_arithmetic3A_3471 = arith.shrsi %mul3A_3469, %shift_right_arithmetic3A_3470 : i32
        %and3A_3472 = arith.constant 1 : i32
        %and3A_3473 = arith.andi %select_n3A_3451, %and3A_3472 : i32
        %mul3A_3474 = arith.constant 64 : i32
        %mul3A_3475 = arith.muli %mul3A_3474, %and3A_3473 : i32
        %mul3A_3476 = arith.constant 65000 : i32
        %mul3A_3477 = arith.muli %select_n3A_3467, %mul3A_3476 : i32
        %mul3A_3478 = arith.constant 8 : i32
        %mul3A_3479 = arith.muli %mul3A_3478, %shift_right_arithmetic3A_3471 : i32
        %add3A_3480 = arith.addi %mul3A_3477, %mul3A_3479 : i32
        %lt3A_3481 = arith.constant 208 : i32
        %lt3A_3482 = arith.cmpi slt, %add3A_3427, %lt3A_3481 : i32
        %convert_element_type3A_3483 = arith.extui %lt3A_3482 : i1 to i32
        %cond3A_3484 = arith.constant 0 : i32
        %cond3A_3485 = arith.cmpi ne, %convert_element_type3A_3483, %cond3A_3484 : i32
        scf.if %cond3A_3485 {
          %add3A_3635 = arith.constant 0 : i32
          %add3A_3636 = arith.addi %add3A_3480, %add3A_3635 : i32
          %mul3A_3637 = arith.constant 8 : i32
          %mul3A_3638 = vector.broadcast %mul3A_3637 : i32 to vector<16xi32>
          %mul3A_3639 = arith.muli %mul3A_3638, %iota3A : vector<16xi32>
          %add3A_3640 = vector.broadcast %add3A_3636 : i32 to vector<16xi32>
          %add3A_3641 = arith.addi %add3A_3640, %mul3A_3639 : vector<16xi32>
          %swap3A_3642 = arith.constant 0 : i32
          %swap3A_3643 = arith.index_cast %swap3A_3642 : i32 to index
          %swap3A_3644 = arith.constant 0 : index
          %swap3A_3645 = tpu.vector_load %arg6[%swap3A_3643, %swap3A_3644] {strides = array<i32>} : memref<2x384xi32, #tpu.memory_space<vmem>>, vector<16xi32>,
          tpu.vector_store %arg6[%swap3A_3643, %swap3A_3644], %add3A_3641 {strides = array<i32>} : memref<2x384xi32, #tpu.memory_space<vmem>>, vector<16xi32>,
          %add3A_3646 = arith.constant 128 : i32
          %add3A_3647 = arith.addi %add3A_3480, %add3A_3646 : i32
          %mul3A_3648 = arith.constant 8 : i32
          %mul3A_3649 = vector.broadcast %mul3A_3648 : i32 to vector<16xi32>
          %mul3A_3650 = arith.muli %mul3A_3649, %iota3A : vector<16xi32>
          %add3A_3651 = vector.broadcast %add3A_3647 : i32 to vector<16xi32>
          %add3A_3652 = arith.addi %add3A_3651, %mul3A_3650 : vector<16xi32>
          %swap3A_3653 = arith.constant 0 : i32
          %swap3A_3654 = arith.index_cast %swap3A_3653 : i32 to index
          %swap3A_3655 = arith.constant 16 : index
          %swap3A_3656 = tpu.vector_load %arg6[%swap3A_3654, %swap3A_3655] {strides = array<i32>} : memref<2x384xi32, #tpu.memory_space<vmem>>, vector<16xi32>,
          tpu.vector_store %arg6[%swap3A_3654, %swap3A_3655], %add3A_3652 {strides = array<i32>} : memref<2x384xi32, #tpu.memory_space<vmem>>, vector<16xi32>,
          %add3A_3657 = arith.constant 256 : i32
          %add3A_3658 = arith.addi %add3A_3480, %add3A_3657 : i32
          %mul3A_3659 = arith.constant 8 : i32
          %mul3A_3660 = vector.broadcast %mul3A_3659 : i32 to vector<16xi32>
          %mul3A_3661 = arith.muli %mul3A_3660, %iota3A : vector<16xi32>
          %add3A_3662 = vector.broadcast %add3A_3658 : i32 to vector<16xi32>
          %add3A_3663 = arith.addi %add3A_3662, %mul3A_3661 : vector<16xi32>
          %swap3A_3664 = arith.constant 0 : i32
          %swap3A_3665 = arith.index_cast %swap3A_3664 : i32 to index
          %swap3A_3666 = arith.constant 32 : index
          %swap3A_3667 = tpu.vector_load %arg6[%swap3A_3665, %swap3A_3666] {strides = array<i32>} : memref<2x384xi32, #tpu.memory_space<vmem>>, vector<16xi32>,
          tpu.vector_store %arg6[%swap3A_3665, %swap3A_3666], %add3A_3663 {strides = array<i32>} : memref<2x384xi32, #tpu.memory_space<vmem>>, vector<16xi32>,
          %add3A_3668 = arith.constant 384 : i32
          %add3A_3669 = arith.addi %add3A_3480, %add3A_3668 : i32
          %mul3A_3670 = arith.constant 8 : i32
          %mul3A_3671 = vector.broadcast %mul3A_3670 : i32 to vector<16xi32>
          %mul3A_3672 = arith.muli %mul3A_3671, %iota3A : vector<16xi32>
          %add3A_3673 = vector.broadcast %add3A_3669 : i32 to vector<16xi32>
          %add3A_3674 = arith.addi %add3A_3673, %mul3A_3672 : vector<16xi32>
          %swap3A_3675 = arith.constant 0 : i32
          %swap3A_3676 = arith.index_cast %swap3A_3675 : i32 to index
          %swap3A_3677 = arith.constant 48 : index
          %swap3A_3678 = tpu.vector_load %arg6[%swap3A_3676, %swap3A_3677] {strides = array<i32>} : memref<2x384xi32, #tpu.memory_space<vmem>>, vector<16xi32>,
          tpu.vector_store %arg6[%swap3A_3676, %swap3A_3677], %add3A_3674 {strides = array<i32>} : memref<2x384xi32, #tpu.memory_space<vmem>>, vector<16xi32>,
          %add3A_3679 = arith.constant 512 : i32
          %add3A_3680 = arith.addi %add3A_3480, %add3A_3679 : i32
          %mul3A_3681 = arith.constant 8 : i32
          %mul3A_3682 = vector.broadcast %mul3A_3681 : i32 to vector<16xi32>
          %mul3A_3683 = arith.muli %mul3A_3682, %iota3A : vector<16xi32>
          %add3A_3684 = vector.broadcast %add3A_3680 : i32 to vector<16xi32>
          %add3A_3685 = arith.addi %add3A_3684, %mul3A_3683 : vector<16xi32>
          %swap3A_3686 = arith.constant 0 : i32
          %swap3A_3687 = arith.index_cast %swap3A_3686 : i32 to index
          %swap3A_3688 = arith.constant 64 : index
          %swap3A_3689 = tpu.vector_load %arg6[%swap3A_3687, %swap3A_3688] {strides = array<i32>} : memref<2x384xi32, #tpu.memory_space<vmem>>, vector<16xi32>,
          tpu.vector_store %arg6[%swap3A_3687, %swap3A_3688], %add3A_3685 {strides = array<i32>} : memref<2x384xi32, #tpu.memory_space<vmem>>, vector<16xi32>,
          %add3A_3690 = arith.constant 640 : i32
          %add3A_3691 = arith.addi %add3A_3480, %add3A_3690 : i32
          %mul3A_3692 = arith.constant 8 : i32
          %mul3A_3693 = vector.broadcast %mul3A_3692 : i32 to vector<16xi32>
          %mul3A_3694 = arith.muli %mul3A_3693, %iota3A : vector<16xi32>
          %add3A_3695 = vector.broadcast %add3A_3691 : i32 to vector<16xi32>
          %add3A_3696 = arith.addi %add3A_3695, %mul3A_3694 : vector<16xi32>
          %swap3A_3697 = arith.constant 0 : i32
          %swap3A_3698 = arith.index_cast %swap3A_3697 : i32 to index
          %swap3A_3699 = arith.constant 80 : index
          %swap3A_3700 = tpu.vector_load %arg6[%swap3A_3698, %swap3A_3699] {strides = array<i32>} : memref<2x384xi32, #tpu.memory_space<vmem>>, vector<16xi32>,
          tpu.vector_store %arg6[%swap3A_3698, %swap3A_3699], %add3A_3696 {strides = array<i32>} : memref<2x384xi32, #tpu.memory_space<vmem>>, vector<16xi32>,
          %add3A_3701 = arith.constant 768 : i32
          %add3A_3702 = arith.addi %add3A_3480, %add3A_3701 : i32
          %mul3A_3703 = arith.constant 8 : i32
          %mul3A_3704 = vector.broadcast %mul3A_3703 : i32 to vector<16xi32>
          %mul3A_3705 = arith.muli %mul3A_3704, %iota3A : vector<16xi32>
          %add3A_3706 = vector.broadcast %add3A_3702 : i32 to vector<16xi32>
          %add3A_3707 = arith.addi %add3A_3706, %mul3A_3705 : vector<16xi32>
          %swap3A_3708 = arith.constant 0 : i32
          %swap3A_3709 = arith.index_cast %swap3A_3708 : i32 to index
          %swap3A_3710 = arith.constant 96 : index
          %swap3A_3711 = tpu.vector_load %arg6[%swap3A_3709, %swap3A_3710] {strides = array<i32>} : memref<2x384xi32, #tpu.memory_space<vmem>>, vector<16xi32>,
          tpu.vector_store %arg6[%swap3A_3709, %swap3A_3710], %add3A_3707 {strides = array<i32>} : memref<2x384xi32, #tpu.memory_space<vmem>>, vector<16xi32>,
          %add3A_3712 = arith.constant 896 : i32
          %add3A_3713 = arith.addi %add3A_3480, %add3A_3712 : i32
          %mul3A_3714 = arith.constant 8 : i32
          %mul3A_3715 = vector.broadcast %mul3A_3714 : i32 to vector<16xi32>
          %mul3A_3716 = arith.muli %mul3A_3715, %iota3A : vector<16xi32>
          %add3A_3717 = vector.broadcast %add3A_3713 : i32 to vector<16xi32>
          %add3A_3718 = arith.addi %add3A_3717, %mul3A_3716 : vector<16xi32>
          %swap3A_3719 = arith.constant 0 : i32
          %swap3A_3720 = arith.index_cast %swap3A_3719 : i32 to index
          %swap3A_3721 = arith.constant 112 : index
          %swap3A_3722 = tpu.vector_load %arg6[%swap3A_3720, %swap3A_3721] {strides = array<i32>} : memref<2x384xi32, #tpu.memory_space<vmem>>, vector<16xi32>,
          tpu.vector_store %arg6[%swap3A_3720, %swap3A_3721], %add3A_3718 {strides = array<i32>} : memref<2x384xi32, #tpu.memory_space<vmem>>, vector<16xi32>,
          %add3A_3723 = arith.constant 1024 : i32
          %add3A_3724 = arith.addi %add3A_3480, %add3A_3723 : i32
          %mul3A_3725 = arith.constant 8 : i32
          %mul3A_3726 = vector.broadcast %mul3A_3725 : i32 to vector<16xi32>
          %mul3A_3727 = arith.muli %mul3A_3726, %iota3A : vector<16xi32>
          %add3A_3728 = vector.broadcast %add3A_3724 : i32 to vector<16xi32>
          %add3A_3729 = arith.addi %add3A_3728, %mul3A_3727 : vector<16xi32>
          %swap3A_3730 = arith.constant 0 : i32
          %swap3A_3731 = arith.index_cast %swap3A_3730 : i32 to index
          %swap3A_3732 = arith.constant 128 : index
          %swap3A_3733 = tpu.vector_load %arg6[%swap3A_3731, %swap3A_3732] {strides = array<i32>} : memref<2x384xi32, #tpu.memory_space<vmem>>, vector<16xi32>,
          tpu.vector_store %arg6[%swap3A_3731, %swap3A_3732], %add3A_3729 {strides = array<i32>} : memref<2x384xi32, #tpu.memory_space<vmem>>, vector<16xi32>,
          %add3A_3734 = arith.constant 1152 : i32
          %add3A_3735 = arith.addi %add3A_3480, %add3A_3734 : i32
          %mul3A_3736 = arith.constant 8 : i32
          %mul3A_3737 = vector.broadcast %mul3A_3736 : i32 to vector<16xi32>
          %mul3A_3738 = arith.muli %mul3A_3737, %iota3A : vector<16xi32>
          %add3A_3739 = vector.broadcast %add3A_3735 : i32 to vector<16xi32>
          %add3A_3740 = arith.addi %add3A_3739, %mul3A_3738 : vector<16xi32>
          %swap3A_3741 = arith.constant 0 : i32
          %swap3A_3742 = arith.index_cast %swap3A_3741 : i32 to index
          %swap3A_3743 = arith.constant 144 : index
          %swap3A_3744 = tpu.vector_load %arg6[%swap3A_3742, %swap3A_3743] {strides = array<i32>} : memref<2x384xi32, #tpu.memory_space<vmem>>, vector<16xi32>,
          tpu.vector_store %arg6[%swap3A_3742, %swap3A_3743], %add3A_3740 {strides = array<i32>} : memref<2x384xi32, #tpu.memory_space<vmem>>, vector<16xi32>,
          %add3A_3745 = arith.constant 1280 : i32
          %add3A_3746 = arith.addi %add3A_3480, %add3A_3745 : i32
          %mul3A_3747 = arith.constant 8 : i32
          %mul3A_3748 = vector.broadcast %mul3A_3747 : i32 to vector<16xi32>
          %mul3A_3749 = arith.muli %mul3A_3748, %iota3A : vector<16xi32>
          %add3A_3750 = vector.broadcast %add3A_3746 : i32 to vector<16xi32>
          %add3A_3751 = arith.addi %add3A_3750, %mul3A_3749 : vector<16xi32>
          %swap3A_3752 = arith.constant 0 : i32
          %swap3A_3753 = arith.index_cast %swap3A_3752 : i32 to index
          %swap3A_3754 = arith.constant 160 : index
          %swap3A_3755 = tpu.vector_load %arg6[%swap3A_3753, %swap3A_3754] {strides = array<i32>} : memref<2x384xi32, #tpu.memory_space<vmem>>, vector<16xi32>,
          tpu.vector_store %arg6[%swap3A_3753, %swap3A_3754], %add3A_3751 {strides = array<i32>} : memref<2x384xi32, #tpu.memory_space<vmem>>, vector<16xi32>,
          %add3A_3756 = arith.constant 1408 : i32
          %add3A_3757 = arith.addi %add3A_3480, %add3A_3756 : i32
          %mul3A_3758 = arith.constant 8 : i32
          %mul3A_3759 = vector.broadcast %mul3A_3758 : i32 to vector<16xi32>
          %mul3A_3760 = arith.muli %mul3A_3759, %iota3A : vector<16xi32>
          %add3A_3761 = vector.broadcast %add3A_3757 : i32 to vector<16xi32>
          %add3A_3762 = arith.addi %add3A_3761, %mul3A_3760 : vector<16xi32>
          %swap3A_3763 = arith.constant 0 : i32
          %swap3A_3764 = arith.index_cast %swap3A_3763 : i32 to index
          %swap3A_3765 = arith.constant 176 : index
          %swap3A_3766 = tpu.vector_load %arg6[%swap3A_3764, %swap3A_3765] {strides = array<i32>} : memref<2x384xi32, #tpu.memory_space<vmem>>, vector<16xi32>,
          tpu.vector_store %arg6[%swap3A_3764, %swap3A_3765], %add3A_3762 {strides = array<i32>} : memref<2x384xi32, #tpu.memory_space<vmem>>, vector<16xi32>,
          %add3A_3767 = arith.constant 1536 : i32
          %add3A_3768 = arith.addi %add3A_3480, %add3A_3767 : i32
          %mul3A_3769 = arith.constant 8 : i32
          %mul3A_3770 = vector.broadcast %mul3A_3769 : i32 to vector<16xi32>
          %mul3A_3771 = arith.muli %mul3A_3770, %iota3A : vector<16xi32>
          %add3A_3772 = vector.broadcast %add3A_3768 : i32 to vector<16xi32>
          %add3A_3773 = arith.addi %add3A_3772, %mul3A_3771 : vector<16xi32>
          %swap3A_3774 = arith.constant 0 : i32
          %swap3A_3775 = arith.index_cast %swap3A_3774 : i32 to index
          %swap3A_3776 = arith.constant 192 : index
          %swap3A_3777 = tpu.vector_load %arg6[%swap3A_3775, %swap3A_3776] {strides = array<i32>} : memref<2x384xi32, #tpu.memory_space<vmem>>, vector<16xi32>,
          tpu.vector_store %arg6[%swap3A_3775, %swap3A_3776], %add3A_3773 {strides = array<i32>} : memref<2x384xi32, #tpu.memory_space<vmem>>, vector<16xi32>,
          %add3A_3778 = arith.constant 1664 : i32
          %add3A_3779 = arith.addi %add3A_3480, %add3A_3778 : i32
          %mul3A_3780 = arith.constant 8 : i32
          %mul3A_3781 = vector.broadcast %mul3A_3780 : i32 to vector<16xi32>
          %mul3A_3782 = arith.muli %mul3A_3781, %iota3A : vector<16xi32>
          %add3A_3783 = vector.broadcast %add3A_3779 : i32 to vector<16xi32>
          %add3A_3784 = arith.addi %add3A_3783, %mul3A_3782 : vector<16xi32>
          %swap3A_3785 = arith.constant 0 : i32
          %swap3A_3786 = arith.index_cast %swap3A_3785 : i32 to index
          %swap3A_3787 = arith.constant 208 : index
          %swap3A_3788 = tpu.vector_load %arg6[%swap3A_3786, %swap3A_3787] {strides = array<i32>} : memref<2x384xi32, #tpu.memory_space<vmem>>, vector<16xi32>,
          tpu.vector_store %arg6[%swap3A_3786, %swap3A_3787], %add3A_3784 {strides = array<i32>} : memref<2x384xi32, #tpu.memory_space<vmem>>, vector<16xi32>,
          %add3A_3789 = arith.constant 1792 : i32
          %add3A_3790 = arith.addi %add3A_3480, %add3A_3789 : i32
          %mul3A_3791 = arith.constant 8 : i32
          %mul3A_3792 = vector.broadcast %mul3A_3791 : i32 to vector<16xi32>
          %mul3A_3793 = arith.muli %mul3A_3792, %iota3A : vector<16xi32>
          %add3A_3794 = vector.broadcast %add3A_3790 : i32 to vector<16xi32>
          %add3A_3795 = arith.addi %add3A_3794, %mul3A_3793 : vector<16xi32>
          %swap3A_3796 = arith.constant 0 : i32
          %swap3A_3797 = arith.index_cast %swap3A_3796 : i32 to index
          %swap3A_3798 = arith.constant 224 : index
          %swap3A_3799 = tpu.vector_load %arg6[%swap3A_3797, %swap3A_3798] {strides = array<i32>} : memref<2x384xi32, #tpu.memory_space<vmem>>, vector<16xi32>,
          tpu.vector_store %arg6[%swap3A_3797, %swap3A_3798], %add3A_3795 {strides = array<i32>} : memref<2x384xi32, #tpu.memory_space<vmem>>, vector<16xi32>,
          %add3A_3800 = arith.constant 1920 : i32
          %add3A_3801 = arith.addi %add3A_3480, %add3A_3800 : i32
          %mul3A_3802 = arith.constant 8 : i32
          %mul3A_3803 = vector.broadcast %mul3A_3802 : i32 to vector<16xi32>
          %mul3A_3804 = arith.muli %mul3A_3803, %iota3A : vector<16xi32>
          %add3A_3805 = vector.broadcast %add3A_3801 : i32 to vector<16xi32>
          %add3A_3806 = arith.addi %add3A_3805, %mul3A_3804 : vector<16xi32>
          %swap3A_3807 = arith.constant 0 : i32
          %swap3A_3808 = arith.index_cast %swap3A_3807 : i32 to index
          %swap3A_3809 = arith.constant 240 : index
          %swap3A_3810 = tpu.vector_load %arg6[%swap3A_3808, %swap3A_3809] {strides = array<i32>} : memref<2x384xi32, #tpu.memory_space<vmem>>, vector<16xi32>,
          tpu.vector_store %arg6[%swap3A_3808, %swap3A_3809], %add3A_3806 {strides = array<i32>} : memref<2x384xi32, #tpu.memory_space<vmem>>, vector<16xi32>,
          %add3A_3811 = arith.constant 2048 : i32
          %add3A_3812 = arith.addi %add3A_3480, %add3A_3811 : i32
          %mul3A_3813 = arith.constant 8 : i32
          %mul3A_3814 = vector.broadcast %mul3A_3813 : i32 to vector<16xi32>
          %mul3A_3815 = arith.muli %mul3A_3814, %iota3A : vector<16xi32>
          %add3A_3816 = vector.broadcast %add3A_3812 : i32 to vector<16xi32>
          %add3A_3817 = arith.addi %add3A_3816, %mul3A_3815 : vector<16xi32>
          %swap3A_3818 = arith.constant 0 : i32
          %swap3A_3819 = arith.index_cast %swap3A_3818 : i32 to index
          %swap3A_3820 = arith.constant 256 : index
          %swap3A_3821 = tpu.vector_load %arg6[%swap3A_3819, %swap3A_3820] {strides = array<i32>} : memref<2x384xi32, #tpu.memory_space<vmem>>, vector<16xi32>,
          tpu.vector_store %arg6[%swap3A_3819, %swap3A_3820], %add3A_3817 {strides = array<i32>} : memref<2x384xi32, #tpu.memory_space<vmem>>, vector<16xi32>,
          %add3A_3822 = arith.constant 2176 : i32
          %add3A_3823 = arith.addi %add3A_3480, %add3A_3822 : i32
          %mul3A_3824 = arith.constant 8 : i32
          %mul3A_3825 = vector.broadcast %mul3A_3824 : i32 to vector<16xi32>
          %mul3A_3826 = arith.muli %mul3A_3825, %iota3A : vector<16xi32>
          %add3A_3827 = vector.broadcast %add3A_3823 : i32 to vector<16xi32>
          %add3A_3828 = arith.addi %add3A_3827, %mul3A_3826 : vector<16xi32>
          %swap3A_3829 = arith.constant 0 : i32
          %swap3A_3830 = arith.index_cast %swap3A_3829 : i32 to index
          %swap3A_3831 = arith.constant 272 : index
          %swap3A_3832 = tpu.vector_load %arg6[%swap3A_3830, %swap3A_3831] {strides = array<i32>} : memref<2x384xi32, #tpu.memory_space<vmem>>, vector<16xi32>,
          tpu.vector_store %arg6[%swap3A_3830, %swap3A_3831], %add3A_3828 {strides = array<i32>} : memref<2x384xi32, #tpu.memory_space<vmem>>, vector<16xi32>,
          %add3A_3833 = arith.constant 2304 : i32
          %add3A_3834 = arith.addi %add3A_3480, %add3A_3833 : i32
          %mul3A_3835 = arith.constant 8 : i32
          %mul3A_3836 = vector.broadcast %mul3A_3835 : i32 to vector<16xi32>
          %mul3A_3837 = arith.muli %mul3A_3836, %iota3A : vector<16xi32>
          %add3A_3838 = vector.broadcast %add3A_3834 : i32 to vector<16xi32>
          %add3A_3839 = arith.addi %add3A_3838, %mul3A_3837 : vector<16xi32>
          %swap3A_3840 = arith.constant 0 : i32
          %swap3A_3841 = arith.index_cast %swap3A_3840 : i32 to index
          %swap3A_3842 = arith.constant 288 : index
          %swap3A_3843 = tpu.vector_load %arg6[%swap3A_3841, %swap3A_3842] {strides = array<i32>} : memref<2x384xi32, #tpu.memory_space<vmem>>, vector<16xi32>,
          tpu.vector_store %arg6[%swap3A_3841, %swap3A_3842], %add3A_3839 {strides = array<i32>} : memref<2x384xi32, #tpu.memory_space<vmem>>, vector<16xi32>,
          %add3A_3844 = arith.constant 2432 : i32
          %add3A_3845 = arith.addi %add3A_3480, %add3A_3844 : i32
          %mul3A_3846 = arith.constant 8 : i32
          %mul3A_3847 = vector.broadcast %mul3A_3846 : i32 to vector<16xi32>
          %mul3A_3848 = arith.muli %mul3A_3847, %iota3A : vector<16xi32>
          %add3A_3849 = vector.broadcast %add3A_3845 : i32 to vector<16xi32>
          %add3A_3850 = arith.addi %add3A_3849, %mul3A_3848 : vector<16xi32>
          %swap3A_3851 = arith.constant 0 : i32
          %swap3A_3852 = arith.index_cast %swap3A_3851 : i32 to index
          %swap3A_3853 = arith.constant 304 : index
          %swap3A_3854 = tpu.vector_load %arg6[%swap3A_3852, %swap3A_3853] {strides = array<i32>} : memref<2x384xi32, #tpu.memory_space<vmem>>, vector<16xi32>,
          tpu.vector_store %arg6[%swap3A_3852, %swap3A_3853], %add3A_3850 {strides = array<i32>} : memref<2x384xi32, #tpu.memory_space<vmem>>, vector<16xi32>,
          %add3A_3855 = arith.constant 2560 : i32
          %add3A_3856 = arith.addi %add3A_3480, %add3A_3855 : i32
          %mul3A_3857 = arith.constant 8 : i32
          %mul3A_3858 = vector.broadcast %mul3A_3857 : i32 to vector<16xi32>
          %mul3A_3859 = arith.muli %mul3A_3858, %iota3A : vector<16xi32>
          %add3A_3860 = vector.broadcast %add3A_3856 : i32 to vector<16xi32>
          %add3A_3861 = arith.addi %add3A_3860, %mul3A_3859 : vector<16xi32>
          %swap3A_3862 = arith.constant 0 : i32
          %swap3A_3863 = arith.index_cast %swap3A_3862 : i32 to index
          %swap3A_3864 = arith.constant 320 : index
          %swap3A_3865 = tpu.vector_load %arg6[%swap3A_3863, %swap3A_3864] {strides = array<i32>} : memref<2x384xi32, #tpu.memory_space<vmem>>, vector<16xi32>,
          tpu.vector_store %arg6[%swap3A_3863, %swap3A_3864], %add3A_3861 {strides = array<i32>} : memref<2x384xi32, #tpu.memory_space<vmem>>, vector<16xi32>,
          %add3A_3866 = arith.constant 2688 : i32
          %add3A_3867 = arith.addi %add3A_3480, %add3A_3866 : i32
          %mul3A_3868 = arith.constant 8 : i32
          %mul3A_3869 = vector.broadcast %mul3A_3868 : i32 to vector<16xi32>
          %mul3A_3870 = arith.muli %mul3A_3869, %iota3A : vector<16xi32>
          %add3A_3871 = vector.broadcast %add3A_3867 : i32 to vector<16xi32>
          %add3A_3872 = arith.addi %add3A_3871, %mul3A_3870 : vector<16xi32>
          %swap3A_3873 = arith.constant 0 : i32
          %swap3A_3874 = arith.index_cast %swap3A_3873 : i32 to index
          %swap3A_3875 = arith.constant 336 : index
          %swap3A_3876 = tpu.vector_load %arg6[%swap3A_3874, %swap3A_3875] {strides = array<i32>} : memref<2x384xi32, #tpu.memory_space<vmem>>, vector<16xi32>,
          tpu.vector_store %arg6[%swap3A_3874, %swap3A_3875], %add3A_3872 {strides = array<i32>} : memref<2x384xi32, #tpu.memory_space<vmem>>, vector<16xi32>,
          %add3A_3877 = arith.constant 2816 : i32
          %add3A_3878 = arith.addi %add3A_3480, %add3A_3877 : i32
          %mul3A_3879 = arith.constant 8 : i32
          %mul3A_3880 = vector.broadcast %mul3A_3879 : i32 to vector<16xi32>
          %mul3A_3881 = arith.muli %mul3A_3880, %iota3A : vector<16xi32>
          %add3A_3882 = vector.broadcast %add3A_3878 : i32 to vector<16xi32>
          %add3A_3883 = arith.addi %add3A_3882, %mul3A_3881 : vector<16xi32>
          %swap3A_3884 = arith.constant 0 : i32
          %swap3A_3885 = arith.index_cast %swap3A_3884 : i32 to index
          %swap3A_3886 = arith.constant 352 : index
          %swap3A_3887 = tpu.vector_load %arg6[%swap3A_3885, %swap3A_3886] {strides = array<i32>} : memref<2x384xi32, #tpu.memory_space<vmem>>, vector<16xi32>,
          tpu.vector_store %arg6[%swap3A_3885, %swap3A_3886], %add3A_3883 {strides = array<i32>} : memref<2x384xi32, #tpu.memory_space<vmem>>, vector<16xi32>,
          %add3A_3888 = arith.constant 2944 : i32
          %add3A_3889 = arith.addi %add3A_3480, %add3A_3888 : i32
          %mul3A_3890 = arith.constant 8 : i32
          %mul3A_3891 = vector.broadcast %mul3A_3890 : i32 to vector<16xi32>
          %mul3A_3892 = arith.muli %mul3A_3891, %iota3A : vector<16xi32>
          %add3A_3893 = vector.broadcast %add3A_3889 : i32 to vector<16xi32>
          %add3A_3894 = arith.addi %add3A_3893, %mul3A_3892 : vector<16xi32>
          %swap3A_3895 = arith.constant 0 : i32
          %swap3A_3896 = arith.index_cast %swap3A_3895 : i32 to index
          %swap3A_3897 = arith.constant 368 : index
          %swap3A_3898 = tpu.vector_load %arg6[%swap3A_3896, %swap3A_3897] {strides = array<i32>} : memref<2x384xi32, #tpu.memory_space<vmem>>, vector<16xi32>,
          tpu.vector_store %arg6[%swap3A_3896, %swap3A_3897], %add3A_3894 {strides = array<i32>} : memref<2x384xi32, #tpu.memory_space<vmem>>, vector<16xi32>,
          %dma_start3A_3899 = arith.constant 0 : i32
          %dma_start3A_3900 = arith.constant 0 : i32
          %dma_start3A_3901 = arith.constant 0 : i32
          %dma_start3A_3902 = arith.constant 0 : i32
          %dma_start3A_3903 = arith.constant 0 : i32
          %dma_start3A_3904 = tpu.memref_slice %arg5[%dma_start3A_3900, %dma_start3A_3902, %dma_start3A_3903] : memref<2x313x128xf32, #tpu.memory_space<vmem>> -> memref<1x64x128xf32, #tpu.memory_space<vmem>>
          %dma_start3A_3905 = tpu.memref_squeeze %dma_start3A_3904 : memref<1x64x128xf32, #tpu.memory_space<vmem>> -> memref<64x128xf32, #tpu.memory_space<vmem>>
          %dma_start3A_3906 = arith.constant 0 : i32
          %dma_start3A_3907 = tpu.memref_slice %arg6[%dma_start3A_3899, %dma_start3A_3906] : memref<2x384xi32, #tpu.memory_space<vmem>> -> memref<1x64xi32, #tpu.memory_space<vmem>>
          %dma_start3A_3908 = tpu.memref_squeeze %dma_start3A_3907 : memref<1x64xi32, #tpu.memory_space<vmem>> -> memref<64xi32, #tpu.memory_space<vmem>>
          %dma_start3A_3909 = arith.constant 0 : i32
          %dma_start3A_3910 = arith.constant 0 : i32
          %dma_start3A_3911 = tpu.memref_slice %arg2[%dma_start3A_3909, %dma_start3A_3910] : memref<520000x128xf32, #tpu.memory_space<hbm>> -> memref<520000x128xf32, #tpu.memory_space<hbm>>
          %dma_start3A_3912 = tpu.memref_slice %arg9[%dma_start3A_3901] : memref<2x!tpu.dma_semaphore, #tpu.memory_space<semaphore_mem>> -> memref<1x!tpu.dma_semaphore, #tpu.memory_space<semaphore_mem>>
          %dma_start3A_3913 = tpu.memref_squeeze %dma_start3A_3912 : memref<1x!tpu.dma_semaphore, #tpu.memory_space<semaphore_mem>> -> memref<!tpu.dma_semaphore, #tpu.memory_space<semaphore_mem>>
          tpu.enqueue_indirect_dma source(%dma_start3A_3911 : memref<520000x128xf32, #tpu.memory_space<hbm>>) target(%dma_start3A_3905 : memref<64x128xf32, #tpu.memory_space<vmem>>) offsets(%dma_start3A_3908 : memref<64xi32, #tpu.memory_space<vmem>>) semaphore(%dma_start3A_3913 : memref<!tpu.dma_semaphore, #tpu.memory_space<semaphore_mem>>)
          %dma_start3A_3914 = arith.constant 0 : i32
          %dma_start3A_3915 = arith.constant 0 : i32
          %dma_start3A_3916 = arith.constant 0 : i32
          %dma_start3A_3917 = arith.constant 64 : i32
          %dma_start3A_3918 = arith.constant 0 : i32
          %dma_start3A_3919 = tpu.memref_slice %arg5[%dma_start3A_3915, %dma_start3A_3917, %dma_start3A_3918] : memref<2x313x128xf32, #tpu.memory_space<vmem>> -> memref<1x64x128xf32, #tpu.memory_space<vmem>>
          %dma_start3A_3920 = tpu.memref_squeeze %dma_start3A_3919 : memref<1x64x128xf32, #tpu.memory_space<vmem>> -> memref<64x128xf32, #tpu.memory_space<vmem>>
          %dma_start3A_3921 = arith.constant 64 : i32
          %dma_start3A_3922 = tpu.memref_slice %arg6[%dma_start3A_3914, %dma_start3A_3921] : memref<2x384xi32, #tpu.memory_space<vmem>> -> memref<1x64xi32, #tpu.memory_space<vmem>>
          %dma_start3A_3923 = tpu.memref_squeeze %dma_start3A_3922 : memref<1x64xi32, #tpu.memory_space<vmem>> -> memref<64xi32, #tpu.memory_space<vmem>>
          %dma_start3A_3924 = arith.constant 0 : i32
          %dma_start3A_3925 = arith.constant 0 : i32
          %dma_start3A_3926 = tpu.memref_slice %arg2[%dma_start3A_3924, %dma_start3A_3925] : memref<520000x128xf32, #tpu.memory_space<hbm>> -> memref<520000x128xf32, #tpu.memory_space<hbm>>
          %dma_start3A_3927 = tpu.memref_slice %arg9[%dma_start3A_3916] : memref<2x!tpu.dma_semaphore, #tpu.memory_space<semaphore_mem>> -> memref<1x!tpu.dma_semaphore, #tpu.memory_space<semaphore_mem>>
          %dma_start3A_3928 = tpu.memref_squeeze %dma_start3A_3927 : memref<1x!tpu.dma_semaphore, #tpu.memory_space<semaphore_mem>> -> memref<!tpu.dma_semaphore, #tpu.memory_space<semaphore_mem>>
          tpu.enqueue_indirect_dma source(%dma_start3A_3926 : memref<520000x128xf32, #tpu.memory_space<hbm>>) target(%dma_start3A_3920 : memref<64x128xf32, #tpu.memory_space<vmem>>) offsets(%dma_start3A_3923 : memref<64xi32, #tpu.memory_space<vmem>>) semaphore(%dma_start3A_3928 : memref<!tpu.dma_semaphore, #tpu.memory_space<semaphore_mem>>)
          %dma_start3A_3929 = arith.constant 0 : i32
          %dma_start3A_3930 = arith.constant 0 : i32
          %dma_start3A_3931 = arith.constant 0 : i32
          %dma_start3A_3932 = arith.constant 128 : i32
          %dma_start3A_3933 = arith.constant 0 : i32
          %dma_start3A_3934 = tpu.memref_slice %arg5[%dma_start3A_3930, %dma_start3A_3932, %dma_start3A_3933] : memref<2x313x128xf32, #tpu.memory_space<vmem>> -> memref<1x64x128xf32, #tpu.memory_space<vmem>>
          %dma_start3A_3935 = tpu.memref_squeeze %dma_start3A_3934 : memref<1x64x128xf32, #tpu.memory_space<vmem>> -> memref<64x128xf32, #tpu.memory_space<vmem>>
          %dma_start3A_3936 = arith.constant 128 : i32
          %dma_start3A_3937 = tpu.memref_slice %arg6[%dma_start3A_3929, %dma_start3A_3936] : memref<2x384xi32, #tpu.memory_space<vmem>> -> memref<1x64xi32, #tpu.memory_space<vmem>>
          %dma_start3A_3938 = tpu.memref_squeeze %dma_start3A_3937 : memref<1x64xi32, #tpu.memory_space<vmem>> -> memref<64xi32, #tpu.memory_space<vmem>>
          %dma_start3A_3939 = arith.constant 0 : i32
          %dma_start3A_3940 = arith.constant 0 : i32
          %dma_start3A_3941 = tpu.memref_slice %arg2[%dma_start3A_3939, %dma_start3A_3940] : memref<520000x128xf32, #tpu.memory_space<hbm>> -> memref<520000x128xf32, #tpu.memory_space<hbm>>
          %dma_start3A_3942 = tpu.memref_slice %arg9[%dma_start3A_3931] : memref<2x!tpu.dma_semaphore, #tpu.memory_space<semaphore_mem>> -> memref<1x!tpu.dma_semaphore, #tpu.memory_space<semaphore_mem>>
          %dma_start3A_3943 = tpu.memref_squeeze %dma_start3A_3942 : memref<1x!tpu.dma_semaphore, #tpu.memory_space<semaphore_mem>> -> memref<!tpu.dma_semaphore, #tpu.memory_space<semaphore_mem>>
          tpu.enqueue_indirect_dma source(%dma_start3A_3941 : memref<520000x128xf32, #tpu.memory_space<hbm>>) target(%dma_start3A_3935 : memref<64x128xf32, #tpu.memory_space<vmem>>) offsets(%dma_start3A_3938 : memref<64xi32, #tpu.memory_space<vmem>>) semaphore(%dma_start3A_3943 : memref<!tpu.dma_semaphore, #tpu.memory_space<semaphore_mem>>)
          %dma_start3A_3944 = arith.constant 0 : i32
          %dma_start3A_3945 = arith.constant 0 : i32
          %dma_start3A_3946 = arith.constant 0 : i32
          %dma_start3A_3947 = arith.constant 192 : i32
          %dma_start3A_3948 = arith.constant 0 : i32
          %dma_start3A_3949 = tpu.memref_slice %arg5[%dma_start3A_3945, %dma_start3A_3947, %dma_start3A_3948] : memref<2x313x128xf32, #tpu.memory_space<vmem>> -> memref<1x64x128xf32, #tpu.memory_space<vmem>>
          %dma_start3A_3950 = tpu.memref_squeeze %dma_start3A_3949 : memref<1x64x128xf32, #tpu.memory_space<vmem>> -> memref<64x128xf32, #tpu.memory_space<vmem>>
          %dma_start3A_3951 = arith.constant 192 : i32
          %dma_start3A_3952 = tpu.memref_slice %arg6[%dma_start3A_3944, %dma_start3A_3951] : memref<2x384xi32, #tpu.memory_space<vmem>> -> memref<1x64xi32, #tpu.memory_space<vmem>>
          %dma_start3A_3953 = tpu.memref_squeeze %dma_start3A_3952 : memref<1x64xi32, #tpu.memory_space<vmem>> -> memref<64xi32, #tpu.memory_space<vmem>>
          %dma_start3A_3954 = arith.constant 0 : i32
          %dma_start3A_3955 = arith.constant 0 : i32
          %dma_start3A_3956 = tpu.memref_slice %arg2[%dma_start3A_3954, %dma_start3A_3955] : memref<520000x128xf32, #tpu.memory_space<hbm>> -> memref<520000x128xf32, #tpu.memory_space<hbm>>
          %dma_start3A_3957 = tpu.memref_slice %arg9[%dma_start3A_3946] : memref<2x!tpu.dma_semaphore, #tpu.memory_space<semaphore_mem>> -> memref<1x!tpu.dma_semaphore, #tpu.memory_space<semaphore_mem>>
          %dma_start3A_3958 = tpu.memref_squeeze %dma_start3A_3957 : memref<1x!tpu.dma_semaphore, #tpu.memory_space<semaphore_mem>> -> memref<!tpu.dma_semaphore, #tpu.memory_space<semaphore_mem>>
          tpu.enqueue_indirect_dma source(%dma_start3A_3956 : memref<520000x128xf32, #tpu.memory_space<hbm>>) target(%dma_start3A_3950 : memref<64x128xf32, #tpu.memory_space<vmem>>) offsets(%dma_start3A_3953 : memref<64xi32, #tpu.memory_space<vmem>>) semaphore(%dma_start3A_3958 : memref<!tpu.dma_semaphore, #tpu.memory_space<semaphore_mem>>)
          %dma_start3A_3959 = arith.constant 0 : i32
          %dma_start3A_3960 = arith.constant 0 : i32
          %dma_start3A_3961 = arith.constant 0 : i32
          %dma_start3A_3962 = arith.constant 256 : i32
          %dma_start3A_3963 = arith.constant 0 : i32
          %dma_start3A_3964 = tpu.memref_slice %arg5[%dma_start3A_3960, %dma_start3A_3962, %dma_start3A_3963] : memref<2x313x128xf32, #tpu.memory_space<vmem>> -> memref<1x57x128xf32, #tpu.memory_space<vmem>>
          %dma_start3A_3965 = tpu.memref_squeeze %dma_start3A_3964 : memref<1x57x128xf32, #tpu.memory_space<vmem>> -> memref<57x128xf32, #tpu.memory_space<vmem>>
          %dma_start3A_3966 = arith.constant 256 : i32
          %dma_start3A_3967 = tpu.memref_slice %arg6[%dma_start3A_3959, %dma_start3A_3966] : memref<2x384xi32, #tpu.memory_space<vmem>> -> memref<1x57xi32, #tpu.memory_space<vmem>>
          %dma_start3A_3968 = tpu.memref_squeeze %dma_start3A_3967 : memref<1x57xi32, #tpu.memory_space<vmem>> -> memref<57xi32, #tpu.memory_space<vmem>>
          %dma_start3A_3969 = arith.constant 0 : i32
          %dma_start3A_3970 = arith.constant 0 : i32
          %dma_start3A_3971 = tpu.memref_slice %arg2[%dma_start3A_3969, %dma_start3A_3970] : memref<520000x128xf32, #tpu.memory_space<hbm>> -> memref<520000x128xf32, #tpu.memory_space<hbm>>
          %dma_start3A_3972 = tpu.memref_slice %arg9[%dma_start3A_3961] : memref<2x!tpu.dma_semaphore, #tpu.memory_space<semaphore_mem>> -> memref<1x!tpu.dma_semaphore, #tpu.memory_space<semaphore_mem>>
          %dma_start3A_3973 = tpu.memref_squeeze %dma_start3A_3972 : memref<1x!tpu.dma_semaphore, #tpu.memory_space<semaphore_mem>> -> memref<!tpu.dma_semaphore, #tpu.memory_space<semaphore_mem>>
          tpu.enqueue_indirect_dma source(%dma_start3A_3971 : memref<520000x128xf32, #tpu.memory_space<hbm>>) target(%dma_start3A_3965 : memref<57x128xf32, #tpu.memory_space<vmem>>) offsets(%dma_start3A_3968 : memref<57xi32, #tpu.memory_space<vmem>>) semaphore(%dma_start3A_3973 : memref<!tpu.dma_semaphore, #tpu.memory_space<semaphore_mem>>)
        } else {
        }
        %dma_wait3A_3486 = arith.constant 1 : i32
        %dma_wait3A_3487 = arith.constant 1 : i32
        %dma_wait3A_3488 = arith.constant 1 : i32
        %dma_wait3A_3489 = arith.constant 0 : i32
        %dma_wait3A_3490 = arith.constant 0 : i32
        %dma_wait3A_3491 = tpu.memref_slice %arg5[%dma_wait3A_3487, %dma_wait3A_3489, %dma_wait3A_3490] : memref<2x313x128xf32, #tpu.memory_space<vmem>> -> memref<1x64x128xf32, #tpu.memory_space<vmem>>
        %dma_wait3A_3492 = tpu.memref_squeeze %dma_wait3A_3491 : memref<1x64x128xf32, #tpu.memory_space<vmem>> -> memref<64x128xf32, #tpu.memory_space<vmem>>
        %dma_wait3A_3493 = arith.constant 0 : i32
        %dma_wait3A_3494 = tpu.memref_slice %arg6[%dma_wait3A_3486, %dma_wait3A_3493] : memref<2x384xi32, #tpu.memory_space<vmem>> -> memref<1x64xi32, #tpu.memory_space<vmem>>
        %dma_wait3A_3495 = tpu.memref_squeeze %dma_wait3A_3494 : memref<1x64xi32, #tpu.memory_space<vmem>> -> memref<64xi32, #tpu.memory_space<vmem>>
        %dma_wait3A_3496 = arith.constant 0 : i32
        %dma_wait3A_3497 = arith.constant 0 : i32
        %dma_wait3A_3498 = tpu.memref_slice %arg2[%dma_wait3A_3496, %dma_wait3A_3497] : memref<520000x128xf32, #tpu.memory_space<hbm>> -> memref<520000x128xf32, #tpu.memory_space<hbm>>
        %dma_wait3A_3499 = tpu.memref_slice %arg9[%dma_wait3A_3488] : memref<2x!tpu.dma_semaphore, #tpu.memory_space<semaphore_mem>> -> memref<1x!tpu.dma_semaphore, #tpu.memory_space<semaphore_mem>>
        %dma_wait3A_3500 = tpu.memref_squeeze %dma_wait3A_3499 : memref<1x!tpu.dma_semaphore, #tpu.memory_space<semaphore_mem>> -> memref<!tpu.dma_semaphore, #tpu.memory_space<semaphore_mem>>
        tpu.wait_indirect_dma semaphore(%dma_wait3A_3500 : memref<!tpu.dma_semaphore, #tpu.memory_space<semaphore_mem>>) src(%dma_wait3A_3498 : memref<520000x128xf32, #tpu.memory_space<hbm>>) dst(%dma_wait3A_3492 : memref<64x128xf32, #tpu.memory_space<vmem>>)
        %dma_wait3A_3501 = arith.constant 1 : i32
        %dma_wait3A_3502 = arith.constant 1 : i32
        %dma_wait3A_3503 = arith.constant 1 : i32
        %dma_wait3A_3504 = arith.constant 64 : i32
        %dma_wait3A_3505 = arith.constant 0 : i32
        %dma_wait3A_3506 = tpu.memref_slice %arg5[%dma_wait3A_3502, %dma_wait3A_3504, %dma_wait3A_3505] : memref<2x313x128xf32, #tpu.memory_space<vmem>> -> memref<1x64x128xf32, #tpu.memory_space<vmem>>
        %dma_wait3A_3507 = tpu.memref_squeeze %dma_wait3A_3506 : memref<1x64x128xf32, #tpu.memory_space<vmem>> -> memref<64x128xf32, #tpu.memory_space<vmem>>
        %dma_wait3A_3508 = arith.constant 64 : i32
        %dma_wait3A_3509 = tpu.memref_slice %arg6[%dma_wait3A_3501, %dma_wait3A_3508] : memref<2x384xi32, #tpu.memory_space<vmem>> -> memref<1x64xi32, #tpu.memory_space<vmem>>
        %dma_wait3A_3510 = tpu.memref_squeeze %dma_wait3A_3509 : memref<1x64xi32, #tpu.memory_space<vmem>> -> memref<64xi32, #tpu.memory_space<vmem>>
        %dma_wait3A_3511 = arith.constant 0 : i32
        %dma_wait3A_3512 = arith.constant 0 : i32
        %dma_wait3A_3513 = tpu.memref_slice %arg2[%dma_wait3A_3511, %dma_wait3A_3512] : memref<520000x128xf32, #tpu.memory_space<hbm>> -> memref<520000x128xf32, #tpu.memory_space<hbm>>
        %dma_wait3A_3514 = tpu.memref_slice %arg9[%dma_wait3A_3503] : memref<2x!tpu.dma_semaphore, #tpu.memory_space<semaphore_mem>> -> memref<1x!tpu.dma_semaphore, #tpu.memory_space<semaphore_mem>>
        %dma_wait3A_3515 = tpu.memref_squeeze %dma_wait3A_3514 : memref<1x!tpu.dma_semaphore, #tpu.memory_space<semaphore_mem>> -> memref<!tpu.dma_semaphore, #tpu.memory_space<semaphore_mem>>
        tpu.wait_indirect_dma semaphore(%dma_wait3A_3515 : memref<!tpu.dma_semaphore, #tpu.memory_space<semaphore_mem>>) src(%dma_wait3A_3513 : memref<520000x128xf32, #tpu.memory_space<hbm>>) dst(%dma_wait3A_3507 : memref<64x128xf32, #tpu.memory_space<vmem>>)
        %dma_wait3A_3516 = arith.constant 1 : i32
        %dma_wait3A_3517 = arith.constant 1 : i32
        %dma_wait3A_3518 = arith.constant 1 : i32
        %dma_wait3A_3519 = arith.constant 128 : i32
        %dma_wait3A_3520 = arith.constant 0 : i32
        %dma_wait3A_3521 = tpu.memref_slice %arg5[%dma_wait3A_3517, %dma_wait3A_3519, %dma_wait3A_3520] : memref<2x313x128xf32, #tpu.memory_space<vmem>> -> memref<1x64x128xf32, #tpu.memory_space<vmem>>
        %dma_wait3A_3522 = tpu.memref_squeeze %dma_wait3A_3521 : memref<1x64x128xf32, #tpu.memory_space<vmem>> -> memref<64x128xf32, #tpu.memory_space<vmem>>
        %dma_wait3A_3523 = arith.constant 128 : i32
        %dma_wait3A_3524 = tpu.memref_slice %arg6[%dma_wait3A_3516, %dma_wait3A_3523] : memref<2x384xi32, #tpu.memory_space<vmem>> -> memref<1x64xi32, #tpu.memory_space<vmem>>
        %dma_wait3A_3525 = tpu.memref_squeeze %dma_wait3A_3524 : memref<1x64xi32, #tpu.memory_space<vmem>> -> memref<64xi32, #tpu.memory_space<vmem>>
        %dma_wait3A_3526 = arith.constant 0 : i32
        %dma_wait3A_3527 = arith.constant 0 : i32
        %dma_wait3A_3528 = tpu.memref_slice %arg2[%dma_wait3A_3526, %dma_wait3A_3527] : memref<520000x128xf32, #tpu.memory_space<hbm>> -> memref<520000x128xf32, #tpu.memory_space<hbm>>
        %dma_wait3A_3529 = tpu.memref_slice %arg9[%dma_wait3A_3518] : memref<2x!tpu.dma_semaphore, #tpu.memory_space<semaphore_mem>> -> memref<1x!tpu.dma_semaphore, #tpu.memory_space<semaphore_mem>>
        %dma_wait3A_3530 = tpu.memref_squeeze %dma_wait3A_3529 : memref<1x!tpu.dma_semaphore, #tpu.memory_space<semaphore_mem>> -> memref<!tpu.dma_semaphore, #tpu.memory_space<semaphore_mem>>
        tpu.wait_indirect_dma semaphore(%dma_wait3A_3530 : memref<!tpu.dma_semaphore, #tpu.memory_space<semaphore_mem>>) src(%dma_wait3A_3528 : memref<520000x128xf32, #tpu.memory_space<hbm>>) dst(%dma_wait3A_3522 : memref<64x128xf32, #tpu.memory_space<vmem>>)
        %dma_wait3A_3531 = arith.constant 1 : i32
        %dma_wait3A_3532 = arith.constant 1 : i32
        %dma_wait3A_3533 = arith.constant 1 : i32
        %dma_wait3A_3534 = arith.constant 192 : i32
        %dma_wait3A_3535 = arith.constant 0 : i32
        %dma_wait3A_3536 = tpu.memref_slice %arg5[%dma_wait3A_3532, %dma_wait3A_3534, %dma_wait3A_3535] : memref<2x313x128xf32, #tpu.memory_space<vmem>> -> memref<1x64x128xf32, #tpu.memory_space<vmem>>
        %dma_wait3A_3537 = tpu.memref_squeeze %dma_wait3A_3536 : memref<1x64x128xf32, #tpu.memory_space<vmem>> -> memref<64x128xf32, #tpu.memory_space<vmem>>
        %dma_wait3A_3538 = arith.constant 192 : i32
        %dma_wait3A_3539 = tpu.memref_slice %arg6[%dma_wait3A_3531, %dma_wait3A_3538] : memref<2x384xi32, #tpu.memory_space<vmem>> -> memref<1x64xi32, #tpu.memory_space<vmem>>
        %dma_wait3A_3540 = tpu.memref_squeeze %dma_wait3A_3539 : memref<1x64xi32, #tpu.memory_space<vmem>> -> memref<64xi32, #tpu.memory_space<vmem>>
        %dma_wait3A_3541 = arith.constant 0 : i32
        %dma_wait3A_3542 = arith.constant 0 : i32
        %dma_wait3A_3543 = tpu.memref_slice %arg2[%dma_wait3A_3541, %dma_wait3A_3542] : memref<520000x128xf32, #tpu.memory_space<hbm>> -> memref<520000x128xf32, #tpu.memory_space<hbm>>
        %dma_wait3A_3544 = tpu.memref_slice %arg9[%dma_wait3A_3533] : memref<2x!tpu.dma_semaphore, #tpu.memory_space<semaphore_mem>> -> memref<1x!tpu.dma_semaphore, #tpu.memory_space<semaphore_mem>>
        %dma_wait3A_3545 = tpu.memref_squeeze %dma_wait3A_3544 : memref<1x!tpu.dma_semaphore, #tpu.memory_space<semaphore_mem>> -> memref<!tpu.dma_semaphore, #tpu.memory_space<semaphore_mem>>
        tpu.wait_indirect_dma semaphore(%dma_wait3A_3545 : memref<!tpu.dma_semaphore, #tpu.memory_space<semaphore_mem>>) src(%dma_wait3A_3543 : memref<520000x128xf32, #tpu.memory_space<hbm>>) dst(%dma_wait3A_3537 : memref<64x128xf32, #tpu.memory_space<vmem>>)
        %dma_wait3A_3546 = arith.constant 1 : i32
        %dma_wait3A_3547 = arith.constant 1 : i32
        %dma_wait3A_3548 = arith.constant 1 : i32
        %dma_wait3A_3549 = arith.constant 256 : i32
        %dma_wait3A_3550 = arith.constant 0 : i32
        %dma_wait3A_3551 = tpu.memref_slice %arg5[%dma_wait3A_3547, %dma_wait3A_3549, %dma_wait3A_3550] : memref<2x313x128xf32, #tpu.memory_space<vmem>> -> memref<1x57x128xf32, #tpu.memory_space<vmem>>
        %dma_wait3A_3552 = tpu.memref_squeeze %dma_wait3A_3551 : memref<1x57x128xf32, #tpu.memory_space<vmem>> -> memref<57x128xf32, #tpu.memory_space<vmem>>
        %dma_wait3A_3553 = arith.constant 256 : i32
        %dma_wait3A_3554 = tpu.memref_slice %arg6[%dma_wait3A_3546, %dma_wait3A_3553] : memref<2x384xi32, #tpu.memory_space<vmem>> -> memref<1x57xi32, #tpu.memory_space<vmem>>
        %dma_wait3A_3555 = tpu.memref_squeeze %dma_wait3A_3554 : memref<1x57xi32, #tpu.memory_space<vmem>> -> memref<57xi32, #tpu.memory_space<vmem>>
        %dma_wait3A_3556 = arith.constant 0 : i32
        %dma_wait3A_3557 = arith.constant 0 : i32
        %dma_wait3A_3558 = tpu.memref_slice %arg2[%dma_wait3A_3556, %dma_wait3A_3557] : memref<520000x128xf32, #tpu.memory_space<hbm>> -> memref<520000x128xf32, #tpu.memory_space<hbm>>
        %dma_wait3A_3559 = tpu.memref_slice %arg9[%dma_wait3A_3548] : memref<2x!tpu.dma_semaphore, #tpu.memory_space<semaphore_mem>> -> memref<1x!tpu.dma_semaphore, #tpu.memory_space<semaphore_mem>>
        %dma_wait3A_3560 = tpu.memref_squeeze %dma_wait3A_3559 : memref<1x!tpu.dma_semaphore, #tpu.memory_space<semaphore_mem>> -> memref<!tpu.dma_semaphore, #tpu.memory_space<semaphore_mem>>
        tpu.wait_indirect_dma semaphore(%dma_wait3A_3560 : memref<!tpu.dma_semaphore, #tpu.memory_space<semaphore_mem>>) src(%dma_wait3A_3558 : memref<520000x128xf32, #tpu.memory_space<hbm>>) dst(%dma_wait3A_3552 : memref<57x128xf32, #tpu.memory_space<vmem>>)
        %parallel_loop3A_3561 = arith.constant 0 : i32
        %parallel_loop3A_3562 = arith.constant 4096 : i32
        %parallel_loop3A_3563 = arith.constant 16 : i32
        scf.for %parallel_loop3A_3635 = %parallel_loop3A_3561 to %parallel_loop3A_3562 step %parallel_loop3A_3563  : i32 {
          %parallel_loop3A_3636 = arith.index_cast %parallel_loop3A_3635 : i32 to index
          %parallel_loop3A_3637 = tpu.vector_load %arg7[%parallel_loop3A_3636] {strides = array<i32>} : memref<4096xi32, #tpu.memory_space<vmem>>, vector<16xi32>,
          %parallel_loop3A_3638 = vector.broadcast %mul3A_457 : i32 to vector<16xi32>
          %parallel_loop3A_3639 = arith.addi %parallel_loop3A_3637, %parallel_loop3A_3638 : vector<16xi32>
          %parallel_loop3A_3640 = arith.constant 7 : i32
          %parallel_loop3A_3641 = vector.broadcast %parallel_loop3A_3640 : i32 to vector<16xi32>
          %parallel_loop3A_3642 = arith.shrsi %parallel_loop3A_3639, %parallel_loop3A_3641 : vector<16xi32>
          %parallel_loop3A_3643 = arith.constant 127 : i32
          %parallel_loop3A_3644 = vector.broadcast %parallel_loop3A_3643 : i32 to vector<16xi32>
          %parallel_loop3A_3645 = arith.andi %parallel_loop3A_3639, %parallel_loop3A_3644 : vector<16xi32>
          %parallel_loop3A_3646 = arith.constant 1 : i32
          %parallel_loop3A_3647 = arith.constant 0 : i32
          %parallel_loop3A_3648 = arith.constant 0 : i32
          %parallel_loop3A_3649 = tpu.memref_slice %arg5[%parallel_loop3A_3646, %parallel_loop3A_3647, %parallel_loop3A_3648] : memref<2x313x128xf32, #tpu.memory_space<vmem>> -> memref<1x313x128xf32, #tpu.memory_space<vmem>>
          %parallel_loop3A_3650 = tpu.memref_squeeze %parallel_loop3A_3649 : memref<1x313x128xf32, #tpu.memory_space<vmem>> -> memref<313x128xf32, #tpu.memory_space<vmem>>
          %parallel_loop3A_3651 = tpu.vector_load_idx %parallel_loop3A_3650[%parallel_loop3A_3642, %parallel_loop3A_3645] : memref<313x128xf32, #tpu.memory_space<vmem>>[vector<16xi32>, vector<16xi32>], vector<16xf32>,
          %parallel_loop3A_3652 = arith.constant 7 : i32
          %parallel_loop3A_3653 = arith.index_cast %parallel_loop3A_3652 : i32 to index
          %parallel_loop3A_3654 = arith.index_cast %parallel_loop3A_3635 : i32 to index
          %parallel_loop3A_3655 = tpu.vector_load %arg8[%parallel_loop3A_3653, %parallel_loop3A_3654] {strides = array<i32>} : memref<8x4096xf32, #tpu.memory_space<vmem>>, vector<16xf32>,
          tpu.vector_store %arg8[%parallel_loop3A_3653, %parallel_loop3A_3654], %parallel_loop3A_3651 {strides = array<i32>} : memref<8x4096xf32, #tpu.memory_space<vmem>>, vector<16xf32>,
        } {sc.loop_unroll_factor = 8 : i64, sc.parallel_access}
        %dma_start3A_3564 = arith.constant 0 : i32
        %dma_start3A_3565 = arith.constant 0 : i32
        %dma_start3A_3566 = tpu.memref_slice %arg4[%select_n3A_433, %select_n3A_449, %dma_start3A_3564, %dma_start3A_3565] : memref<26x8x8x4096xf32, #tpu.memory_space<hbm>> -> memref<1x1x8x4096xf32, #tpu.memory_space<hbm>>
        %dma_start3A_3567 = tpu.memref_squeeze %dma_start3A_3566 : memref<1x1x8x4096xf32, #tpu.memory_space<hbm>> -> memref<8x4096xf32, #tpu.memory_space<hbm>>
        %dma_start3A_3568 = arith.constant 0 : i32
        %dma_start3A_3569 = arith.constant 0 : i32
        %dma_start3A_3570 = tpu.memref_slice %arg4[%select_n3A_433, %select_n3A_449, %dma_start3A_3568, %dma_start3A_3569] : memref<26x8x8x4096xf32, #tpu.memory_space<hbm>> -> memref<1x1x8x4096xf32, #tpu.memory_space<hbm>>
        %dma_start3A_3571 = tpu.memref_squeeze %dma_start3A_3570 : memref<1x1x8x4096xf32, #tpu.memory_space<hbm>> -> memref<8x4096xf32, #tpu.memory_space<hbm>>
        tpu.enqueue_dma source(%arg8 : memref<8x4096xf32, #tpu.memory_space<vmem>>) target(%dma_start3A_3571 : memref<8x4096xf32, #tpu.memory_space<hbm>>) target_semaphore(%arg11 : memref<!tpu.dma_semaphore, #tpu.memory_space<semaphore_mem>>)
        %add3A_3572 = arith.constant 1 : i32
        %add3A_3573 = arith.addi %add3A_406, %add3A_3572 : i32
        %mul3A_3574 = arith.constant 32 : i32
        %mul3A_3575 = arith.muli %mul3A_3574, %add3A_3573 : i32
        %add3A_3576 = arith.addi %add3A, %mul3A_3575 : i32
        %jit3A_3577 = arith.constant 8 : i32
        %div3A_3578 = arith.divsi %add3A_3576, %jit3A_3577 : i32
        %sign3A_3579 = arith.constant 0 : i32
        %sign3A_3580 = arith.cmpi sgt, %add3A_3576, %sign3A_3579 : i32
        %sign3A_3581 = arith.extui %sign3A_3580 : i1 to i32
        %sign3A_3582 = arith.constant 0 : i32
        %sign3A_3583 = arith.cmpi slt, %add3A_3576, %sign3A_3582 : i32
        %sign3A_3584 = arith.extui %sign3A_3583 : i1 to i32
        %sign3A_3585 = arith.subi %sign3A_3581, %sign3A_3584 : i32
        %sign3A_3586 = arith.constant 0 : i32
        %sign3A_3587 = arith.cmpi sgt, %jit3A_3577, %sign3A_3586 : i32
        %sign3A_3588 = arith.extui %sign3A_3587 : i1 to i32
        %sign3A_3589 = arith.constant 0 : i32
        %sign3A_3590 = arith.cmpi slt, %jit3A_3577, %sign3A_3589 : i32
        %sign3A_3591 = arith.extui %sign3A_3590 : i1 to i32
        %sign3A_3592 = arith.subi %sign3A_3588, %sign3A_3591 : i32
        %ne3A_3593 = arith.cmpi ne, %sign3A_3585, %sign3A_3592 : i32
        %rem3A_3594 = arith.remsi %add3A_3576, %jit3A_3577 : i32
        %ne3A_3595 = arith.constant 0 : i32
        %ne3A_3596 = arith.cmpi ne, %rem3A_3594, %ne3A_3595 : i32
        %and3A_3597 = arith.andi %ne3A_3593, %ne3A_3596 : i1
        %sub3A_3598 = arith.constant 1 : i32
        %sub3A_3599 = arith.subi %div3A_3578, %sub3A_3598 : i32
        %select_n3A_3600 = arith.select %and3A_3597, %sub3A_3599, %div3A_3578 : i32
        %jit3A_3601 = arith.constant 8 : i32
        %eq3A_3602 = arith.constant 0 : i32
        %eq3A_3603 = arith.cmpi eq, %jit3A_3601, %eq3A_3602 : i32
        %jit3A_3604 = arith.constant 1 : i32
        %select_n3A_3605 = arith.select %eq3A_3603, %jit3A_3604, %jit3A_3601 : i32
        %rem3A_3606 = arith.remsi %add3A_3576, %select_n3A_3605 : i32
        %ne3A_3607 = arith.constant 0 : i32
        %ne3A_3608 = arith.cmpi ne, %rem3A_3606, %ne3A_3607 : i32
        %lt3A_3609 = arith.constant 0 : i32
        %lt3A_3610 = arith.cmpi slt, %rem3A_3606, %lt3A_3609 : i32
        %lt3A_3611 = arith.constant 0 : i32
        %lt3A_3612 = arith.cmpi slt, %select_n3A_3605, %lt3A_3611 : i32
        %ne3A_3613 = arith.xori %lt3A_3610, %lt3A_3612 : i1
        %and3A_3614 = arith.andi %ne3A_3613, %ne3A_3608 : i1
        %add3A_3615 = arith.addi %rem3A_3606, %select_n3A_3605 : i32
        %select_n3A_3616 = arith.select %and3A_3614, %add3A_3615, %rem3A_3606 : i32
        %mul3A_3617 = arith.constant 625 : i32
        %mul3A_3618 = arith.muli %mul3A_3617, %select_n3A_3600 : i32
        %shift_right_arithmetic3A_3619 = arith.constant 1 : i32
        %shift_right_arithmetic3A_3620 = arith.shrsi %mul3A_3618, %shift_right_arithmetic3A_3619 : i32
        %and3A_3621 = arith.constant 1 : i32
        %and3A_3622 = arith.andi %select_n3A_3600, %and3A_3621 : i32
        %mul3A_3623 = arith.constant 64 : i32
        %mul3A_3624 = arith.muli %mul3A_3623, %and3A_3622 : i32
        %mul3A_3625 = arith.constant 65000 : i32
        %mul3A_3626 = arith.muli %select_n3A_3616, %mul3A_3625 : i32
        %mul3A_3627 = arith.constant 8 : i32
        %mul3A_3628 = arith.muli %mul3A_3627, %shift_right_arithmetic3A_3620 : i32
        %add3A_3629 = arith.addi %mul3A_3626, %mul3A_3628 : i32
        %lt3A_3630 = arith.constant 208 : i32
        %lt3A_3631 = arith.cmpi slt, %add3A_3576, %lt3A_3630 : i32
        %convert_element_type3A_3632 = arith.extui %lt3A_3631 : i1 to i32
        %cond3A_3633 = arith.constant 0 : i32
        %cond3A_3634 = arith.cmpi ne, %convert_element_type3A_3632, %cond3A_3633 : i32
        scf.if %cond3A_3634 {
          %dma_start3A_3635 = arith.constant 0 : i32
          %dma_start3A_3636 = arith.constant 0 : i32
          %dma_start3A_3637 = tpu.memref_slice %arg3[%select_n3A_3600, %dma_start3A_3635, %dma_start3A_3636] : memref<26x1x4096xi32, #tpu.memory_space<hbm>> -> memref<1x1x4096xi32, #tpu.memory_space<hbm>>
          %dma_start3A_3638 = tpu.memref_squeeze %dma_start3A_3637 : memref<1x1x4096xi32, #tpu.memory_space<hbm>> -> memref<4096xi32, #tpu.memory_space<hbm>>
          %dma_start3A_3639 = arith.constant 0 : i32
          %dma_start3A_3640 = tpu.memref_slice %arg3[%select_n3A_3600, %dma_start3A_3635, %dma_start3A_3639] : memref<26x1x4096xi32, #tpu.memory_space<hbm>> -> memref<1x1x4096xi32, #tpu.memory_space<hbm>>
          %dma_start3A_3641 = tpu.memref_squeeze %dma_start3A_3640 : memref<1x1x4096xi32, #tpu.memory_space<hbm>> -> memref<4096xi32, #tpu.memory_space<hbm>>
          tpu.enqueue_dma source(%dma_start3A_3641 : memref<4096xi32, #tpu.memory_space<hbm>>) target(%arg7 : memref<4096xi32, #tpu.memory_space<vmem>>) target_semaphore(%arg10 : memref<!tpu.dma_semaphore, #tpu.memory_space<semaphore_mem>>)
        } else {
        }
      } else {
      }
    }
    %scan3A_392 = arith.constant 7 : i32
    %dma_wait3A = arith.constant 0 : i32
    %dma_wait3A_393 = arith.constant 0 : i32
    %dma_wait3A_394 = arith.constant 0 : i32
    %dma_wait3A_395 = arith.constant 0 : i32
    %dma_wait3A_396 = tpu.memref_slice %arg4[%dma_wait3A, %dma_wait3A_393, %dma_wait3A_394, %dma_wait3A_395] : memref<26x8x8x4096xf32, #tpu.memory_space<hbm>> -> memref<1x1x8x4096xf32, #tpu.memory_space<hbm>>
    %dma_wait3A_397 = tpu.memref_squeeze %dma_wait3A_396 : memref<1x1x8x4096xf32, #tpu.memory_space<hbm>> -> memref<8x4096xf32, #tpu.memory_space<hbm>>
    %dma_wait3A_398 = arith.constant 0 : i32
    %dma_wait3A_399 = arith.constant 0 : i32
    %dma_wait3A_400 = tpu.memref_slice %arg4[%dma_wait3A, %dma_wait3A_393, %dma_wait3A_398, %dma_wait3A_399] : memref<26x8x8x4096xf32, #tpu.memory_space<hbm>> -> memref<1x1x8x4096xf32, #tpu.memory_space<hbm>>
    %dma_wait3A_401 = tpu.memref_squeeze %dma_wait3A_400 : memref<1x1x8x4096xf32, #tpu.memory_space<hbm>> -> memref<8x4096xf32, #tpu.memory_space<hbm>>
    tpu.wait_dma2 semaphore(%arg11 : memref<!tpu.dma_semaphore, #tpu.memory_space<semaphore_mem>>) src(%arg8 : memref<8x4096xf32, #tpu.memory_space<vmem>>) dst(%dma_wait3A_401 : memref<8x4096xf32, #tpu.memory_space<hbm>>)
    return
  }
}

</mosaic_0001>

<sc_bundles>
// kernel: kernel.3.cloned.1.call-start
scs
__scs_entry_jumppad:
0x0: {  	(pc) =	sbr.rel $0x88, $3  }
0x1: {  	(tag) =	ssettag $0x0;
	lr =	simm.s32 $0x1  }
0x2: {  	[smem:$0x3F9F] =	sst lr;
	_ =	strace $0xD0000000  }
0x3: {  	_ = 	snop  }
0x4: {  	_ = 	snop  }
0x5: {  	_ = 	snop  }
0x6: {  	_ = 	snop  }
0x7: {  	_ = 	snop  }
__scs_overlays_trampoline_lowered:
0x8: {  	[smem:$0x3FAE] =	sst s0  }
0x9: {  	[smem:$0x3FAF] =	sst s1  }
0xa: {  	[smem:$0x3FB0] =	sst s2  }
0xb: {  	[smem:$0x3FB1] =	sst s3  }
0xc: {  	[smem:$0x3FB2] =	sst s4  }
0xd: {  	[smem:$0x3FB3] =	sst s5  }
0xe: {  	[smem:$0x3FB4] =	sst s6  }
0xf: {  	[smem:$0x3FB5] =	sst s7  }
0x10: {  	[smem:$0x3FB6] =	sst s8  }
0x11: {  	[smem:$0x3FB7] =	sst s9;
	s0 =	simm.s32 @!p0 $0x0  }
0x12: {  	s1 =	sld [smem:$0x3F9D];
	s0 =	simm.s32 @p0 $0x1  }
0x13: {  	[smem:$0x3FB8] =	sst s0;
	s0 =	simm.s32 @!p1 $0x0  }
0x14: {  	s2 =	sld [smem:$0x3F9C];
	s0 =	simm.s32 @p1 $0x1  }
0x15: {  	[smem:$0x3FB9] =	sst s0;
	s0 =	simm.s32 @!p2 $0x0  }
0x16: {  	s3 =	sld [smem:$0x3FDB];
	s0 =	simm.s32 @p2 $0x1  }
0x17: {  	s4 =	simm.s32 $0x1BF5;
	[smem:$0x3FBB] =	sst s0  }
0x18: {  	s0 =	sld [smem:$0x3F9E];
	_ =	swait.ge [sflag:s4], $0x0  }
0x19: {  	s7 =	sld [smem:$0x3F9F]  }
0x1a: {  	s8 =	sadd.s32 $0xFFFFE003, lr  }
0x1b: {  	s9 =	sadd.s32 $0xFFFFFEF7, lr;
	s5 =	simm.s32 $0xFFFFFFFF;
	p2 =	slt.u32 s8, $0xFFFFF086  }
0x1c: {  	p1 =	slt.u32 s9, $0xF7A;
	s5 =	simm.s32 @!p2 $0x0  }
0x1d: {  	s5 =	simm.s32 @p1 $0x1;
	p0 =	seq.s32 s7, s2  }
0x1e: {  	s7 =	smul.u32 @!p0 $0xF7A, s2;
	p2 =	seq.s32 @!p0 s5, $0x0  }
0x1f: {  	s9 =	smul.u32 $0xF7A, s1;
	s8 =	simm.s32 @!p0 $0x1BF5;
	p2 =	por !p2, p0  }
0x20: {  	[sflag:s8] =	ssyncset.s32 @!p0 $0xFFFFF086;
	s6 =	sadd.s32 @!p0 s3, s7;
	s7 =	simm.s32 @!p0 $0x108  }
0x21: {  	s3 =	sadd.s32 s3, s9;
	s6 =	sadd.s32 @!p0 $0x88, s6;
	s7 =	simm.s32 @p2 $0x1082  }
0x22: {  	[simem:s7], [sflag:s8] =	dma.local @!p0 [hbm:s6], $0xF7A  }
0x23: {  	s9 =	sor.u32 $0xD0000000, s2;
	s6 =	simm.s32 $0x108;
	_ =	swait.ge @!p0 [sflag:s8], $0x0  }
0x24: {  	s3 =	sadd.s32 $0x88, s3;
	s6 =	simm.s32 @!p1 $0x1082;
	[sflag:s4] =	ssyncset.s32 $0xFFFFF086  }
0x25: {  	[simem:s6], [sflag:s4] =	dma.local [hbm:s3], $0xF7A  }
0x26: {  	[smem:$0x3F9F] =	sst s1;
	(tag) =	ssettag s2;
	_ =	strace s9  }
0x27: {  	s1 =	sld [smem:$0x3FAF]  }
0x28: {  	s2 =	sld [smem:$0x3FB0]  }
0x29: {  	s4 =	sld [smem:$0x3FB2]  }
0x2a: {  	p0 =	seq.s32 s5, $0x0;
	s5 =	sld [smem:$0x3FB3]  }
0x2b: {  	s6 =	sld [smem:$0x3FB4]  }
0x2c: {  	s7 =	sld [smem:$0x3FB5]  }
0x2d: {  	s3 =	simm.s32 $0x108;
	s8 =	sld [smem:$0x3FB6]  }
0x2e: {  	s3 =	simm.s32 @!p0 $0x1082;
	s9 =	sld [smem:$0x3FB7]  }
0x2f: {  	lr =	sadd.s32 s0, s3;
	s0 =	sld [smem:$0x3FAE]  }
0x30: {  	s3 =	sld [smem:$0x3FB1]  }
0x31: {  	[smem:$0x3FBA] =	sst s10  }
0x32: {  	s10 =	sld [smem:$0x3FB8];
	_ =	sdelay $0x3  }
0x33: {  	p0 =	seq.s32 s10, $0x1;
	s10 =	sld [smem:$0x3FBA];
	_ =	sdelay $0x3  }
0x34: {  	[smem:$0x3FBA] =	sst s10  }
0x35: {  	s10 =	sld [smem:$0x3FB9];
	_ =	sdelay $0x3  }
0x36: {  	p1 =	seq.s32 s10, $0x1;
	s10 =	sld [smem:$0x3FBA];
	_ =	sdelay $0x3  }
0x37: {  	[smem:$0x3FBA] =	sst s10  }
0x38: {  	s10 =	sld [smem:$0x3FBB]  }
0x39: {  	_ = 	snop;
	(pc) =	sbr.ind lr, $3  }
0x3a: {  	_ = 	snop  }
0x3b: {  	_ = 	snop  }
0x3c: {  	p2 =	seq.s32 s10, $0x1;
	s10 =	sld [smem:$0x3FBA]  }
0x3d: {  	_ =	shalt  }
0x3e: {  	_ =	shalt  }
0x3f: {  	_ =	shalt  }
0x40: {  	_ =	shalt  }
0x41: {  	_ =	shalt  }
0x42: {  	_ =	shalt  }
0x43: {  	_ =	shalt  }
0x44: {  	_ =	shalt  }
0x45: {  	_ =	shalt  }
0x46: {  	_ =	shalt  }
0x47: {  	_ =	shalt  }
0x48: {  	_ =	shalt  }
0x49: {  	_ =	shalt  }
0x4a: {  	_ =	shalt  }
0x4b: {  	_ =	shalt  }
0x4c: {  	_ =	shalt  }
0x4d: {  	_ =	shalt  }
0x4e: {  	_ =	shalt  }
0x4f: {  	_ =	shalt  }
0x50: {  	_ =	shalt  }
0x51: {  	_ =	shalt  }
0x52: {  	_ =	shalt  }
0x53: {  	_ =	shalt  }
0x54: {  	_ =	shalt  }
0x55: {  	_ =	shalt  }
0x56: {  	_ =	shalt  }
0x57: {  	_ =	shalt  }
0x58: {  	_ =	shalt  }
0x59: {  	_ =	shalt  }
0x5a: {  	_ =	shalt  }
0x5b: {  	_ =	shalt  }
0x5c: {  	_ =	shalt  }
0x5d: {  	_ =	shalt  }
0x5e: {  	_ =	shalt  }
0x5f: {  	_ =	shalt  }
0x60: {  	_ =	shalt  }
0x61: {  	_ =	shalt  }
0x62: {  	_ =	shalt  }
0x63: {  	_ =	shalt  }
0x64: {  	_ =	shalt  }
0x65: {  	_ =	shalt  }
0x66: {  	_ =	shalt  }
0x67: {  	_ =	shalt  }
0x68: {  	_ =	shalt  }
0x69: {  	_ =	shalt  }
0x6a: {  	_ =	shalt  }
0x6b: {  	_ =	shalt  }
0x6c: {  	_ =	shalt  }
0x6d: {  	_ =	shalt  }
0x6e: {  	_ =	shalt  }
0x6f: {  	_ =	shalt  }
0x70: {  	_ =	shalt  }
0x71: {  	_ =	shalt  }
0x72: {  	_ =	shalt  }
0x73: {  	_ =	shalt  }
0x74: {  	_ =	shalt  }
0x75: {  	_ =	shalt  }
0x76: {  	_ =	shalt  }
0x77: {  	_ =	shalt  }
0x78: {  	_ =	shalt  }
0x79: {  	_ =	shalt  }
0x7a: {  	_ =	shalt  }
0x7b: {  	_ =	shalt  }
0x7c: {  	_ =	shalt  }
0x7d: {  	_ =	shalt  }
0x7e: {  	_ =	shalt  }
0x7f: {  	_ =	shalt  }
0x80: {  	_ =	shalt  }
0x81: {  	_ =	shalt  }
0x82: {  	_ =	shalt  }
0x83: {  	_ =	shalt  }
0x84: {  	_ =	shalt  }
0x85: {  	_ =	shalt  }
0x86: {  	_ =	shalt  }
0x87: {  	_ =	shalt  }
.Lfunc_end0:
.L_simem_size_0:
called_computation_lowered:
.L_overlay_start_0:
0x88: {  	s2 =	sld [smem:$0x3FD9]  }
0x89: {  	s3 =	sld [smem:$0x3FFE];
	_ =	sdelay $0x1  }
0x8a: {  	s1 =	srdreg.scid  }
0x8b: {  	s0 =	sand.u32 $0x1, s1  }
0x8c: {  	s17 =	sshll.u32 s0, $0xA;
	s2 =	sadd.s32 s3, s2  }
0x8d: {  	s2 =	sadd.s32 s2, s17  }
0x8e: {  	[smem:$0x3FC6] =	sst s2  }
0x8f: {  	_ = 	snop  }
0x90: {  	s2 =	sld [smem:$0x3FC8]  }
0x91: {  	s18 =	sld [smem:$0x3FD0];
	(tm) =	ssettm $0x1  }
0x92: {  	s4 =	sld [smem:$0x3FFB];
	_ =	sdelay $0x3  }
0x93: {  	_ =	strace s4  }
0x94: {  	s4 =	sld [smem:$0x3FFC];
	_ =	sdelay $0x3  }
0x95: {  	_ =	strace s4  }
0x96: {  	s4 =	sld [smem:$0x3FFD];
	_ =	sdelay $0x3  }
0x97: {  	_ =	strace s4  }
0x98: {  	_ =	strace $0x8FFFFFFF  }
0x99: {  	s19 =	sld [smem:$0x3FDB];
	_ =	sdelay $0x1  }
0x9a: {  	s5 =	simm.s32 $_scs_section_size  }
0x9b: {  	s6 =	simm.s32 $_size__tile_overlayer_lowered;
	s7 =	simm.s32 $_tile_overlayer_lowered  }
0x9c: {  	s22 =	simm.s32 $0x1BFF;
	s21 =	sshll.u32 s7, $0x1;
	s4 =	sadd.s32 s5, s19  }
0x9d: {  	s8 =	simm.s32 $0x0;
	s20 =	sshll.u32 s6, $0x1;
	s6 =	sadd.s32 s21, s4  }
0x9e: {  	[timem:s8], [sflag:s22] =	dma.local [hbm:s6], s20  }
0x9f: {  	_ =	swait.ge [sflag:s22], s20  }
0xa0: {  	s5 =	ssub.s32 $0x0, s20;
	[sflag:s22] =	ssyncset.done $0x0  }
0xa1: {  	[sflag:s22] =	ssyncadd.s32 s5;
	_ =	sdelay $0x1  }
0xa2: {  	s23 =	simm.s32 $0x1B8B  }
0xa3: {  	_ =	swait.ge [sflag:s23], $0x1  }
0xa4: {  	[sflag:s23] =	ssyncset.done $0x0  }
0xa5: {  	s25 =	simm.s32 $0x1B8E;
	s24 =	sld [smem:$0x3FFE];
	[sflag:s23] =	ssyncadd.s32 $0xFFFFFFFF  }
0xa6: {  	s26 =	simm.s32 $execute0_lowered;
	[smem:$0x3FD2] =	sst s25  }
0xa7: {  	s6 =	sshll.u32 s26, $0x1;
	_ =	strace $0x80000046;
	[dreg:$0x1] =	wrdreg $0xFFFFFFFF  }
0xa8: {  	s28 =	simm.s32 $_size_execute0_lowered;
	s4 =	sadd.s32 s4, s6;
	[dreg:$0x0] =	wrdreg $0x0  }
0xa9: {  	s6 =	sshll.u32 s28, $0x1;
	[dreg:$0x2] =	wrdreg s4  }
0xaa: {  	[dreg:$0x3] =	wrdreg s6  }
0xab: {  	[dreg:$0x4] =	wrdreg $0xC0  }
0xac: {  	_ =	task [dreg:s8], $0x5FFFF  }
0xad: {  	[dreg:$0x1] =	wrdreg $0xFFFFFFFF  }
0xae: {  	[dreg:$0x0] =	wrdreg $0x60  }
0xaf: {  	[dreg:$0x2] =	wrdreg s2  }
0xb0: {  	[dreg:$0x3] =	wrdreg s24  }
0xb1: {  	[dreg:$0x4] =	wrdreg s18  }
0xb2: {  	[dreg:$0x5] =	wrdreg $0x9  }
0xb3: {  	_ =	task.clear_ibuf [dreg:s8], $0x6FFFF;
	_ =	strace $0x90000046  }
0xb4: {  	s29 =	simm.s32 $0x9;
	_ =	strace $0x80000048  }
0xb5: {  	_ =	swait.ge [sflag:s29], $0x1  }
0xb6: {  	[sflag:s29] =	ssyncadd.s32 $0xFFFFFFFF  }
0xb7: {  	_ =	strace $0x90000048  }
0xb8: {  	_ =	sfence  }
0xb9: {  	s30 =	sld [smem:$0x0];
	_ =	sdelay $0x2  }
0xba: {  	s31 =	sshll.u32 s1, $0xD;
	s1 =	sshrl.u32 s1, $0x2  }
0xbb: {  	s3 =	sand.u32 $0x4000, s31;
	s1 =	sadd.s32 s1, s30  }
0xbc: {  	s0 =	sor.u32 s3, s0;
	s1 =	sshll.u32 s1, $0x11  }
0xbd: {  	s0 =	sor.u32 s1, s0  }
0xbe: {  	s0 =	sadd.s32 $0x8F2B, s0  }
0xbf: {  	[sflag:s0] =	ssyncadd.remote.s32 $0x1  }
0xc0: {  	_ =	sfence.sel $0xFFFF  }
0xc1: {  	[dreg:$0x0] =	wrdreg $0xFFFFFFFF;
	(pc) =	sbr.abs _section_cstart, $3  }
0xc2: {  	[dreg:$0x1] =	wrdreg $0xFFFFFFFF  }
0xc3: {  	_ =	task.clear_ibuf [dreg:s8], $0x2FFFF;
	_ =	strace $0x9FFFFFFF  }
0xc4: {  	(tm) =	ssettm $0x7FFFFFFF  }
0xc5: {  	_ =	shalt  }
tec
execute0_lowered:
.L_overlay_start_1:
0x0: {  	(tag) =	ssettag $0x1  }
0x1: {  	s1 =	rddreg [dreg:$0x0]  }
0x2: {  	s0 =	rddreg [dreg:$0x1];
	s2 =	srdreg.scid  }
0x3: {  	s5 =	stileid.u32;
	s28 =	simm.s32 $0xA000;
	s2 =	sand.u32 $0x1, s2  }
0x4: {  	s3 =	sshll.u32 s5, $0x1;
	s21 =	sshrl.u32 s5, $0x2;
	s5 =	simm.s32 $0x0  }
0x5: {  	s12 =	sadd.s32 $0x400, s0;
	s4 =	sor.u32 s2, s3;
	s7 =	smul.u32 $0x9C4, s21  }
0x6: {  	[smem:$0x7FF] =	sst s5;
	s2 =	ssub.s32 $0x2, s2;
	s3 =	sshll.u32 s21, $0x9  }
0x7: {  	s6 =	sand.u32 $0x7, s4;
	_ =	strace $0x80000047;
	s8 =	sshrl.u32 s2, $0x1  }
0x8: {  	[dreg:$0x5] =	wrdreg s12;
	s3 =	sadd.s32 s12, s3;
	s12 =	simm.s32 $0x40  }
0x9: {  	s9 =	smul.u32 $0xFDE8, s6;
	[dreg:$0x6] =	wrdreg s3;
	s15 =	sshll.u32 s6, $0xF  }
0xa: {  	s7 =	sand.u32 $0x1FF8, s7;
	s24 =	ssub.s32 s2, s8;
	[dreg:$0x7] =	wrdreg s15  }
0xb: {  	p0 =	sne.s32 s6, $0x0;
	s0 =	smax.u32 s24, $0x1;
	[dreg:$0x4] =	wrdreg s9  }
0xc: {  	s24 =	sor.u32 $0x20, s4;
	s15 =	simm.s32 $0x2000;
	[dreg:$0x8] =	wrdreg s0  }
0xd: {  	s2 =	sadd.s32 s7, s9;
	[dreg:$0x9] =	wrdreg s24;
	s24 =	simm.s32 $0x1  }
0xe: {  	s7 =	sadd.s32 $0x80, s2;
	s8 =	sadd.s32 $0x100, s2;
	s9 =	sadd.s32 $0x180, s2  }
0xf: {  	s10 =	sadd.s32 $0x200, s2;
	s11 =	sadd.s32 $0x280, s2;
	s13 =	sadd.s32 $0x300, s2  }
0x10: {  	s14 =	sadd.s32 $0x380, s2;
	s22 =	sadd.s32 $0x400, s2;
	s23 =	sadd.s32 $0x480, s2  }
0x11: {  	s25 =	sadd.s32 $0x500, s2;
	s26 =	sadd.s32 $0x580, s2;
	s16 =	sadd.s32 $0x900, s2  }
0x12: {  	s29 =	sadd.s32 $0x600, s2;
	s17 =	sadd.s32 $0x980, s2;
	[dreg:$0xe] =	wrdreg s16  }
0x13: {  	s30 =	sadd.s32 $0x680, s2;
	s18 =	sadd.s32 $0xA00, s2;
	[dreg:$0xf] =	wrdreg s17  }
0x14: {  	v0 =	vlaneseq.u32;
	s31 =	sadd.s32 $0x700, s2;
	s19 =	sadd.s32 $0xA80, s2;
	[dreg:$0x10] =	wrdreg s18  }
0x15: {  	v0 =	vmul.u32 $0x8, v0;
	s0 =	sadd.s32 $0x780, s2;
	s20 =	sadd.s32 $0xB00, s2;
	[dreg:$0xb] =	wrdreg s19  }
0x16: {  	s3 =	sadd.s32 $0x800, s2;
	s21 =	sadd.s32 $0xB80, s2;
	[dreg:$0xc] =	wrdreg s20  }
0x17: {  	s6 =	sadd.s32 $0x880, s2;
	v1 =	vadd.s32 s2, v0;
	s2 =	simm.s32 $0xE000;
	[dreg:$0xd] =	wrdreg s21  }
0x18: {  	v2 =	vadd.s32 s7, v0;
	v3 =	vadd.s32 s8, v0;
	s16 =	simm.s32 $0x14100;
	s17 =	simm.s32 $0x4000;
	s18 =	simm.s32 $0x14140  }
0x19: {  	v4 =	vadd.s32 s9, v0;
	v5 =	vadd.s32 s10, v0;
	v6 =	vadd.s32 s11, v0;
	s19 =	simm.s32 $0x6000;
	s20 =	simm.s32 $0x39;
	s9 =	rddreg [dreg:$0xe]  }
0x1a: {  	s21 =	simm.s32 $0x14200;
	v7 =	vadd.s32 s13, v0;
	v8 =	vadd.s32 s14, v0;
	v9 =	vadd.s32 s22, v0;
	s22 =	simm.s32 $0x8000;
	s10 =	rddreg [dreg:$0xf]  }
.Ltmp0:
0x1b: {  	v10 =	vadd.s32 s23, v0;
	v11 =	vadd.s32 s25, v0;
	v12 =	vadd.s32 s26, v0;
	s26 =	simm.s32 $0x14080;
	s11 =	rddreg [dreg:$0x10];
	(pc) =	sbr.rel .LBB2_1-.Ltmp0, $4  }
0x1c: {  	v13 =	vadd.s32 s29, v0;
	v14 =	vadd.s32 s30, v0;
	v15 =	vadd.s32 s31, v0;
	s29 =	simm.s32 $0x140C0;
	s30 =	simm.s32 $0xC000;
	s13 =	rddreg [dreg:$0xb]  }
0x1d: {  	s31 =	simm.s32 $0x14180;
	v16 =	vadd.s32 s0, v0;
	v17 =	vadd.s32 s3, v0;
	v18 =	vadd.s32 s6, v0;
	s0 =	simm.s32 $0x141C0;
	s14 =	rddreg [dreg:$0xc]  }
0x1e: {  	s23 =	simm.s32 $0x10000;
	s8 =	simm.s32 $0x14280;
	s25 =	rddreg [dreg:$0xd];
	v19 =	vadd.s32 s9, v0;
	v20 =	vadd.s32 s10, v0;
	v21 =	vadd.s32 s11, v0  }
0x1f: {  	s3 =	simm.s32 $0x2;
	s10 =	simm.s32 $0x12000;
	v22 =	vadd.s32 s13, v0;
	v23 =	vadd.s32 s14, v0;
	v24 =	vadd.s32 s25, v0;
	s9 =	simm.s32 $0x0  }
.LBB2_23:
0x20: {  	s7 =	simm.s32 $0x4  }
0x21: {  	_ =	swait.ge [sflag:s7], $0x8000  }
0x22: {  	s9 =	rddreg [dreg:$0xa]  }
0x23: {  	s6 =	rddreg [dreg:$0x8];
	s9 =	sadd.s32 $0x1, s9  }
0x24: {  	p1 =	sne.s32 s9, s6  }
.Ltmp1:
0x25: {  	_ = 	snop;
	(pc) =	sbr.rel @!p1 .LBB2_24-.Ltmp1, $3  }
0x26: {  	_ =	sdelay $0x1  }
0x27: {  	[sflag:s7] =	ssyncset.done $0x0  }
0x28: {  	[sflag:s7] =	ssyncadd.s32 $0xFFFF8000  }
.LBB2_1:
0x29: {  	[tilespmem:$0x14000] =	vst v1  }
0x2a: {  	[tilespmem:$0x14010] =	vst v2  }
0x2b: {  	[tilespmem:$0x14020] =	vst v3  }
0x2c: {  	[tilespmem:$0x14030] =	vst v4  }
0x2d: {  	[tilespmem:$0x14040] =	vst v5  }
0x2e: {  	[tilespmem:$0x14050] =	vst v6  }
0x2f: {  	[tilespmem:$0x14060] =	vst v7  }
0x30: {  	[tilespmem:$0x14070] =	vst v8  }
0x31: {  	[tilespmem:$0x14100] =	vst v9  }
0x32: {  	[tilespmem:$0x14110] =	vst v10  }
0x33: {  	[tilespmem:$0x14120] =	vst v11  }
0x34: {  	[tilespmem:$0x14130] =	vst v12  }
0x35: {  	[tilespmem:$0x14140] =	vst v13  }
0x36: {  	[tilespmem:$0x14150] =	vst v14  }
0x37: {  	[tilespmem:$0x14160] =	vst v15  }
0x38: {  	[tilespmem:$0x14170] =	vst v16  }
0x39: {  	[tilespmem:$0x14200] =	vst v17  }
0x3a: {  	[tilespmem:$0x14210] =	vst v18  }
0x3b: {  	[tilespmem:$0x14220] =	vst v19  }
0x3c: {  	[tilespmem:$0x14230] =	vst v20  }
0x3d: {  	[tilespmem:$0x14240] =	vst v21  }
0x3e: {  	[tilespmem:$0x14250] =	vst v22  }
0x3f: {  	[tilespmem:$0x14260] =	vst v23  }
0x40: {  	[tilespmem:$0x14270] =	vst v24;
	s6 =	simm.s32 $0x14000  }
0x41: {  	[tilespmem:s5], [sflag:$0x1] =	stream.indirect.gather [hbm4b:s1+s12], $0x80, s6, s12, $0xb8;
	[tilespmem:$0x1D300] =	vst v63  }
0x42: {  	s14 =	simm.s32 $0x14040  }
0x43: {  	[tilespmem:s15], [sflag:$0x1] =	stream.indirect.gather [hbm4b:s1+s12], $0x80, s14, s12, $0xb8;
	[tilespmem:$0x1D300] =	vst v63  }
0x44: {  	_ = 	snop  }
0x45: {  	[tilespmem:s17], [sflag:$0x1] =	stream.indirect.gather [hbm4b:s1+s12], $0x80, s16, s12, $0xb8;
	[tilespmem:$0x1D300] =	vst v63  }
0x46: {  	_ = 	snop  }
0x47: {  	[tilespmem:s19], [sflag:$0x1] =	stream.indirect.gather [hbm4b:s1+s12], $0x80, s18, s12, $0xb8;
	[tilespmem:$0x1D300] =	vst v63  }
.Ltmp2:
0x48: {  	_ = 	snop;
	(pc) =	sbr.rel .LBB2_2-.Ltmp2, $4  }
0x49: {  	[tilespmem:s22], [sflag:$0x1] =	stream.indirect.gather [hbm4b:s1+s20], $0x80, s21, s20, $0xb8;
	[tilespmem:$0x1D300] =	vst v63  }
0x4a: {  	s25 =	rddreg [dreg:$0x6];
	s7 =	simm.s32 $0x14300  }
0x4b: {  	[tilespmem:s7], [sflag:$0x3] =	stream.linear.gather [hbm4b:s25+s5], $0x1000, $0x38;
	[tilespmem:$0x1D300] =	vst v63  }
0x4c: {  	[dreg:$0xa] =	wrdreg s9;
	s7 =	simm.s32 $0x0  }
.LBB2_22:
0x4d: {  	s7 =	sadd.s32 $0x1, s7  }
0x4e: {  	p1 =	sne.s32 s7, $0x7  }
.Ltmp3:
0x4f: {  	_ = 	snop;
	(pc) =	sbr.rel @!p1 .LBB2_23-.Ltmp3, $1  }
0x50: {  	_ =	sdelay $0x3  }
.LBB2_2:
0x51: {  	s11 =	sshll.u32 s7, $0x5  }
0x52: {  	s6 =	sor.u32 s4, s11  }
0x53: {  	p1 =	sgt.u32 s6, $0xCF  }
.Ltmp4:
0x54: {  	_ = 	snop;
	(pc) =	sbr.rel @p1 .LBB2_22-.Ltmp4, $1  }
0x55: {  	_ =	sdelay $0x3  }
0x56: {  	p1 =	seq.s32 s6, $0x0  }
0x57: {  	p1 =	por !p0, !p1  }
0x58: {  	s9 =	simm.s32 $0x1;
	p1 =	por !p1, !p1  }
0x59: {  	s13 =	sshrl.u32 s6, $0x3;
	s9 =	simm.s32 @!p1 $0x0  }
0x5a: {  	s9 =	ssub.s32 s13, s9;
	s13 =	simm.s32 $0x3  }
0x5b: {  	s6 =	smul.u32 $0x9C4, s9;
	_ =	swait.ge [sflag:s13], $0x1000  }
0x5c: {  	p1 =	seq.s32 s7, $0x0;
	[sflag:s13] =	ssyncset.done $0x0;
	s14 =	rddreg [dreg:$0x4]  }
0x5d: {  	s6 =	sand.u32 $0xFFFFFFF8, s6;
	[sflag:s13] =	ssyncadd.s32 $0xFFFFF000;
	s13 =	simm.s32 @!p1 $0x4  }
0x5e: {  	s6 =	sadd.s32 s14, s6;
	_ =	swait.ge @!p1 [sflag:s13], $0x8000  }
0x5f: {  	[sflag:s13] =	ssyncset.done @!p1 $0x0;
	s14 =	sor.u32 $0x1, s6  }
0x60: {  	[sflag:s13] =	ssyncadd.s32 @!p1 $0xFFFF8000;
	v25 =	vadd.s32 s14, v0;
	s14 =	sadd.s32 $0x81, s6  }
0x61: {  	s25 =	sadd.s32 $0x101, s6;
	[tilespmem:$0x14080] =	vst v25;
	v25 =	vadd.s32 s14, v0  }
0x62: {  	s14 =	sadd.s32 $0x181, s6;
	[tilespmem:$0x14090] =	vst v25;
	v25 =	vadd.s32 s25, v0  }
0x63: {  	s25 =	sadd.s32 $0x201, s6;
	[tilespmem:$0x140A0] =	vst v25;
	v25 =	vadd.s32 s14, v0  }
0x64: {  	s14 =	sadd.s32 $0x281, s6;
	[tilespmem:$0x140B0] =	vst v25;
	v25 =	vadd.s32 s25, v0  }
0x65: {  	s25 =	sadd.s32 $0x301, s6;
	[tilespmem:$0x140C0] =	vst v25;
	v25 =	vadd.s32 s14, v0  }
0x66: {  	s14 =	sadd.s32 $0x381, s6;
	[tilespmem:$0x140D0] =	vst v25;
	v25 =	vadd.s32 s25, v0  }
0x67: {  	s25 =	sadd.s32 $0x401, s6;
	[tilespmem:$0x140E0] =	vst v25;
	v25 =	vadd.s32 s14, v0  }
0x68: {  	s14 =	sadd.s32 $0x481, s6;
	[tilespmem:$0x140F0] =	vst v25;
	v25 =	vadd.s32 s25, v0  }
0x69: {  	s25 =	sadd.s32 $0x501, s6;
	[tilespmem:$0x14180] =	vst v25;
	v25 =	vadd.s32 s14, v0  }
0x6a: {  	s14 =	sadd.s32 $0x581, s6;
	[tilespmem:$0x14190] =	vst v25;
	v25 =	vadd.s32 s25, v0  }
0x6b: {  	s25 =	sadd.s32 $0x601, s6;
	[tilespmem:$0x141A0] =	vst v25;
	v25 =	vadd.s32 s14, v0  }
0x6c: {  	s14 =	sadd.s32 $0x681, s6;
	[tilespmem:$0x141B0] =	vst v25;
	v25 =	vadd.s32 s25, v0  }
0x6d: {  	s25 =	sadd.s32 $0x701, s6;
	[tilespmem:$0x141C0] =	vst v25;
	v25 =	vadd.s32 s14, v0  }
0x6e: {  	s14 =	sadd.s32 $0x781, s6;
	[tilespmem:$0x141D0] =	vst v25;
	v25 =	vadd.s32 s25, v0  }
0x6f: {  	s25 =	sadd.s32 $0x801, s6;
	[tilespmem:$0x141E0] =	vst v25;
	v25 =	vadd.s32 s14, v0  }
0x70: {  	s14 =	sadd.s32 $0x881, s6;
	[tilespmem:$0x141F0] =	vst v25;
	v25 =	vadd.s32 s25, v0  }
0x71: {  	s25 =	sadd.s32 $0x901, s6;
	[tilespmem:$0x14280] =	vst v25;
	v25 =	vadd.s32 s14, v0  }
0x72: {  	s14 =	sadd.s32 $0x981, s6;
	[tilespmem:$0x14290] =	vst v25;
	v25 =	vadd.s32 s25, v0  }
0x73: {  	s25 =	sadd.s32 $0xA01, s6;
	[tilespmem:$0x142A0] =	vst v25;
	v25 =	vadd.s32 s14, v0  }
0x74: {  	s14 =	sadd.s32 $0xA81, s6;
	[tilespmem:$0x142B0] =	vst v25;
	v25 =	vadd.s32 s25, v0  }
0x75: {  	s25 =	sadd.s32 $0xB01, s6;
	[tilespmem:$0x142C0] =	vst v25;
	v25 =	vadd.s32 s14, v0  }
0x76: {  	s14 =	sadd.s32 $0xB81, s6;
	[tilespmem:$0x142D0] =	vst v25;
	v25 =	vadd.s32 s25, v0  }
0x77: {  	[tilespmem:$0x142E0] =	vst v25;
	v25 =	vadd.s32 s14, v0  }
0x78: {  	[tilespmem:$0x142F0] =	vst v25  }
0x79: {  	[tilespmem:s28], [sflag:$0x2] =	stream.indirect.gather [hbm4b:s1+s12], $0x80, s26, s12, $0xb8;
	[tilespmem:$0x1D300] =	vst v63  }
0x7a: {  	_ = 	snop  }
0x7b: {  	[tilespmem:s30], [sflag:$0x2] =	stream.indirect.gather [hbm4b:s1+s12], $0x80, s29, s12, $0xb8;
	[tilespmem:$0x1D300] =	vst v63  }
0x7c: {  	_ = 	snop  }
0x7d: {  	[tilespmem:s2], [sflag:$0x2] =	stream.indirect.gather [hbm4b:s1+s12], $0x80, s31, s12, $0xb8;
	[tilespmem:$0x1D300] =	vst v63  }
0x7e: {  	_ = 	snop  }
0x7f: {  	[tilespmem:s23], [sflag:$0x2] =	stream.indirect.gather [hbm4b:s1+s12], $0x80, s0, s12, $0xb8;
	[tilespmem:$0x1D300] =	vst v63  }
0x80: {  	_ = 	snop  }
0x81: {  	[tilespmem:s10], [sflag:$0x2] =	stream.indirect.gather [hbm4b:s1+s20], $0x80, s8, s20, $0xb8;
	[tilespmem:$0x1D300] =	vst v63  }
0x82: {  	_ =	swait.ge [sflag:s24], $0x2000  }
0x83: {  	[sflag:s24] =	ssyncset.done $0x0  }
0x84: {  	[sflag:s24] =	ssyncadd.s32 $0xFFFFE000  }
0x85: {  	_ =	swait.ge [sflag:s24], $0x2000  }
0x86: {  	[sflag:s24] =	ssyncset.done $0x0  }
0x87: {  	[sflag:s24] =	ssyncadd.s32 $0xFFFFE000  }
0x88: {  	_ =	swait.ge [sflag:s24], $0x2000  }
0x89: {  	[sflag:s24] =	ssyncset.done $0x0  }
0x8a: {  	[sflag:s24] =	ssyncadd.s32 $0xFFFFE000  }
0x8b: {  	_ =	swait.ge [sflag:s24], $0x2000  }
0x8c: {  	[sflag:s24] =	ssyncset.done $0x0  }
0x8d: {  	[sflag:s24] =	ssyncadd.s32 $0xFFFFE000  }
0x8e: {  	_ =	swait.ge [sflag:s24], $0x1C80  }
0x8f: {  	[sflag:s24] =	ssyncset.done $0x0  }
0x90: {  	s13 =	simm.s32 $0x14340;
	[sflag:s24] =	ssyncadd.s32 $0xFFFFE380  }
0x91: {  	v26 =	vld [tilespmem:s13+$0x30]  }
0x92: {  	v27 =	vld [tilespmem:s13+$0xFFFFFFD0]  }
0x93: {  	s25 =	sshll.u32 s9, $0x6;
	v28 =	vld [tilespmem:s13+$0xFFFFFFE0]  }
0x94: {  	s14 =	sand.u32 $0x40, s25;
	v29 =	vld [tilespmem:s13+$0xFFFFFFF0]  }
0x95: {  	v25 =	vmov s14;
	v30 =	vld [tilespmem:s13+$0x0]  }
0x96: {  	v31 =	vld [tilespmem:s13+$0x10];
	v26 =	vadd.s32 v25, v26  }
0x97: {  	v27 =	vadd.s32 v25, v27  }
0x98: {  	v28 =	vadd.s32 v25, v28  }
0x99: {  	v32 =	vld [tilespmem:s13+$0x20];
	v29 =	vadd.s32 v25, v29  }
0x9a: {  	v34 =	vld [tilespmem:s13+$0xFFFFFFC0];
	v35 =	vadd.s32 v25, v30  }
0x9b: {  	v36 =	vadd.s32 v25, v31;
	v33 =	vld.idx.msk [tilespmem:v26+s5+$0x0], $0xffff  }
0x9c: {  	v30 =	vld.idx.msk [tilespmem:v27+s5+$0x0], $0xffff  }
0x9d: {  	v31 =	vld.idx.msk [tilespmem:v28+s5+$0x0], $0xffff  }
0x9e: {  	v29 =	vld.idx.msk [tilespmem:v29+s5+$0x0], $0xffff  }
0x9f: {  	v28 =	vld.idx.msk [tilespmem:v35+s5+$0x0], $0xffff  }
0xa0: {  	s25 =	simm.s32 $0x15340;
	s14 =	simm.s32 $0x143C0;
	s13 =	simm.s32 $0x0;
	v26 =	vadd.s32 v25, v32;
	v27 =	vadd.s32 v25, v34;
	v32 =	vld.idx.msk [tilespmem:v36+s5+$0x0], $0xffff  }
.LBB2_4:
0xa1: {  	v34 =	vld [tilespmem:s14+$0x30];
	s13 =	sadd.s32 $0x80, s13;
	[tilespmem:s25+$0x30] =	vst v33  }
0xa2: {  	v33 =	vld [tilespmem:s14+$0xFFFFFFD0];
	p1 =	slt.u32 s13, $0xF80;
	[tilespmem:s25+$0xFFFFFFD0] =	vst v30  }
0xa3: {  	v30 =	vld [tilespmem:s14+$0xFFFFFFE0];
	[tilespmem:s25+$0xFFFFFFE0] =	vst v31  }
0xa4: {  	v31 =	vld [tilespmem:s14+$0xFFFFFFF0];
	[tilespmem:s25+$0xFFFFFFF0] =	vst v29  }
0xa5: {  	v29 =	vld [tilespmem:s14+$0x0];
	[tilespmem:s25+$0x0] =	vst v28  }
0xa6: {  	v28 =	vld [tilespmem:s14+$0x10];
	v34 =	vadd.s32 v25, v34;
	[tilespmem:s25+$0x10] =	vst v32  }
0xa7: {  	v32 =	vadd.s32 v25, v33;
	v35 =	vld [tilespmem:s14+$0x20]  }
0xa8: {  	v36 =	vld [tilespmem:s14+$0xFFFFFFC0];
	v37 =	vadd.s32 v25, v30  }
0xa9: {  	v38 =	vadd.s32 v25, v31;
	v39 =	vld.idx.msk [tilespmem:v27+s5+$0x0], $0xffff  }
0xaa: {  	v40 =	vadd.s32 v25, v29;
	v41 =	vld.idx.msk [tilespmem:v26+s5+$0x0], $0xffff  }
0xab: {  	v42 =	vadd.s32 v25, v28;
	v33 =	vld.idx.msk [tilespmem:v34+s5+$0x0], $0xffff  }
.Ltmp5:
0xac: {  	v30 =	vld.idx.msk [tilespmem:v32+s5+$0x0], $0xffff;
	v26 =	vadd.s32 v25, v35;
	(pc) =	sbr.rel @p1 .LBB2_4-.Ltmp5, $4  }
0xad: {  	v27 =	vadd.s32 v25, v36;
	v31 =	vld.idx.msk [tilespmem:v37+s5+$0x0], $0xffff  }
0xae: {  	v29 =	vld.idx.msk [tilespmem:v38+s5+$0x0], $0xffff  }
0xaf: {  	v28 =	vld.idx.msk [tilespmem:v40+s5+$0x0], $0xffff;
	[tilespmem:s25+$0xFFFFFFC0] =	vst v39  }
0xb0: {  	s14 =	sadd.s32 $0x80, s14;
	v32 =	vld.idx.msk [tilespmem:v42+s5+$0x0], $0xffff;
	[tilespmem:s25+$0x20] =	vst v41;
	s25 =	sadd.s32 $0x400, s25  }
0xb1: {  	_ =	sdelay $0x2  }
0xb2: {  	[tilespmem:s25+$0x30] =	vst v33  }
0xb3: {  	[tilespmem:s25+$0xFFFFFFD0] =	vst v30;
	v27 =	vld.idx.msk [tilespmem:v27+s5+$0x0], $0xffff  }
0xb4: {  	v26 =	vld.idx.msk [tilespmem:v26+s5+$0x0], $0xffff;
	[tilespmem:s25+$0xFFFFFFE0] =	vst v31  }
0xb5: {  	[tilespmem:s25+$0xFFFFFFF0] =	vst v29  }
0xb6: {  	[tilespmem:s25+$0x0] =	vst v28  }
0xb7: {  	[tilespmem:s25+$0x10] =	vst v32  }
0xb8: {  	s13 =	sor.u32 $0x2, s6;
	[tilespmem:s25+$0xFFFFFFC0] =	vst v27  }
0xb9: {  	s14 =	sadd.s32 $0x82, s6;
	[tilespmem:s25+$0x20] =	vst v26;
	v26 =	vadd.s32 s13, v0  }
0xba: {  	s25 =	sadd.s32 $0x102, s6;
	[tilespmem:$0x14000] =	vst v26;
	v26 =	vadd.s32 s14, v0  }
0xbb: {  	s14 =	sadd.s32 $0x182, s6;
	[tilespmem:$0x14010] =	vst v26;
	v26 =	vadd.s32 s25, v0  }
0xbc: {  	s25 =	sadd.s32 $0x202, s6;
	[tilespmem:$0x14020] =	vst v26;
	v26 =	vadd.s32 s14, v0  }
0xbd: {  	s14 =	sadd.s32 $0x282, s6;
	[tilespmem:$0x14030] =	vst v26;
	v26 =	vadd.s32 s25, v0  }
0xbe: {  	s25 =	sadd.s32 $0x302, s6;
	[tilespmem:$0x14040] =	vst v26;
	v26 =	vadd.s32 s14, v0  }
0xbf: {  	s14 =	sadd.s32 $0x382, s6;
	[tilespmem:$0x14050] =	vst v26;
	v26 =	vadd.s32 s25, v0  }
0xc0: {  	s25 =	sadd.s32 $0x402, s6;
	[tilespmem:$0x14060] =	vst v26;
	v26 =	vadd.s32 s14, v0  }
0xc1: {  	s14 =	sadd.s32 $0x482, s6;
	[tilespmem:$0x14070] =	vst v26;
	v26 =	vadd.s32 s25, v0  }
0xc2: {  	s25 =	sadd.s32 $0x502, s6;
	[tilespmem:$0x14100] =	vst v26;
	v26 =	vadd.s32 s14, v0  }
0xc3: {  	s14 =	sadd.s32 $0x582, s6;
	[tilespmem:$0x14110] =	vst v26;
	v26 =	vadd.s32 s25, v0  }
0xc4: {  	s25 =	sadd.s32 $0x602, s6;
	[tilespmem:$0x14120] =	vst v26;
	v26 =	vadd.s32 s14, v0  }
0xc5: {  	s14 =	sadd.s32 $0x682, s6;
	[tilespmem:$0x14130] =	vst v26;
	v26 =	vadd.s32 s25, v0  }
0xc6: {  	s25 =	sadd.s32 $0x702, s6;
	[tilespmem:$0x14140] =	vst v26;
	v26 =	vadd.s32 s14, v0  }
0xc7: {  	s14 =	sadd.s32 $0x782, s6;
	[tilespmem:$0x14150] =	vst v26;
	v26 =	vadd.s32 s25, v0  }
0xc8: {  	s25 =	sadd.s32 $0x802, s6;
	[tilespmem:$0x14160] =	vst v26;
	v26 =	vadd.s32 s14, v0  }
0xc9: {  	s14 =	sadd.s32 $0x882, s6;
	[tilespmem:$0x14170] =	vst v26;
	v26 =	vadd.s32 s25, v0  }
0xca: {  	s25 =	sadd.s32 $0x902, s6;
	[tilespmem:$0x14200] =	vst v26;
	v26 =	vadd.s32 s14, v0  }
0xcb: {  	s14 =	sadd.s32 $0x982, s6;
	[tilespmem:$0x14210] =	vst v26;
	v26 =	vadd.s32 s25, v0  }
0xcc: {  	s25 =	sadd.s32 $0xA02, s6;
	[tilespmem:$0x14220] =	vst v26;
	v26 =	vadd.s32 s14, v0  }
0xcd: {  	s14 =	sadd.s32 $0xA82, s6;
	[tilespmem:$0x14230] =	vst v26;
	v26 =	vadd.s32 s25, v0  }
0xce: {  	s25 =	sadd.s32 $0xB02, s6;
	[tilespmem:$0x14240] =	vst v26;
	v26 =	vadd.s32 s14, v0  }
0xcf: {  	s14 =	sadd.s32 $0xB82, s6;
	[tilespmem:$0x14250] =	vst v26;
	v26 =	vadd.s32 s25, v0  }
0xd0: {  	[tilespmem:$0x14260] =	vst v26;
	v26 =	vadd.s32 s14, v0  }
0xd1: {  	s25 =	simm.s32 $0x14000;
	[tilespmem:$0x14270] =	vst v26  }
0xd2: {  	[tilespmem:s5], [sflag:$0x1] =	stream.indirect.gather [hbm4b:s1+s12], $0x80, s25, s12, $0xb8;
	[tilespmem:$0x1D300] =	vst v63  }
0xd3: {  	s14 =	simm.s32 $0x14040  }
0xd4: {  	[tilespmem:s15], [sflag:$0x1] =	stream.indirect.gather [hbm4b:s1+s12], $0x80, s14, s12, $0xb8;
	[tilespmem:$0x1D300] =	vst v63  }
0xd5: {  	_ = 	snop  }
0xd6: {  	[tilespmem:s17], [sflag:$0x1] =	stream.indirect.gather [hbm4b:s1+s12], $0x80, s16, s12, $0xb8;
	[tilespmem:$0x1D300] =	vst v63  }
0xd7: {  	_ = 	snop  }
0xd8: {  	[tilespmem:s19], [sflag:$0x1] =	stream.indirect.gather [hbm4b:s1+s12], $0x80, s18, s12, $0xb8;
	[tilespmem:$0x1D300] =	vst v63  }
0xd9: {  	_ = 	snop  }
0xda: {  	[tilespmem:s22], [sflag:$0x1] =	stream.indirect.gather [hbm4b:s1+s20], $0x80, s21, s20, $0xb8;
	[tilespmem:$0x1D300] =	vst v63  }
0xdb: {  	_ =	swait.ge [sflag:s3], $0x2000  }
0xdc: {  	[sflag:s3] =	ssyncset.done $0x0  }
0xdd: {  	[sflag:s3] =	ssyncadd.s32 $0xFFFFE000  }
0xde: {  	_ =	swait.ge [sflag:s3], $0x2000  }
0xdf: {  	[sflag:s3] =	ssyncset.done $0x0  }
0xe0: {  	[sflag:s3] =	ssyncadd.s32 $0xFFFFE000  }
0xe1: {  	_ =	swait.ge [sflag:s3], $0x2000  }
0xe2: {  	[sflag:s3] =	ssyncset.done $0x0  }
0xe3: {  	[sflag:s3] =	ssyncadd.s32 $0xFFFFE000  }
0xe4: {  	_ =	swait.ge [sflag:s3], $0x2000  }
0xe5: {  	[sflag:s3] =	ssyncset.done $0x0  }
0xe6: {  	[sflag:s3] =	ssyncadd.s32 $0xFFFFE000  }
0xe7: {  	_ =	swait.ge [sflag:s3], $0x1C80  }
0xe8: {  	[sflag:s3] =	ssyncset.done $0x0  }
0xe9: {  	s25 =	simm.s32 $0x14340;
	[sflag:s3] =	ssyncadd.s32 $0xFFFFE380  }
0xea: {  	v26 =	vld [tilespmem:s25+$0x30]  }
0xeb: {  	v27 =	vld [tilespmem:s25+$0xFFFFFFD0]  }
0xec: {  	v28 =	vld [tilespmem:s25+$0xFFFFFFE0]  }
0xed: {  	v29 =	vld [tilespmem:s25+$0xFFFFFFF0]  }
0xee: {  	v30 =	vld [tilespmem:s25+$0x0]  }
0xef: {  	v31 =	vld [tilespmem:s25+$0x10];
	v26 =	vadd.s32 v25, v26  }
0xf0: {  	v27 =	vadd.s32 v25, v27  }
0xf1: {  	v28 =	vadd.s32 v25, v28  }
0xf2: {  	v63 =	vld [tilespmem:s25+$0x20];
	v29 =	vadd.s32 v25, v29  }
0xf3: {  	v34 =	vld [tilespmem:s25+$0xFFFFFFC0];
	v35 =	vadd.s32 v25, v30  }
0xf4: {  	v36 =	vadd.s32 v25, v31;
	v33 =	vld.idx.msk [tilespmem:v26+s28+$0x0], $0xffff  }
0xf5: {  	v30 =	vld.idx.msk [tilespmem:v27+s28+$0x0], $0xffff  }
0xf6: {  	v31 =	vld.idx.msk [tilespmem:v28+s28+$0x0], $0xffff  }
0xf7: {  	v29 =	vld.idx.msk [tilespmem:v29+s28+$0x0], $0xffff  }
0xf8: {  	v28 =	vld.idx.msk [tilespmem:v35+s28+$0x0], $0xffff  }
0xf9: {  	s13 =	simm.s32 $0x0;
	s14 =	simm.s32 $0x143C0;
	s25 =	simm.s32 $0x153F0;
	v26 =	vadd.s32 v25, v63;
	v27 =	vadd.s32 v25, v34;
	v32 =	vld.idx.msk [tilespmem:v36+s28+$0x0], $0xffff  }
.LBB2_6:
0xfa: {  	v34 =	vld [tilespmem:s14+$0x30];
	s13 =	sadd.s32 $0x80, s13;
	[tilespmem:s25+$0x0] =	vst v33  }
0xfb: {  	v33 =	vld [tilespmem:s14+$0xFFFFFFD0];
	p1 =	slt.u32 s13, $0xF80;
	[tilespmem:s25+$0xFFFFFFA0] =	vst v30  }
0xfc: {  	v30 =	vld [tilespmem:s14+$0xFFFFFFE0];
	[tilespmem:s25+$0xFFFFFFB0] =	vst v31  }
0xfd: {  	v31 =	vld [tilespmem:s14+$0xFFFFFFF0];
	[tilespmem:s25+$0xFFFFFFC0] =	vst v29  }
0xfe: {  	v29 =	vld [tilespmem:s14+$0x0];
	[tilespmem:s25+$0xFFFFFFD0] =	vst v28  }
0xff: {  	v28 =	vld [tilespmem:s14+$0x10];
	v34 =	vadd.s32 v25, v34;
	[tilespmem:s25+$0xFFFFFFE0] =	vst v32  }
0x100: {  	v32 =	vadd.s32 v25, v33;
	v35 =	vld [tilespmem:s14+$0x20]  }
0x101: {  	v36 =	vld [tilespmem:s14+$0xFFFFFFC0];
	v37 =	vadd.s32 v25, v30  }
0x102: {  	v38 =	vadd.s32 v25, v31;
	v39 =	vld.idx.msk [tilespmem:v27+s28+$0x0], $0xffff  }
0x103: {  	v40 =	vadd.s32 v25, v29;
	v41 =	vld.idx.msk [tilespmem:v26+s28+$0x0], $0xffff  }
0x104: {  	v42 =	vadd.s32 v25, v28;
	v33 =	vld.idx.msk [tilespmem:v34+s28+$0x0], $0xffff  }
.Ltmp6:
0x105: {  	v30 =	vld.idx.msk [tilespmem:v32+s28+$0x0], $0xffff;
	v26 =	vadd.s32 v25, v35;
	(pc) =	sbr.rel @p1 .LBB2_6-.Ltmp6, $4  }
0x106: {  	v27 =	vadd.s32 v25, v36;
	v31 =	vld.idx.msk [tilespmem:v37+s28+$0x0], $0xffff  }
0x107: {  	v29 =	vld.idx.msk [tilespmem:v38+s28+$0x0], $0xffff  }
0x108: {  	v28 =	vld.idx.msk [tilespmem:v40+s28+$0x0], $0xffff;
	[tilespmem:s25+$0xFFFFFF90] =	vst v39  }
0x109: {  	s14 =	sadd.s32 $0x80, s14;
	v32 =	vld.idx.msk [tilespmem:v42+s28+$0x0], $0xffff;
	[tilespmem:s25+$0xFFFFFFF0] =	vst v41;
	s25 =	sadd.s32 $0x400, s25  }
0x10a: {  	_ =	sdelay $0x2  }
0x10b: {  	[tilespmem:s25+$0x0] =	vst v33  }
0x10c: {  	[tilespmem:s25+$0xFFFFFFA0] =	vst v30;
	v27 =	vld.idx.msk [tilespmem:v27+s28+$0x0], $0xffff  }
0x10d: {  	v26 =	vld.idx.msk [tilespmem:v26+s28+$0x0], $0xffff;
	[tilespmem:s25+$0xFFFFFFB0] =	vst v31  }
0x10e: {  	[tilespmem:s25+$0xFFFFFFC0] =	vst v29  }
0x10f: {  	[tilespmem:s25+$0xFFFFFFD0] =	vst v28  }
0x110: {  	[tilespmem:s25+$0xFFFFFFE0] =	vst v32  }
0x111: {  	s13 =	sor.u32 $0x3, s6;
	[tilespmem:s25+$0xFFFFFF90] =	vst v27  }
0x112: {  	s14 =	sadd.s32 $0x83, s6;
	[tilespmem:s25+$0xFFFFFFF0] =	vst v26;
	v26 =	vadd.s32 s13, v0  }
0x113: {  	s25 =	sadd.s32 $0x103, s6;
	[tilespmem:$0x14080] =	vst v26;
	v26 =	vadd.s32 s14, v0  }
0x114: {  	s14 =	sadd.s32 $0x183, s6;
	[tilespmem:$0x14090] =	vst v26;
	v26 =	vadd.s32 s25, v0  }
0x115: {  	s25 =	sadd.s32 $0x203, s6;
	[tilespmem:$0x140A0] =	vst v26;
	v26 =	vadd.s32 s14, v0  }
0x116: {  	s14 =	sadd.s32 $0x283, s6;
	[tilespmem:$0x140B0] =	vst v26;
	v26 =	vadd.s32 s25, v0  }
0x117: {  	s25 =	sadd.s32 $0x303, s6;
	[tilespmem:$0x140C0] =	vst v26;
	v26 =	vadd.s32 s14, v0  }
0x118: {  	s14 =	sadd.s32 $0x383, s6;
	[tilespmem:$0x140D0] =	vst v26;
	v26 =	vadd.s32 s25, v0  }
0x119: {  	s25 =	sadd.s32 $0x403, s6;
	[tilespmem:$0x140E0] =	vst v26;
	v26 =	vadd.s32 s14, v0  }
0x11a: {  	s14 =	sadd.s32 $0x483, s6;
	[tilespmem:$0x140F0] =	vst v26;
	v26 =	vadd.s32 s25, v0  }
0x11b: {  	s25 =	sadd.s32 $0x503, s6;
	[tilespmem:$0x14180] =	vst v26;
	v26 =	vadd.s32 s14, v0  }
0x11c: {  	s14 =	sadd.s32 $0x583, s6;
	[tilespmem:$0x14190] =	vst v26;
	v26 =	vadd.s32 s25, v0  }
0x11d: {  	s25 =	sadd.s32 $0x603, s6;
	[tilespmem:$0x141A0] =	vst v26;
	v26 =	vadd.s32 s14, v0  }
0x11e: {  	s14 =	sadd.s32 $0x683, s6;
	[tilespmem:$0x141B0] =	vst v26;
	v26 =	vadd.s32 s25, v0  }
0x11f: {  	s25 =	sadd.s32 $0x703, s6;
	[tilespmem:$0x141C0] =	vst v26;
	v26 =	vadd.s32 s14, v0  }
0x120: {  	s14 =	sadd.s32 $0x783, s6;
	[tilespmem:$0x141D0] =	vst v26;
	v26 =	vadd.s32 s25, v0  }
0x121: {  	s25 =	sadd.s32 $0x803, s6;
	[tilespmem:$0x141E0] =	vst v26;
	v26 =	vadd.s32 s14, v0  }
0x122: {  	s14 =	sadd.s32 $0x883, s6;
	[tilespmem:$0x141F0] =	vst v26;
	v26 =	vadd.s32 s25, v0  }
0x123: {  	s25 =	sadd.s32 $0x903, s6;
	[tilespmem:$0x14280] =	vst v26;
	v26 =	vadd.s32 s14, v0  }
0x124: {  	s14 =	sadd.s32 $0x983, s6;
	[tilespmem:$0x14290] =	vst v26;
	v26 =	vadd.s32 s25, v0  }
0x125: {  	s25 =	sadd.s32 $0xA03, s6;
	[tilespmem:$0x142A0] =	vst v26;
	v26 =	vadd.s32 s14, v0  }
0x126: {  	s14 =	sadd.s32 $0xA83, s6;
	[tilespmem:$0x142B0] =	vst v26;
	v26 =	vadd.s32 s25, v0  }
0x127: {  	s25 =	sadd.s32 $0xB03, s6;
	[tilespmem:$0x142C0] =	vst v26;
	v26 =	vadd.s32 s14, v0  }
0x128: {  	s14 =	sadd.s32 $0xB83, s6;
	[tilespmem:$0x142D0] =	vst v26;
	v26 =	vadd.s32 s25, v0  }
0x129: {  	[tilespmem:$0x142E0] =	vst v26;
	v26 =	vadd.s32 s14, v0  }
0x12a: {  	[tilespmem:$0x142F0] =	vst v26  }
0x12b: {  	[tilespmem:s28], [sflag:$0x2] =	stream.indirect.gather [hbm4b:s1+s12], $0x80, s26, s12, $0xb8;
	[tilespmem:$0x1D300] =	vst v63  }
0x12c: {  	_ = 	snop  }
0x12d: {  	[tilespmem:s30], [sflag:$0x2] =	stream.indirect.gather [hbm4b:s1+s12], $0x80, s29, s12, $0xb8;
	[tilespmem:$0x1D300] =	vst v63  }
0x12e: {  	_ = 	snop  }
0x12f: {  	[tilespmem:s2], [sflag:$0x2] =	stream.indirect.gather [hbm4b:s1+s12], $0x80, s31, s12, $0xb8;
	[tilespmem:$0x1D300] =	vst v63  }
0x130: {  	_ = 	snop  }
0x131: {  	[tilespmem:s23], [sflag:$0x2] =	stream.indirect.gather [hbm4b:s1+s12], $0x80, s0, s12, $0xb8;
	[tilespmem:$0x1D300] =	vst v63  }
0x132: {  	_ = 	snop  }
0x133: {  	[tilespmem:s10], [sflag:$0x2] =	stream.indirect.gather [hbm4b:s1+s20], $0x80, s8, s20, $0xb8;
	[tilespmem:$0x1D300] =	vst v63  }
0x134: {  	_ =	swait.ge [sflag:s24], $0x2000  }
0x135: {  	[sflag:s24] =	ssyncset.done $0x0  }
0x136: {  	[sflag:s24] =	ssyncadd.s32 $0xFFFFE000  }
0x137: {  	_ =	swait.ge [sflag:s24], $0x2000  }
0x138: {  	[sflag:s24] =	ssyncset.done $0x0  }
0x139: {  	[sflag:s24] =	ssyncadd.s32 $0xFFFFE000  }
0x13a: {  	_ =	swait.ge [sflag:s24], $0x2000  }
0x13b: {  	[sflag:s24] =	ssyncset.done $0x0  }
0x13c: {  	[sflag:s24] =	ssyncadd.s32 $0xFFFFE000  }
0x13d: {  	_ =	swait.ge [sflag:s24], $0x2000  }
0x13e: {  	[sflag:s24] =	ssyncset.done $0x0  }
0x13f: {  	[sflag:s24] =	ssyncadd.s32 $0xFFFFE000  }
0x140: {  	_ =	swait.ge [sflag:s24], $0x1C80  }
0x141: {  	[sflag:s24] =	ssyncset.done $0x0  }
0x142: {  	s25 =	simm.s32 $0x14340;
	[sflag:s24] =	ssyncadd.s32 $0xFFFFE380  }
0x143: {  	v26 =	vld [tilespmem:s25+$0x30]  }
0x144: {  	v27 =	vld [tilespmem:s25+$0xFFFFFFD0]  }
0x145: {  	v28 =	vld [tilespmem:s25+$0xFFFFFFE0]  }
0x146: {  	v29 =	vld [tilespmem:s25+$0xFFFFFFF0]  }
0x147: {  	v30 =	vld [tilespmem:s25+$0x0]  }
0x148: {  	v31 =	vld [tilespmem:s25+$0x10];
	v26 =	vadd.s32 v25, v26  }
0x149: {  	v27 =	vadd.s32 v25, v27  }
0x14a: {  	v28 =	vadd.s32 v25, v28  }
0x14b: {  	v63 =	vld [tilespmem:s25+$0x20];
	v29 =	vadd.s32 v25, v29  }
0x14c: {  	v34 =	vld [tilespmem:s25+$0xFFFFFFC0];
	v35 =	vadd.s32 v25, v30  }
0x14d: {  	v36 =	vadd.s32 v25, v31;
	v33 =	vld.idx.msk [tilespmem:v26+s5+$0x0], $0xffff  }
0x14e: {  	v30 =	vld.idx.msk [tilespmem:v27+s5+$0x0], $0xffff  }
0x14f: {  	v31 =	vld.idx.msk [tilespmem:v28+s5+$0x0], $0xffff  }
0x150: {  	v29 =	vld.idx.msk [tilespmem:v29+s5+$0x0], $0xffff  }
0x151: {  	v28 =	vld.idx.msk [tilespmem:v35+s5+$0x0], $0xffff  }
0x152: {  	s13 =	simm.s32 $0x0;
	s14 =	simm.s32 $0x143C0;
	s25 =	simm.s32 $0x15470;
	v26 =	vadd.s32 v25, v63;
	v27 =	vadd.s32 v25, v34;
	v32 =	vld.idx.msk [tilespmem:v36+s5+$0x0], $0xffff  }
.LBB2_8:
0x153: {  	v34 =	vld [tilespmem:s14+$0x30];
	s13 =	sadd.s32 $0x80, s13;
	[tilespmem:s25+$0x0] =	vst v33  }
0x154: {  	v33 =	vld [tilespmem:s14+$0xFFFFFFD0];
	p1 =	slt.u32 s13, $0xF80;
	[tilespmem:s25+$0xFFFFFFA0] =	vst v30  }
0x155: {  	v30 =	vld [tilespmem:s14+$0xFFFFFFE0];
	[tilespmem:s25+$0xFFFFFFB0] =	vst v31  }
0x156: {  	v31 =	vld [tilespmem:s14+$0xFFFFFFF0];
	[tilespmem:s25+$0xFFFFFFC0] =	vst v29  }
0x157: {  	v29 =	vld [tilespmem:s14+$0x0];
	[tilespmem:s25+$0xFFFFFFD0] =	vst v28  }
0x158: {  	v28 =	vld [tilespmem:s14+$0x10];
	v34 =	vadd.s32 v25, v34;
	[tilespmem:s25+$0xFFFFFFE0] =	vst v32  }
0x159: {  	v32 =	vadd.s32 v25, v33;
	v35 =	vld [tilespmem:s14+$0x20]  }
0x15a: {  	v36 =	vld [tilespmem:s14+$0xFFFFFFC0];
	v37 =	vadd.s32 v25, v30  }
0x15b: {  	v38 =	vadd.s32 v25, v31;
	v39 =	vld.idx.msk [tilespmem:v27+s5+$0x0], $0xffff  }
0x15c: {  	v40 =	vadd.s32 v25, v29;
	v41 =	vld.idx.msk [tilespmem:v26+s5+$0x0], $0xffff  }
0x15d: {  	v42 =	vadd.s32 v25, v28;
	v33 =	vld.idx.msk [tilespmem:v34+s5+$0x0], $0xffff  }
.Ltmp7:
0x15e: {  	v30 =	vld.idx.msk [tilespmem:v32+s5+$0x0], $0xffff;
	v26 =	vadd.s32 v25, v35;
	(pc) =	sbr.rel @p1 .LBB2_8-.Ltmp7, $4  }
0x15f: {  	v27 =	vadd.s32 v25, v36;
	v31 =	vld.idx.msk [tilespmem:v37+s5+$0x0], $0xffff  }
0x160: {  	v29 =	vld.idx.msk [tilespmem:v38+s5+$0x0], $0xffff  }
0x161: {  	v28 =	vld.idx.msk [tilespmem:v40+s5+$0x0], $0xffff;
	[tilespmem:s25+$0xFFFFFF90] =	vst v39  }
0x162: {  	s14 =	sadd.s32 $0x80, s14;
	v32 =	vld.idx.msk [tilespmem:v42+s5+$0x0], $0xffff;
	[tilespmem:s25+$0xFFFFFFF0] =	vst v41;
	s25 =	sadd.s32 $0x400, s25  }
0x163: {  	_ =	sdelay $0x2  }
0x164: {  	[tilespmem:s25+$0x0] =	vst v33  }
0x165: {  	[tilespmem:s25+$0xFFFFFFA0] =	vst v30;
	v27 =	vld.idx.msk [tilespmem:v27+s5+$0x0], $0xffff  }
0x166: {  	v26 =	vld.idx.msk [tilespmem:v26+s5+$0x0], $0xffff;
	[tilespmem:s25+$0xFFFFFFB0] =	vst v31  }
0x167: {  	[tilespmem:s25+$0xFFFFFFC0] =	vst v29  }
0x168: {  	[tilespmem:s25+$0xFFFFFFD0] =	vst v28  }
0x169: {  	[tilespmem:s25+$0xFFFFFFE0] =	vst v32  }
0x16a: {  	s13 =	sor.u32 $0x4, s6;
	[tilespmem:s25+$0xFFFFFF90] =	vst v27  }
0x16b: {  	s14 =	sadd.s32 $0x84, s6;
	[tilespmem:s25+$0xFFFFFFF0] =	vst v26;
	v26 =	vadd.s32 s13, v0  }
0x16c: {  	s25 =	sadd.s32 $0x104, s6;
	[tilespmem:$0x14000] =	vst v26;
	v26 =	vadd.s32 s14, v0  }
0x16d: {  	s14 =	sadd.s32 $0x184, s6;
	[tilespmem:$0x14010] =	vst v26;
	v26 =	vadd.s32 s25, v0  }
0x16e: {  	s25 =	sadd.s32 $0x204, s6;
	[tilespmem:$0x14020] =	vst v26;
	v26 =	vadd.s32 s14, v0  }
0x16f: {  	s14 =	sadd.s32 $0x284, s6;
	[tilespmem:$0x14030] =	vst v26;
	v26 =	vadd.s32 s25, v0  }
0x170: {  	s25 =	sadd.s32 $0x304, s6;
	[tilespmem:$0x14040] =	vst v26;
	v26 =	vadd.s32 s14, v0  }
0x171: {  	s14 =	sadd.s32 $0x384, s6;
	[tilespmem:$0x14050] =	vst v26;
	v26 =	vadd.s32 s25, v0  }
0x172: {  	s25 =	sadd.s32 $0x404, s6;
	[tilespmem:$0x14060] =	vst v26;
	v26 =	vadd.s32 s14, v0  }
0x173: {  	s14 =	sadd.s32 $0x484, s6;
	[tilespmem:$0x14070] =	vst v26;
	v26 =	vadd.s32 s25, v0  }
0x174: {  	s25 =	sadd.s32 $0x504, s6;
	[tilespmem:$0x14100] =	vst v26;
	v26 =	vadd.s32 s14, v0  }
0x175: {  	s14 =	sadd.s32 $0x584, s6;
	[tilespmem:$0x14110] =	vst v26;
	v26 =	vadd.s32 s25, v0  }
0x176: {  	s25 =	sadd.s32 $0x604, s6;
	[tilespmem:$0x14120] =	vst v26;
	v26 =	vadd.s32 s14, v0  }
0x177: {  	s14 =	sadd.s32 $0x684, s6;
	[tilespmem:$0x14130] =	vst v26;
	v26 =	vadd.s32 s25, v0  }
0x178: {  	s25 =	sadd.s32 $0x704, s6;
	[tilespmem:$0x14140] =	vst v26;
	v26 =	vadd.s32 s14, v0  }
0x179: {  	s14 =	sadd.s32 $0x784, s6;
	[tilespmem:$0x14150] =	vst v26;
	v26 =	vadd.s32 s25, v0  }
0x17a: {  	s25 =	sadd.s32 $0x804, s6;
	[tilespmem:$0x14160] =	vst v26;
	v26 =	vadd.s32 s14, v0  }
0x17b: {  	s14 =	sadd.s32 $0x884, s6;
	[tilespmem:$0x14170] =	vst v26;
	v26 =	vadd.s32 s25, v0  }
0x17c: {  	s25 =	sadd.s32 $0x904, s6;
	[tilespmem:$0x14200] =	vst v26;
	v26 =	vadd.s32 s14, v0  }
0x17d: {  	s14 =	sadd.s32 $0x984, s6;
	[tilespmem:$0x14210] =	vst v26;
	v26 =	vadd.s32 s25, v0  }
0x17e: {  	s25 =	sadd.s32 $0xA04, s6;
	[tilespmem:$0x14220] =	vst v26;
	v26 =	vadd.s32 s14, v0  }
0x17f: {  	s14 =	sadd.s32 $0xA84, s6;
	[tilespmem:$0x14230] =	vst v26;
	v26 =	vadd.s32 s25, v0  }
0x180: {  	s25 =	sadd.s32 $0xB04, s6;
	[tilespmem:$0x14240] =	vst v26;
	v26 =	vadd.s32 s14, v0  }
0x181: {  	s14 =	sadd.s32 $0xB84, s6;
	[tilespmem:$0x14250] =	vst v26;
	v26 =	vadd.s32 s25, v0  }
0x182: {  	[tilespmem:$0x14260] =	vst v26;
	v26 =	vadd.s32 s14, v0  }
0x183: {  	s25 =	simm.s32 $0x14000;
	[tilespmem:$0x14270] =	vst v26  }
0x184: {  	[tilespmem:s5], [sflag:$0x1] =	stream.indirect.gather [hbm4b:s1+s12], $0x80, s25, s12, $0xb8;
	[tilespmem:$0x1D300] =	vst v63  }
0x185: {  	s14 =	simm.s32 $0x14040  }
0x186: {  	[tilespmem:s15], [sflag:$0x1] =	stream.indirect.gather [hbm4b:s1+s12], $0x80, s14, s12, $0xb8;
	[tilespmem:$0x1D300] =	vst v63  }
0x187: {  	_ = 	snop  }
0x188: {  	[tilespmem:s17], [sflag:$0x1] =	stream.indirect.gather [hbm4b:s1+s12], $0x80, s16, s12, $0xb8;
	[tilespmem:$0x1D300] =	vst v63  }
0x189: {  	_ = 	snop  }
0x18a: {  	[tilespmem:s19], [sflag:$0x1] =	stream.indirect.gather [hbm4b:s1+s12], $0x80, s18, s12, $0xb8;
	[tilespmem:$0x1D300] =	vst v63  }
0x18b: {  	_ = 	snop  }
0x18c: {  	[tilespmem:s22], [sflag:$0x1] =	stream.indirect.gather [hbm4b:s1+s20], $0x80, s21, s20, $0xb8;
	[tilespmem:$0x1D300] =	vst v63  }
0x18d: {  	_ =	swait.ge [sflag:s3], $0x2000  }
0x18e: {  	[sflag:s3] =	ssyncset.done $0x0  }
0x18f: {  	[sflag:s3] =	ssyncadd.s32 $0xFFFFE000  }
0x190: {  	_ =	swait.ge [sflag:s3], $0x2000  }
0x191: {  	[sflag:s3] =	ssyncset.done $0x0  }
0x192: {  	[sflag:s3] =	ssyncadd.s32 $0xFFFFE000  }
0x193: {  	_ =	swait.ge [sflag:s3], $0x2000  }
0x194: {  	[sflag:s3] =	ssyncset.done $0x0  }
0x195: {  	[sflag:s3] =	ssyncadd.s32 $0xFFFFE000  }
0x196: {  	_ =	swait.ge [sflag:s3], $0x2000  }
0x197: {  	[sflag:s3] =	ssyncset.done $0x0  }
0x198: {  	[sflag:s3] =	ssyncadd.s32 $0xFFFFE000  }
0x199: {  	_ =	swait.ge [sflag:s3], $0x1C80  }
0x19a: {  	[sflag:s3] =	ssyncset.done $0x0  }
0x19b: {  	s25 =	simm.s32 $0x14340;
	[sflag:s3] =	ssyncadd.s32 $0xFFFFE380  }
0x19c: {  	v26 =	vld [tilespmem:s25+$0x30]  }
0x19d: {  	v27 =	vld [tilespmem:s25+$0xFFFFFFD0]  }
0x19e: {  	v28 =	vld [tilespmem:s25+$0xFFFFFFE0]  }
0x19f: {  	v29 =	vld [tilespmem:s25+$0xFFFFFFF0]  }
0x1a0: {  	v30 =	vld [tilespmem:s25+$0x0]  }
0x1a1: {  	v31 =	vld [tilespmem:s25+$0x10];
	v26 =	vadd.s32 v25, v26  }
0x1a2: {  	v27 =	vadd.s32 v25, v27  }
0x1a3: {  	v28 =	vadd.s32 v25, v28  }
0x1a4: {  	v63 =	vld [tilespmem:s25+$0x20];
	v29 =	vadd.s32 v25, v29  }
0x1a5: {  	v34 =	vld [tilespmem:s25+$0xFFFFFFC0];
	v35 =	vadd.s32 v25, v30  }
0x1a6: {  	v36 =	vadd.s32 v25, v31;
	v33 =	vld.idx.msk [tilespmem:v26+s28+$0x0], $0xffff  }
0x1a7: {  	v30 =	vld.idx.msk [tilespmem:v27+s28+$0x0], $0xffff  }
0x1a8: {  	v31 =	vld.idx.msk [tilespmem:v28+s28+$0x0], $0xffff  }
0x1a9: {  	v29 =	vld.idx.msk [tilespmem:v29+s28+$0x0], $0xffff  }
0x1aa: {  	v28 =	vld.idx.msk [tilespmem:v35+s28+$0x0], $0xffff  }
0x1ab: {  	s13 =	simm.s32 $0x0;
	s14 =	simm.s32 $0x143C0;
	s25 =	simm.s32 $0x154F0;
	v26 =	vadd.s32 v25, v63;
	v27 =	vadd.s32 v25, v34;
	v32 =	vld.idx.msk [tilespmem:v36+s28+$0x0], $0xffff  }
.LBB2_10:
0x1ac: {  	v34 =	vld [tilespmem:s14+$0x30];
	s13 =	sadd.s32 $0x80, s13;
	[tilespmem:s25+$0x0] =	vst v33  }
0x1ad: {  	v33 =	vld [tilespmem:s14+$0xFFFFFFD0];
	p1 =	slt.u32 s13, $0xF80;
	[tilespmem:s25+$0xFFFFFFA0] =	vst v30  }
0x1ae: {  	v30 =	vld [tilespmem:s14+$0xFFFFFFE0];
	[tilespmem:s25+$0xFFFFFFB0] =	vst v31  }
0x1af: {  	v31 =	vld [tilespmem:s14+$0xFFFFFFF0];
	[tilespmem:s25+$0xFFFFFFC0] =	vst v29  }
0x1b0: {  	v29 =	vld [tilespmem:s14+$0x0];
	[tilespmem:s25+$0xFFFFFFD0] =	vst v28  }
0x1b1: {  	v28 =	vld [tilespmem:s14+$0x10];
	v34 =	vadd.s32 v25, v34;
	[tilespmem:s25+$0xFFFFFFE0] =	vst v32  }
0x1b2: {  	v32 =	vadd.s32 v25, v33;
	v35 =	vld [tilespmem:s14+$0x20]  }
0x1b3: {  	v36 =	vld [tilespmem:s14+$0xFFFFFFC0];
	v37 =	vadd.s32 v25, v30  }
0x1b4: {  	v38 =	vadd.s32 v25, v31;
	v39 =	vld.idx.msk [tilespmem:v27+s28+$0x0], $0xffff  }
0x1b5: {  	v40 =	vadd.s32 v25, v29;
	v41 =	vld.idx.msk [tilespmem:v26+s28+$0x0], $0xffff  }
0x1b6: {  	v42 =	vadd.s32 v25, v28;
	v33 =	vld.idx.msk [tilespmem:v34+s28+$0x0], $0xffff  }
.Ltmp8:
0x1b7: {  	v30 =	vld.idx.msk [tilespmem:v32+s28+$0x0], $0xffff;
	v26 =	vadd.s32 v25, v35;
	(pc) =	sbr.rel @p1 .LBB2_10-.Ltmp8, $4  }
0x1b8: {  	v27 =	vadd.s32 v25, v36;
	v31 =	vld.idx.msk [tilespmem:v37+s28+$0x0], $0xffff  }
0x1b9: {  	v29 =	vld.idx.msk [tilespmem:v38+s28+$0x0], $0xffff  }
0x1ba: {  	v28 =	vld.idx.msk [tilespmem:v40+s28+$0x0], $0xffff;
	[tilespmem:s25+$0xFFFFFF90] =	vst v39  }
0x1bb: {  	s14 =	sadd.s32 $0x80, s14;
	v32 =	vld.idx.msk [tilespmem:v42+s28+$0x0], $0xffff;
	[tilespmem:s25+$0xFFFFFFF0] =	vst v41;
	s25 =	sadd.s32 $0x400, s25  }
0x1bc: {  	_ =	sdelay $0x2  }
0x1bd: {  	[tilespmem:s25+$0x0] =	vst v33  }
0x1be: {  	[tilespmem:s25+$0xFFFFFFA0] =	vst v30;
	v27 =	vld.idx.msk [tilespmem:v27+s28+$0x0], $0xffff  }
0x1bf: {  	v26 =	vld.idx.msk [tilespmem:v26+s28+$0x0], $0xffff;
	[tilespmem:s25+$0xFFFFFFB0] =	vst v31  }
0x1c0: {  	[tilespmem:s25+$0xFFFFFFC0] =	vst v29  }
0x1c1: {  	[tilespmem:s25+$0xFFFFFFD0] =	vst v28  }
0x1c2: {  	[tilespmem:s25+$0xFFFFFFE0] =	vst v32  }
0x1c3: {  	s13 =	sor.u32 $0x5, s6;
	[tilespmem:s25+$0xFFFFFF90] =	vst v27  }
0x1c4: {  	s14 =	sadd.s32 $0x85, s6;
	[tilespmem:s25+$0xFFFFFFF0] =	vst v26;
	v26 =	vadd.s32 s13, v0  }
0x1c5: {  	s25 =	sadd.s32 $0x105, s6;
	[tilespmem:$0x14080] =	vst v26;
	v26 =	vadd.s32 s14, v0  }
0x1c6: {  	s14 =	sadd.s32 $0x185, s6;
	[tilespmem:$0x14090] =	vst v26;
	v26 =	vadd.s32 s25, v0  }
0x1c7: {  	s25 =	sadd.s32 $0x205, s6;
	[tilespmem:$0x140A0] =	vst v26;
	v26 =	vadd.s32 s14, v0  }
0x1c8: {  	s14 =	sadd.s32 $0x285, s6;
	[tilespmem:$0x140B0] =	vst v26;
	v26 =	vadd.s32 s25, v0  }
0x1c9: {  	s25 =	sadd.s32 $0x305, s6;
	[tilespmem:$0x140C0] =	vst v26;
	v26 =	vadd.s32 s14, v0  }
0x1ca: {  	s14 =	sadd.s32 $0x385, s6;
	[tilespmem:$0x140D0] =	vst v26;
	v26 =	vadd.s32 s25, v0  }
0x1cb: {  	s25 =	sadd.s32 $0x405, s6;
	[tilespmem:$0x140E0] =	vst v26;
	v26 =	vadd.s32 s14, v0  }
0x1cc: {  	s14 =	sadd.s32 $0x485, s6;
	[tilespmem:$0x140F0] =	vst v26;
	v26 =	vadd.s32 s25, v0  }
0x1cd: {  	s25 =	sadd.s32 $0x505, s6;
	[tilespmem:$0x14180] =	vst v26;
	v26 =	vadd.s32 s14, v0  }
0x1ce: {  	s14 =	sadd.s32 $0x585, s6;
	[tilespmem:$0x14190] =	vst v26;
	v26 =	vadd.s32 s25, v0  }
0x1cf: {  	s25 =	sadd.s32 $0x605, s6;
	[tilespmem:$0x141A0] =	vst v26;
	v26 =	vadd.s32 s14, v0  }
0x1d0: {  	s14 =	sadd.s32 $0x685, s6;
	[tilespmem:$0x141B0] =	vst v26;
	v26 =	vadd.s32 s25, v0  }
0x1d1: {  	s25 =	sadd.s32 $0x705, s6;
	[tilespmem:$0x141C0] =	vst v26;
	v26 =	vadd.s32 s14, v0  }
0x1d2: {  	s14 =	sadd.s32 $0x785, s6;
	[tilespmem:$0x141D0] =	vst v26;
	v26 =	vadd.s32 s25, v0  }
0x1d3: {  	s25 =	sadd.s32 $0x805, s6;
	[tilespmem:$0x141E0] =	vst v26;
	v26 =	vadd.s32 s14, v0  }
0x1d4: {  	s14 =	sadd.s32 $0x885, s6;
	[tilespmem:$0x141F0] =	vst v26;
	v26 =	vadd.s32 s25, v0  }
0x1d5: {  	s25 =	sadd.s32 $0x905, s6;
	[tilespmem:$0x14280] =	vst v26;
	v26 =	vadd.s32 s14, v0  }
0x1d6: {  	s14 =	sadd.s32 $0x985, s6;
	[tilespmem:$0x14290] =	vst v26;
	v26 =	vadd.s32 s25, v0  }
0x1d7: {  	s25 =	sadd.s32 $0xA05, s6;
	[tilespmem:$0x142A0] =	vst v26;
	v26 =	vadd.s32 s14, v0  }
0x1d8: {  	s14 =	sadd.s32 $0xA85, s6;
	[tilespmem:$0x142B0] =	vst v26;
	v26 =	vadd.s32 s25, v0  }
0x1d9: {  	s25 =	sadd.s32 $0xB05, s6;
	[tilespmem:$0x142C0] =	vst v26;
	v26 =	vadd.s32 s14, v0  }
0x1da: {  	s14 =	sadd.s32 $0xB85, s6;
	[tilespmem:$0x142D0] =	vst v26;
	v26 =	vadd.s32 s25, v0  }
0x1db: {  	[tilespmem:$0x142E0] =	vst v26;
	v26 =	vadd.s32 s14, v0  }
0x1dc: {  	[tilespmem:$0x142F0] =	vst v26  }
0x1dd: {  	[tilespmem:s28], [sflag:$0x2] =	stream.indirect.gather [hbm4b:s1+s12], $0x80, s26, s12, $0xb8;
	[tilespmem:$0x1D300] =	vst v63  }
0x1de: {  	_ = 	snop  }
0x1df: {  	[tilespmem:s30], [sflag:$0x2] =	stream.indirect.gather [hbm4b:s1+s12], $0x80, s29, s12, $0xb8;
	[tilespmem:$0x1D300] =	vst v63  }
0x1e0: {  	_ = 	snop  }
0x1e1: {  	[tilespmem:s2], [sflag:$0x2] =	stream.indirect.gather [hbm4b:s1+s12], $0x80, s31, s12, $0xb8;
	[tilespmem:$0x1D300] =	vst v63  }
0x1e2: {  	_ = 	snop  }
0x1e3: {  	[tilespmem:s23], [sflag:$0x2] =	stream.indirect.gather [hbm4b:s1+s12], $0x80, s0, s12, $0xb8;
	[tilespmem:$0x1D300] =	vst v63  }
0x1e4: {  	_ = 	snop  }
0x1e5: {  	[tilespmem:s10], [sflag:$0x2] =	stream.indirect.gather [hbm4b:s1+s20], $0x80, s8, s20, $0xb8;
	[tilespmem:$0x1D300] =	vst v63  }
0x1e6: {  	_ =	swait.ge [sflag:s24], $0x2000  }
0x1e7: {  	[sflag:s24] =	ssyncset.done $0x0  }
0x1e8: {  	[sflag:s24] =	ssyncadd.s32 $0xFFFFE000  }
0x1e9: {  	_ =	swait.ge [sflag:s24], $0x2000  }
0x1ea: {  	[sflag:s24] =	ssyncset.done $0x0  }
0x1eb: {  	[sflag:s24] =	ssyncadd.s32 $0xFFFFE000  }
0x1ec: {  	_ =	swait.ge [sflag:s24], $0x2000  }
0x1ed: {  	[sflag:s24] =	ssyncset.done $0x0  }
0x1ee: {  	[sflag:s24] =	ssyncadd.s32 $0xFFFFE000  }
0x1ef: {  	_ =	swait.ge [sflag:s24], $0x2000  }
0x1f0: {  	[sflag:s24] =	ssyncset.done $0x0  }
0x1f1: {  	[sflag:s24] =	ssyncadd.s32 $0xFFFFE000  }
0x1f2: {  	_ =	swait.ge [sflag:s24], $0x1C80  }
0x1f3: {  	[sflag:s24] =	ssyncset.done $0x0  }
0x1f4: {  	s25 =	simm.s32 $0x14340;
	[sflag:s24] =	ssyncadd.s32 $0xFFFFE380  }
0x1f5: {  	v26 =	vld [tilespmem:s25+$0x30]  }
0x1f6: {  	v27 =	vld [tilespmem:s25+$0xFFFFFFD0]  }
0x1f7: {  	v28 =	vld [tilespmem:s25+$0xFFFFFFE0]  }
0x1f8: {  	v29 =	vld [tilespmem:s25+$0xFFFFFFF0]  }
0x1f9: {  	v30 =	vld [tilespmem:s25+$0x0]  }
0x1fa: {  	v31 =	vld [tilespmem:s25+$0x10];
	v26 =	vadd.s32 v25, v26  }
0x1fb: {  	v27 =	vadd.s32 v25, v27  }
0x1fc: {  	v28 =	vadd.s32 v25, v28  }
0x1fd: {  	v63 =	vld [tilespmem:s25+$0x20];
	v29 =	vadd.s32 v25, v29  }
0x1fe: {  	v34 =	vld [tilespmem:s25+$0xFFFFFFC0];
	v35 =	vadd.s32 v25, v30  }
0x1ff: {  	v36 =	vadd.s32 v25, v31;
	v33 =	vld.idx.msk [tilespmem:v26+s5+$0x0], $0xffff  }
0x200: {  	v30 =	vld.idx.msk [tilespmem:v27+s5+$0x0], $0xffff  }
0x201: {  	v31 =	vld.idx.msk [tilespmem:v28+s5+$0x0], $0xffff  }
0x202: {  	v29 =	vld.idx.msk [tilespmem:v29+s5+$0x0], $0xffff  }
0x203: {  	v28 =	vld.idx.msk [tilespmem:v35+s5+$0x0], $0xffff  }
0x204: {  	s13 =	simm.s32 $0x0;
	s14 =	simm.s32 $0x143C0;
	s25 =	simm.s32 $0x15570;
	v26 =	vadd.s32 v25, v63;
	v27 =	vadd.s32 v25, v34;
	v32 =	vld.idx.msk [tilespmem:v36+s5+$0x0], $0xffff  }
.LBB2_12:
0x205: {  	v34 =	vld [tilespmem:s14+$0x30];
	s13 =	sadd.s32 $0x80, s13;
	[tilespmem:s25+$0x0] =	vst v33  }
0x206: {  	v33 =	vld [tilespmem:s14+$0xFFFFFFD0];
	p1 =	slt.u32 s13, $0xF80;
	[tilespmem:s25+$0xFFFFFFA0] =	vst v30  }
0x207: {  	v30 =	vld [tilespmem:s14+$0xFFFFFFE0];
	[tilespmem:s25+$0xFFFFFFB0] =	vst v31  }
0x208: {  	v31 =	vld [tilespmem:s14+$0xFFFFFFF0];
	[tilespmem:s25+$0xFFFFFFC0] =	vst v29  }
0x209: {  	v29 =	vld [tilespmem:s14+$0x0];
	[tilespmem:s25+$0xFFFFFFD0] =	vst v28  }
0x20a: {  	v28 =	vld [tilespmem:s14+$0x10];
	v34 =	vadd.s32 v25, v34;
	[tilespmem:s25+$0xFFFFFFE0] =	vst v32  }
0x20b: {  	v32 =	vadd.s32 v25, v33;
	v35 =	vld [tilespmem:s14+$0x20]  }
0x20c: {  	v36 =	vld [tilespmem:s14+$0xFFFFFFC0];
	v37 =	vadd.s32 v25, v30  }
0x20d: {  	v38 =	vadd.s32 v25, v31;
	v39 =	vld.idx.msk [tilespmem:v27+s5+$0x0], $0xffff  }
0x20e: {  	v40 =	vadd.s32 v25, v29;
	v41 =	vld.idx.msk [tilespmem:v26+s5+$0x0], $0xffff  }
0x20f: {  	v42 =	vadd.s32 v25, v28;
	v33 =	vld.idx.msk [tilespmem:v34+s5+$0x0], $0xffff  }
.Ltmp9:
0x210: {  	v30 =	vld.idx.msk [tilespmem:v32+s5+$0x0], $0xffff;
	v26 =	vadd.s32 v25, v35;
	(pc) =	sbr.rel @p1 .LBB2_12-.Ltmp9, $4  }
0x211: {  	v27 =	vadd.s32 v25, v36;
	v31 =	vld.idx.msk [tilespmem:v37+s5+$0x0], $0xffff  }
0x212: {  	v29 =	vld.idx.msk [tilespmem:v38+s5+$0x0], $0xffff  }
0x213: {  	v28 =	vld.idx.msk [tilespmem:v40+s5+$0x0], $0xffff;
	[tilespmem:s25+$0xFFFFFF90] =	vst v39  }
0x214: {  	s14 =	sadd.s32 $0x80, s14;
	v32 =	vld.idx.msk [tilespmem:v42+s5+$0x0], $0xffff;
	[tilespmem:s25+$0xFFFFFFF0] =	vst v41;
	s25 =	sadd.s32 $0x400, s25  }
0x215: {  	_ =	sdelay $0x2  }
0x216: {  	[tilespmem:s25+$0x0] =	vst v33  }
0x217: {  	[tilespmem:s25+$0xFFFFFFA0] =	vst v30;
	v27 =	vld.idx.msk [tilespmem:v27+s5+$0x0], $0xffff  }
0x218: {  	v26 =	vld.idx.msk [tilespmem:v26+s5+$0x0], $0xffff;
	[tilespmem:s25+$0xFFFFFFB0] =	vst v31  }
0x219: {  	[tilespmem:s25+$0xFFFFFFC0] =	vst v29  }
0x21a: {  	[tilespmem:s25+$0xFFFFFFD0] =	vst v28  }
0x21b: {  	[tilespmem:s25+$0xFFFFFFE0] =	vst v32  }
0x21c: {  	s13 =	sor.u32 $0x6, s6;
	[tilespmem:s25+$0xFFFFFF90] =	vst v27  }
0x21d: {  	s14 =	sadd.s32 $0x86, s6;
	[tilespmem:s25+$0xFFFFFFF0] =	vst v26;
	v26 =	vadd.s32 s13, v0  }
0x21e: {  	s25 =	sadd.s32 $0x106, s6;
	[tilespmem:$0x14000] =	vst v26;
	v26 =	vadd.s32 s14, v0  }
0x21f: {  	s14 =	sadd.s32 $0x186, s6;
	[tilespmem:$0x14010] =	vst v26;
	v26 =	vadd.s32 s25, v0  }
0x220: {  	s25 =	sadd.s32 $0x206, s6;
	[tilespmem:$0x14020] =	vst v26;
	v26 =	vadd.s32 s14, v0  }
0x221: {  	s14 =	sadd.s32 $0x286, s6;
	[tilespmem:$0x14030] =	vst v26;
	v26 =	vadd.s32 s25, v0  }
0x222: {  	s25 =	sadd.s32 $0x306, s6;
	[tilespmem:$0x14040] =	vst v26;
	v26 =	vadd.s32 s14, v0  }
0x223: {  	s14 =	sadd.s32 $0x386, s6;
	[tilespmem:$0x14050] =	vst v26;
	v26 =	vadd.s32 s25, v0  }
0x224: {  	s25 =	sadd.s32 $0x406, s6;
	[tilespmem:$0x14060] =	vst v26;
	v26 =	vadd.s32 s14, v0  }
0x225: {  	s14 =	sadd.s32 $0x486, s6;
	[tilespmem:$0x14070] =	vst v26;
	v26 =	vadd.s32 s25, v0  }
0x226: {  	s25 =	sadd.s32 $0x506, s6;
	[tilespmem:$0x14100] =	vst v26;
	v26 =	vadd.s32 s14, v0  }
0x227: {  	s14 =	sadd.s32 $0x586, s6;
	[tilespmem:$0x14110] =	vst v26;
	v26 =	vadd.s32 s25, v0  }
0x228: {  	s25 =	sadd.s32 $0x606, s6;
	[tilespmem:$0x14120] =	vst v26;
	v26 =	vadd.s32 s14, v0  }
0x229: {  	s14 =	sadd.s32 $0x686, s6;
	[tilespmem:$0x14130] =	vst v26;
	v26 =	vadd.s32 s25, v0  }
0x22a: {  	s25 =	sadd.s32 $0x706, s6;
	[tilespmem:$0x14140] =	vst v26;
	v26 =	vadd.s32 s14, v0  }
0x22b: {  	s14 =	sadd.s32 $0x786, s6;
	[tilespmem:$0x14150] =	vst v26;
	v26 =	vadd.s32 s25, v0  }
0x22c: {  	s25 =	sadd.s32 $0x806, s6;
	[tilespmem:$0x14160] =	vst v26;
	v26 =	vadd.s32 s14, v0  }
0x22d: {  	s14 =	sadd.s32 $0x886, s6;
	[tilespmem:$0x14170] =	vst v26;
	v26 =	vadd.s32 s25, v0  }
0x22e: {  	s25 =	sadd.s32 $0x906, s6;
	[tilespmem:$0x14200] =	vst v26;
	v26 =	vadd.s32 s14, v0  }
0x22f: {  	s14 =	sadd.s32 $0x986, s6;
	[tilespmem:$0x14210] =	vst v26;
	v26 =	vadd.s32 s25, v0  }
0x230: {  	s25 =	sadd.s32 $0xA06, s6;
	[tilespmem:$0x14220] =	vst v26;
	v26 =	vadd.s32 s14, v0  }
0x231: {  	s14 =	sadd.s32 $0xA86, s6;
	[tilespmem:$0x14230] =	vst v26;
	v26 =	vadd.s32 s25, v0  }
0x232: {  	s25 =	sadd.s32 $0xB06, s6;
	[tilespmem:$0x14240] =	vst v26;
	v26 =	vadd.s32 s14, v0  }
0x233: {  	s14 =	sadd.s32 $0xB86, s6;
	[tilespmem:$0x14250] =	vst v26;
	v26 =	vadd.s32 s25, v0  }
0x234: {  	[tilespmem:$0x14260] =	vst v26;
	v26 =	vadd.s32 s14, v0  }
0x235: {  	s25 =	simm.s32 $0x14000;
	[tilespmem:$0x14270] =	vst v26  }
0x236: {  	[tilespmem:s5], [sflag:$0x1] =	stream.indirect.gather [hbm4b:s1+s12], $0x80, s25, s12, $0xb8;
	[tilespmem:$0x1D300] =	vst v63  }
0x237: {  	s14 =	simm.s32 $0x14040  }
0x238: {  	[tilespmem:s15], [sflag:$0x1] =	stream.indirect.gather [hbm4b:s1+s12], $0x80, s14, s12, $0xb8;
	[tilespmem:$0x1D300] =	vst v63  }
0x239: {  	_ = 	snop  }
0x23a: {  	[tilespmem:s17], [sflag:$0x1] =	stream.indirect.gather [hbm4b:s1+s12], $0x80, s16, s12, $0xb8;
	[tilespmem:$0x1D300] =	vst v63  }
0x23b: {  	_ = 	snop  }
0x23c: {  	[tilespmem:s19], [sflag:$0x1] =	stream.indirect.gather [hbm4b:s1+s12], $0x80, s18, s12, $0xb8;
	[tilespmem:$0x1D300] =	vst v63  }
0x23d: {  	_ = 	snop  }
0x23e: {  	[tilespmem:s22], [sflag:$0x1] =	stream.indirect.gather [hbm4b:s1+s20], $0x80, s21, s20, $0xb8;
	[tilespmem:$0x1D300] =	vst v63  }
0x23f: {  	_ =	swait.ge [sflag:s3], $0x2000  }
0x240: {  	[sflag:s3] =	ssyncset.done $0x0  }
0x241: {  	[sflag:s3] =	ssyncadd.s32 $0xFFFFE000  }
0x242: {  	_ =	swait.ge [sflag:s3], $0x2000  }
0x243: {  	[sflag:s3] =	ssyncset.done $0x0  }
0x244: {  	[sflag:s3] =	ssyncadd.s32 $0xFFFFE000  }
0x245: {  	_ =	swait.ge [sflag:s3], $0x2000  }
0x246: {  	[sflag:s3] =	ssyncset.done $0x0  }
0x247: {  	[sflag:s3] =	ssyncadd.s32 $0xFFFFE000  }
0x248: {  	_ =	swait.ge [sflag:s3], $0x2000  }
0x249: {  	[sflag:s3] =	ssyncset.done $0x0  }
0x24a: {  	[sflag:s3] =	ssyncadd.s32 $0xFFFFE000  }
0x24b: {  	_ =	swait.ge [sflag:s3], $0x1C80  }
0x24c: {  	[sflag:s3] =	ssyncset.done $0x0  }
0x24d: {  	s25 =	simm.s32 $0x14340;
	[sflag:s3] =	ssyncadd.s32 $0xFFFFE380  }
0x24e: {  	v26 =	vld [tilespmem:s25+$0x30]  }
0x24f: {  	v27 =	vld [tilespmem:s25+$0xFFFFFFD0]  }
0x250: {  	v28 =	vld [tilespmem:s25+$0xFFFFFFE0]  }
0x251: {  	v29 =	vld [tilespmem:s25+$0xFFFFFFF0]  }
0x252: {  	v30 =	vld [tilespmem:s25+$0x0]  }
0x253: {  	v31 =	vld [tilespmem:s25+$0x10];
	v26 =	vadd.s32 v25, v26  }
0x254: {  	v27 =	vadd.s32 v25, v27  }
0x255: {  	v28 =	vadd.s32 v25, v28  }
0x256: {  	v63 =	vld [tilespmem:s25+$0x20];
	v29 =	vadd.s32 v25, v29  }
0x257: {  	v34 =	vld [tilespmem:s25+$0xFFFFFFC0];
	v35 =	vadd.s32 v25, v30  }
0x258: {  	v36 =	vadd.s32 v25, v31;
	v33 =	vld.idx.msk [tilespmem:v26+s28+$0x0], $0xffff  }
0x259: {  	v30 =	vld.idx.msk [tilespmem:v27+s28+$0x0], $0xffff  }
0x25a: {  	v31 =	vld.idx.msk [tilespmem:v28+s28+$0x0], $0xffff  }
0x25b: {  	v29 =	vld.idx.msk [tilespmem:v29+s28+$0x0], $0xffff  }
0x25c: {  	v28 =	vld.idx.msk [tilespmem:v35+s28+$0x0], $0xffff  }
0x25d: {  	s13 =	simm.s32 $0x0;
	s14 =	simm.s32 $0x143C0;
	s25 =	simm.s32 $0x155F0;
	v26 =	vadd.s32 v25, v63;
	v27 =	vadd.s32 v25, v34;
	v32 =	vld.idx.msk [tilespmem:v36+s28+$0x0], $0xffff  }
.LBB2_14:
0x25e: {  	v34 =	vld [tilespmem:s14+$0x30];
	s13 =	sadd.s32 $0x80, s13;
	[tilespmem:s25+$0x0] =	vst v33  }
0x25f: {  	v33 =	vld [tilespmem:s14+$0xFFFFFFD0];
	p1 =	slt.u32 s13, $0xF80;
	[tilespmem:s25+$0xFFFFFFA0] =	vst v30  }
0x260: {  	v30 =	vld [tilespmem:s14+$0xFFFFFFE0];
	[tilespmem:s25+$0xFFFFFFB0] =	vst v31  }
0x261: {  	v31 =	vld [tilespmem:s14+$0xFFFFFFF0];
	[tilespmem:s25+$0xFFFFFFC0] =	vst v29  }
0x262: {  	v29 =	vld [tilespmem:s14+$0x0];
	[tilespmem:s25+$0xFFFFFFD0] =	vst v28  }
0x263: {  	v28 =	vld [tilespmem:s14+$0x10];
	v34 =	vadd.s32 v25, v34;
	[tilespmem:s25+$0xFFFFFFE0] =	vst v32  }
0x264: {  	v32 =	vadd.s32 v25, v33;
	v35 =	vld [tilespmem:s14+$0x20]  }
0x265: {  	v36 =	vld [tilespmem:s14+$0xFFFFFFC0];
	v37 =	vadd.s32 v25, v30  }
0x266: {  	v38 =	vadd.s32 v25, v31;
	v39 =	vld.idx.msk [tilespmem:v27+s28+$0x0], $0xffff  }
0x267: {  	v40 =	vadd.s32 v25, v29;
	v41 =	vld.idx.msk [tilespmem:v26+s28+$0x0], $0xffff  }
0x268: {  	v42 =	vadd.s32 v25, v28;
	v33 =	vld.idx.msk [tilespmem:v34+s28+$0x0], $0xffff  }
.Ltmp10:
0x269: {  	v30 =	vld.idx.msk [tilespmem:v32+s28+$0x0], $0xffff;
	v26 =	vadd.s32 v25, v35;
	(pc) =	sbr.rel @p1 .LBB2_14-.Ltmp10, $4  }
0x26a: {  	v27 =	vadd.s32 v25, v36;
	v31 =	vld.idx.msk [tilespmem:v37+s28+$0x0], $0xffff  }
0x26b: {  	v29 =	vld.idx.msk [tilespmem:v38+s28+$0x0], $0xffff  }
0x26c: {  	v28 =	vld.idx.msk [tilespmem:v40+s28+$0x0], $0xffff;
	[tilespmem:s25+$0xFFFFFF90] =	vst v39  }
0x26d: {  	s14 =	sadd.s32 $0x80, s14;
	v32 =	vld.idx.msk [tilespmem:v42+s28+$0x0], $0xffff;
	[tilespmem:s25+$0xFFFFFFF0] =	vst v41;
	s25 =	sadd.s32 $0x400, s25  }
0x26e: {  	_ =	sdelay $0x2  }
0x26f: {  	[tilespmem:s25+$0x0] =	vst v33  }
0x270: {  	[tilespmem:s25+$0xFFFFFFA0] =	vst v30;
	v27 =	vld.idx.msk [tilespmem:v27+s28+$0x0], $0xffff  }
0x271: {  	v26 =	vld.idx.msk [tilespmem:v26+s28+$0x0], $0xffff;
	[tilespmem:s25+$0xFFFFFFB0] =	vst v31  }
0x272: {  	[tilespmem:s25+$0xFFFFFFC0] =	vst v29  }
0x273: {  	[tilespmem:s25+$0xFFFFFFD0] =	vst v28  }
0x274: {  	[tilespmem:s25+$0xFFFFFFE0] =	vst v32  }
0x275: {  	s13 =	sor.u32 $0x7, s6;
	[tilespmem:s25+$0xFFFFFF90] =	vst v27  }
0x276: {  	s14 =	sadd.s32 $0x87, s6;
	[tilespmem:s25+$0xFFFFFFF0] =	vst v26;
	v26 =	vadd.s32 s13, v0  }
0x277: {  	s25 =	sadd.s32 $0x107, s6;
	[tilespmem:$0x14080] =	vst v26;
	v26 =	vadd.s32 s14, v0  }
0x278: {  	s14 =	sadd.s32 $0x187, s6;
	[tilespmem:$0x14090] =	vst v26;
	v26 =	vadd.s32 s25, v0  }
0x279: {  	s25 =	sadd.s32 $0x207, s6;
	[tilespmem:$0x140A0] =	vst v26;
	v26 =	vadd.s32 s14, v0  }
0x27a: {  	s14 =	sadd.s32 $0x287, s6;
	[tilespmem:$0x140B0] =	vst v26;
	v26 =	vadd.s32 s25, v0  }
0x27b: {  	s25 =	sadd.s32 $0x307, s6;
	[tilespmem:$0x140C0] =	vst v26;
	v26 =	vadd.s32 s14, v0  }
0x27c: {  	s14 =	sadd.s32 $0x387, s6;
	[tilespmem:$0x140D0] =	vst v26;
	v26 =	vadd.s32 s25, v0  }
0x27d: {  	s25 =	sadd.s32 $0x407, s6;
	[tilespmem:$0x140E0] =	vst v26;
	v26 =	vadd.s32 s14, v0  }
0x27e: {  	s14 =	sadd.s32 $0x487, s6;
	[tilespmem:$0x140F0] =	vst v26;
	v26 =	vadd.s32 s25, v0  }
0x27f: {  	s25 =	sadd.s32 $0x507, s6;
	[tilespmem:$0x14180] =	vst v26;
	v26 =	vadd.s32 s14, v0  }
0x280: {  	s14 =	sadd.s32 $0x587, s6;
	[tilespmem:$0x14190] =	vst v26;
	v26 =	vadd.s32 s25, v0  }
0x281: {  	s25 =	sadd.s32 $0x607, s6;
	[tilespmem:$0x141A0] =	vst v26;
	v26 =	vadd.s32 s14, v0  }
0x282: {  	s14 =	sadd.s32 $0x687, s6;
	[tilespmem:$0x141B0] =	vst v26;
	v26 =	vadd.s32 s25, v0  }
0x283: {  	s25 =	sadd.s32 $0x707, s6;
	[tilespmem:$0x141C0] =	vst v26;
	v26 =	vadd.s32 s14, v0  }
0x284: {  	s14 =	sadd.s32 $0x787, s6;
	[tilespmem:$0x141D0] =	vst v26;
	v26 =	vadd.s32 s25, v0  }
0x285: {  	s25 =	sadd.s32 $0x807, s6;
	[tilespmem:$0x141E0] =	vst v26;
	v26 =	vadd.s32 s14, v0  }
0x286: {  	s14 =	sadd.s32 $0x887, s6;
	[tilespmem:$0x141F0] =	vst v26;
	v26 =	vadd.s32 s25, v0  }
0x287: {  	s25 =	sadd.s32 $0x907, s6;
	[tilespmem:$0x14280] =	vst v26;
	v26 =	vadd.s32 s14, v0  }
0x288: {  	s14 =	sadd.s32 $0x987, s6;
	[tilespmem:$0x14290] =	vst v26;
	v26 =	vadd.s32 s25, v0  }
0x289: {  	s25 =	sadd.s32 $0xA07, s6;
	[tilespmem:$0x142A0] =	vst v26;
	v26 =	vadd.s32 s14, v0  }
0x28a: {  	s14 =	sadd.s32 $0xA87, s6;
	[tilespmem:$0x142B0] =	vst v26;
	v26 =	vadd.s32 s25, v0  }
0x28b: {  	s25 =	sadd.s32 $0xB07, s6;
	[tilespmem:$0x142C0] =	vst v26;
	v26 =	vadd.s32 s14, v0  }
0x28c: {  	s14 =	sadd.s32 $0xB87, s6;
	[tilespmem:$0x142D0] =	vst v26;
	v26 =	vadd.s32 s25, v0  }
0x28d: {  	[tilespmem:$0x142E0] =	vst v26;
	v26 =	vadd.s32 s14, v0  }
0x28e: {  	[tilespmem:$0x142F0] =	vst v26  }
0x28f: {  	[tilespmem:s28], [sflag:$0x2] =	stream.indirect.gather [hbm4b:s1+s12], $0x80, s26, s12, $0xb8;
	[tilespmem:$0x1D300] =	vst v63  }
0x290: {  	_ = 	snop  }
0x291: {  	[tilespmem:s30], [sflag:$0x2] =	stream.indirect.gather [hbm4b:s1+s12], $0x80, s29, s12, $0xb8;
	[tilespmem:$0x1D300] =	vst v63  }
0x292: {  	_ = 	snop  }
0x293: {  	[tilespmem:s2], [sflag:$0x2] =	stream.indirect.gather [hbm4b:s1+s12], $0x80, s31, s12, $0xb8;
	[tilespmem:$0x1D300] =	vst v63  }
0x294: {  	_ = 	snop  }
0x295: {  	[tilespmem:s23], [sflag:$0x2] =	stream.indirect.gather [hbm4b:s1+s12], $0x80, s0, s12, $0xb8;
	[tilespmem:$0x1D300] =	vst v63  }
0x296: {  	_ = 	snop  }
0x297: {  	[tilespmem:s10], [sflag:$0x2] =	stream.indirect.gather [hbm4b:s1+s20], $0x80, s8, s20, $0xb8;
	[tilespmem:$0x1D300] =	vst v63  }
0x298: {  	_ =	swait.ge [sflag:s24], $0x2000  }
0x299: {  	[sflag:s24] =	ssyncset.done $0x0  }
0x29a: {  	[sflag:s24] =	ssyncadd.s32 $0xFFFFE000  }
0x29b: {  	_ =	swait.ge [sflag:s24], $0x2000  }
0x29c: {  	[sflag:s24] =	ssyncset.done $0x0  }
0x29d: {  	[sflag:s24] =	ssyncadd.s32 $0xFFFFE000  }
0x29e: {  	_ =	swait.ge [sflag:s24], $0x2000  }
0x29f: {  	[sflag:s24] =	ssyncset.done $0x0  }
0x2a0: {  	[sflag:s24] =	ssyncadd.s32 $0xFFFFE000  }
0x2a1: {  	_ =	swait.ge [sflag:s24], $0x2000  }
0x2a2: {  	[sflag:s24] =	ssyncset.done $0x0  }
0x2a3: {  	[sflag:s24] =	ssyncadd.s32 $0xFFFFE000  }
0x2a4: {  	_ =	swait.ge [sflag:s24], $0x1C80  }
0x2a5: {  	[sflag:s24] =	ssyncset.done $0x0  }
0x2a6: {  	s25 =	simm.s32 $0x14340;
	[sflag:s24] =	ssyncadd.s32 $0xFFFFE380  }
0x2a7: {  	v26 =	vld [tilespmem:s25+$0x30]  }
0x2a8: {  	v27 =	vld [tilespmem:s25+$0xFFFFFFD0]  }
0x2a9: {  	v28 =	vld [tilespmem:s25+$0xFFFFFFE0]  }
0x2aa: {  	v29 =	vld [tilespmem:s25+$0xFFFFFFF0]  }
0x2ab: {  	v30 =	vld [tilespmem:s25+$0x0]  }
0x2ac: {  	v31 =	vld [tilespmem:s25+$0x10];
	v26 =	vadd.s32 v25, v26  }
0x2ad: {  	v27 =	vadd.s32 v25, v27  }
0x2ae: {  	v28 =	vadd.s32 v25, v28  }
0x2af: {  	v63 =	vld [tilespmem:s25+$0x20];
	v29 =	vadd.s32 v25, v29  }
0x2b0: {  	v34 =	vld [tilespmem:s25+$0xFFFFFFC0];
	v35 =	vadd.s32 v25, v30  }
0x2b1: {  	v36 =	vadd.s32 v25, v31;
	v33 =	vld.idx.msk [tilespmem:v26+s5+$0x0], $0xffff  }
0x2b2: {  	v30 =	vld.idx.msk [tilespmem:v27+s5+$0x0], $0xffff  }
0x2b3: {  	v31 =	vld.idx.msk [tilespmem:v28+s5+$0x0], $0xffff  }
0x2b4: {  	v29 =	vld.idx.msk [tilespmem:v29+s5+$0x0], $0xffff  }
0x2b5: {  	v28 =	vld.idx.msk [tilespmem:v35+s5+$0x0], $0xffff  }
0x2b6: {  	s13 =	simm.s32 $0x0;
	s6 =	simm.s32 $0x15670;
	s14 =	simm.s32 $0x143C0;
	v26 =	vadd.s32 v25, v63;
	v27 =	vadd.s32 v25, v34;
	v32 =	vld.idx.msk [tilespmem:v36+s5+$0x0], $0xffff  }
.LBB2_16:
0x2b7: {  	v34 =	vld [tilespmem:s14+$0x30];
	s13 =	sadd.s32 $0x80, s13;
	[tilespmem:s6+$0x0] =	vst v33  }
0x2b8: {  	v33 =	vld [tilespmem:s14+$0xFFFFFFD0];
	p1 =	slt.u32 s13, $0xF80;
	[tilespmem:s6+$0xFFFFFFA0] =	vst v30  }
0x2b9: {  	v30 =	vld [tilespmem:s14+$0xFFFFFFE0];
	[tilespmem:s6+$0xFFFFFFB0] =	vst v31  }
0x2ba: {  	v31 =	vld [tilespmem:s14+$0xFFFFFFF0];
	[tilespmem:s6+$0xFFFFFFC0] =	vst v29  }
0x2bb: {  	v29 =	vld [tilespmem:s14+$0x0];
	[tilespmem:s6+$0xFFFFFFD0] =	vst v28  }
0x2bc: {  	v28 =	vld [tilespmem:s14+$0x10];
	v34 =	vadd.s32 v25, v34;
	[tilespmem:s6+$0xFFFFFFE0] =	vst v32  }
0x2bd: {  	v32 =	vadd.s32 v25, v33;
	v35 =	vld [tilespmem:s14+$0x20]  }
0x2be: {  	v36 =	vld [tilespmem:s14+$0xFFFFFFC0];
	v37 =	vadd.s32 v25, v30  }
0x2bf: {  	v38 =	vadd.s32 v25, v31;
	v39 =	vld.idx.msk [tilespmem:v27+s5+$0x0], $0xffff  }
0x2c0: {  	v40 =	vadd.s32 v25, v29;
	v41 =	vld.idx.msk [tilespmem:v26+s5+$0x0], $0xffff  }
0x2c1: {  	v42 =	vadd.s32 v25, v28;
	v33 =	vld.idx.msk [tilespmem:v34+s5+$0x0], $0xffff  }
.Ltmp11:
0x2c2: {  	v30 =	vld.idx.msk [tilespmem:v32+s5+$0x0], $0xffff;
	v26 =	vadd.s32 v25, v35;
	(pc) =	sbr.rel @p1 .LBB2_16-.Ltmp11, $4  }
0x2c3: {  	v27 =	vadd.s32 v25, v36;
	v31 =	vld.idx.msk [tilespmem:v37+s5+$0x0], $0xffff  }
0x2c4: {  	v29 =	vld.idx.msk [tilespmem:v38+s5+$0x0], $0xffff  }
0x2c5: {  	v28 =	vld.idx.msk [tilespmem:v40+s5+$0x0], $0xffff;
	[tilespmem:s6+$0xFFFFFF90] =	vst v39  }
0x2c6: {  	s14 =	sadd.s32 $0x80, s14;
	v32 =	vld.idx.msk [tilespmem:v42+s5+$0x0], $0xffff;
	[tilespmem:s6+$0xFFFFFFF0] =	vst v41;
	s6 =	sadd.s32 $0x400, s6  }
0x2c7: {  	[tilespmem:s6+$0x0] =	vst v33  }
0x2c8: {  	[tilespmem:s6+$0xFFFFFFA0] =	vst v30  }
0x2c9: {  	[tilespmem:s6+$0xFFFFFFB0] =	vst v31  }
0x2ca: {  	[tilespmem:s6+$0xFFFFFFC0] =	vst v29  }
0x2cb: {  	[tilespmem:s6+$0xFFFFFFD0] =	vst v28  }
0x2cc: {  	[tilespmem:s6+$0xFFFFFFE0] =	vst v32  }
0x2cd: {  	s13 =	rddreg [dreg:$0x9]  }
0x2ce: {  	v27 =	vld.idx.msk [tilespmem:v27+s5+$0x0], $0xffff;
	s11 =	sadd.s32 s13, s11  }
0x2cf: {  	v26 =	vld.idx.msk [tilespmem:v26+s5+$0x0], $0xffff;
	p1 =	sgt.u32 s11, $0xCF  }
.Ltmp12:
0x2d0: {  	_ = 	snop;
	(pc) =	sbr.rel @p1 .LBB2_19-.Ltmp12, $3  }
0x2d1: {  	_ =	sdelay $0x1  }
0x2d2: {  	[tilespmem:s6+$0xFFFFFF90] =	vst v27  }
0x2d3: {  	[tilespmem:s6+$0xFFFFFFF0] =	vst v26;
	s6 =	sshrl.u32 s11, $0x3  }
0x2d4: {  	s11 =	smul.u32 $0x9C4, s6;
	_ =	sdelay $0x1  }
0x2d5: {  	s13 =	rddreg [dreg:$0x4];
	s11 =	sand.u32 $0x1FFF8, s11  }
0x2d6: {  	s11 =	sadd.s32 s13, s11  }
0x2d7: {  	v26 =	vadd.s32 s11, v0;
	s13 =	sadd.s32 $0x80, s11  }
0x2d8: {  	s25 =	sadd.s32 $0x100, s11;
	[tilespmem:$0x14000] =	vst v26;
	v26 =	vadd.s32 s13, v0  }
0x2d9: {  	s14 =	sadd.s32 $0x180, s11;
	[tilespmem:$0x14010] =	vst v26;
	v26 =	vadd.s32 s25, v0  }
0x2da: {  	s25 =	sadd.s32 $0x200, s11;
	[tilespmem:$0x14020] =	vst v26;
	v26 =	vadd.s32 s14, v0  }
0x2db: {  	s14 =	sadd.s32 $0x280, s11;
	[tilespmem:$0x14030] =	vst v26;
	v26 =	vadd.s32 s25, v0  }
0x2dc: {  	s25 =	sadd.s32 $0x300, s11;
	[tilespmem:$0x14040] =	vst v26;
	v26 =	vadd.s32 s14, v0  }
0x2dd: {  	s14 =	sadd.s32 $0x380, s11;
	[tilespmem:$0x14050] =	vst v26;
	v26 =	vadd.s32 s25, v0  }
0x2de: {  	s25 =	sadd.s32 $0x400, s11;
	[tilespmem:$0x14060] =	vst v26;
	v26 =	vadd.s32 s14, v0  }
0x2df: {  	s14 =	sadd.s32 $0x480, s11;
	[tilespmem:$0x14070] =	vst v26;
	v26 =	vadd.s32 s25, v0  }
0x2e0: {  	s25 =	sadd.s32 $0x500, s11;
	[tilespmem:$0x14100] =	vst v26;
	v26 =	vadd.s32 s14, v0  }
0x2e1: {  	s14 =	sadd.s32 $0x580, s11;
	[tilespmem:$0x14110] =	vst v26;
	v26 =	vadd.s32 s25, v0  }
0x2e2: {  	s25 =	sadd.s32 $0x600, s11;
	[tilespmem:$0x14120] =	vst v26;
	v26 =	vadd.s32 s14, v0  }
0x2e3: {  	s14 =	sadd.s32 $0x680, s11;
	[tilespmem:$0x14130] =	vst v26;
	v26 =	vadd.s32 s25, v0  }
0x2e4: {  	s25 =	sadd.s32 $0x700, s11;
	[tilespmem:$0x14140] =	vst v26;
	v26 =	vadd.s32 s14, v0  }
0x2e5: {  	s14 =	sadd.s32 $0x780, s11;
	[tilespmem:$0x14150] =	vst v26;
	v26 =	vadd.s32 s25, v0  }
0x2e6: {  	s25 =	sadd.s32 $0x800, s11;
	[tilespmem:$0x14160] =	vst v26;
	v26 =	vadd.s32 s14, v0  }
0x2e7: {  	s14 =	sadd.s32 $0x880, s11;
	[tilespmem:$0x14170] =	vst v26;
	v26 =	vadd.s32 s25, v0  }
0x2e8: {  	s25 =	sadd.s32 $0x900, s11;
	[tilespmem:$0x14200] =	vst v26;
	v26 =	vadd.s32 s14, v0  }
0x2e9: {  	s14 =	sadd.s32 $0x980, s11;
	[tilespmem:$0x14210] =	vst v26;
	v26 =	vadd.s32 s25, v0  }
0x2ea: {  	s25 =	sadd.s32 $0xA00, s11;
	[tilespmem:$0x14220] =	vst v26;
	v26 =	vadd.s32 s14, v0  }
0x2eb: {  	s14 =	sadd.s32 $0xA80, s11;
	[tilespmem:$0x14230] =	vst v26;
	v26 =	vadd.s32 s25, v0  }
0x2ec: {  	s25 =	sadd.s32 $0xB00, s11;
	[tilespmem:$0x14240] =	vst v26;
	v26 =	vadd.s32 s14, v0  }
0x2ed: {  	s11 =	sadd.s32 $0xB80, s11;
	[tilespmem:$0x14250] =	vst v26;
	v26 =	vadd.s32 s25, v0  }
0x2ee: {  	[tilespmem:$0x14260] =	vst v26;
	v26 =	vadd.s32 s11, v0  }
0x2ef: {  	s14 =	simm.s32 $0x14000;
	[tilespmem:$0x14270] =	vst v26  }
0x2f0: {  	[tilespmem:s5], [sflag:$0x1] =	stream.indirect.gather [hbm4b:s1+s12], $0x80, s14, s12, $0xb8;
	[tilespmem:$0x1D300] =	vst v63  }
0x2f1: {  	s25 =	simm.s32 $0x14040  }
0x2f2: {  	[tilespmem:s15], [sflag:$0x1] =	stream.indirect.gather [hbm4b:s1+s12], $0x80, s25, s12, $0xb8;
	[tilespmem:$0x1D300] =	vst v63  }
0x2f3: {  	_ = 	snop  }
0x2f4: {  	[tilespmem:s17], [sflag:$0x1] =	stream.indirect.gather [hbm4b:s1+s12], $0x80, s16, s12, $0xb8;
	[tilespmem:$0x1D300] =	vst v63  }
0x2f5: {  	_ = 	snop  }
0x2f6: {  	[tilespmem:s19], [sflag:$0x1] =	stream.indirect.gather [hbm4b:s1+s12], $0x80, s18, s12, $0xb8;
	[tilespmem:$0x1D300] =	vst v63  }
0x2f7: {  	_ = 	snop  }
0x2f8: {  	[tilespmem:s22], [sflag:$0x1] =	stream.indirect.gather [hbm4b:s1+s20], $0x80, s21, s20, $0xb8;
	[tilespmem:$0x1D300] =	vst v63  }
.LBB2_19:
0x2f9: {  	_ =	swait.ge [sflag:s3], $0x2000  }
0x2fa: {  	[sflag:s3] =	ssyncset.done $0x0  }
0x2fb: {  	[sflag:s3] =	ssyncadd.s32 $0xFFFFE000  }
0x2fc: {  	_ =	swait.ge [sflag:s3], $0x2000  }
0x2fd: {  	[sflag:s3] =	ssyncset.done $0x0  }
0x2fe: {  	[sflag:s3] =	ssyncadd.s32 $0xFFFFE000  }
0x2ff: {  	_ =	swait.ge [sflag:s3], $0x2000  }
0x300: {  	[sflag:s3] =	ssyncset.done $0x0  }
0x301: {  	[sflag:s3] =	ssyncadd.s32 $0xFFFFE000  }
0x302: {  	_ =	swait.ge [sflag:s3], $0x2000  }
0x303: {  	[sflag:s3] =	ssyncset.done $0x0  }
0x304: {  	[sflag:s3] =	ssyncadd.s32 $0xFFFFE000  }
0x305: {  	_ =	swait.ge [sflag:s3], $0x1C80  }
0x306: {  	[sflag:s3] =	ssyncset.done $0x0  }
0x307: {  	s11 =	simm.s32 $0x14340;
	[sflag:s3] =	ssyncadd.s32 $0xFFFFE380  }
0x308: {  	v26 =	vld [tilespmem:s11+$0x30]  }
0x309: {  	v27 =	vld [tilespmem:s11+$0xFFFFFFD0]  }
0x30a: {  	v28 =	vld [tilespmem:s11+$0xFFFFFFE0]  }
0x30b: {  	v29 =	vld [tilespmem:s11+$0xFFFFFFF0]  }
0x30c: {  	v30 =	vld [tilespmem:s11+$0x0]  }
0x30d: {  	v31 =	vld [tilespmem:s11+$0x10];
	v26 =	vadd.s32 v25, v26  }
0x30e: {  	v27 =	vadd.s32 v25, v27  }
0x30f: {  	v28 =	vadd.s32 v25, v28  }
0x310: {  	v34 =	vld [tilespmem:s11+$0x20];
	v29 =	vadd.s32 v25, v29  }
0x311: {  	v35 =	vld [tilespmem:s11+$0xFFFFFFC0];
	v30 =	vadd.s32 v25, v30  }
0x312: {  	v36 =	vadd.s32 v25, v31;
	v33 =	vld.idx.msk [tilespmem:v26+s28+$0x0], $0xffff  }
0x313: {  	v31 =	vld.idx.msk [tilespmem:v27+s28+$0x0], $0xffff  }
0x314: {  	v32 =	vld.idx.msk [tilespmem:v28+s28+$0x0], $0xffff  }
0x315: {  	v29 =	vld.idx.msk [tilespmem:v29+s28+$0x0], $0xffff  }
0x316: {  	v28 =	vld.idx.msk [tilespmem:v30+s28+$0x0], $0xffff  }
0x317: {  	s13 =	simm.s32 $0x0;
	s14 =	simm.s32 $0x143C0;
	s11 =	simm.s32 $0x156F0;
	v26 =	vadd.s32 v25, v34;
	v27 =	vadd.s32 v25, v35;
	v30 =	vld.idx.msk [tilespmem:v36+s28+$0x0], $0xffff  }
.LBB2_20:
0x318: {  	v34 =	vld [tilespmem:s14+$0x30];
	s13 =	sadd.s32 $0x80, s13;
	[tilespmem:s11+$0x0] =	vst v33  }
0x319: {  	v33 =	vld [tilespmem:s14+$0xFFFFFFD0];
	p2 =	slt.u32 s13, $0xF80;
	[tilespmem:s11+$0xFFFFFFA0] =	vst v31  }
0x31a: {  	v31 =	vld [tilespmem:s14+$0xFFFFFFE0];
	[tilespmem:s11+$0xFFFFFFB0] =	vst v32  }
0x31b: {  	v32 =	vld [tilespmem:s14+$0xFFFFFFF0];
	[tilespmem:s11+$0xFFFFFFC0] =	vst v29  }
0x31c: {  	v29 =	vld [tilespmem:s14+$0x0];
	[tilespmem:s11+$0xFFFFFFD0] =	vst v28  }
0x31d: {  	v28 =	vld [tilespmem:s14+$0x10];
	v34 =	vadd.s32 v25, v34;
	[tilespmem:s11+$0xFFFFFFE0] =	vst v30  }
0x31e: {  	v30 =	vadd.s32 v25, v33;
	v35 =	vld [tilespmem:s14+$0x20]  }
0x31f: {  	v36 =	vld [tilespmem:s14+$0xFFFFFFC0];
	v37 =	vadd.s32 v25, v31  }
0x320: {  	v38 =	vadd.s32 v25, v32;
	v39 =	vld.idx.msk [tilespmem:v27+s28+$0x0], $0xffff  }
0x321: {  	v40 =	vadd.s32 v25, v29;
	v41 =	vld.idx.msk [tilespmem:v26+s28+$0x0], $0xffff  }
0x322: {  	v42 =	vadd.s32 v25, v28;
	v33 =	vld.idx.msk [tilespmem:v34+s28+$0x0], $0xffff  }
.Ltmp13:
0x323: {  	v31 =	vld.idx.msk [tilespmem:v30+s28+$0x0], $0xffff;
	v26 =	vadd.s32 v25, v35;
	(pc) =	sbr.rel @p2 .LBB2_20-.Ltmp13, $4  }
0x324: {  	v27 =	vadd.s32 v25, v36;
	v32 =	vld.idx.msk [tilespmem:v37+s28+$0x0], $0xffff  }
0x325: {  	v29 =	vld.idx.msk [tilespmem:v38+s28+$0x0], $0xffff  }
0x326: {  	v28 =	vld.idx.msk [tilespmem:v40+s28+$0x0], $0xffff;
	[tilespmem:s11+$0xFFFFFF90] =	vst v39  }
0x327: {  	s14 =	sadd.s32 $0x80, s14;
	v30 =	vld.idx.msk [tilespmem:v42+s28+$0x0], $0xffff;
	[tilespmem:s11+$0xFFFFFFF0] =	vst v41;
	s11 =	sadd.s32 $0x400, s11  }
0x328: {  	_ = 	snop  }
0x329: {  	[tilespmem:s11+$0x0] =	vst v33  }
0x32a: {  	[tilespmem:s11+$0xFFFFFFA0] =	vst v31  }
0x32b: {  	[tilespmem:s11+$0xFFFFFFB0] =	vst v32  }
0x32c: {  	v25 =	vld.idx.msk [tilespmem:v27+s28+$0x0], $0xffff;
	[tilespmem:s11+$0xFFFFFFC0] =	vst v29  }
0x32d: {  	v26 =	vld.idx.msk [tilespmem:v26+s28+$0x0], $0xffff;
	[tilespmem:s11+$0xFFFFFFD0] =	vst v28  }
0x32e: {  	[tilespmem:s11+$0xFFFFFFE0] =	vst v30  }
0x32f: {  	s9 =	sshll.u32 s9, $0x12;
	s13 =	rddreg [dreg:$0x7]  }
0x330: {  	s9 =	sor.u32 s13, s9  }
0x331: {  	s14 =	rddreg [dreg:$0x2];
	[tilespmem:s11+$0xFFFFFF90] =	vst v25;
	s9 =	sshrl.u32 s9, $0x3  }
.Ltmp14:
0x332: {  	s25 =	simm.s32 $0x15300;
	[tilespmem:s11+$0xFFFFFFF0] =	vst v26;
	s9 =	sadd.s32 s14, s9;
	(pc) =	sbr.rel .LBB2_22-.Ltmp14, $4  }
0x333: {  	[hbm4b:s9+s5] =	stream.linear.scatter [tilespmem:s25], [sflag:$0x4], $0x8000, $0x38;
	[tilespmem:$0x1D300] =	vst v63  }
0x334: {  	s6 =	sshll.u32 @!p1 s6, $0x9;
	s9 =	rddreg [dreg:$0x5]  }
0x335: {  	s11 =	simm.s32 @!p1 $0x14300;
	s6 =	sadd.s32 @!p1 s9, s6;
	s9 =	simm.s32 @!p1 $0x0  }
0x336: {  	[tilespmem:s11], [sflag:$0x3] =	stream.linear.gather @!p1 [hbm4b:s6+s9], $0x1000, $0x38;
	[tilespmem:$0x1D300] =	vst v63  }
.LBB2_24:
0x337: {  	_ =	sfence.sel $0x180000  }
0x338: {  	[bflag:$0x0] =	sbarrier.arrive $0xFFFF  }
0x339: {  	_ =	strace $0x90000047  }
0x33a: {  	s0 =	stileid.u32;
	[bflag:$0x2] =	sbarrier.arrive $0xFFFF  }
0x33b: {  	p0 =	sne.s32 s0, $0x0;
	s0 =	rddreg [dreg:$0x3]  }
0x33c: {  	s0 =	sadd.s32 @!p0 $0x100000, s0  }
0x33d: {  	[sflag:s0] =	ssyncadd.tile.s32 @!p0 $0x1;
	_ =	shalt  }
.Lfunc_end2:
_tile_overlayer_lowered:
.L_overlay_start_2:
0x33e: {  	(tag) =	ssettag $0x2  }
0x33f: {  	s0 =	rddreg [dreg:$0x0];
	s2 =	stileid.u32  }
0x340: {  	s1 =	rddreg [dreg:$0x1];
	p0 =	sne.s32 s2, $0x0  }
0x341: {  	s3 =	rddreg [dreg:$0x2];
	[bflag:$0x3] =	sbarrier.arrive $0xFFFF;
	s2 =	simm.s32 @!p0 $0x1C05  }
0x342: {  	[timem:s3], [sflag:s2] =	dma.local @!p0 [hbm:s0], s1  }
0x343: {  	s0 =	simm.s32 @!p0 $0x5  }
0x344: {  	_ =	swait.ge @!p0 [sflag:s0], s1  }
0x345: {  	s1 =	ssub.s32 @!p0 $0x0, s1;
	[sflag:s0] =	ssyncset.done @!p0 $0x0  }
0x346: {  	[sflag:s0] =	ssyncadd.s32 @!p0 s1  }
0x347: {  	[bflag:$0x3] =	sbarrier.arrive $0xFFFF  }
0x348: {  	_ =	shalt  }

</sc_bundles>
